<compile_context>
chip_gen: v7x
topology: tpu7x:2x2x1
jax: 0.10.2.dev20260603
libtpu: 0.0.44.dev20260713+nightly
codegen_flags: <defaults>
</compile_context>

<pallas_src>
import functools

import jax
import jax.numpy as jnp
from jax import lax
from jax.experimental import pallas as pl
from jax.experimental.pallas import tpu as pltpu
from jax.experimental.pallas import tpu_sc as plsc


def kernel(intervention_idx, masks):
    B = intervention_idx.shape[0]
    V, D = masks.shape
    info = plsc.get_sparse_core_info()
    NC, NS, L = info.num_cores, info.num_subcores, info.num_lanes
    NW = NC * NS
    b_per_w = B // NW
    assert B % (8 * NW) == 0 and D % L == 0

    mesh = plsc.VectorSubcoreMesh(core_axis_name="c", subcore_axis_name="s")

    NCHUNK = 8
    NBUF = 3
    CH = b_per_w // NCHUNK

    @functools.partial(
        pl.kernel,
        mesh=mesh,
        out_type=jax.ShapeDtypeStruct((B, D), jnp.float32),
        scratch_types=[
            pltpu.VMEM((b_per_w,), jnp.int32),
            pltpu.VMEM((NBUF, CH, D), jnp.float32),
            pltpu.SemaphoreType.DMA((NBUF,)),
            pltpu.SemaphoreType.DMA((NBUF,)),
        ],
    )
    def _gather_sigmoid(idx_hbm, table_hbm, out_hbm, idx_v, buf, gsem, ssem):
        wid = lax.axis_index("s") * NC + lax.axis_index("c")
        base = wid * b_per_w
        pltpu.sync_copy(idx_hbm.at[pl.ds(base, b_per_w)], idx_v)

        def gather(c):
            slot = c % NBUF
            return pltpu.async_copy(
                table_hbm.at[idx_v.at[pl.ds(c * CH, CH)]], buf.at[slot], gsem.at[slot]
            )

        def compute(slot):
            @plsc.parallel_loop(0, CH, step=1, unroll=4)
            def _row(i):
                for j in range(D // L):
                    v = buf[slot, i, pl.ds(j * L, L)]
                    e = jnp.exp(v * -1.0)
                    buf[slot, i, pl.ds(j * L, L)] = 1.0 / (1.0 + e)

        gathers = [None] * NCHUNK
        stores = [None] * NCHUNK
        for c in range(NBUF - 1):
            gathers[c] = gather(c)
        for c in range(NCHUNK):
            slot = c % NBUF
            if c + NBUF - 1 < NCHUNK:
                if c - 1 >= 0:
                    stores[c - 1].wait()
                gathers[c + NBUF - 1] = gather(c + NBUF - 1)
            gathers[c].wait()
            compute(slot)
            stores[c] = pltpu.async_copy(
                buf.at[slot], out_hbm.at[pl.ds(base + c * CH, CH)], ssem.at[slot]
            )
        for c in range(NCHUNK - NBUF, NCHUNK):
            stores[c].wait()

    return _gather_sigmoid(intervention_idx.astype(jnp.int32), masks)

# --- scband reference (transcript-rebuilt; emitter-appended) ---
"""Pipeline reference for scband-intervention-mask-network-46952582479969 (READ-ONLY COPY).

The authoritative reference and input builder live on the scoring server;
editing this copy changes nothing except your own understanding.
"""

import jax, jax.numpy as jnp
import numpy as np

LATENT_DIM = 128
N_TYPES = 100000
BATCH = 16384

def setup_inputs(seed: int = 0) -> dict:
    key = jax.random.key(seed)
    k_idx, k_masks = jax.random.split(key)
    intervention_idx = jax.random.randint(k_idx, (BATCH,), 0, N_TYPES, dtype=jnp.int64 if jax.config.jax_enable_x64 else jnp.int32)
    masks = jax.random.normal(k_masks, (N_TYPES, LATENT_DIM), dtype=jnp.float32)
    return {"intervention_idx": intervention_idx, "masks": masks}

def reference(intervention_idx, masks):
    gathered = jnp.take(masks, intervention_idx, axis=0)
    return jax.nn.sigmoid(gathered)

if __name__ == "__main__":
    import jax
    _d = setup_inputs()
    print(jax.jit(kernel)(*tuple(_d.values())))

</pallas_src>

<mosaic_0001>
#map = affine_map<(d0, d1) -> (0)>
#map1 = affine_map<(d0, d1) -> (0, 0)>
module attributes {stable_mosaic.version = 14 : i64} {
  func.func @_gather_sigmoid(%arg0: i32, %arg1: i32, %arg2: memref<16384xi32, #tpu.memory_space<hbm>>, %arg3: memref<100000x128xf32, #tpu.memory_space<hbm>>, %arg4: memref<16384x128xf32, #tpu.memory_space<hbm>>, %arg5: memref<512xi32, #tpu.memory_space<vmem>>, %arg6: memref<3x64x128xf32, #tpu.memory_space<vmem>>, %arg7: memref<3x!tpu.dma_semaphore, #tpu.memory_space<semaphore_mem>>, %arg8: memref<3x!tpu.dma_semaphore, #tpu.memory_space<semaphore_mem>>) attributes {dimension_semantics = [#tpu.dimension_semantics<core_parallel>, #tpu.dimension_semantics<subcore_parallel>], iteration_bounds = array<i64: 2, 16>, scalar_prefetch = 0 : i64, scratch_operands = 4 : i64, tpu.core_type = #tpu.core_type<sc_vector_subcore>, window_params = [{transform_indices = #map}, {transform_indices = #map1}, {transform_indices = #map1}]} {
    %mul3A = arith.constant 2 : i32
    %mul3A_0 = arith.muli %arg1, %mul3A : i32
    %add3A = arith.addi %mul3A_0, %arg0 : i32
    %mul3A_1 = arith.constant 512 : i32
    %mul3A_2 = arith.muli %add3A, %mul3A_1 : i32
    "tpu.region"() ({
      %run_scoped3A = tpu.sem_alloc : memref<!tpu.dma_semaphore, #tpu.memory_space<semaphore_mem>>
      %dma_start3A_504 = tpu.memref_slice %arg2[%mul3A_2] : memref<16384xi32, #tpu.memory_space<hbm>> -> memref<512xi32, #tpu.memory_space<hbm>>
      %dma_start3A_505 = tpu.memref_slice %arg2[%mul3A_2] : memref<16384xi32, #tpu.memory_space<hbm>> -> memref<512xi32, #tpu.memory_space<hbm>>
      tpu.enqueue_dma source(%dma_start3A_505 : memref<512xi32, #tpu.memory_space<hbm>>) target(%arg5 : memref<512xi32, #tpu.memory_space<vmem>>) target_semaphore(%run_scoped3A : memref<!tpu.dma_semaphore, #tpu.memory_space<semaphore_mem>>)
      %dma_wait3A_506 = tpu.memref_slice %arg2[%mul3A_2] : memref<16384xi32, #tpu.memory_space<hbm>> -> memref<512xi32, #tpu.memory_space<hbm>>
      %dma_wait3A_507 = tpu.memref_slice %arg2[%mul3A_2] : memref<16384xi32, #tpu.memory_space<hbm>> -> memref<512xi32, #tpu.memory_space<hbm>>
      tpu.wait_dma2 semaphore(%run_scoped3A : memref<!tpu.dma_semaphore, #tpu.memory_space<semaphore_mem>>) src(%dma_wait3A_507 : memref<512xi32, #tpu.memory_space<hbm>>) dst(%arg5 : memref<512xi32, #tpu.memory_space<vmem>>)
      tpu.yield
    }) : () -> ()
    %dma_start3A = arith.constant 0 : i32
    %dma_start3A_3 = arith.constant 0 : i32
    %dma_start3A_4 = arith.constant 0 : i32
    %dma_start3A_5 = arith.constant 0 : i32
    %dma_start3A_6 = tpu.memref_slice %arg6[%dma_start3A, %dma_start3A_4, %dma_start3A_5] : memref<3x64x128xf32, #tpu.memory_space<vmem>> -> memref<1x64x128xf32, #tpu.memory_space<vmem>>
    %dma_start3A_7 = tpu.memref_squeeze %dma_start3A_6 : memref<1x64x128xf32, #tpu.memory_space<vmem>> -> memref<64x128xf32, #tpu.memory_space<vmem>>
    %dma_start3A_8 = arith.constant 0 : i32
    %dma_start3A_9 = tpu.memref_slice %arg5[%dma_start3A_8] : memref<512xi32, #tpu.memory_space<vmem>> -> memref<64xi32, #tpu.memory_space<vmem>>
    %dma_start3A_10 = arith.constant 0 : i32
    %dma_start3A_11 = arith.constant 0 : i32
    %dma_start3A_12 = tpu.memref_slice %arg3[%dma_start3A_10, %dma_start3A_11] : memref<100000x128xf32, #tpu.memory_space<hbm>> -> memref<100000x128xf32, #tpu.memory_space<hbm>>
    %dma_start3A_13 = tpu.memref_slice %arg7[%dma_start3A_3] : memref<3x!tpu.dma_semaphore, #tpu.memory_space<semaphore_mem>> -> memref<1x!tpu.dma_semaphore, #tpu.memory_space<semaphore_mem>>
    %dma_start3A_14 = tpu.memref_squeeze %dma_start3A_13 : memref<1x!tpu.dma_semaphore, #tpu.memory_space<semaphore_mem>> -> memref<!tpu.dma_semaphore, #tpu.memory_space<semaphore_mem>>
    tpu.enqueue_indirect_dma source(%dma_start3A_12 : memref<100000x128xf32, #tpu.memory_space<hbm>>) target(%dma_start3A_7 : memref<64x128xf32, #tpu.memory_space<vmem>>) offsets(%dma_start3A_9 : memref<64xi32, #tpu.memory_space<vmem>>) semaphore(%dma_start3A_14 : memref<!tpu.dma_semaphore, #tpu.memory_space<semaphore_mem>>)
    %dma_start3A_15 = arith.constant 1 : i32
    %dma_start3A_16 = arith.constant 1 : i32
    %dma_start3A_17 = arith.constant 0 : i32
    %dma_start3A_18 = arith.constant 0 : i32
    %dma_start3A_19 = tpu.memref_slice %arg6[%dma_start3A_15, %dma_start3A_17, %dma_start3A_18] : memref<3x64x128xf32, #tpu.memory_space<vmem>> -> memref<1x64x128xf32, #tpu.memory_space<vmem>>
    %dma_start3A_20 = tpu.memref_squeeze %dma_start3A_19 : memref<1x64x128xf32, #tpu.memory_space<vmem>> -> memref<64x128xf32, #tpu.memory_space<vmem>>
    %dma_start3A_21 = arith.constant 64 : i32
    %dma_start3A_22 = tpu.memref_slice %arg5[%dma_start3A_21] : memref<512xi32, #tpu.memory_space<vmem>> -> memref<64xi32, #tpu.memory_space<vmem>>
    %dma_start3A_23 = arith.constant 0 : i32
    %dma_start3A_24 = arith.constant 0 : i32
    %dma_start3A_25 = tpu.memref_slice %arg3[%dma_start3A_23, %dma_start3A_24] : memref<100000x128xf32, #tpu.memory_space<hbm>> -> memref<100000x128xf32, #tpu.memory_space<hbm>>
    %dma_start3A_26 = tpu.memref_slice %arg7[%dma_start3A_16] : memref<3x!tpu.dma_semaphore, #tpu.memory_space<semaphore_mem>> -> memref<1x!tpu.dma_semaphore, #tpu.memory_space<semaphore_mem>>
    %dma_start3A_27 = tpu.memref_squeeze %dma_start3A_26 : memref<1x!tpu.dma_semaphore, #tpu.memory_space<semaphore_mem>> -> memref<!tpu.dma_semaphore, #tpu.memory_space<semaphore_mem>>
    tpu.enqueue_indirect_dma source(%dma_start3A_25 : memref<100000x128xf32, #tpu.memory_space<hbm>>) target(%dma_start3A_20 : memref<64x128xf32, #tpu.memory_space<vmem>>) offsets(%dma_start3A_22 : memref<64xi32, #tpu.memory_space<vmem>>) semaphore(%dma_start3A_27 : memref<!tpu.dma_semaphore, #tpu.memory_space<semaphore_mem>>)
    %dma_start3A_28 = arith.constant 2 : i32
    %dma_start3A_29 = arith.constant 2 : i32
    %dma_start3A_30 = arith.constant 0 : i32
    %dma_start3A_31 = arith.constant 0 : i32
    %dma_start3A_32 = tpu.memref_slice %arg6[%dma_start3A_28, %dma_start3A_30, %dma_start3A_31] : memref<3x64x128xf32, #tpu.memory_space<vmem>> -> memref<1x64x128xf32, #tpu.memory_space<vmem>>
    %dma_start3A_33 = tpu.memref_squeeze %dma_start3A_32 : memref<1x64x128xf32, #tpu.memory_space<vmem>> -> memref<64x128xf32, #tpu.memory_space<vmem>>
    %dma_start3A_34 = arith.constant 128 : i32
    %dma_start3A_35 = tpu.memref_slice %arg5[%dma_start3A_34] : memref<512xi32, #tpu.memory_space<vmem>> -> memref<64xi32, #tpu.memory_space<vmem>>
    %dma_start3A_36 = arith.constant 0 : i32
    %dma_start3A_37 = arith.constant 0 : i32
    %dma_start3A_38 = tpu.memref_slice %arg3[%dma_start3A_36, %dma_start3A_37] : memref<100000x128xf32, #tpu.memory_space<hbm>> -> memref<100000x128xf32, #tpu.memory_space<hbm>>
    %dma_start3A_39 = tpu.memref_slice %arg7[%dma_start3A_29] : memref<3x!tpu.dma_semaphore, #tpu.memory_space<semaphore_mem>> -> memref<1x!tpu.dma_semaphore, #tpu.memory_space<semaphore_mem>>
    %dma_start3A_40 = tpu.memref_squeeze %dma_start3A_39 : memref<1x!tpu.dma_semaphore, #tpu.memory_space<semaphore_mem>> -> memref<!tpu.dma_semaphore, #tpu.memory_space<semaphore_mem>>
    tpu.enqueue_indirect_dma source(%dma_start3A_38 : memref<100000x128xf32, #tpu.memory_space<hbm>>) target(%dma_start3A_33 : memref<64x128xf32, #tpu.memory_space<vmem>>) offsets(%dma_start3A_35 : memref<64xi32, #tpu.memory_space<vmem>>) semaphore(%dma_start3A_40 : memref<!tpu.dma_semaphore, #tpu.memory_space<semaphore_mem>>)
    %dma_wait3A = arith.constant 0 : i32
    %dma_wait3A_41 = arith.constant 0 : i32
    %dma_wait3A_42 = arith.constant 0 : i32
    %dma_wait3A_43 = arith.constant 0 : i32
    %dma_wait3A_44 = tpu.memref_slice %arg6[%dma_wait3A, %dma_wait3A_42, %dma_wait3A_43] : memref<3x64x128xf32, #tpu.memory_space<vmem>> -> memref<1x64x128xf32, #tpu.memory_space<vmem>>
    %dma_wait3A_45 = tpu.memref_squeeze %dma_wait3A_44 : memref<1x64x128xf32, #tpu.memory_space<vmem>> -> memref<64x128xf32, #tpu.memory_space<vmem>>
    %dma_wait3A_46 = arith.constant 0 : i32
    %dma_wait3A_47 = tpu.memref_slice %arg5[%dma_wait3A_46] : memref<512xi32, #tpu.memory_space<vmem>> -> memref<64xi32, #tpu.memory_space<vmem>>
    %dma_wait3A_48 = arith.constant 0 : i32
    %dma_wait3A_49 = arith.constant 0 : i32
    %dma_wait3A_50 = tpu.memref_slice %arg3[%dma_wait3A_48, %dma_wait3A_49] : memref<100000x128xf32, #tpu.memory_space<hbm>> -> memref<100000x128xf32, #tpu.memory_space<hbm>>
    %dma_wait3A_51 = tpu.memref_slice %arg7[%dma_wait3A_41] : memref<3x!tpu.dma_semaphore, #tpu.memory_space<semaphore_mem>> -> memref<1x!tpu.dma_semaphore, #tpu.memory_space<semaphore_mem>>
    %dma_wait3A_52 = tpu.memref_squeeze %dma_wait3A_51 : memref<1x!tpu.dma_semaphore, #tpu.memory_space<semaphore_mem>> -> memref<!tpu.dma_semaphore, #tpu.memory_space<semaphore_mem>>
    tpu.wait_indirect_dma semaphore(%dma_wait3A_52 : memref<!tpu.dma_semaphore, #tpu.memory_space<semaphore_mem>>) src(%dma_wait3A_50 : memref<100000x128xf32, #tpu.memory_space<hbm>>) dst(%dma_wait3A_45 : memref<64x128xf32, #tpu.memory_space<vmem>>)
    %parallel_loop3A = arith.constant 0 : i32
    %parallel_loop3A_53 = arith.constant 64 : i32
    %parallel_loop3A_54 = arith.constant 1 : i32
    scf.for %parallel_loop3A_504 = %parallel_loop3A to %parallel_loop3A_53 step %parallel_loop3A_54  : i32 {
      %parallel_loop3A_505 = arith.constant 0 : i32
      %parallel_loop3A_506 = arith.index_cast %parallel_loop3A_505 : i32 to index
      %parallel_loop3A_507 = arith.index_cast %parallel_loop3A_504 : i32 to index
      %parallel_loop3A_508 = arith.constant 0 : index
      %parallel_loop3A_509 = tpu.vector_load %arg6[%parallel_loop3A_506, %parallel_loop3A_507, %parallel_loop3A_508] {strides = array<i32>} : memref<3x64x128xf32, #tpu.memory_space<vmem>>, vector<1x1x16xf32>,
      %parallel_loop3A_510 = vector.shape_cast %parallel_loop3A_509 : vector<1x1x16xf32> to vector<16xf32>
      %parallel_loop3A_511 = arith.constant -1.000000e+00 : f32
      %parallel_loop3A_512 = vector.broadcast %parallel_loop3A_511 : f32 to vector<16xf32>
      %parallel_loop3A_513 = arith.mulf %parallel_loop3A_510, %parallel_loop3A_512 : vector<16xf32>
      %parallel_loop3A_514 = math.exp %parallel_loop3A_513 : vector<16xf32>
      %parallel_loop3A_515 = arith.constant 1.000000e+00 : f32
      %parallel_loop3A_516 = vector.broadcast %parallel_loop3A_515 : f32 to vector<16xf32>
      %parallel_loop3A_517 = arith.addf %parallel_loop3A_516, %parallel_loop3A_514 : vector<16xf32>
      %parallel_loop3A_518 = arith.constant 1.000000e+00 : f32
      %parallel_loop3A_519 = vector.broadcast %parallel_loop3A_518 : f32 to vector<16xf32>
      %parallel_loop3A_520 = arith.divf %parallel_loop3A_519, %parallel_loop3A_517 : vector<16xf32>
      %parallel_loop3A_521 = arith.constant 0 : i32
      %parallel_loop3A_522 = arith.index_cast %parallel_loop3A_521 : i32 to index
      %parallel_loop3A_523 = arith.index_cast %parallel_loop3A_504 : i32 to index
      %parallel_loop3A_524 = arith.constant 0 : index
      %parallel_loop3A_525 = tpu.vector_load %arg6[%parallel_loop3A_522, %parallel_loop3A_523, %parallel_loop3A_524] {strides = array<i32>} : memref<3x64x128xf32, #tpu.memory_space<vmem>>, vector<1x1x16xf32>,
      %parallel_loop3A_526 = vector.shape_cast %parallel_loop3A_525 : vector<1x1x16xf32> to vector<16xf32>
      %parallel_loop3A_527 = vector.shape_cast %parallel_loop3A_520 : vector<16xf32> to vector<1x1x16xf32>
      tpu.vector_store %arg6[%parallel_loop3A_522, %parallel_loop3A_523, %parallel_loop3A_524], %parallel_loop3A_527 {strides = array<i32>} : memref<3x64x128xf32, #tpu.memory_space<vmem>>, vector<1x1x16xf32>,
      %parallel_loop3A_528 = arith.constant 0 : i32
      %parallel_loop3A_529 = arith.index_cast %parallel_loop3A_528 : i32 to index
      %parallel_loop3A_530 = arith.index_cast %parallel_loop3A_504 : i32 to index
      %parallel_loop3A_531 = arith.constant 16 : index
      %parallel_loop3A_532 = tpu.vector_load %arg6[%parallel_loop3A_529, %parallel_loop3A_530, %parallel_loop3A_531] {strides = array<i32>} : memref<3x64x128xf32, #tpu.memory_space<vmem>>, vector<1x1x16xf32>,
      %parallel_loop3A_533 = vector.shape_cast %parallel_loop3A_532 : vector<1x1x16xf32> to vector<16xf32>
      %parallel_loop3A_534 = arith.constant -1.000000e+00 : f32
      %parallel_loop3A_535 = vector.broadcast %parallel_loop3A_534 : f32 to vector<16xf32>
      %parallel_loop3A_536 = arith.mulf %parallel_loop3A_533, %parallel_loop3A_535 : vector<16xf32>
      %parallel_loop3A_537 = math.exp %parallel_loop3A_536 : vector<16xf32>
      %parallel_loop3A_538 = arith.constant 1.000000e+00 : f32
      %parallel_loop3A_539 = vector.broadcast %parallel_loop3A_538 : f32 to vector<16xf32>
      %parallel_loop3A_540 = arith.addf %parallel_loop3A_539, %parallel_loop3A_537 : vector<16xf32>
      %parallel_loop3A_541 = arith.constant 1.000000e+00 : f32
      %parallel_loop3A_542 = vector.broadcast %parallel_loop3A_541 : f32 to vector<16xf32>
      %parallel_loop3A_543 = arith.divf %parallel_loop3A_542, %parallel_loop3A_540 : vector<16xf32>
      %parallel_loop3A_544 = arith.constant 0 : i32
      %parallel_loop3A_545 = arith.index_cast %parallel_loop3A_544 : i32 to index
      %parallel_loop3A_546 = arith.index_cast %parallel_loop3A_504 : i32 to index
      %parallel_loop3A_547 = arith.constant 16 : index
      %parallel_loop3A_548 = tpu.vector_load %arg6[%parallel_loop3A_545, %parallel_loop3A_546, %parallel_loop3A_547] {strides = array<i32>} : memref<3x64x128xf32, #tpu.memory_space<vmem>>, vector<1x1x16xf32>,
      %parallel_loop3A_549 = vector.shape_cast %parallel_loop3A_548 : vector<1x1x16xf32> to vector<16xf32>
      %parallel_loop3A_550 = vector.shape_cast %parallel_loop3A_543 : vector<16xf32> to vector<1x1x16xf32>
      tpu.vector_store %arg6[%parallel_loop3A_545, %parallel_loop3A_546, %parallel_loop3A_547], %parallel_loop3A_550 {strides = array<i32>} : memref<3x64x128xf32, #tpu.memory_space<vmem>>, vector<1x1x16xf32>,
      %parallel_loop3A_551 = arith.constant 0 : i32
      %parallel_loop3A_552 = arith.index_cast %parallel_loop3A_551 : i32 to index
      %parallel_loop3A_553 = arith.index_cast %parallel_loop3A_504 : i32 to index
      %parallel_loop3A_554 = arith.constant 32 : index
      %parallel_loop3A_555 = tpu.vector_load %arg6[%parallel_loop3A_552, %parallel_loop3A_553, %parallel_loop3A_554] {strides = array<i32>} : memref<3x64x128xf32, #tpu.memory_space<vmem>>, vector<1x1x16xf32>,
      %parallel_loop3A_556 = vector.shape_cast %parallel_loop3A_555 : vector<1x1x16xf32> to vector<16xf32>
      %parallel_loop3A_557 = arith.constant -1.000000e+00 : f32
      %parallel_loop3A_558 = vector.broadcast %parallel_loop3A_557 : f32 to vector<16xf32>
      %parallel_loop3A_559 = arith.mulf %parallel_loop3A_556, %parallel_loop3A_558 : vector<16xf32>
      %parallel_loop3A_560 = math.exp %parallel_loop3A_559 : vector<16xf32>
      %parallel_loop3A_561 = arith.constant 1.000000e+00 : f32
      %parallel_loop3A_562 = vector.broadcast %parallel_loop3A_561 : f32 to vector<16xf32>
      %parallel_loop3A_563 = arith.addf %parallel_loop3A_562, %parallel_loop3A_560 : vector<16xf32>
      %parallel_loop3A_564 = arith.constant 1.000000e+00 : f32
      %parallel_loop3A_565 = vector.broadcast %parallel_loop3A_564 : f32 to vector<16xf32>
      %parallel_loop3A_566 = arith.divf %parallel_loop3A_565, %parallel_loop3A_563 : vector<16xf32>
      %parallel_loop3A_567 = arith.constant 0 : i32
      %parallel_loop3A_568 = arith.index_cast %parallel_loop3A_567 : i32 to index
      %parallel_loop3A_569 = arith.index_cast %parallel_loop3A_504 : i32 to index
      %parallel_loop3A_570 = arith.constant 32 : index
      %parallel_loop3A_571 = tpu.vector_load %arg6[%parallel_loop3A_568, %parallel_loop3A_569, %parallel_loop3A_570] {strides = array<i32>} : memref<3x64x128xf32, #tpu.memory_space<vmem>>, vector<1x1x16xf32>,
      %parallel_loop3A_572 = vector.shape_cast %parallel_loop3A_571 : vector<1x1x16xf32> to vector<16xf32>
      %parallel_loop3A_573 = vector.shape_cast %parallel_loop3A_566 : vector<16xf32> to vector<1x1x16xf32>
      tpu.vector_store %arg6[%parallel_loop3A_568, %parallel_loop3A_569, %parallel_loop3A_570], %parallel_loop3A_573 {strides = array<i32>} : memref<3x64x128xf32, #tpu.memory_space<vmem>>, vector<1x1x16xf32>,
      %parallel_loop3A_574 = arith.constant 0 : i32
      %parallel_loop3A_575 = arith.index_cast %parallel_loop3A_574 : i32 to index
      %parallel_loop3A_576 = arith.index_cast %parallel_loop3A_504 : i32 to index
      %parallel_loop3A_577 = arith.constant 48 : index
      %parallel_loop3A_578 = tpu.vector_load %arg6[%parallel_loop3A_575, %parallel_loop3A_576, %parallel_loop3A_577] {strides = array<i32>} : memref<3x64x128xf32, #tpu.memory_space<vmem>>, vector<1x1x16xf32>,
      %parallel_loop3A_579 = vector.shape_cast %parallel_loop3A_578 : vector<1x1x16xf32> to vector<16xf32>
      %parallel_loop3A_580 = arith.constant -1.000000e+00 : f32
      %parallel_loop3A_581 = vector.broadcast %parallel_loop3A_580 : f32 to vector<16xf32>
      %parallel_loop3A_582 = arith.mulf %parallel_loop3A_579, %parallel_loop3A_581 : vector<16xf32>
      %parallel_loop3A_583 = math.exp %parallel_loop3A_582 : vector<16xf32>
      %parallel_loop3A_584 = arith.constant 1.000000e+00 : f32
      %parallel_loop3A_585 = vector.broadcast %parallel_loop3A_584 : f32 to vector<16xf32>
      %parallel_loop3A_586 = arith.addf %parallel_loop3A_585, %parallel_loop3A_583 : vector<16xf32>
      %parallel_loop3A_587 = arith.constant 1.000000e+00 : f32
      %parallel_loop3A_588 = vector.broadcast %parallel_loop3A_587 : f32 to vector<16xf32>
      %parallel_loop3A_589 = arith.divf %parallel_loop3A_588, %parallel_loop3A_586 : vector<16xf32>
      %parallel_loop3A_590 = arith.constant 0 : i32
      %parallel_loop3A_591 = arith.index_cast %parallel_loop3A_590 : i32 to index
      %parallel_loop3A_592 = arith.index_cast %parallel_loop3A_504 : i32 to index
      %parallel_loop3A_593 = arith.constant 48 : index
      %parallel_loop3A_594 = tpu.vector_load %arg6[%parallel_loop3A_591, %parallel_loop3A_592, %parallel_loop3A_593] {strides = array<i32>} : memref<3x64x128xf32, #tpu.memory_space<vmem>>, vector<1x1x16xf32>,
      %parallel_loop3A_595 = vector.shape_cast %parallel_loop3A_594 : vector<1x1x16xf32> to vector<16xf32>
      %parallel_loop3A_596 = vector.shape_cast %parallel_loop3A_589 : vector<16xf32> to vector<1x1x16xf32>
      tpu.vector_store %arg6[%parallel_loop3A_591, %parallel_loop3A_592, %parallel_loop3A_593], %parallel_loop3A_596 {strides = array<i32>} : memref<3x64x128xf32, #tpu.memory_space<vmem>>, vector<1x1x16xf32>,
      %parallel_loop3A_597 = arith.constant 0 : i32
      %parallel_loop3A_598 = arith.index_cast %parallel_loop3A_597 : i32 to index
      %parallel_loop3A_599 = arith.index_cast %parallel_loop3A_504 : i32 to index
      %parallel_loop3A_600 = arith.constant 64 : index
      %parallel_loop3A_601 = tpu.vector_load %arg6[%parallel_loop3A_598, %parallel_loop3A_599, %parallel_loop3A_600] {strides = array<i32>} : memref<3x64x128xf32, #tpu.memory_space<vmem>>, vector<1x1x16xf32>,
      %parallel_loop3A_602 = vector.shape_cast %parallel_loop3A_601 : vector<1x1x16xf32> to vector<16xf32>
      %parallel_loop3A_603 = arith.constant -1.000000e+00 : f32
      %parallel_loop3A_604 = vector.broadcast %parallel_loop3A_603 : f32 to vector<16xf32>
      %parallel_loop3A_605 = arith.mulf %parallel_loop3A_602, %parallel_loop3A_604 : vector<16xf32>
      %parallel_loop3A_606 = math.exp %parallel_loop3A_605 : vector<16xf32>
      %parallel_loop3A_607 = arith.constant 1.000000e+00 : f32
      %parallel_loop3A_608 = vector.broadcast %parallel_loop3A_607 : f32 to vector<16xf32>
      %parallel_loop3A_609 = arith.addf %parallel_loop3A_608, %parallel_loop3A_606 : vector<16xf32>
      %parallel_loop3A_610 = arith.constant 1.000000e+00 : f32
      %parallel_loop3A_611 = vector.broadcast %parallel_loop3A_610 : f32 to vector<16xf32>
      %parallel_loop3A_612 = arith.divf %parallel_loop3A_611, %parallel_loop3A_609 : vector<16xf32>
      %parallel_loop3A_613 = arith.constant 0 : i32
      %parallel_loop3A_614 = arith.index_cast %parallel_loop3A_613 : i32 to index
      %parallel_loop3A_615 = arith.index_cast %parallel_loop3A_504 : i32 to index
      %parallel_loop3A_616 = arith.constant 64 : index
      %parallel_loop3A_617 = tpu.vector_load %arg6[%parallel_loop3A_614, %parallel_loop3A_615, %parallel_loop3A_616] {strides = array<i32>} : memref<3x64x128xf32, #tpu.memory_space<vmem>>, vector<1x1x16xf32>,
      %parallel_loop3A_618 = vector.shape_cast %parallel_loop3A_617 : vector<1x1x16xf32> to vector<16xf32>
      %parallel_loop3A_619 = vector.shape_cast %parallel_loop3A_612 : vector<16xf32> to vector<1x1x16xf32>
      tpu.vector_store %arg6[%parallel_loop3A_614, %parallel_loop3A_615, %parallel_loop3A_616], %parallel_loop3A_619 {strides = array<i32>} : memref<3x64x128xf32, #tpu.memory_space<vmem>>, vector<1x1x16xf32>,
      %parallel_loop3A_620 = arith.constant 0 : i32
      %parallel_loop3A_621 = arith.index_cast %parallel_loop3A_620 : i32 to index
      %parallel_loop3A_622 = arith.index_cast %parallel_loop3A_504 : i32 to index
      %parallel_loop3A_623 = arith.constant 80 : index
      %parallel_loop3A_624 = tpu.vector_load %arg6[%parallel_loop3A_621, %parallel_loop3A_622, %parallel_loop3A_623] {strides = array<i32>} : memref<3x64x128xf32, #tpu.memory_space<vmem>>, vector<1x1x16xf32>,
      %parallel_loop3A_625 = vector.shape_cast %parallel_loop3A_624 : vector<1x1x16xf32> to vector<16xf32>
      %parallel_loop3A_626 = arith.constant -1.000000e+00 : f32
      %parallel_loop3A_627 = vector.broadcast %parallel_loop3A_626 : f32 to vector<16xf32>
      %parallel_loop3A_628 = arith.mulf %parallel_loop3A_625, %parallel_loop3A_627 : vector<16xf32>
      %parallel_loop3A_629 = math.exp %parallel_loop3A_628 : vector<16xf32>
      %parallel_loop3A_630 = arith.constant 1.000000e+00 : f32
      %parallel_loop3A_631 = vector.broadcast %parallel_loop3A_630 : f32 to vector<16xf32>
      %parallel_loop3A_632 = arith.addf %parallel_loop3A_631, %parallel_loop3A_629 : vector<16xf32>
      %parallel_loop3A_633 = arith.constant 1.000000e+00 : f32
      %parallel_loop3A_634 = vector.broadcast %parallel_loop3A_633 : f32 to vector<16xf32>
      %parallel_loop3A_635 = arith.divf %parallel_loop3A_634, %parallel_loop3A_632 : vector<16xf32>
      %parallel_loop3A_636 = arith.constant 0 : i32
      %parallel_loop3A_637 = arith.index_cast %parallel_loop3A_636 : i32 to index
      %parallel_loop3A_638 = arith.index_cast %parallel_loop3A_504 : i32 to index
      %parallel_loop3A_639 = arith.constant 80 : index
      %parallel_loop3A_640 = tpu.vector_load %arg6[%parallel_loop3A_637, %parallel_loop3A_638, %parallel_loop3A_639] {strides = array<i32>} : memref<3x64x128xf32, #tpu.memory_space<vmem>>, vector<1x1x16xf32>,
      %parallel_loop3A_641 = vector.shape_cast %parallel_loop3A_640 : vector<1x1x16xf32> to vector<16xf32>
      %parallel_loop3A_642 = vector.shape_cast %parallel_loop3A_635 : vector<16xf32> to vector<1x1x16xf32>
      tpu.vector_store %arg6[%parallel_loop3A_637, %parallel_loop3A_638, %parallel_loop3A_639], %parallel_loop3A_642 {strides = array<i32>} : memref<3x64x128xf32, #tpu.memory_space<vmem>>, vector<1x1x16xf32>,
      %parallel_loop3A_643 = arith.constant 0 : i32
      %parallel_loop3A_644 = arith.index_cast %parallel_loop3A_643 : i32 to index
      %parallel_loop3A_645 = arith.index_cast %parallel_loop3A_504 : i32 to index
      %parallel_loop3A_646 = arith.constant 96 : index
      %parallel_loop3A_647 = tpu.vector_load %arg6[%parallel_loop3A_644, %parallel_loop3A_645, %parallel_loop3A_646] {strides = array<i32>} : memref<3x64x128xf32, #tpu.memory_space<vmem>>, vector<1x1x16xf32>,
      %parallel_loop3A_648 = vector.shape_cast %parallel_loop3A_647 : vector<1x1x16xf32> to vector<16xf32>
      %parallel_loop3A_649 = arith.constant -1.000000e+00 : f32
      %parallel_loop3A_650 = vector.broadcast %parallel_loop3A_649 : f32 to vector<16xf32>
      %parallel_loop3A_651 = arith.mulf %parallel_loop3A_648, %parallel_loop3A_650 : vector<16xf32>
      %parallel_loop3A_652 = math.exp %parallel_loop3A_651 : vector<16xf32>
      %parallel_loop3A_653 = arith.constant 1.000000e+00 : f32
      %parallel_loop3A_654 = vector.broadcast %parallel_loop3A_653 : f32 to vector<16xf32>
      %parallel_loop3A_655 = arith.addf %parallel_loop3A_654, %parallel_loop3A_652 : vector<16xf32>
      %parallel_loop3A_656 = arith.constant 1.000000e+00 : f32
      %parallel_loop3A_657 = vector.broadcast %parallel_loop3A_656 : f32 to vector<16xf32>
      %parallel_loop3A_658 = arith.divf %parallel_loop3A_657, %parallel_loop3A_655 : vector<16xf32>
      %parallel_loop3A_659 = arith.constant 0 : i32
      %parallel_loop3A_660 = arith.index_cast %parallel_loop3A_659 : i32 to index
      %parallel_loop3A_661 = arith.index_cast %parallel_loop3A_504 : i32 to index
      %parallel_loop3A_662 = arith.constant 96 : index
      %parallel_loop3A_663 = tpu.vector_load %arg6[%parallel_loop3A_660, %parallel_loop3A_661, %parallel_loop3A_662] {strides = array<i32>} : memref<3x64x128xf32, #tpu.memory_space<vmem>>, vector<1x1x16xf32>,
      %parallel_loop3A_664 = vector.shape_cast %parallel_loop3A_663 : vector<1x1x16xf32> to vector<16xf32>
      %parallel_loop3A_665 = vector.shape_cast %parallel_loop3A_658 : vector<16xf32> to vector<1x1x16xf32>
      tpu.vector_store %arg6[%parallel_loop3A_660, %parallel_loop3A_661, %parallel_loop3A_662], %parallel_loop3A_665 {strides = array<i32>} : memref<3x64x128xf32, #tpu.memory_space<vmem>>, vector<1x1x16xf32>,
      %parallel_loop3A_666 = arith.constant 0 : i32
      %parallel_loop3A_667 = arith.index_cast %parallel_loop3A_666 : i32 to index
      %parallel_loop3A_668 = arith.index_cast %parallel_loop3A_504 : i32 to index
      %parallel_loop3A_669 = arith.constant 112 : index
      %parallel_loop3A_670 = tpu.vector_load %arg6[%parallel_loop3A_667, %parallel_loop3A_668, %parallel_loop3A_669] {strides = array<i32>} : memref<3x64x128xf32, #tpu.memory_space<vmem>>, vector<1x1x16xf32>,
      %parallel_loop3A_671 = vector.shape_cast %parallel_loop3A_670 : vector<1x1x16xf32> to vector<16xf32>
      %parallel_loop3A_672 = arith.constant -1.000000e+00 : f32
      %parallel_loop3A_673 = vector.broadcast %parallel_loop3A_672 : f32 to vector<16xf32>
      %parallel_loop3A_674 = arith.mulf %parallel_loop3A_671, %parallel_loop3A_673 : vector<16xf32>
      %parallel_loop3A_675 = math.exp %parallel_loop3A_674 : vector<16xf32>
      %parallel_loop3A_676 = arith.constant 1.000000e+00 : f32
      %parallel_loop3A_677 = vector.broadcast %parallel_loop3A_676 : f32 to vector<16xf32>
      %parallel_loop3A_678 = arith.addf %parallel_loop3A_677, %parallel_loop3A_675 : vector<16xf32>
      %parallel_loop3A_679 = arith.constant 1.000000e+00 : f32
      %parallel_loop3A_680 = vector.broadcast %parallel_loop3A_679 : f32 to vector<16xf32>
      %parallel_loop3A_681 = arith.divf %parallel_loop3A_680, %parallel_loop3A_678 : vector<16xf32>
      %parallel_loop3A_682 = arith.constant 0 : i32
      %parallel_loop3A_683 = arith.index_cast %parallel_loop3A_682 : i32 to index
      %parallel_loop3A_684 = arith.index_cast %parallel_loop3A_504 : i32 to index
      %parallel_loop3A_685 = arith.constant 112 : index
      %parallel_loop3A_686 = tpu.vector_load %arg6[%parallel_loop3A_683, %parallel_loop3A_684, %parallel_loop3A_685] {strides = array<i32>} : memref<3x64x128xf32, #tpu.memory_space<vmem>>, vector<1x1x16xf32>,
      %parallel_loop3A_687 = vector.shape_cast %parallel_loop3A_686 : vector<1x1x16xf32> to vector<16xf32>
      %parallel_loop3A_688 = vector.shape_cast %parallel_loop3A_681 : vector<16xf32> to vector<1x1x16xf32>
      tpu.vector_store %arg6[%parallel_loop3A_683, %parallel_loop3A_684, %parallel_loop3A_685], %parallel_loop3A_688 {strides = array<i32>} : memref<3x64x128xf32, #tpu.memory_space<vmem>>, vector<1x1x16xf32>,
    } {sc.loop_unroll_factor = 4 : i64, sc.parallel_access}
    %add3A_55 = arith.constant 0 : i32
    %add3A_56 = arith.addi %mul3A_2, %add3A_55 : i32
    %dma_start3A_57 = arith.constant 0 : i32
    %dma_start3A_58 = arith.constant 0 : i32
    %dma_start3A_59 = arith.constant 0 : i32
    %dma_start3A_60 = arith.constant 0 : i32
    %dma_start3A_61 = tpu.memref_slice %arg6[%dma_start3A_57, %dma_start3A_59, %dma_start3A_60] : memref<3x64x128xf32, #tpu.memory_space<vmem>> -> memref<1x64x128xf32, #tpu.memory_space<vmem>>
    %dma_start3A_62 = tpu.memref_squeeze %dma_start3A_61 : memref<1x64x128xf32, #tpu.memory_space<vmem>> -> memref<64x128xf32, #tpu.memory_space<vmem>>
    %dma_start3A_63 = arith.constant 0 : i32
    %dma_start3A_64 = tpu.memref_slice %arg4[%add3A_56, %dma_start3A_63] : memref<16384x128xf32, #tpu.memory_space<hbm>> -> memref<64x128xf32, #tpu.memory_space<hbm>>
    %dma_start3A_65 = tpu.memref_slice %arg8[%dma_start3A_58] : memref<3x!tpu.dma_semaphore, #tpu.memory_space<semaphore_mem>> -> memref<1x!tpu.dma_semaphore, #tpu.memory_space<semaphore_mem>>
    %dma_start3A_66 = tpu.memref_squeeze %dma_start3A_65 : memref<1x!tpu.dma_semaphore, #tpu.memory_space<semaphore_mem>> -> memref<!tpu.dma_semaphore, #tpu.memory_space<semaphore_mem>>
    %dma_start3A_67 = arith.constant 0 : i32
    %dma_start3A_68 = tpu.memref_slice %arg4[%add3A_56, %dma_start3A_67] : memref<16384x128xf32, #tpu.memory_space<hbm>> -> memref<64x128xf32, #tpu.memory_space<hbm>>
    %dma_start3A_69 = arith.constant 0 : i32
    %dma_start3A_70 = arith.constant 0 : i32
    %dma_start3A_71 = tpu.memref_slice %arg6[%dma_start3A_57, %dma_start3A_69, %dma_start3A_70] : memref<3x64x128xf32, #tpu.memory_space<vmem>> -> memref<1x64x128xf32, #tpu.memory_space<vmem>>
    %dma_start3A_72 = tpu.memref_squeeze %dma_start3A_71 : memref<1x64x128xf32, #tpu.memory_space<vmem>> -> memref<64x128xf32, #tpu.memory_space<vmem>>
    tpu.enqueue_dma source(%dma_start3A_72 : memref<64x128xf32, #tpu.memory_space<vmem>>) target(%dma_start3A_68 : memref<64x128xf32, #tpu.memory_space<hbm>>) target_semaphore(%dma_start3A_66 : memref<!tpu.dma_semaphore, #tpu.memory_space<semaphore_mem>>)
    %dma_wait3A_73 = arith.constant 0 : i32
    %dma_wait3A_74 = arith.constant 0 : i32
    %dma_wait3A_75 = arith.constant 0 : i32
    %dma_wait3A_76 = arith.constant 0 : i32
    %dma_wait3A_77 = tpu.memref_slice %arg6[%dma_wait3A_73, %dma_wait3A_75, %dma_wait3A_76] : memref<3x64x128xf32, #tpu.memory_space<vmem>> -> memref<1x64x128xf32, #tpu.memory_space<vmem>>
    %dma_wait3A_78 = tpu.memref_squeeze %dma_wait3A_77 : memref<1x64x128xf32, #tpu.memory_space<vmem>> -> memref<64x128xf32, #tpu.memory_space<vmem>>
    %dma_wait3A_79 = arith.constant 0 : i32
    %dma_wait3A_80 = tpu.memref_slice %arg4[%add3A_56, %dma_wait3A_79] : memref<16384x128xf32, #tpu.memory_space<hbm>> -> memref<64x128xf32, #tpu.memory_space<hbm>>
    %dma_wait3A_81 = tpu.memref_slice %arg8[%dma_wait3A_74] : memref<3x!tpu.dma_semaphore, #tpu.memory_space<semaphore_mem>> -> memref<1x!tpu.dma_semaphore, #tpu.memory_space<semaphore_mem>>
    %dma_wait3A_82 = tpu.memref_squeeze %dma_wait3A_81 : memref<1x!tpu.dma_semaphore, #tpu.memory_space<semaphore_mem>> -> memref<!tpu.dma_semaphore, #tpu.memory_space<semaphore_mem>>
    %dma_wait3A_83 = arith.constant 0 : i32
    %dma_wait3A_84 = tpu.memref_slice %arg4[%add3A_56, %dma_wait3A_83] : memref<16384x128xf32, #tpu.memory_space<hbm>> -> memref<64x128xf32, #tpu.memory_space<hbm>>
    %dma_wait3A_85 = arith.constant 0 : i32
    %dma_wait3A_86 = arith.constant 0 : i32
    %dma_wait3A_87 = tpu.memref_slice %arg6[%dma_wait3A_73, %dma_wait3A_85, %dma_wait3A_86] : memref<3x64x128xf32, #tpu.memory_space<vmem>> -> memref<1x64x128xf32, #tpu.memory_space<vmem>>
    %dma_wait3A_88 = tpu.memref_squeeze %dma_wait3A_87 : memref<1x64x128xf32, #tpu.memory_space<vmem>> -> memref<64x128xf32, #tpu.memory_space<vmem>>
    tpu.wait_dma2 semaphore(%dma_wait3A_82 : memref<!tpu.dma_semaphore, #tpu.memory_space<semaphore_mem>>) src(%dma_wait3A_88 : memref<64x128xf32, #tpu.memory_space<vmem>>) dst(%dma_wait3A_84 : memref<64x128xf32, #tpu.memory_space<hbm>>)
    %dma_start3A_89 = arith.constant 0 : i32
    %dma_start3A_90 = arith.constant 0 : i32
    %dma_start3A_91 = arith.constant 0 : i32
    %dma_start3A_92 = arith.constant 0 : i32
    %dma_start3A_93 = tpu.memref_slice %arg6[%dma_start3A_89, %dma_start3A_91, %dma_start3A_92] : memref<3x64x128xf32, #tpu.memory_space<vmem>> -> memref<1x64x128xf32, #tpu.memory_space<vmem>>
    %dma_start3A_94 = tpu.memref_squeeze %dma_start3A_93 : memref<1x64x128xf32, #tpu.memory_space<vmem>> -> memref<64x128xf32, #tpu.memory_space<vmem>>
    %dma_start3A_95 = arith.constant 192 : i32
    %dma_start3A_96 = tpu.memref_slice %arg5[%dma_start3A_95] : memref<512xi32, #tpu.memory_space<vmem>> -> memref<64xi32, #tpu.memory_space<vmem>>
    %dma_start3A_97 = arith.constant 0 : i32
    %dma_start3A_98 = arith.constant 0 : i32
    %dma_start3A_99 = tpu.memref_slice %arg3[%dma_start3A_97, %dma_start3A_98] : memref<100000x128xf32, #tpu.memory_space<hbm>> -> memref<100000x128xf32, #tpu.memory_space<hbm>>
    %dma_start3A_100 = tpu.memref_slice %arg7[%dma_start3A_90] : memref<3x!tpu.dma_semaphore, #tpu.memory_space<semaphore_mem>> -> memref<1x!tpu.dma_semaphore, #tpu.memory_space<semaphore_mem>>
    %dma_start3A_101 = tpu.memref_squeeze %dma_start3A_100 : memref<1x!tpu.dma_semaphore, #tpu.memory_space<semaphore_mem>> -> memref<!tpu.dma_semaphore, #tpu.memory_space<semaphore_mem>>
    tpu.enqueue_indirect_dma source(%dma_start3A_99 : memref<100000x128xf32, #tpu.memory_space<hbm>>) target(%dma_start3A_94 : memref<64x128xf32, #tpu.memory_space<vmem>>) offsets(%dma_start3A_96 : memref<64xi32, #tpu.memory_space<vmem>>) semaphore(%dma_start3A_101 : memref<!tpu.dma_semaphore, #tpu.memory_space<semaphore_mem>>)
    %dma_wait3A_102 = arith.constant 1 : i32
    %dma_wait3A_103 = arith.constant 1 : i32
    %dma_wait3A_104 = arith.constant 0 : i32
    %dma_wait3A_105 = arith.constant 0 : i32
    %dma_wait3A_106 = tpu.memref_slice %arg6[%dma_wait3A_102, %dma_wait3A_104, %dma_wait3A_105] : memref<3x64x128xf32, #tpu.memory_space<vmem>> -> memref<1x64x128xf32, #tpu.memory_space<vmem>>
    %dma_wait3A_107 = tpu.memref_squeeze %dma_wait3A_106 : memref<1x64x128xf32, #tpu.memory_space<vmem>> -> memref<64x128xf32, #tpu.memory_space<vmem>>
    %dma_wait3A_108 = arith.constant 64 : i32
    %dma_wait3A_109 = tpu.memref_slice %arg5[%dma_wait3A_108] : memref<512xi32, #tpu.memory_space<vmem>> -> memref<64xi32, #tpu.memory_space<vmem>>
    %dma_wait3A_110 = arith.constant 0 : i32
    %dma_wait3A_111 = arith.constant 0 : i32
    %dma_wait3A_112 = tpu.memref_slice %arg3[%dma_wait3A_110, %dma_wait3A_111] : memref<100000x128xf32, #tpu.memory_space<hbm>> -> memref<100000x128xf32, #tpu.memory_space<hbm>>
    %dma_wait3A_113 = tpu.memref_slice %arg7[%dma_wait3A_103] : memref<3x!tpu.dma_semaphore, #tpu.memory_space<semaphore_mem>> -> memref<1x!tpu.dma_semaphore, #tpu.memory_space<semaphore_mem>>
    %dma_wait3A_114 = tpu.memref_squeeze %dma_wait3A_113 : memref<1x!tpu.dma_semaphore, #tpu.memory_space<semaphore_mem>> -> memref<!tpu.dma_semaphore, #tpu.memory_space<semaphore_mem>>
    tpu.wait_indirect_dma semaphore(%dma_wait3A_114 : memref<!tpu.dma_semaphore, #tpu.memory_space<semaphore_mem>>) src(%dma_wait3A_112 : memref<100000x128xf32, #tpu.memory_space<hbm>>) dst(%dma_wait3A_107 : memref<64x128xf32, #tpu.memory_space<vmem>>)
    %parallel_loop3A_115 = arith.constant 0 : i32
    %parallel_loop3A_116 = arith.constant 64 : i32
    %parallel_loop3A_117 = arith.constant 1 : i32
    scf.for %parallel_loop3A_504 = %parallel_loop3A_115 to %parallel_loop3A_116 step %parallel_loop3A_117  : i32 {
      %parallel_loop3A_505 = arith.constant 1 : i32
      %parallel_loop3A_506 = arith.index_cast %parallel_loop3A_505 : i32 to index
      %parallel_loop3A_507 = arith.index_cast %parallel_loop3A_504 : i32 to index
      %parallel_loop3A_508 = arith.constant 0 : index
      %parallel_loop3A_509 = tpu.vector_load %arg6[%parallel_loop3A_506, %parallel_loop3A_507, %parallel_loop3A_508] {strides = array<i32>} : memref<3x64x128xf32, #tpu.memory_space<vmem>>, vector<1x1x16xf32>,
      %parallel_loop3A_510 = vector.shape_cast %parallel_loop3A_509 : vector<1x1x16xf32> to vector<16xf32>
      %parallel_loop3A_511 = arith.constant -1.000000e+00 : f32
      %parallel_loop3A_512 = vector.broadcast %parallel_loop3A_511 : f32 to vector<16xf32>
      %parallel_loop3A_513 = arith.mulf %parallel_loop3A_510, %parallel_loop3A_512 : vector<16xf32>
      %parallel_loop3A_514 = math.exp %parallel_loop3A_513 : vector<16xf32>
      %parallel_loop3A_515 = arith.constant 1.000000e+00 : f32
      %parallel_loop3A_516 = vector.broadcast %parallel_loop3A_515 : f32 to vector<16xf32>
      %parallel_loop3A_517 = arith.addf %parallel_loop3A_516, %parallel_loop3A_514 : vector<16xf32>
      %parallel_loop3A_518 = arith.constant 1.000000e+00 : f32
      %parallel_loop3A_519 = vector.broadcast %parallel_loop3A_518 : f32 to vector<16xf32>
      %parallel_loop3A_520 = arith.divf %parallel_loop3A_519, %parallel_loop3A_517 : vector<16xf32>
      %parallel_loop3A_521 = arith.constant 1 : i32
      %parallel_loop3A_522 = arith.index_cast %parallel_loop3A_521 : i32 to index
      %parallel_loop3A_523 = arith.index_cast %parallel_loop3A_504 : i32 to index
      %parallel_loop3A_524 = arith.constant 0 : index
      %parallel_loop3A_525 = tpu.vector_load %arg6[%parallel_loop3A_522, %parallel_loop3A_523, %parallel_loop3A_524] {strides = array<i32>} : memref<3x64x128xf32, #tpu.memory_space<vmem>>, vector<1x1x16xf32>,
      %parallel_loop3A_526 = vector.shape_cast %parallel_loop3A_525 : vector<1x1x16xf32> to vector<16xf32>
      %parallel_loop3A_527 = vector.shape_cast %parallel_loop3A_520 : vector<16xf32> to vector<1x1x16xf32>
      tpu.vector_store %arg6[%parallel_loop3A_522, %parallel_loop3A_523, %parallel_loop3A_524], %parallel_loop3A_527 {strides = array<i32>} : memref<3x64x128xf32, #tpu.memory_space<vmem>>, vector<1x1x16xf32>,
      %parallel_loop3A_528 = arith.constant 1 : i32
      %parallel_loop3A_529 = arith.index_cast %parallel_loop3A_528 : i32 to index
      %parallel_loop3A_530 = arith.index_cast %parallel_loop3A_504 : i32 to index
      %parallel_loop3A_531 = arith.constant 16 : index
      %parallel_loop3A_532 = tpu.vector_load %arg6[%parallel_loop3A_529, %parallel_loop3A_530, %parallel_loop3A_531] {strides = array<i32>} : memref<3x64x128xf32, #tpu.memory_space<vmem>>, vector<1x1x16xf32>,
      %parallel_loop3A_533 = vector.shape_cast %parallel_loop3A_532 : vector<1x1x16xf32> to vector<16xf32>
      %parallel_loop3A_534 = arith.constant -1.000000e+00 : f32
      %parallel_loop3A_535 = vector.broadcast %parallel_loop3A_534 : f32 to vector<16xf32>
      %parallel_loop3A_536 = arith.mulf %parallel_loop3A_533, %parallel_loop3A_535 : vector<16xf32>
      %parallel_loop3A_537 = math.exp %parallel_loop3A_536 : vector<16xf32>
      %parallel_loop3A_538 = arith.constant 1.000000e+00 : f32
      %parallel_loop3A_539 = vector.broadcast %parallel_loop3A_538 : f32 to vector<16xf32>
      %parallel_loop3A_540 = arith.addf %parallel_loop3A_539, %parallel_loop3A_537 : vector<16xf32>
      %parallel_loop3A_541 = arith.constant 1.000000e+00 : f32
      %parallel_loop3A_542 = vector.broadcast %parallel_loop3A_541 : f32 to vector<16xf32>
      %parallel_loop3A_543 = arith.divf %parallel_loop3A_542, %parallel_loop3A_540 : vector<16xf32>
      %parallel_loop3A_544 = arith.constant 1 : i32
      %parallel_loop3A_545 = arith.index_cast %parallel_loop3A_544 : i32 to index
      %parallel_loop3A_546 = arith.index_cast %parallel_loop3A_504 : i32 to index
      %parallel_loop3A_547 = arith.constant 16 : index
      %parallel_loop3A_548 = tpu.vector_load %arg6[%parallel_loop3A_545, %parallel_loop3A_546, %parallel_loop3A_547] {strides = array<i32>} : memref<3x64x128xf32, #tpu.memory_space<vmem>>, vector<1x1x16xf32>,
      %parallel_loop3A_549 = vector.shape_cast %parallel_loop3A_548 : vector<1x1x16xf32> to vector<16xf32>
      %parallel_loop3A_550 = vector.shape_cast %parallel_loop3A_543 : vector<16xf32> to vector<1x1x16xf32>
      tpu.vector_store %arg6[%parallel_loop3A_545, %parallel_loop3A_546, %parallel_loop3A_547], %parallel_loop3A_550 {strides = array<i32>} : memref<3x64x128xf32, #tpu.memory_space<vmem>>, vector<1x1x16xf32>,
      %parallel_loop3A_551 = arith.constant 1 : i32
      %parallel_loop3A_552 = arith.index_cast %parallel_loop3A_551 : i32 to index
      %parallel_loop3A_553 = arith.index_cast %parallel_loop3A_504 : i32 to index
      %parallel_loop3A_554 = arith.constant 32 : index
      %parallel_loop3A_555 = tpu.vector_load %arg6[%parallel_loop3A_552, %parallel_loop3A_553, %parallel_loop3A_554] {strides = array<i32>} : memref<3x64x128xf32, #tpu.memory_space<vmem>>, vector<1x1x16xf32>,
      %parallel_loop3A_556 = vector.shape_cast %parallel_loop3A_555 : vector<1x1x16xf32> to vector<16xf32>
      %parallel_loop3A_557 = arith.constant -1.000000e+00 : f32
      %parallel_loop3A_558 = vector.broadcast %parallel_loop3A_557 : f32 to vector<16xf32>
      %parallel_loop3A_559 = arith.mulf %parallel_loop3A_556, %parallel_loop3A_558 : vector<16xf32>
      %parallel_loop3A_560 = math.exp %parallel_loop3A_559 : vector<16xf32>
      %parallel_loop3A_561 = arith.constant 1.000000e+00 : f32
      %parallel_loop3A_562 = vector.broadcast %parallel_loop3A_561 : f32 to vector<16xf32>
      %parallel_loop3A_563 = arith.addf %parallel_loop3A_562, %parallel_loop3A_560 : vector<16xf32>
      %parallel_loop3A_564 = arith.constant 1.000000e+00 : f32
      %parallel_loop3A_565 = vector.broadcast %parallel_loop3A_564 : f32 to vector<16xf32>
      %parallel_loop3A_566 = arith.divf %parallel_loop3A_565, %parallel_loop3A_563 : vector<16xf32>
      %parallel_loop3A_567 = arith.constant 1 : i32
      %parallel_loop3A_568 = arith.index_cast %parallel_loop3A_567 : i32 to index
      %parallel_loop3A_569 = arith.index_cast %parallel_loop3A_504 : i32 to index
      %parallel_loop3A_570 = arith.constant 32 : index
      %parallel_loop3A_571 = tpu.vector_load %arg6[%parallel_loop3A_568, %parallel_loop3A_569, %parallel_loop3A_570] {strides = array<i32>} : memref<3x64x128xf32, #tpu.memory_space<vmem>>, vector<1x1x16xf32>,
      %parallel_loop3A_572 = vector.shape_cast %parallel_loop3A_571 : vector<1x1x16xf32> to vector<16xf32>
      %parallel_loop3A_573 = vector.shape_cast %parallel_loop3A_566 : vector<16xf32> to vector<1x1x16xf32>
      tpu.vector_store %arg6[%parallel_loop3A_568, %parallel_loop3A_569, %parallel_loop3A_570], %parallel_loop3A_573 {strides = array<i32>} : memref<3x64x128xf32, #tpu.memory_space<vmem>>, vector<1x1x16xf32>,
      %parallel_loop3A_574 = arith.constant 1 : i32
      %parallel_loop3A_575 = arith.index_cast %parallel_loop3A_574 : i32 to index
      %parallel_loop3A_576 = arith.index_cast %parallel_loop3A_504 : i32 to index
      %parallel_loop3A_577 = arith.constant 48 : index
      %parallel_loop3A_578 = tpu.vector_load %arg6[%parallel_loop3A_575, %parallel_loop3A_576, %parallel_loop3A_577] {strides = array<i32>} : memref<3x64x128xf32, #tpu.memory_space<vmem>>, vector<1x1x16xf32>,
      %parallel_loop3A_579 = vector.shape_cast %parallel_loop3A_578 : vector<1x1x16xf32> to vector<16xf32>
      %parallel_loop3A_580 = arith.constant -1.000000e+00 : f32
      %parallel_loop3A_581 = vector.broadcast %parallel_loop3A_580 : f32 to vector<16xf32>
      %parallel_loop3A_582 = arith.mulf %parallel_loop3A_579, %parallel_loop3A_581 : vector<16xf32>
      %parallel_loop3A_583 = math.exp %parallel_loop3A_582 : vector<16xf32>
      %parallel_loop3A_584 = arith.constant 1.000000e+00 : f32
      %parallel_loop3A_585 = vector.broadcast %parallel_loop3A_584 : f32 to vector<16xf32>
      %parallel_loop3A_586 = arith.addf %parallel_loop3A_585, %parallel_loop3A_583 : vector<16xf32>
      %parallel_loop3A_587 = arith.constant 1.000000e+00 : f32
      %parallel_loop3A_588 = vector.broadcast %parallel_loop3A_587 : f32 to vector<16xf32>
      %parallel_loop3A_589 = arith.divf %parallel_loop3A_588, %parallel_loop3A_586 : vector<16xf32>
      %parallel_loop3A_590 = arith.constant 1 : i32
      %parallel_loop3A_591 = arith.index_cast %parallel_loop3A_590 : i32 to index
      %parallel_loop3A_592 = arith.index_cast %parallel_loop3A_504 : i32 to index
      %parallel_loop3A_593 = arith.constant 48 : index
      %parallel_loop3A_594 = tpu.vector_load %arg6[%parallel_loop3A_591, %parallel_loop3A_592, %parallel_loop3A_593] {strides = array<i32>} : memref<3x64x128xf32, #tpu.memory_space<vmem>>, vector<1x1x16xf32>,
      %parallel_loop3A_595 = vector.shape_cast %parallel_loop3A_594 : vector<1x1x16xf32> to vector<16xf32>
      %parallel_loop3A_596 = vector.shape_cast %parallel_loop3A_589 : vector<16xf32> to vector<1x1x16xf32>
      tpu.vector_store %arg6[%parallel_loop3A_591, %parallel_loop3A_592, %parallel_loop3A_593], %parallel_loop3A_596 {strides = array<i32>} : memref<3x64x128xf32, #tpu.memory_space<vmem>>, vector<1x1x16xf32>,
      %parallel_loop3A_597 = arith.constant 1 : i32
      %parallel_loop3A_598 = arith.index_cast %parallel_loop3A_597 : i32 to index
      %parallel_loop3A_599 = arith.index_cast %parallel_loop3A_504 : i32 to index
      %parallel_loop3A_600 = arith.constant 64 : index
      %parallel_loop3A_601 = tpu.vector_load %arg6[%parallel_loop3A_598, %parallel_loop3A_599, %parallel_loop3A_600] {strides = array<i32>} : memref<3x64x128xf32, #tpu.memory_space<vmem>>, vector<1x1x16xf32>,
      %parallel_loop3A_602 = vector.shape_cast %parallel_loop3A_601 : vector<1x1x16xf32> to vector<16xf32>
      %parallel_loop3A_603 = arith.constant -1.000000e+00 : f32
      %parallel_loop3A_604 = vector.broadcast %parallel_loop3A_603 : f32 to vector<16xf32>
      %parallel_loop3A_605 = arith.mulf %parallel_loop3A_602, %parallel_loop3A_604 : vector<16xf32>
      %parallel_loop3A_606 = math.exp %parallel_loop3A_605 : vector<16xf32>
      %parallel_loop3A_607 = arith.constant 1.000000e+00 : f32
      %parallel_loop3A_608 = vector.broadcast %parallel_loop3A_607 : f32 to vector<16xf32>
      %parallel_loop3A_609 = arith.addf %parallel_loop3A_608, %parallel_loop3A_606 : vector<16xf32>
      %parallel_loop3A_610 = arith.constant 1.000000e+00 : f32
      %parallel_loop3A_611 = vector.broadcast %parallel_loop3A_610 : f32 to vector<16xf32>
      %parallel_loop3A_612 = arith.divf %parallel_loop3A_611, %parallel_loop3A_609 : vector<16xf32>
      %parallel_loop3A_613 = arith.constant 1 : i32
      %parallel_loop3A_614 = arith.index_cast %parallel_loop3A_613 : i32 to index
      %parallel_loop3A_615 = arith.index_cast %parallel_loop3A_504 : i32 to index
      %parallel_loop3A_616 = arith.constant 64 : index
      %parallel_loop3A_617 = tpu.vector_load %arg6[%parallel_loop3A_614, %parallel_loop3A_615, %parallel_loop3A_616] {strides = array<i32>} : memref<3x64x128xf32, #tpu.memory_space<vmem>>, vector<1x1x16xf32>,
      %parallel_loop3A_618 = vector.shape_cast %parallel_loop3A_617 : vector<1x1x16xf32> to vector<16xf32>
      %parallel_loop3A_619 = vector.shape_cast %parallel_loop3A_612 : vector<16xf32> to vector<1x1x16xf32>
      tpu.vector_store %arg6[%parallel_loop3A_614, %parallel_loop3A_615, %parallel_loop3A_616], %parallel_loop3A_619 {strides = array<i32>} : memref<3x64x128xf32, #tpu.memory_space<vmem>>, vector<1x1x16xf32>,
      %parallel_loop3A_620 = arith.constant 1 : i32
      %parallel_loop3A_621 = arith.index_cast %parallel_loop3A_620 : i32 to index
      %parallel_loop3A_622 = arith.index_cast %parallel_loop3A_504 : i32 to index
      %parallel_loop3A_623 = arith.constant 80 : index
      %parallel_loop3A_624 = tpu.vector_load %arg6[%parallel_loop3A_621, %parallel_loop3A_622, %parallel_loop3A_623] {strides = array<i32>} : memref<3x64x128xf32, #tpu.memory_space<vmem>>, vector<1x1x16xf32>,
      %parallel_loop3A_625 = vector.shape_cast %parallel_loop3A_624 : vector<1x1x16xf32> to vector<16xf32>
      %parallel_loop3A_626 = arith.constant -1.000000e+00 : f32
      %parallel_loop3A_627 = vector.broadcast %parallel_loop3A_626 : f32 to vector<16xf32>
      %parallel_loop3A_628 = arith.mulf %parallel_loop3A_625, %parallel_loop3A_627 : vector<16xf32>
      %parallel_loop3A_629 = math.exp %parallel_loop3A_628 : vector<16xf32>
      %parallel_loop3A_630 = arith.constant 1.000000e+00 : f32
      %parallel_loop3A_631 = vector.broadcast %parallel_loop3A_630 : f32 to vector<16xf32>
      %parallel_loop3A_632 = arith.addf %parallel_loop3A_631, %parallel_loop3A_629 : vector<16xf32>
      %parallel_loop3A_633 = arith.constant 1.000000e+00 : f32
      %parallel_loop3A_634 = vector.broadcast %parallel_loop3A_633 : f32 to vector<16xf32>
      %parallel_loop3A_635 = arith.divf %parallel_loop3A_634, %parallel_loop3A_632 : vector<16xf32>
      %parallel_loop3A_636 = arith.constant 1 : i32
      %parallel_loop3A_637 = arith.index_cast %parallel_loop3A_636 : i32 to index
      %parallel_loop3A_638 = arith.index_cast %parallel_loop3A_504 : i32 to index
      %parallel_loop3A_639 = arith.constant 80 : index
      %parallel_loop3A_640 = tpu.vector_load %arg6[%parallel_loop3A_637, %parallel_loop3A_638, %parallel_loop3A_639] {strides = array<i32>} : memref<3x64x128xf32, #tpu.memory_space<vmem>>, vector<1x1x16xf32>,
      %parallel_loop3A_641 = vector.shape_cast %parallel_loop3A_640 : vector<1x1x16xf32> to vector<16xf32>
      %parallel_loop3A_642 = vector.shape_cast %parallel_loop3A_635 : vector<16xf32> to vector<1x1x16xf32>
      tpu.vector_store %arg6[%parallel_loop3A_637, %parallel_loop3A_638, %parallel_loop3A_639], %parallel_loop3A_642 {strides = array<i32>} : memref<3x64x128xf32, #tpu.memory_space<vmem>>, vector<1x1x16xf32>,
      %parallel_loop3A_643 = arith.constant 1 : i32
      %parallel_loop3A_644 = arith.index_cast %parallel_loop3A_643 : i32 to index
      %parallel_loop3A_645 = arith.index_cast %parallel_loop3A_504 : i32 to index
      %parallel_loop3A_646 = arith.constant 96 : index
      %parallel_loop3A_647 = tpu.vector_load %arg6[%parallel_loop3A_644, %parallel_loop3A_645, %parallel_loop3A_646] {strides = array<i32>} : memref<3x64x128xf32, #tpu.memory_space<vmem>>, vector<1x1x16xf32>,
      %parallel_loop3A_648 = vector.shape_cast %parallel_loop3A_647 : vector<1x1x16xf32> to vector<16xf32>
      %parallel_loop3A_649 = arith.constant -1.000000e+00 : f32
      %parallel_loop3A_650 = vector.broadcast %parallel_loop3A_649 : f32 to vector<16xf32>
      %parallel_loop3A_651 = arith.mulf %parallel_loop3A_648, %parallel_loop3A_650 : vector<16xf32>
      %parallel_loop3A_652 = math.exp %parallel_loop3A_651 : vector<16xf32>
      %parallel_loop3A_653 = arith.constant 1.000000e+00 : f32
      %parallel_loop3A_654 = vector.broadcast %parallel_loop3A_653 : f32 to vector<16xf32>
      %parallel_loop3A_655 = arith.addf %parallel_loop3A_654, %parallel_loop3A_652 : vector<16xf32>
      %parallel_loop3A_656 = arith.constant 1.000000e+00 : f32
      %parallel_loop3A_657 = vector.broadcast %parallel_loop3A_656 : f32 to vector<16xf32>
      %parallel_loop3A_658 = arith.divf %parallel_loop3A_657, %parallel_loop3A_655 : vector<16xf32>
      %parallel_loop3A_659 = arith.constant 1 : i32
      %parallel_loop3A_660 = arith.index_cast %parallel_loop3A_659 : i32 to index
      %parallel_loop3A_661 = arith.index_cast %parallel_loop3A_504 : i32 to index
      %parallel_loop3A_662 = arith.constant 96 : index
      %parallel_loop3A_663 = tpu.vector_load %arg6[%parallel_loop3A_660, %parallel_loop3A_661, %parallel_loop3A_662] {strides = array<i32>} : memref<3x64x128xf32, #tpu.memory_space<vmem>>, vector<1x1x16xf32>,
      %parallel_loop3A_664 = vector.shape_cast %parallel_loop3A_663 : vector<1x1x16xf32> to vector<16xf32>
      %parallel_loop3A_665 = vector.shape_cast %parallel_loop3A_658 : vector<16xf32> to vector<1x1x16xf32>
      tpu.vector_store %arg6[%parallel_loop3A_660, %parallel_loop3A_661, %parallel_loop3A_662], %parallel_loop3A_665 {strides = array<i32>} : memref<3x64x128xf32, #tpu.memory_space<vmem>>, vector<1x1x16xf32>,
      %parallel_loop3A_666 = arith.constant 1 : i32
      %parallel_loop3A_667 = arith.index_cast %parallel_loop3A_666 : i32 to index
      %parallel_loop3A_668 = arith.index_cast %parallel_loop3A_504 : i32 to index
      %parallel_loop3A_669 = arith.constant 112 : index
      %parallel_loop3A_670 = tpu.vector_load %arg6[%parallel_loop3A_667, %parallel_loop3A_668, %parallel_loop3A_669] {strides = array<i32>} : memref<3x64x128xf32, #tpu.memory_space<vmem>>, vector<1x1x16xf32>,
      %parallel_loop3A_671 = vector.shape_cast %parallel_loop3A_670 : vector<1x1x16xf32> to vector<16xf32>
      %parallel_loop3A_672 = arith.constant -1.000000e+00 : f32
      %parallel_loop3A_673 = vector.broadcast %parallel_loop3A_672 : f32 to vector<16xf32>
      %parallel_loop3A_674 = arith.mulf %parallel_loop3A_671, %parallel_loop3A_673 : vector<16xf32>
      %parallel_loop3A_675 = math.exp %parallel_loop3A_674 : vector<16xf32>
      %parallel_loop3A_676 = arith.constant 1.000000e+00 : f32
      %parallel_loop3A_677 = vector.broadcast %parallel_loop3A_676 : f32 to vector<16xf32>
      %parallel_loop3A_678 = arith.addf %parallel_loop3A_677, %parallel_loop3A_675 : vector<16xf32>
      %parallel_loop3A_679 = arith.constant 1.000000e+00 : f32
      %parallel_loop3A_680 = vector.broadcast %parallel_loop3A_679 : f32 to vector<16xf32>
      %parallel_loop3A_681 = arith.divf %parallel_loop3A_680, %parallel_loop3A_678 : vector<16xf32>
      %parallel_loop3A_682 = arith.constant 1 : i32
      %parallel_loop3A_683 = arith.index_cast %parallel_loop3A_682 : i32 to index
      %parallel_loop3A_684 = arith.index_cast %parallel_loop3A_504 : i32 to index
      %parallel_loop3A_685 = arith.constant 112 : index
      %parallel_loop3A_686 = tpu.vector_load %arg6[%parallel_loop3A_683, %parallel_loop3A_684, %parallel_loop3A_685] {strides = array<i32>} : memref<3x64x128xf32, #tpu.memory_space<vmem>>, vector<1x1x16xf32>,
      %parallel_loop3A_687 = vector.shape_cast %parallel_loop3A_686 : vector<1x1x16xf32> to vector<16xf32>
      %parallel_loop3A_688 = vector.shape_cast %parallel_loop3A_681 : vector<16xf32> to vector<1x1x16xf32>
      tpu.vector_store %arg6[%parallel_loop3A_683, %parallel_loop3A_684, %parallel_loop3A_685], %parallel_loop3A_688 {strides = array<i32>} : memref<3x64x128xf32, #tpu.memory_space<vmem>>, vector<1x1x16xf32>,
    } {sc.loop_unroll_factor = 4 : i64, sc.parallel_access}
    %add3A_118 = arith.constant 64 : i32
    %add3A_119 = arith.addi %mul3A_2, %add3A_118 : i32
    %dma_start3A_120 = arith.constant 1 : i32
    %dma_start3A_121 = arith.constant 1 : i32
    %dma_start3A_122 = arith.constant 0 : i32
    %dma_start3A_123 = arith.constant 0 : i32
    %dma_start3A_124 = tpu.memref_slice %arg6[%dma_start3A_120, %dma_start3A_122, %dma_start3A_123] : memref<3x64x128xf32, #tpu.memory_space<vmem>> -> memref<1x64x128xf32, #tpu.memory_space<vmem>>
    %dma_start3A_125 = tpu.memref_squeeze %dma_start3A_124 : memref<1x64x128xf32, #tpu.memory_space<vmem>> -> memref<64x128xf32, #tpu.memory_space<vmem>>
    %dma_start3A_126 = arith.constant 0 : i32
    %dma_start3A_127 = tpu.memref_slice %arg4[%add3A_119, %dma_start3A_126] : memref<16384x128xf32, #tpu.memory_space<hbm>> -> memref<64x128xf32, #tpu.memory_space<hbm>>
    %dma_start3A_128 = tpu.memref_slice %arg8[%dma_start3A_121] : memref<3x!tpu.dma_semaphore, #tpu.memory_space<semaphore_mem>> -> memref<1x!tpu.dma_semaphore, #tpu.memory_space<semaphore_mem>>
    %dma_start3A_129 = tpu.memref_squeeze %dma_start3A_128 : memref<1x!tpu.dma_semaphore, #tpu.memory_space<semaphore_mem>> -> memref<!tpu.dma_semaphore, #tpu.memory_space<semaphore_mem>>
    %dma_start3A_130 = arith.constant 0 : i32
    %dma_start3A_131 = tpu.memref_slice %arg4[%add3A_119, %dma_start3A_130] : memref<16384x128xf32, #tpu.memory_space<hbm>> -> memref<64x128xf32, #tpu.memory_space<hbm>>
    %dma_start3A_132 = arith.constant 0 : i32
    %dma_start3A_133 = arith.constant 0 : i32
    %dma_start3A_134 = tpu.memref_slice %arg6[%dma_start3A_120, %dma_start3A_132, %dma_start3A_133] : memref<3x64x128xf32, #tpu.memory_space<vmem>> -> memref<1x64x128xf32, #tpu.memory_space<vmem>>
    %dma_start3A_135 = tpu.memref_squeeze %dma_start3A_134 : memref<1x64x128xf32, #tpu.memory_space<vmem>> -> memref<64x128xf32, #tpu.memory_space<vmem>>
    tpu.enqueue_dma source(%dma_start3A_135 : memref<64x128xf32, #tpu.memory_space<vmem>>) target(%dma_start3A_131 : memref<64x128xf32, #tpu.memory_space<hbm>>) target_semaphore(%dma_start3A_129 : memref<!tpu.dma_semaphore, #tpu.memory_space<semaphore_mem>>)
    %dma_wait3A_136 = arith.constant 1 : i32
    %dma_wait3A_137 = arith.constant 1 : i32
    %dma_wait3A_138 = arith.constant 0 : i32
    %dma_wait3A_139 = arith.constant 0 : i32
    %dma_wait3A_140 = tpu.memref_slice %arg6[%dma_wait3A_136, %dma_wait3A_138, %dma_wait3A_139] : memref<3x64x128xf32, #tpu.memory_space<vmem>> -> memref<1x64x128xf32, #tpu.memory_space<vmem>>
    %dma_wait3A_141 = tpu.memref_squeeze %dma_wait3A_140 : memref<1x64x128xf32, #tpu.memory_space<vmem>> -> memref<64x128xf32, #tpu.memory_space<vmem>>
    %dma_wait3A_142 = arith.constant 0 : i32
    %dma_wait3A_143 = tpu.memref_slice %arg4[%add3A_119, %dma_wait3A_142] : memref<16384x128xf32, #tpu.memory_space<hbm>> -> memref<64x128xf32, #tpu.memory_space<hbm>>
    %dma_wait3A_144 = tpu.memref_slice %arg8[%dma_wait3A_137] : memref<3x!tpu.dma_semaphore, #tpu.memory_space<semaphore_mem>> -> memref<1x!tpu.dma_semaphore, #tpu.memory_space<semaphore_mem>>
    %dma_wait3A_145 = tpu.memref_squeeze %dma_wait3A_144 : memref<1x!tpu.dma_semaphore, #tpu.memory_space<semaphore_mem>> -> memref<!tpu.dma_semaphore, #tpu.memory_space<semaphore_mem>>
    %dma_wait3A_146 = arith.constant 0 : i32
    %dma_wait3A_147 = tpu.memref_slice %arg4[%add3A_119, %dma_wait3A_146] : memref<16384x128xf32, #tpu.memory_space<hbm>> -> memref<64x128xf32, #tpu.memory_space<hbm>>
    %dma_wait3A_148 = arith.constant 0 : i32
    %dma_wait3A_149 = arith.constant 0 : i32
    %dma_wait3A_150 = tpu.memref_slice %arg6[%dma_wait3A_136, %dma_wait3A_148, %dma_wait3A_149] : memref<3x64x128xf32, #tpu.memory_space<vmem>> -> memref<1x64x128xf32, #tpu.memory_space<vmem>>
    %dma_wait3A_151 = tpu.memref_squeeze %dma_wait3A_150 : memref<1x64x128xf32, #tpu.memory_space<vmem>> -> memref<64x128xf32, #tpu.memory_space<vmem>>
    tpu.wait_dma2 semaphore(%dma_wait3A_145 : memref<!tpu.dma_semaphore, #tpu.memory_space<semaphore_mem>>) src(%dma_wait3A_151 : memref<64x128xf32, #tpu.memory_space<vmem>>) dst(%dma_wait3A_147 : memref<64x128xf32, #tpu.memory_space<hbm>>)
    %dma_start3A_152 = arith.constant 1 : i32
    %dma_start3A_153 = arith.constant 1 : i32
    %dma_start3A_154 = arith.constant 0 : i32
    %dma_start3A_155 = arith.constant 0 : i32
    %dma_start3A_156 = tpu.memref_slice %arg6[%dma_start3A_152, %dma_start3A_154, %dma_start3A_155] : memref<3x64x128xf32, #tpu.memory_space<vmem>> -> memref<1x64x128xf32, #tpu.memory_space<vmem>>
    %dma_start3A_157 = tpu.memref_squeeze %dma_start3A_156 : memref<1x64x128xf32, #tpu.memory_space<vmem>> -> memref<64x128xf32, #tpu.memory_space<vmem>>
    %dma_start3A_158 = arith.constant 256 : i32
    %dma_start3A_159 = tpu.memref_slice %arg5[%dma_start3A_158] : memref<512xi32, #tpu.memory_space<vmem>> -> memref<64xi32, #tpu.memory_space<vmem>>
    %dma_start3A_160 = arith.constant 0 : i32
    %dma_start3A_161 = arith.constant 0 : i32
    %dma_start3A_162 = tpu.memref_slice %arg3[%dma_start3A_160, %dma_start3A_161] : memref<100000x128xf32, #tpu.memory_space<hbm>> -> memref<100000x128xf32, #tpu.memory_space<hbm>>
    %dma_start3A_163 = tpu.memref_slice %arg7[%dma_start3A_153] : memref<3x!tpu.dma_semaphore, #tpu.memory_space<semaphore_mem>> -> memref<1x!tpu.dma_semaphore, #tpu.memory_space<semaphore_mem>>
    %dma_start3A_164 = tpu.memref_squeeze %dma_start3A_163 : memref<1x!tpu.dma_semaphore, #tpu.memory_space<semaphore_mem>> -> memref<!tpu.dma_semaphore, #tpu.memory_space<semaphore_mem>>
    tpu.enqueue_indirect_dma source(%dma_start3A_162 : memref<100000x128xf32, #tpu.memory_space<hbm>>) target(%dma_start3A_157 : memref<64x128xf32, #tpu.memory_space<vmem>>) offsets(%dma_start3A_159 : memref<64xi32, #tpu.memory_space<vmem>>) semaphore(%dma_start3A_164 : memref<!tpu.dma_semaphore, #tpu.memory_space<semaphore_mem>>)
    %dma_wait3A_165 = arith.constant 2 : i32
    %dma_wait3A_166 = arith.constant 2 : i32
    %dma_wait3A_167 = arith.constant 0 : i32
    %dma_wait3A_168 = arith.constant 0 : i32
    %dma_wait3A_169 = tpu.memref_slice %arg6[%dma_wait3A_165, %dma_wait3A_167, %dma_wait3A_168] : memref<3x64x128xf32, #tpu.memory_space<vmem>> -> memref<1x64x128xf32, #tpu.memory_space<vmem>>
    %dma_wait3A_170 = tpu.memref_squeeze %dma_wait3A_169 : memref<1x64x128xf32, #tpu.memory_space<vmem>> -> memref<64x128xf32, #tpu.memory_space<vmem>>
    %dma_wait3A_171 = arith.constant 128 : i32
    %dma_wait3A_172 = tpu.memref_slice %arg5[%dma_wait3A_171] : memref<512xi32, #tpu.memory_space<vmem>> -> memref<64xi32, #tpu.memory_space<vmem>>
    %dma_wait3A_173 = arith.constant 0 : i32
    %dma_wait3A_174 = arith.constant 0 : i32
    %dma_wait3A_175 = tpu.memref_slice %arg3[%dma_wait3A_173, %dma_wait3A_174] : memref<100000x128xf32, #tpu.memory_space<hbm>> -> memref<100000x128xf32, #tpu.memory_space<hbm>>
    %dma_wait3A_176 = tpu.memref_slice %arg7[%dma_wait3A_166] : memref<3x!tpu.dma_semaphore, #tpu.memory_space<semaphore_mem>> -> memref<1x!tpu.dma_semaphore, #tpu.memory_space<semaphore_mem>>
    %dma_wait3A_177 = tpu.memref_squeeze %dma_wait3A_176 : memref<1x!tpu.dma_semaphore, #tpu.memory_space<semaphore_mem>> -> memref<!tpu.dma_semaphore, #tpu.memory_space<semaphore_mem>>
    tpu.wait_indirect_dma semaphore(%dma_wait3A_177 : memref<!tpu.dma_semaphore, #tpu.memory_space<semaphore_mem>>) src(%dma_wait3A_175 : memref<100000x128xf32, #tpu.memory_space<hbm>>) dst(%dma_wait3A_170 : memref<64x128xf32, #tpu.memory_space<vmem>>)
    %parallel_loop3A_178 = arith.constant 0 : i32
    %parallel_loop3A_179 = arith.constant 64 : i32
    %parallel_loop3A_180 = arith.constant 1 : i32
    scf.for %parallel_loop3A_504 = %parallel_loop3A_178 to %parallel_loop3A_179 step %parallel_loop3A_180  : i32 {
      %parallel_loop3A_505 = arith.constant 2 : i32
      %parallel_loop3A_506 = arith.index_cast %parallel_loop3A_505 : i32 to index
      %parallel_loop3A_507 = arith.index_cast %parallel_loop3A_504 : i32 to index
      %parallel_loop3A_508 = arith.constant 0 : index
      %parallel_loop3A_509 = tpu.vector_load %arg6[%parallel_loop3A_506, %parallel_loop3A_507, %parallel_loop3A_508] {strides = array<i32>} : memref<3x64x128xf32, #tpu.memory_space<vmem>>, vector<1x1x16xf32>,
      %parallel_loop3A_510 = vector.shape_cast %parallel_loop3A_509 : vector<1x1x16xf32> to vector<16xf32>
      %parallel_loop3A_511 = arith.constant -1.000000e+00 : f32
      %parallel_loop3A_512 = vector.broadcast %parallel_loop3A_511 : f32 to vector<16xf32>
      %parallel_loop3A_513 = arith.mulf %parallel_loop3A_510, %parallel_loop3A_512 : vector<16xf32>
      %parallel_loop3A_514 = math.exp %parallel_loop3A_513 : vector<16xf32>
      %parallel_loop3A_515 = arith.constant 1.000000e+00 : f32
      %parallel_loop3A_516 = vector.broadcast %parallel_loop3A_515 : f32 to vector<16xf32>
      %parallel_loop3A_517 = arith.addf %parallel_loop3A_516, %parallel_loop3A_514 : vector<16xf32>
      %parallel_loop3A_518 = arith.constant 1.000000e+00 : f32
      %parallel_loop3A_519 = vector.broadcast %parallel_loop3A_518 : f32 to vector<16xf32>
      %parallel_loop3A_520 = arith.divf %parallel_loop3A_519, %parallel_loop3A_517 : vector<16xf32>
      %parallel_loop3A_521 = arith.constant 2 : i32
      %parallel_loop3A_522 = arith.index_cast %parallel_loop3A_521 : i32 to index
      %parallel_loop3A_523 = arith.index_cast %parallel_loop3A_504 : i32 to index
      %parallel_loop3A_524 = arith.constant 0 : index
      %parallel_loop3A_525 = tpu.vector_load %arg6[%parallel_loop3A_522, %parallel_loop3A_523, %parallel_loop3A_524] {strides = array<i32>} : memref<3x64x128xf32, #tpu.memory_space<vmem>>, vector<1x1x16xf32>,
      %parallel_loop3A_526 = vector.shape_cast %parallel_loop3A_525 : vector<1x1x16xf32> to vector<16xf32>
      %parallel_loop3A_527 = vector.shape_cast %parallel_loop3A_520 : vector<16xf32> to vector<1x1x16xf32>
      tpu.vector_store %arg6[%parallel_loop3A_522, %parallel_loop3A_523, %parallel_loop3A_524], %parallel_loop3A_527 {strides = array<i32>} : memref<3x64x128xf32, #tpu.memory_space<vmem>>, vector<1x1x16xf32>,
      %parallel_loop3A_528 = arith.constant 2 : i32
      %parallel_loop3A_529 = arith.index_cast %parallel_loop3A_528 : i32 to index
      %parallel_loop3A_530 = arith.index_cast %parallel_loop3A_504 : i32 to index
      %parallel_loop3A_531 = arith.constant 16 : index
      %parallel_loop3A_532 = tpu.vector_load %arg6[%parallel_loop3A_529, %parallel_loop3A_530, %parallel_loop3A_531] {strides = array<i32>} : memref<3x64x128xf32, #tpu.memory_space<vmem>>, vector<1x1x16xf32>,
      %parallel_loop3A_533 = vector.shape_cast %parallel_loop3A_532 : vector<1x1x16xf32> to vector<16xf32>
      %parallel_loop3A_534 = arith.constant -1.000000e+00 : f32
      %parallel_loop3A_535 = vector.broadcast %parallel_loop3A_534 : f32 to vector<16xf32>
      %parallel_loop3A_536 = arith.mulf %parallel_loop3A_533, %parallel_loop3A_535 : vector<16xf32>
      %parallel_loop3A_537 = math.exp %parallel_loop3A_536 : vector<16xf32>
      %parallel_loop3A_538 = arith.constant 1.000000e+00 : f32
      %parallel_loop3A_539 = vector.broadcast %parallel_loop3A_538 : f32 to vector<16xf32>
      %parallel_loop3A_540 = arith.addf %parallel_loop3A_539, %parallel_loop3A_537 : vector<16xf32>
      %parallel_loop3A_541 = arith.constant 1.000000e+00 : f32
      %parallel_loop3A_542 = vector.broadcast %parallel_loop3A_541 : f32 to vector<16xf32>
      %parallel_loop3A_543 = arith.divf %parallel_loop3A_542, %parallel_loop3A_540 : vector<16xf32>
      %parallel_loop3A_544 = arith.constant 2 : i32
      %parallel_loop3A_545 = arith.index_cast %parallel_loop3A_544 : i32 to index
      %parallel_loop3A_546 = arith.index_cast %parallel_loop3A_504 : i32 to index
      %parallel_loop3A_547 = arith.constant 16 : index
      %parallel_loop3A_548 = tpu.vector_load %arg6[%parallel_loop3A_545, %parallel_loop3A_546, %parallel_loop3A_547] {strides = array<i32>} : memref<3x64x128xf32, #tpu.memory_space<vmem>>, vector<1x1x16xf32>,
      %parallel_loop3A_549 = vector.shape_cast %parallel_loop3A_548 : vector<1x1x16xf32> to vector<16xf32>
      %parallel_loop3A_550 = vector.shape_cast %parallel_loop3A_543 : vector<16xf32> to vector<1x1x16xf32>
      tpu.vector_store %arg6[%parallel_loop3A_545, %parallel_loop3A_546, %parallel_loop3A_547], %parallel_loop3A_550 {strides = array<i32>} : memref<3x64x128xf32, #tpu.memory_space<vmem>>, vector<1x1x16xf32>,
      %parallel_loop3A_551 = arith.constant 2 : i32
      %parallel_loop3A_552 = arith.index_cast %parallel_loop3A_551 : i32 to index
      %parallel_loop3A_553 = arith.index_cast %parallel_loop3A_504 : i32 to index
      %parallel_loop3A_554 = arith.constant 32 : index
      %parallel_loop3A_555 = tpu.vector_load %arg6[%parallel_loop3A_552, %parallel_loop3A_553, %parallel_loop3A_554] {strides = array<i32>} : memref<3x64x128xf32, #tpu.memory_space<vmem>>, vector<1x1x16xf32>,
      %parallel_loop3A_556 = vector.shape_cast %parallel_loop3A_555 : vector<1x1x16xf32> to vector<16xf32>
      %parallel_loop3A_557 = arith.constant -1.000000e+00 : f32
      %parallel_loop3A_558 = vector.broadcast %parallel_loop3A_557 : f32 to vector<16xf32>
      %parallel_loop3A_559 = arith.mulf %parallel_loop3A_556, %parallel_loop3A_558 : vector<16xf32>
      %parallel_loop3A_560 = math.exp %parallel_loop3A_559 : vector<16xf32>
      %parallel_loop3A_561 = arith.constant 1.000000e+00 : f32
      %parallel_loop3A_562 = vector.broadcast %parallel_loop3A_561 : f32 to vector<16xf32>
      %parallel_loop3A_563 = arith.addf %parallel_loop3A_562, %parallel_loop3A_560 : vector<16xf32>
      %parallel_loop3A_564 = arith.constant 1.000000e+00 : f32
      %parallel_loop3A_565 = vector.broadcast %parallel_loop3A_564 : f32 to vector<16xf32>
      %parallel_loop3A_566 = arith.divf %parallel_loop3A_565, %parallel_loop3A_563 : vector<16xf32>
      %parallel_loop3A_567 = arith.constant 2 : i32
      %parallel_loop3A_568 = arith.index_cast %parallel_loop3A_567 : i32 to index
      %parallel_loop3A_569 = arith.index_cast %parallel_loop3A_504 : i32 to index
      %parallel_loop3A_570 = arith.constant 32 : index
      %parallel_loop3A_571 = tpu.vector_load %arg6[%parallel_loop3A_568, %parallel_loop3A_569, %parallel_loop3A_570] {strides = array<i32>} : memref<3x64x128xf32, #tpu.memory_space<vmem>>, vector<1x1x16xf32>,
      %parallel_loop3A_572 = vector.shape_cast %parallel_loop3A_571 : vector<1x1x16xf32> to vector<16xf32>
      %parallel_loop3A_573 = vector.shape_cast %parallel_loop3A_566 : vector<16xf32> to vector<1x1x16xf32>
      tpu.vector_store %arg6[%parallel_loop3A_568, %parallel_loop3A_569, %parallel_loop3A_570], %parallel_loop3A_573 {strides = array<i32>} : memref<3x64x128xf32, #tpu.memory_space<vmem>>, vector<1x1x16xf32>,
      %parallel_loop3A_574 = arith.constant 2 : i32
      %parallel_loop3A_575 = arith.index_cast %parallel_loop3A_574 : i32 to index
      %parallel_loop3A_576 = arith.index_cast %parallel_loop3A_504 : i32 to index
      %parallel_loop3A_577 = arith.constant 48 : index
      %parallel_loop3A_578 = tpu.vector_load %arg6[%parallel_loop3A_575, %parallel_loop3A_576, %parallel_loop3A_577] {strides = array<i32>} : memref<3x64x128xf32, #tpu.memory_space<vmem>>, vector<1x1x16xf32>,
      %parallel_loop3A_579 = vector.shape_cast %parallel_loop3A_578 : vector<1x1x16xf32> to vector<16xf32>
      %parallel_loop3A_580 = arith.constant -1.000000e+00 : f32
      %parallel_loop3A_581 = vector.broadcast %parallel_loop3A_580 : f32 to vector<16xf32>
      %parallel_loop3A_582 = arith.mulf %parallel_loop3A_579, %parallel_loop3A_581 : vector<16xf32>
      %parallel_loop3A_583 = math.exp %parallel_loop3A_582 : vector<16xf32>
      %parallel_loop3A_584 = arith.constant 1.000000e+00 : f32
      %parallel_loop3A_585 = vector.broadcast %parallel_loop3A_584 : f32 to vector<16xf32>
      %parallel_loop3A_586 = arith.addf %parallel_loop3A_585, %parallel_loop3A_583 : vector<16xf32>
      %parallel_loop3A_587 = arith.constant 1.000000e+00 : f32
      %parallel_loop3A_588 = vector.broadcast %parallel_loop3A_587 : f32 to vector<16xf32>
      %parallel_loop3A_589 = arith.divf %parallel_loop3A_588, %parallel_loop3A_586 : vector<16xf32>
      %parallel_loop3A_590 = arith.constant 2 : i32
      %parallel_loop3A_591 = arith.index_cast %parallel_loop3A_590 : i32 to index
      %parallel_loop3A_592 = arith.index_cast %parallel_loop3A_504 : i32 to index
      %parallel_loop3A_593 = arith.constant 48 : index
      %parallel_loop3A_594 = tpu.vector_load %arg6[%parallel_loop3A_591, %parallel_loop3A_592, %parallel_loop3A_593] {strides = array<i32>} : memref<3x64x128xf32, #tpu.memory_space<vmem>>, vector<1x1x16xf32>,
      %parallel_loop3A_595 = vector.shape_cast %parallel_loop3A_594 : vector<1x1x16xf32> to vector<16xf32>
      %parallel_loop3A_596 = vector.shape_cast %parallel_loop3A_589 : vector<16xf32> to vector<1x1x16xf32>
      tpu.vector_store %arg6[%parallel_loop3A_591, %parallel_loop3A_592, %parallel_loop3A_593], %parallel_loop3A_596 {strides = array<i32>} : memref<3x64x128xf32, #tpu.memory_space<vmem>>, vector<1x1x16xf32>,
      %parallel_loop3A_597 = arith.constant 2 : i32
      %parallel_loop3A_598 = arith.index_cast %parallel_loop3A_597 : i32 to index
      %parallel_loop3A_599 = arith.index_cast %parallel_loop3A_504 : i32 to index
      %parallel_loop3A_600 = arith.constant 64 : index
      %parallel_loop3A_601 = tpu.vector_load %arg6[%parallel_loop3A_598, %parallel_loop3A_599, %parallel_loop3A_600] {strides = array<i32>} : memref<3x64x128xf32, #tpu.memory_space<vmem>>, vector<1x1x16xf32>,
      %parallel_loop3A_602 = vector.shape_cast %parallel_loop3A_601 : vector<1x1x16xf32> to vector<16xf32>
      %parallel_loop3A_603 = arith.constant -1.000000e+00 : f32
      %parallel_loop3A_604 = vector.broadcast %parallel_loop3A_603 : f32 to vector<16xf32>
      %parallel_loop3A_605 = arith.mulf %parallel_loop3A_602, %parallel_loop3A_604 : vector<16xf32>
      %parallel_loop3A_606 = math.exp %parallel_loop3A_605 : vector<16xf32>
      %parallel_loop3A_607 = arith.constant 1.000000e+00 : f32
      %parallel_loop3A_608 = vector.broadcast %parallel_loop3A_607 : f32 to vector<16xf32>
      %parallel_loop3A_609 = arith.addf %parallel_loop3A_608, %parallel_loop3A_606 : vector<16xf32>
      %parallel_loop3A_610 = arith.constant 1.000000e+00 : f32
      %parallel_loop3A_611 = vector.broadcast %parallel_loop3A_610 : f32 to vector<16xf32>
      %parallel_loop3A_612 = arith.divf %parallel_loop3A_611, %parallel_loop3A_609 : vector<16xf32>
      %parallel_loop3A_613 = arith.constant 2 : i32
      %parallel_loop3A_614 = arith.index_cast %parallel_loop3A_613 : i32 to index
      %parallel_loop3A_615 = arith.index_cast %parallel_loop3A_504 : i32 to index
      %parallel_loop3A_616 = arith.constant 64 : index
      %parallel_loop3A_617 = tpu.vector_load %arg6[%parallel_loop3A_614, %parallel_loop3A_615, %parallel_loop3A_616] {strides = array<i32>} : memref<3x64x128xf32, #tpu.memory_space<vmem>>, vector<1x1x16xf32>,
      %parallel_loop3A_618 = vector.shape_cast %parallel_loop3A_617 : vector<1x1x16xf32> to vector<16xf32>
      %parallel_loop3A_619 = vector.shape_cast %parallel_loop3A_612 : vector<16xf32> to vector<1x1x16xf32>
      tpu.vector_store %arg6[%parallel_loop3A_614, %parallel_loop3A_615, %parallel_loop3A_616], %parallel_loop3A_619 {strides = array<i32>} : memref<3x64x128xf32, #tpu.memory_space<vmem>>, vector<1x1x16xf32>,
      %parallel_loop3A_620 = arith.constant 2 : i32
      %parallel_loop3A_621 = arith.index_cast %parallel_loop3A_620 : i32 to index
      %parallel_loop3A_622 = arith.index_cast %parallel_loop3A_504 : i32 to index
      %parallel_loop3A_623 = arith.constant 80 : index
      %parallel_loop3A_624 = tpu.vector_load %arg6[%parallel_loop3A_621, %parallel_loop3A_622, %parallel_loop3A_623] {strides = array<i32>} : memref<3x64x128xf32, #tpu.memory_space<vmem>>, vector<1x1x16xf32>,
      %parallel_loop3A_625 = vector.shape_cast %parallel_loop3A_624 : vector<1x1x16xf32> to vector<16xf32>
      %parallel_loop3A_626 = arith.constant -1.000000e+00 : f32
      %parallel_loop3A_627 = vector.broadcast %parallel_loop3A_626 : f32 to vector<16xf32>
      %parallel_loop3A_628 = arith.mulf %parallel_loop3A_625, %parallel_loop3A_627 : vector<16xf32>
      %parallel_loop3A_629 = math.exp %parallel_loop3A_628 : vector<16xf32>
      %parallel_loop3A_630 = arith.constant 1.000000e+00 : f32
      %parallel_loop3A_631 = vector.broadcast %parallel_loop3A_630 : f32 to vector<16xf32>
      %parallel_loop3A_632 = arith.addf %parallel_loop3A_631, %parallel_loop3A_629 : vector<16xf32>
      %parallel_loop3A_633 = arith.constant 1.000000e+00 : f32
      %parallel_loop3A_634 = vector.broadcast %parallel_loop3A_633 : f32 to vector<16xf32>
      %parallel_loop3A_635 = arith.divf %parallel_loop3A_634, %parallel_loop3A_632 : vector<16xf32>
      %parallel_loop3A_636 = arith.constant 2 : i32
      %parallel_loop3A_637 = arith.index_cast %parallel_loop3A_636 : i32 to index
      %parallel_loop3A_638 = arith.index_cast %parallel_loop3A_504 : i32 to index
      %parallel_loop3A_639 = arith.constant 80 : index
      %parallel_loop3A_640 = tpu.vector_load %arg6[%parallel_loop3A_637, %parallel_loop3A_638, %parallel_loop3A_639] {strides = array<i32>} : memref<3x64x128xf32, #tpu.memory_space<vmem>>, vector<1x1x16xf32>,
      %parallel_loop3A_641 = vector.shape_cast %parallel_loop3A_640 : vector<1x1x16xf32> to vector<16xf32>
      %parallel_loop3A_642 = vector.shape_cast %parallel_loop3A_635 : vector<16xf32> to vector<1x1x16xf32>
      tpu.vector_store %arg6[%parallel_loop3A_637, %parallel_loop3A_638, %parallel_loop3A_639], %parallel_loop3A_642 {strides = array<i32>} : memref<3x64x128xf32, #tpu.memory_space<vmem>>, vector<1x1x16xf32>,
      %parallel_loop3A_643 = arith.constant 2 : i32
      %parallel_loop3A_644 = arith.index_cast %parallel_loop3A_643 : i32 to index
      %parallel_loop3A_645 = arith.index_cast %parallel_loop3A_504 : i32 to index
      %parallel_loop3A_646 = arith.constant 96 : index
      %parallel_loop3A_647 = tpu.vector_load %arg6[%parallel_loop3A_644, %parallel_loop3A_645, %parallel_loop3A_646] {strides = array<i32>} : memref<3x64x128xf32, #tpu.memory_space<vmem>>, vector<1x1x16xf32>,
      %parallel_loop3A_648 = vector.shape_cast %parallel_loop3A_647 : vector<1x1x16xf32> to vector<16xf32>
      %parallel_loop3A_649 = arith.constant -1.000000e+00 : f32
      %parallel_loop3A_650 = vector.broadcast %parallel_loop3A_649 : f32 to vector<16xf32>
      %parallel_loop3A_651 = arith.mulf %parallel_loop3A_648, %parallel_loop3A_650 : vector<16xf32>
      %parallel_loop3A_652 = math.exp %parallel_loop3A_651 : vector<16xf32>
      %parallel_loop3A_653 = arith.constant 1.000000e+00 : f32
      %parallel_loop3A_654 = vector.broadcast %parallel_loop3A_653 : f32 to vector<16xf32>
      %parallel_loop3A_655 = arith.addf %parallel_loop3A_654, %parallel_loop3A_652 : vector<16xf32>
      %parallel_loop3A_656 = arith.constant 1.000000e+00 : f32
      %parallel_loop3A_657 = vector.broadcast %parallel_loop3A_656 : f32 to vector<16xf32>
      %parallel_loop3A_658 = arith.divf %parallel_loop3A_657, %parallel_loop3A_655 : vector<16xf32>
      %parallel_loop3A_659 = arith.constant 2 : i32
      %parallel_loop3A_660 = arith.index_cast %parallel_loop3A_659 : i32 to index
      %parallel_loop3A_661 = arith.index_cast %parallel_loop3A_504 : i32 to index
      %parallel_loop3A_662 = arith.constant 96 : index
      %parallel_loop3A_663 = tpu.vector_load %arg6[%parallel_loop3A_660, %parallel_loop3A_661, %parallel_loop3A_662] {strides = array<i32>} : memref<3x64x128xf32, #tpu.memory_space<vmem>>, vector<1x1x16xf32>,
      %parallel_loop3A_664 = vector.shape_cast %parallel_loop3A_663 : vector<1x1x16xf32> to vector<16xf32>
      %parallel_loop3A_665 = vector.shape_cast %parallel_loop3A_658 : vector<16xf32> to vector<1x1x16xf32>
      tpu.vector_store %arg6[%parallel_loop3A_660, %parallel_loop3A_661, %parallel_loop3A_662], %parallel_loop3A_665 {strides = array<i32>} : memref<3x64x128xf32, #tpu.memory_space<vmem>>, vector<1x1x16xf32>,
      %parallel_loop3A_666 = arith.constant 2 : i32
      %parallel_loop3A_667 = arith.index_cast %parallel_loop3A_666 : i32 to index
      %parallel_loop3A_668 = arith.index_cast %parallel_loop3A_504 : i32 to index
      %parallel_loop3A_669 = arith.constant 112 : index
      %parallel_loop3A_670 = tpu.vector_load %arg6[%parallel_loop3A_667, %parallel_loop3A_668, %parallel_loop3A_669] {strides = array<i32>} : memref<3x64x128xf32, #tpu.memory_space<vmem>>, vector<1x1x16xf32>,
      %parallel_loop3A_671 = vector.shape_cast %parallel_loop3A_670 : vector<1x1x16xf32> to vector<16xf32>
      %parallel_loop3A_672 = arith.constant -1.000000e+00 : f32
      %parallel_loop3A_673 = vector.broadcast %parallel_loop3A_672 : f32 to vector<16xf32>
      %parallel_loop3A_674 = arith.mulf %parallel_loop3A_671, %parallel_loop3A_673 : vector<16xf32>
      %parallel_loop3A_675 = math.exp %parallel_loop3A_674 : vector<16xf32>
      %parallel_loop3A_676 = arith.constant 1.000000e+00 : f32
      %parallel_loop3A_677 = vector.broadcast %parallel_loop3A_676 : f32 to vector<16xf32>
      %parallel_loop3A_678 = arith.addf %parallel_loop3A_677, %parallel_loop3A_675 : vector<16xf32>
      %parallel_loop3A_679 = arith.constant 1.000000e+00 : f32
      %parallel_loop3A_680 = vector.broadcast %parallel_loop3A_679 : f32 to vector<16xf32>
      %parallel_loop3A_681 = arith.divf %parallel_loop3A_680, %parallel_loop3A_678 : vector<16xf32>
      %parallel_loop3A_682 = arith.constant 2 : i32
      %parallel_loop3A_683 = arith.index_cast %parallel_loop3A_682 : i32 to index
      %parallel_loop3A_684 = arith.index_cast %parallel_loop3A_504 : i32 to index
      %parallel_loop3A_685 = arith.constant 112 : index
      %parallel_loop3A_686 = tpu.vector_load %arg6[%parallel_loop3A_683, %parallel_loop3A_684, %parallel_loop3A_685] {strides = array<i32>} : memref<3x64x128xf32, #tpu.memory_space<vmem>>, vector<1x1x16xf32>,
      %parallel_loop3A_687 = vector.shape_cast %parallel_loop3A_686 : vector<1x1x16xf32> to vector<16xf32>
      %parallel_loop3A_688 = vector.shape_cast %parallel_loop3A_681 : vector<16xf32> to vector<1x1x16xf32>
      tpu.vector_store %arg6[%parallel_loop3A_683, %parallel_loop3A_684, %parallel_loop3A_685], %parallel_loop3A_688 {strides = array<i32>} : memref<3x64x128xf32, #tpu.memory_space<vmem>>, vector<1x1x16xf32>,
    } {sc.loop_unroll_factor = 4 : i64, sc.parallel_access}
    %add3A_181 = arith.constant 128 : i32
    %add3A_182 = arith.addi %mul3A_2, %add3A_181 : i32
    %dma_start3A_183 = arith.constant 2 : i32
    %dma_start3A_184 = arith.constant 2 : i32
    %dma_start3A_185 = arith.constant 0 : i32
    %dma_start3A_186 = arith.constant 0 : i32
    %dma_start3A_187 = tpu.memref_slice %arg6[%dma_start3A_183, %dma_start3A_185, %dma_start3A_186] : memref<3x64x128xf32, #tpu.memory_space<vmem>> -> memref<1x64x128xf32, #tpu.memory_space<vmem>>
    %dma_start3A_188 = tpu.memref_squeeze %dma_start3A_187 : memref<1x64x128xf32, #tpu.memory_space<vmem>> -> memref<64x128xf32, #tpu.memory_space<vmem>>
    %dma_start3A_189 = arith.constant 0 : i32
    %dma_start3A_190 = tpu.memref_slice %arg4[%add3A_182, %dma_start3A_189] : memref<16384x128xf32, #tpu.memory_space<hbm>> -> memref<64x128xf32, #tpu.memory_space<hbm>>
    %dma_start3A_191 = tpu.memref_slice %arg8[%dma_start3A_184] : memref<3x!tpu.dma_semaphore, #tpu.memory_space<semaphore_mem>> -> memref<1x!tpu.dma_semaphore, #tpu.memory_space<semaphore_mem>>
    %dma_start3A_192 = tpu.memref_squeeze %dma_start3A_191 : memref<1x!tpu.dma_semaphore, #tpu.memory_space<semaphore_mem>> -> memref<!tpu.dma_semaphore, #tpu.memory_space<semaphore_mem>>
    %dma_start3A_193 = arith.constant 0 : i32
    %dma_start3A_194 = tpu.memref_slice %arg4[%add3A_182, %dma_start3A_193] : memref<16384x128xf32, #tpu.memory_space<hbm>> -> memref<64x128xf32, #tpu.memory_space<hbm>>
    %dma_start3A_195 = arith.constant 0 : i32
    %dma_start3A_196 = arith.constant 0 : i32
    %dma_start3A_197 = tpu.memref_slice %arg6[%dma_start3A_183, %dma_start3A_195, %dma_start3A_196] : memref<3x64x128xf32, #tpu.memory_space<vmem>> -> memref<1x64x128xf32, #tpu.memory_space<vmem>>
    %dma_start3A_198 = tpu.memref_squeeze %dma_start3A_197 : memref<1x64x128xf32, #tpu.memory_space<vmem>> -> memref<64x128xf32, #tpu.memory_space<vmem>>
    tpu.enqueue_dma source(%dma_start3A_198 : memref<64x128xf32, #tpu.memory_space<vmem>>) target(%dma_start3A_194 : memref<64x128xf32, #tpu.memory_space<hbm>>) target_semaphore(%dma_start3A_192 : memref<!tpu.dma_semaphore, #tpu.memory_space<semaphore_mem>>)
    %dma_wait3A_199 = arith.constant 2 : i32
    %dma_wait3A_200 = arith.constant 2 : i32
    %dma_wait3A_201 = arith.constant 0 : i32
    %dma_wait3A_202 = arith.constant 0 : i32
    %dma_wait3A_203 = tpu.memref_slice %arg6[%dma_wait3A_199, %dma_wait3A_201, %dma_wait3A_202] : memref<3x64x128xf32, #tpu.memory_space<vmem>> -> memref<1x64x128xf32, #tpu.memory_space<vmem>>
    %dma_wait3A_204 = tpu.memref_squeeze %dma_wait3A_203 : memref<1x64x128xf32, #tpu.memory_space<vmem>> -> memref<64x128xf32, #tpu.memory_space<vmem>>
    %dma_wait3A_205 = arith.constant 0 : i32
    %dma_wait3A_206 = tpu.memref_slice %arg4[%add3A_182, %dma_wait3A_205] : memref<16384x128xf32, #tpu.memory_space<hbm>> -> memref<64x128xf32, #tpu.memory_space<hbm>>
    %dma_wait3A_207 = tpu.memref_slice %arg8[%dma_wait3A_200] : memref<3x!tpu.dma_semaphore, #tpu.memory_space<semaphore_mem>> -> memref<1x!tpu.dma_semaphore, #tpu.memory_space<semaphore_mem>>
    %dma_wait3A_208 = tpu.memref_squeeze %dma_wait3A_207 : memref<1x!tpu.dma_semaphore, #tpu.memory_space<semaphore_mem>> -> memref<!tpu.dma_semaphore, #tpu.memory_space<semaphore_mem>>
    %dma_wait3A_209 = arith.constant 0 : i32
    %dma_wait3A_210 = tpu.memref_slice %arg4[%add3A_182, %dma_wait3A_209] : memref<16384x128xf32, #tpu.memory_space<hbm>> -> memref<64x128xf32, #tpu.memory_space<hbm>>
    %dma_wait3A_211 = arith.constant 0 : i32
    %dma_wait3A_212 = arith.constant 0 : i32
    %dma_wait3A_213 = tpu.memref_slice %arg6[%dma_wait3A_199, %dma_wait3A_211, %dma_wait3A_212] : memref<3x64x128xf32, #tpu.memory_space<vmem>> -> memref<1x64x128xf32, #tpu.memory_space<vmem>>
    %dma_wait3A_214 = tpu.memref_squeeze %dma_wait3A_213 : memref<1x64x128xf32, #tpu.memory_space<vmem>> -> memref<64x128xf32, #tpu.memory_space<vmem>>
    tpu.wait_dma2 semaphore(%dma_wait3A_208 : memref<!tpu.dma_semaphore, #tpu.memory_space<semaphore_mem>>) src(%dma_wait3A_214 : memref<64x128xf32, #tpu.memory_space<vmem>>) dst(%dma_wait3A_210 : memref<64x128xf32, #tpu.memory_space<hbm>>)
    %dma_start3A_215 = arith.constant 2 : i32
    %dma_start3A_216 = arith.constant 2 : i32
    %dma_start3A_217 = arith.constant 0 : i32
    %dma_start3A_218 = arith.constant 0 : i32
    %dma_start3A_219 = tpu.memref_slice %arg6[%dma_start3A_215, %dma_start3A_217, %dma_start3A_218] : memref<3x64x128xf32, #tpu.memory_space<vmem>> -> memref<1x64x128xf32, #tpu.memory_space<vmem>>
    %dma_start3A_220 = tpu.memref_squeeze %dma_start3A_219 : memref<1x64x128xf32, #tpu.memory_space<vmem>> -> memref<64x128xf32, #tpu.memory_space<vmem>>
    %dma_start3A_221 = arith.constant 320 : i32
    %dma_start3A_222 = tpu.memref_slice %arg5[%dma_start3A_221] : memref<512xi32, #tpu.memory_space<vmem>> -> memref<64xi32, #tpu.memory_space<vmem>>
    %dma_start3A_223 = arith.constant 0 : i32
    %dma_start3A_224 = arith.constant 0 : i32
    %dma_start3A_225 = tpu.memref_slice %arg3[%dma_start3A_223, %dma_start3A_224] : memref<100000x128xf32, #tpu.memory_space<hbm>> -> memref<100000x128xf32, #tpu.memory_space<hbm>>
    %dma_start3A_226 = tpu.memref_slice %arg7[%dma_start3A_216] : memref<3x!tpu.dma_semaphore, #tpu.memory_space<semaphore_mem>> -> memref<1x!tpu.dma_semaphore, #tpu.memory_space<semaphore_mem>>
    %dma_start3A_227 = tpu.memref_squeeze %dma_start3A_226 : memref<1x!tpu.dma_semaphore, #tpu.memory_space<semaphore_mem>> -> memref<!tpu.dma_semaphore, #tpu.memory_space<semaphore_mem>>
    tpu.enqueue_indirect_dma source(%dma_start3A_225 : memref<100000x128xf32, #tpu.memory_space<hbm>>) target(%dma_start3A_220 : memref<64x128xf32, #tpu.memory_space<vmem>>) offsets(%dma_start3A_222 : memref<64xi32, #tpu.memory_space<vmem>>) semaphore(%dma_start3A_227 : memref<!tpu.dma_semaphore, #tpu.memory_space<semaphore_mem>>)
    %dma_wait3A_228 = arith.constant 0 : i32
    %dma_wait3A_229 = arith.constant 0 : i32
    %dma_wait3A_230 = arith.constant 0 : i32
    %dma_wait3A_231 = arith.constant 0 : i32
    %dma_wait3A_232 = tpu.memref_slice %arg6[%dma_wait3A_228, %dma_wait3A_230, %dma_wait3A_231] : memref<3x64x128xf32, #tpu.memory_space<vmem>> -> memref<1x64x128xf32, #tpu.memory_space<vmem>>
    %dma_wait3A_233 = tpu.memref_squeeze %dma_wait3A_232 : memref<1x64x128xf32, #tpu.memory_space<vmem>> -> memref<64x128xf32, #tpu.memory_space<vmem>>
    %dma_wait3A_234 = arith.constant 192 : i32
    %dma_wait3A_235 = tpu.memref_slice %arg5[%dma_wait3A_234] : memref<512xi32, #tpu.memory_space<vmem>> -> memref<64xi32, #tpu.memory_space<vmem>>
    %dma_wait3A_236 = arith.constant 0 : i32
    %dma_wait3A_237 = arith.constant 0 : i32
    %dma_wait3A_238 = tpu.memref_slice %arg3[%dma_wait3A_236, %dma_wait3A_237] : memref<100000x128xf32, #tpu.memory_space<hbm>> -> memref<100000x128xf32, #tpu.memory_space<hbm>>
    %dma_wait3A_239 = tpu.memref_slice %arg7[%dma_wait3A_229] : memref<3x!tpu.dma_semaphore, #tpu.memory_space<semaphore_mem>> -> memref<1x!tpu.dma_semaphore, #tpu.memory_space<semaphore_mem>>
    %dma_wait3A_240 = tpu.memref_squeeze %dma_wait3A_239 : memref<1x!tpu.dma_semaphore, #tpu.memory_space<semaphore_mem>> -> memref<!tpu.dma_semaphore, #tpu.memory_space<semaphore_mem>>
    tpu.wait_indirect_dma semaphore(%dma_wait3A_240 : memref<!tpu.dma_semaphore, #tpu.memory_space<semaphore_mem>>) src(%dma_wait3A_238 : memref<100000x128xf32, #tpu.memory_space<hbm>>) dst(%dma_wait3A_233 : memref<64x128xf32, #tpu.memory_space<vmem>>)
    %parallel_loop3A_241 = arith.constant 0 : i32
    %parallel_loop3A_242 = arith.constant 64 : i32
    %parallel_loop3A_243 = arith.constant 1 : i32
    scf.for %parallel_loop3A_504 = %parallel_loop3A_241 to %parallel_loop3A_242 step %parallel_loop3A_243  : i32 {
      %parallel_loop3A_505 = arith.constant 0 : i32
      %parallel_loop3A_506 = arith.index_cast %parallel_loop3A_505 : i32 to index
      %parallel_loop3A_507 = arith.index_cast %parallel_loop3A_504 : i32 to index
      %parallel_loop3A_508 = arith.constant 0 : index
      %parallel_loop3A_509 = tpu.vector_load %arg6[%parallel_loop3A_506, %parallel_loop3A_507, %parallel_loop3A_508] {strides = array<i32>} : memref<3x64x128xf32, #tpu.memory_space<vmem>>, vector<1x1x16xf32>,
      %parallel_loop3A_510 = vector.shape_cast %parallel_loop3A_509 : vector<1x1x16xf32> to vector<16xf32>
      %parallel_loop3A_511 = arith.constant -1.000000e+00 : f32
      %parallel_loop3A_512 = vector.broadcast %parallel_loop3A_511 : f32 to vector<16xf32>
      %parallel_loop3A_513 = arith.mulf %parallel_loop3A_510, %parallel_loop3A_512 : vector<16xf32>
      %parallel_loop3A_514 = math.exp %parallel_loop3A_513 : vector<16xf32>
      %parallel_loop3A_515 = arith.constant 1.000000e+00 : f32
      %parallel_loop3A_516 = vector.broadcast %parallel_loop3A_515 : f32 to vector<16xf32>
      %parallel_loop3A_517 = arith.addf %parallel_loop3A_516, %parallel_loop3A_514 : vector<16xf32>
      %parallel_loop3A_518 = arith.constant 1.000000e+00 : f32
      %parallel_loop3A_519 = vector.broadcast %parallel_loop3A_518 : f32 to vector<16xf32>
      %parallel_loop3A_520 = arith.divf %parallel_loop3A_519, %parallel_loop3A_517 : vector<16xf32>
      %parallel_loop3A_521 = arith.constant 0 : i32
      %parallel_loop3A_522 = arith.index_cast %parallel_loop3A_521 : i32 to index
      %parallel_loop3A_523 = arith.index_cast %parallel_loop3A_504 : i32 to index
      %parallel_loop3A_524 = arith.constant 0 : index
      %parallel_loop3A_525 = tpu.vector_load %arg6[%parallel_loop3A_522, %parallel_loop3A_523, %parallel_loop3A_524] {strides = array<i32>} : memref<3x64x128xf32, #tpu.memory_space<vmem>>, vector<1x1x16xf32>,
      %parallel_loop3A_526 = vector.shape_cast %parallel_loop3A_525 : vector<1x1x16xf32> to vector<16xf32>
      %parallel_loop3A_527 = vector.shape_cast %parallel_loop3A_520 : vector<16xf32> to vector<1x1x16xf32>
      tpu.vector_store %arg6[%parallel_loop3A_522, %parallel_loop3A_523, %parallel_loop3A_524], %parallel_loop3A_527 {strides = array<i32>} : memref<3x64x128xf32, #tpu.memory_space<vmem>>, vector<1x1x16xf32>,
      %parallel_loop3A_528 = arith.constant 0 : i32
      %parallel_loop3A_529 = arith.index_cast %parallel_loop3A_528 : i32 to index
      %parallel_loop3A_530 = arith.index_cast %parallel_loop3A_504 : i32 to index
      %parallel_loop3A_531 = arith.constant 16 : index
      %parallel_loop3A_532 = tpu.vector_load %arg6[%parallel_loop3A_529, %parallel_loop3A_530, %parallel_loop3A_531] {strides = array<i32>} : memref<3x64x128xf32, #tpu.memory_space<vmem>>, vector<1x1x16xf32>,
      %parallel_loop3A_533 = vector.shape_cast %parallel_loop3A_532 : vector<1x1x16xf32> to vector<16xf32>
      %parallel_loop3A_534 = arith.constant -1.000000e+00 : f32
      %parallel_loop3A_535 = vector.broadcast %parallel_loop3A_534 : f32 to vector<16xf32>
      %parallel_loop3A_536 = arith.mulf %parallel_loop3A_533, %parallel_loop3A_535 : vector<16xf32>
      %parallel_loop3A_537 = math.exp %parallel_loop3A_536 : vector<16xf32>
      %parallel_loop3A_538 = arith.constant 1.000000e+00 : f32
      %parallel_loop3A_539 = vector.broadcast %parallel_loop3A_538 : f32 to vector<16xf32>
      %parallel_loop3A_540 = arith.addf %parallel_loop3A_539, %parallel_loop3A_537 : vector<16xf32>
      %parallel_loop3A_541 = arith.constant 1.000000e+00 : f32
      %parallel_loop3A_542 = vector.broadcast %parallel_loop3A_541 : f32 to vector<16xf32>
      %parallel_loop3A_543 = arith.divf %parallel_loop3A_542, %parallel_loop3A_540 : vector<16xf32>
      %parallel_loop3A_544 = arith.constant 0 : i32
      %parallel_loop3A_545 = arith.index_cast %parallel_loop3A_544 : i32 to index
      %parallel_loop3A_546 = arith.index_cast %parallel_loop3A_504 : i32 to index
      %parallel_loop3A_547 = arith.constant 16 : index
      %parallel_loop3A_548 = tpu.vector_load %arg6[%parallel_loop3A_545, %parallel_loop3A_546, %parallel_loop3A_547] {strides = array<i32>} : memref<3x64x128xf32, #tpu.memory_space<vmem>>, vector<1x1x16xf32>,
      %parallel_loop3A_549 = vector.shape_cast %parallel_loop3A_548 : vector<1x1x16xf32> to vector<16xf32>
      %parallel_loop3A_550 = vector.shape_cast %parallel_loop3A_543 : vector<16xf32> to vector<1x1x16xf32>
      tpu.vector_store %arg6[%parallel_loop3A_545, %parallel_loop3A_546, %parallel_loop3A_547], %parallel_loop3A_550 {strides = array<i32>} : memref<3x64x128xf32, #tpu.memory_space<vmem>>, vector<1x1x16xf32>,
      %parallel_loop3A_551 = arith.constant 0 : i32
      %parallel_loop3A_552 = arith.index_cast %parallel_loop3A_551 : i32 to index
      %parallel_loop3A_553 = arith.index_cast %parallel_loop3A_504 : i32 to index
      %parallel_loop3A_554 = arith.constant 32 : index
      %parallel_loop3A_555 = tpu.vector_load %arg6[%parallel_loop3A_552, %parallel_loop3A_553, %parallel_loop3A_554] {strides = array<i32>} : memref<3x64x128xf32, #tpu.memory_space<vmem>>, vector<1x1x16xf32>,
      %parallel_loop3A_556 = vector.shape_cast %parallel_loop3A_555 : vector<1x1x16xf32> to vector<16xf32>
      %parallel_loop3A_557 = arith.constant -1.000000e+00 : f32
      %parallel_loop3A_558 = vector.broadcast %parallel_loop3A_557 : f32 to vector<16xf32>
      %parallel_loop3A_559 = arith.mulf %parallel_loop3A_556, %parallel_loop3A_558 : vector<16xf32>
      %parallel_loop3A_560 = math.exp %parallel_loop3A_559 : vector<16xf32>
      %parallel_loop3A_561 = arith.constant 1.000000e+00 : f32
      %parallel_loop3A_562 = vector.broadcast %parallel_loop3A_561 : f32 to vector<16xf32>
      %parallel_loop3A_563 = arith.addf %parallel_loop3A_562, %parallel_loop3A_560 : vector<16xf32>
      %parallel_loop3A_564 = arith.constant 1.000000e+00 : f32
      %parallel_loop3A_565 = vector.broadcast %parallel_loop3A_564 : f32 to vector<16xf32>
      %parallel_loop3A_566 = arith.divf %parallel_loop3A_565, %parallel_loop3A_563 : vector<16xf32>
      %parallel_loop3A_567 = arith.constant 0 : i32
      %parallel_loop3A_568 = arith.index_cast %parallel_loop3A_567 : i32 to index
      %parallel_loop3A_569 = arith.index_cast %parallel_loop3A_504 : i32 to index
      %parallel_loop3A_570 = arith.constant 32 : index
      %parallel_loop3A_571 = tpu.vector_load %arg6[%parallel_loop3A_568, %parallel_loop3A_569, %parallel_loop3A_570] {strides = array<i32>} : memref<3x64x128xf32, #tpu.memory_space<vmem>>, vector<1x1x16xf32>,
      %parallel_loop3A_572 = vector.shape_cast %parallel_loop3A_571 : vector<1x1x16xf32> to vector<16xf32>
      %parallel_loop3A_573 = vector.shape_cast %parallel_loop3A_566 : vector<16xf32> to vector<1x1x16xf32>
      tpu.vector_store %arg6[%parallel_loop3A_568, %parallel_loop3A_569, %parallel_loop3A_570], %parallel_loop3A_573 {strides = array<i32>} : memref<3x64x128xf32, #tpu.memory_space<vmem>>, vector<1x1x16xf32>,
      %parallel_loop3A_574 = arith.constant 0 : i32
      %parallel_loop3A_575 = arith.index_cast %parallel_loop3A_574 : i32 to index
      %parallel_loop3A_576 = arith.index_cast %parallel_loop3A_504 : i32 to index
      %parallel_loop3A_577 = arith.constant 48 : index
      %parallel_loop3A_578 = tpu.vector_load %arg6[%parallel_loop3A_575, %parallel_loop3A_576, %parallel_loop3A_577] {strides = array<i32>} : memref<3x64x128xf32, #tpu.memory_space<vmem>>, vector<1x1x16xf32>,
      %parallel_loop3A_579 = vector.shape_cast %parallel_loop3A_578 : vector<1x1x16xf32> to vector<16xf32>
      %parallel_loop3A_580 = arith.constant -1.000000e+00 : f32
      %parallel_loop3A_581 = vector.broadcast %parallel_loop3A_580 : f32 to vector<16xf32>
      %parallel_loop3A_582 = arith.mulf %parallel_loop3A_579, %parallel_loop3A_581 : vector<16xf32>
      %parallel_loop3A_583 = math.exp %parallel_loop3A_582 : vector<16xf32>
      %parallel_loop3A_584 = arith.constant 1.000000e+00 : f32
      %parallel_loop3A_585 = vector.broadcast %parallel_loop3A_584 : f32 to vector<16xf32>
      %parallel_loop3A_586 = arith.addf %parallel_loop3A_585, %parallel_loop3A_583 : vector<16xf32>
      %parallel_loop3A_587 = arith.constant 1.000000e+00 : f32
      %parallel_loop3A_588 = vector.broadcast %parallel_loop3A_587 : f32 to vector<16xf32>
      %parallel_loop3A_589 = arith.divf %parallel_loop3A_588, %parallel_loop3A_586 : vector<16xf32>
      %parallel_loop3A_590 = arith.constant 0 : i32
      %parallel_loop3A_591 = arith.index_cast %parallel_loop3A_590 : i32 to index
      %parallel_loop3A_592 = arith.index_cast %parallel_loop3A_504 : i32 to index
      %parallel_loop3A_593 = arith.constant 48 : index
      %parallel_loop3A_594 = tpu.vector_load %arg6[%parallel_loop3A_591, %parallel_loop3A_592, %parallel_loop3A_593] {strides = array<i32>} : memref<3x64x128xf32, #tpu.memory_space<vmem>>, vector<1x1x16xf32>,
      %parallel_loop3A_595 = vector.shape_cast %parallel_loop3A_594 : vector<1x1x16xf32> to vector<16xf32>
      %parallel_loop3A_596 = vector.shape_cast %parallel_loop3A_589 : vector<16xf32> to vector<1x1x16xf32>
      tpu.vector_store %arg6[%parallel_loop3A_591, %parallel_loop3A_592, %parallel_loop3A_593], %parallel_loop3A_596 {strides = array<i32>} : memref<3x64x128xf32, #tpu.memory_space<vmem>>, vector<1x1x16xf32>,
      %parallel_loop3A_597 = arith.constant 0 : i32
      %parallel_loop3A_598 = arith.index_cast %parallel_loop3A_597 : i32 to index
      %parallel_loop3A_599 = arith.index_cast %parallel_loop3A_504 : i32 to index
      %parallel_loop3A_600 = arith.constant 64 : index
      %parallel_loop3A_601 = tpu.vector_load %arg6[%parallel_loop3A_598, %parallel_loop3A_599, %parallel_loop3A_600] {strides = array<i32>} : memref<3x64x128xf32, #tpu.memory_space<vmem>>, vector<1x1x16xf32>,
      %parallel_loop3A_602 = vector.shape_cast %parallel_loop3A_601 : vector<1x1x16xf32> to vector<16xf32>
      %parallel_loop3A_603 = arith.constant -1.000000e+00 : f32
      %parallel_loop3A_604 = vector.broadcast %parallel_loop3A_603 : f32 to vector<16xf32>
      %parallel_loop3A_605 = arith.mulf %parallel_loop3A_602, %parallel_loop3A_604 : vector<16xf32>
      %parallel_loop3A_606 = math.exp %parallel_loop3A_605 : vector<16xf32>
      %parallel_loop3A_607 = arith.constant 1.000000e+00 : f32
      %parallel_loop3A_608 = vector.broadcast %parallel_loop3A_607 : f32 to vector<16xf32>
      %parallel_loop3A_609 = arith.addf %parallel_loop3A_608, %parallel_loop3A_606 : vector<16xf32>
      %parallel_loop3A_610 = arith.constant 1.000000e+00 : f32
      %parallel_loop3A_611 = vector.broadcast %parallel_loop3A_610 : f32 to vector<16xf32>
      %parallel_loop3A_612 = arith.divf %parallel_loop3A_611, %parallel_loop3A_609 : vector<16xf32>
      %parallel_loop3A_613 = arith.constant 0 : i32
      %parallel_loop3A_614 = arith.index_cast %parallel_loop3A_613 : i32 to index
      %parallel_loop3A_615 = arith.index_cast %parallel_loop3A_504 : i32 to index
      %parallel_loop3A_616 = arith.constant 64 : index
      %parallel_loop3A_617 = tpu.vector_load %arg6[%parallel_loop3A_614, %parallel_loop3A_615, %parallel_loop3A_616] {strides = array<i32>} : memref<3x64x128xf32, #tpu.memory_space<vmem>>, vector<1x1x16xf32>,
      %parallel_loop3A_618 = vector.shape_cast %parallel_loop3A_617 : vector<1x1x16xf32> to vector<16xf32>
      %parallel_loop3A_619 = vector.shape_cast %parallel_loop3A_612 : vector<16xf32> to vector<1x1x16xf32>
      tpu.vector_store %arg6[%parallel_loop3A_614, %parallel_loop3A_615, %parallel_loop3A_616], %parallel_loop3A_619 {strides = array<i32>} : memref<3x64x128xf32, #tpu.memory_space<vmem>>, vector<1x1x16xf32>,
      %parallel_loop3A_620 = arith.constant 0 : i32
      %parallel_loop3A_621 = arith.index_cast %parallel_loop3A_620 : i32 to index
      %parallel_loop3A_622 = arith.index_cast %parallel_loop3A_504 : i32 to index
      %parallel_loop3A_623 = arith.constant 80 : index
      %parallel_loop3A_624 = tpu.vector_load %arg6[%parallel_loop3A_621, %parallel_loop3A_622, %parallel_loop3A_623] {strides = array<i32>} : memref<3x64x128xf32, #tpu.memory_space<vmem>>, vector<1x1x16xf32>,
      %parallel_loop3A_625 = vector.shape_cast %parallel_loop3A_624 : vector<1x1x16xf32> to vector<16xf32>
      %parallel_loop3A_626 = arith.constant -1.000000e+00 : f32
      %parallel_loop3A_627 = vector.broadcast %parallel_loop3A_626 : f32 to vector<16xf32>
      %parallel_loop3A_628 = arith.mulf %parallel_loop3A_625, %parallel_loop3A_627 : vector<16xf32>
      %parallel_loop3A_629 = math.exp %parallel_loop3A_628 : vector<16xf32>
      %parallel_loop3A_630 = arith.constant 1.000000e+00 : f32
      %parallel_loop3A_631 = vector.broadcast %parallel_loop3A_630 : f32 to vector<16xf32>
      %parallel_loop3A_632 = arith.addf %parallel_loop3A_631, %parallel_loop3A_629 : vector<16xf32>
      %parallel_loop3A_633 = arith.constant 1.000000e+00 : f32
      %parallel_loop3A_634 = vector.broadcast %parallel_loop3A_633 : f32 to vector<16xf32>
      %parallel_loop3A_635 = arith.divf %parallel_loop3A_634, %parallel_loop3A_632 : vector<16xf32>
      %parallel_loop3A_636 = arith.constant 0 : i32
      %parallel_loop3A_637 = arith.index_cast %parallel_loop3A_636 : i32 to index
      %parallel_loop3A_638 = arith.index_cast %parallel_loop3A_504 : i32 to index
      %parallel_loop3A_639 = arith.constant 80 : index
      %parallel_loop3A_640 = tpu.vector_load %arg6[%parallel_loop3A_637, %parallel_loop3A_638, %parallel_loop3A_639] {strides = array<i32>} : memref<3x64x128xf32, #tpu.memory_space<vmem>>, vector<1x1x16xf32>,
      %parallel_loop3A_641 = vector.shape_cast %parallel_loop3A_640 : vector<1x1x16xf32> to vector<16xf32>
      %parallel_loop3A_642 = vector.shape_cast %parallel_loop3A_635 : vector<16xf32> to vector<1x1x16xf32>
      tpu.vector_store %arg6[%parallel_loop3A_637, %parallel_loop3A_638, %parallel_loop3A_639], %parallel_loop3A_642 {strides = array<i32>} : memref<3x64x128xf32, #tpu.memory_space<vmem>>, vector<1x1x16xf32>,
      %parallel_loop3A_643 = arith.constant 0 : i32
      %parallel_loop3A_644 = arith.index_cast %parallel_loop3A_643 : i32 to index
      %parallel_loop3A_645 = arith.index_cast %parallel_loop3A_504 : i32 to index
      %parallel_loop3A_646 = arith.constant 96 : index
      %parallel_loop3A_647 = tpu.vector_load %arg6[%parallel_loop3A_644, %parallel_loop3A_645, %parallel_loop3A_646] {strides = array<i32>} : memref<3x64x128xf32, #tpu.memory_space<vmem>>, vector<1x1x16xf32>,
      %parallel_loop3A_648 = vector.shape_cast %parallel_loop3A_647 : vector<1x1x16xf32> to vector<16xf32>
      %parallel_loop3A_649 = arith.constant -1.000000e+00 : f32
      %parallel_loop3A_650 = vector.broadcast %parallel_loop3A_649 : f32 to vector<16xf32>
      %parallel_loop3A_651 = arith.mulf %parallel_loop3A_648, %parallel_loop3A_650 : vector<16xf32>
      %parallel_loop3A_652 = math.exp %parallel_loop3A_651 : vector<16xf32>
      %parallel_loop3A_653 = arith.constant 1.000000e+00 : f32
      %parallel_loop3A_654 = vector.broadcast %parallel_loop3A_653 : f32 to vector<16xf32>
      %parallel_loop3A_655 = arith.addf %parallel_loop3A_654, %parallel_loop3A_652 : vector<16xf32>
      %parallel_loop3A_656 = arith.constant 1.000000e+00 : f32
      %parallel_loop3A_657 = vector.broadcast %parallel_loop3A_656 : f32 to vector<16xf32>
      %parallel_loop3A_658 = arith.divf %parallel_loop3A_657, %parallel_loop3A_655 : vector<16xf32>
      %parallel_loop3A_659 = arith.constant 0 : i32
      %parallel_loop3A_660 = arith.index_cast %parallel_loop3A_659 : i32 to index
      %parallel_loop3A_661 = arith.index_cast %parallel_loop3A_504 : i32 to index
      %parallel_loop3A_662 = arith.constant 96 : index
      %parallel_loop3A_663 = tpu.vector_load %arg6[%parallel_loop3A_660, %parallel_loop3A_661, %parallel_loop3A_662] {strides = array<i32>} : memref<3x64x128xf32, #tpu.memory_space<vmem>>, vector<1x1x16xf32>,
      %parallel_loop3A_664 = vector.shape_cast %parallel_loop3A_663 : vector<1x1x16xf32> to vector<16xf32>
      %parallel_loop3A_665 = vector.shape_cast %parallel_loop3A_658 : vector<16xf32> to vector<1x1x16xf32>
      tpu.vector_store %arg6[%parallel_loop3A_660, %parallel_loop3A_661, %parallel_loop3A_662], %parallel_loop3A_665 {strides = array<i32>} : memref<3x64x128xf32, #tpu.memory_space<vmem>>, vector<1x1x16xf32>,
      %parallel_loop3A_666 = arith.constant 0 : i32
      %parallel_loop3A_667 = arith.index_cast %parallel_loop3A_666 : i32 to index
      %parallel_loop3A_668 = arith.index_cast %parallel_loop3A_504 : i32 to index
      %parallel_loop3A_669 = arith.constant 112 : index
      %parallel_loop3A_670 = tpu.vector_load %arg6[%parallel_loop3A_667, %parallel_loop3A_668, %parallel_loop3A_669] {strides = array<i32>} : memref<3x64x128xf32, #tpu.memory_space<vmem>>, vector<1x1x16xf32>,
      %parallel_loop3A_671 = vector.shape_cast %parallel_loop3A_670 : vector<1x1x16xf32> to vector<16xf32>
      %parallel_loop3A_672 = arith.constant -1.000000e+00 : f32
      %parallel_loop3A_673 = vector.broadcast %parallel_loop3A_672 : f32 to vector<16xf32>
      %parallel_loop3A_674 = arith.mulf %parallel_loop3A_671, %parallel_loop3A_673 : vector<16xf32>
      %parallel_loop3A_675 = math.exp %parallel_loop3A_674 : vector<16xf32>
      %parallel_loop3A_676 = arith.constant 1.000000e+00 : f32
      %parallel_loop3A_677 = vector.broadcast %parallel_loop3A_676 : f32 to vector<16xf32>
      %parallel_loop3A_678 = arith.addf %parallel_loop3A_677, %parallel_loop3A_675 : vector<16xf32>
      %parallel_loop3A_679 = arith.constant 1.000000e+00 : f32
      %parallel_loop3A_680 = vector.broadcast %parallel_loop3A_679 : f32 to vector<16xf32>
      %parallel_loop3A_681 = arith.divf %parallel_loop3A_680, %parallel_loop3A_678 : vector<16xf32>
      %parallel_loop3A_682 = arith.constant 0 : i32
      %parallel_loop3A_683 = arith.index_cast %parallel_loop3A_682 : i32 to index
      %parallel_loop3A_684 = arith.index_cast %parallel_loop3A_504 : i32 to index
      %parallel_loop3A_685 = arith.constant 112 : index
      %parallel_loop3A_686 = tpu.vector_load %arg6[%parallel_loop3A_683, %parallel_loop3A_684, %parallel_loop3A_685] {strides = array<i32>} : memref<3x64x128xf32, #tpu.memory_space<vmem>>, vector<1x1x16xf32>,
      %parallel_loop3A_687 = vector.shape_cast %parallel_loop3A_686 : vector<1x1x16xf32> to vector<16xf32>
      %parallel_loop3A_688 = vector.shape_cast %parallel_loop3A_681 : vector<16xf32> to vector<1x1x16xf32>
      tpu.vector_store %arg6[%parallel_loop3A_683, %parallel_loop3A_684, %parallel_loop3A_685], %parallel_loop3A_688 {strides = array<i32>} : memref<3x64x128xf32, #tpu.memory_space<vmem>>, vector<1x1x16xf32>,
    } {sc.loop_unroll_factor = 4 : i64, sc.parallel_access}
    %add3A_244 = arith.constant 192 : i32
    %add3A_245 = arith.addi %mul3A_2, %add3A_244 : i32
    %dma_start3A_246 = arith.constant 0 : i32
    %dma_start3A_247 = arith.constant 0 : i32
    %dma_start3A_248 = arith.constant 0 : i32
    %dma_start3A_249 = arith.constant 0 : i32
    %dma_start3A_250 = tpu.memref_slice %arg6[%dma_start3A_246, %dma_start3A_248, %dma_start3A_249] : memref<3x64x128xf32, #tpu.memory_space<vmem>> -> memref<1x64x128xf32, #tpu.memory_space<vmem>>
    %dma_start3A_251 = tpu.memref_squeeze %dma_start3A_250 : memref<1x64x128xf32, #tpu.memory_space<vmem>> -> memref<64x128xf32, #tpu.memory_space<vmem>>
    %dma_start3A_252 = arith.constant 0 : i32
    %dma_start3A_253 = tpu.memref_slice %arg4[%add3A_245, %dma_start3A_252] : memref<16384x128xf32, #tpu.memory_space<hbm>> -> memref<64x128xf32, #tpu.memory_space<hbm>>
    %dma_start3A_254 = tpu.memref_slice %arg8[%dma_start3A_247] : memref<3x!tpu.dma_semaphore, #tpu.memory_space<semaphore_mem>> -> memref<1x!tpu.dma_semaphore, #tpu.memory_space<semaphore_mem>>
    %dma_start3A_255 = tpu.memref_squeeze %dma_start3A_254 : memref<1x!tpu.dma_semaphore, #tpu.memory_space<semaphore_mem>> -> memref<!tpu.dma_semaphore, #tpu.memory_space<semaphore_mem>>
    %dma_start3A_256 = arith.constant 0 : i32
    %dma_start3A_257 = tpu.memref_slice %arg4[%add3A_245, %dma_start3A_256] : memref<16384x128xf32, #tpu.memory_space<hbm>> -> memref<64x128xf32, #tpu.memory_space<hbm>>
    %dma_start3A_258 = arith.constant 0 : i32
    %dma_start3A_259 = arith.constant 0 : i32
    %dma_start3A_260 = tpu.memref_slice %arg6[%dma_start3A_246, %dma_start3A_258, %dma_start3A_259] : memref<3x64x128xf32, #tpu.memory_space<vmem>> -> memref<1x64x128xf32, #tpu.memory_space<vmem>>
    %dma_start3A_261 = tpu.memref_squeeze %dma_start3A_260 : memref<1x64x128xf32, #tpu.memory_space<vmem>> -> memref<64x128xf32, #tpu.memory_space<vmem>>
    tpu.enqueue_dma source(%dma_start3A_261 : memref<64x128xf32, #tpu.memory_space<vmem>>) target(%dma_start3A_257 : memref<64x128xf32, #tpu.memory_space<hbm>>) target_semaphore(%dma_start3A_255 : memref<!tpu.dma_semaphore, #tpu.memory_space<semaphore_mem>>)
    %dma_wait3A_262 = arith.constant 0 : i32
    %dma_wait3A_263 = arith.constant 0 : i32
    %dma_wait3A_264 = arith.constant 0 : i32
    %dma_wait3A_265 = arith.constant 0 : i32
    %dma_wait3A_266 = tpu.memref_slice %arg6[%dma_wait3A_262, %dma_wait3A_264, %dma_wait3A_265] : memref<3x64x128xf32, #tpu.memory_space<vmem>> -> memref<1x64x128xf32, #tpu.memory_space<vmem>>
    %dma_wait3A_267 = tpu.memref_squeeze %dma_wait3A_266 : memref<1x64x128xf32, #tpu.memory_space<vmem>> -> memref<64x128xf32, #tpu.memory_space<vmem>>
    %dma_wait3A_268 = arith.constant 0 : i32
    %dma_wait3A_269 = tpu.memref_slice %arg4[%add3A_245, %dma_wait3A_268] : memref<16384x128xf32, #tpu.memory_space<hbm>> -> memref<64x128xf32, #tpu.memory_space<hbm>>
    %dma_wait3A_270 = tpu.memref_slice %arg8[%dma_wait3A_263] : memref<3x!tpu.dma_semaphore, #tpu.memory_space<semaphore_mem>> -> memref<1x!tpu.dma_semaphore, #tpu.memory_space<semaphore_mem>>
    %dma_wait3A_271 = tpu.memref_squeeze %dma_wait3A_270 : memref<1x!tpu.dma_semaphore, #tpu.memory_space<semaphore_mem>> -> memref<!tpu.dma_semaphore, #tpu.memory_space<semaphore_mem>>
    %dma_wait3A_272 = arith.constant 0 : i32
    %dma_wait3A_273 = tpu.memref_slice %arg4[%add3A_245, %dma_wait3A_272] : memref<16384x128xf32, #tpu.memory_space<hbm>> -> memref<64x128xf32, #tpu.memory_space<hbm>>
    %dma_wait3A_274 = arith.constant 0 : i32
    %dma_wait3A_275 = arith.constant 0 : i32
    %dma_wait3A_276 = tpu.memref_slice %arg6[%dma_wait3A_262, %dma_wait3A_274, %dma_wait3A_275] : memref<3x64x128xf32, #tpu.memory_space<vmem>> -> memref<1x64x128xf32, #tpu.memory_space<vmem>>
    %dma_wait3A_277 = tpu.memref_squeeze %dma_wait3A_276 : memref<1x64x128xf32, #tpu.memory_space<vmem>> -> memref<64x128xf32, #tpu.memory_space<vmem>>
    tpu.wait_dma2 semaphore(%dma_wait3A_271 : memref<!tpu.dma_semaphore, #tpu.memory_space<semaphore_mem>>) src(%dma_wait3A_277 : memref<64x128xf32, #tpu.memory_space<vmem>>) dst(%dma_wait3A_273 : memref<64x128xf32, #tpu.memory_space<hbm>>)
    %dma_start3A_278 = arith.constant 0 : i32
    %dma_start3A_279 = arith.constant 0 : i32
    %dma_start3A_280 = arith.constant 0 : i32
    %dma_start3A_281 = arith.constant 0 : i32
    %dma_start3A_282 = tpu.memref_slice %arg6[%dma_start3A_278, %dma_start3A_280, %dma_start3A_281] : memref<3x64x128xf32, #tpu.memory_space<vmem>> -> memref<1x64x128xf32, #tpu.memory_space<vmem>>
    %dma_start3A_283 = tpu.memref_squeeze %dma_start3A_282 : memref<1x64x128xf32, #tpu.memory_space<vmem>> -> memref<64x128xf32, #tpu.memory_space<vmem>>
    %dma_start3A_284 = arith.constant 384 : i32
    %dma_start3A_285 = tpu.memref_slice %arg5[%dma_start3A_284] : memref<512xi32, #tpu.memory_space<vmem>> -> memref<64xi32, #tpu.memory_space<vmem>>
    %dma_start3A_286 = arith.constant 0 : i32
    %dma_start3A_287 = arith.constant 0 : i32
    %dma_start3A_288 = tpu.memref_slice %arg3[%dma_start3A_286, %dma_start3A_287] : memref<100000x128xf32, #tpu.memory_space<hbm>> -> memref<100000x128xf32, #tpu.memory_space<hbm>>
    %dma_start3A_289 = tpu.memref_slice %arg7[%dma_start3A_279] : memref<3x!tpu.dma_semaphore, #tpu.memory_space<semaphore_mem>> -> memref<1x!tpu.dma_semaphore, #tpu.memory_space<semaphore_mem>>
    %dma_start3A_290 = tpu.memref_squeeze %dma_start3A_289 : memref<1x!tpu.dma_semaphore, #tpu.memory_space<semaphore_mem>> -> memref<!tpu.dma_semaphore, #tpu.memory_space<semaphore_mem>>
    tpu.enqueue_indirect_dma source(%dma_start3A_288 : memref<100000x128xf32, #tpu.memory_space<hbm>>) target(%dma_start3A_283 : memref<64x128xf32, #tpu.memory_space<vmem>>) offsets(%dma_start3A_285 : memref<64xi32, #tpu.memory_space<vmem>>) semaphore(%dma_start3A_290 : memref<!tpu.dma_semaphore, #tpu.memory_space<semaphore_mem>>)
    %dma_wait3A_291 = arith.constant 1 : i32
    %dma_wait3A_292 = arith.constant 1 : i32
    %dma_wait3A_293 = arith.constant 0 : i32
    %dma_wait3A_294 = arith.constant 0 : i32
    %dma_wait3A_295 = tpu.memref_slice %arg6[%dma_wait3A_291, %dma_wait3A_293, %dma_wait3A_294] : memref<3x64x128xf32, #tpu.memory_space<vmem>> -> memref<1x64x128xf32, #tpu.memory_space<vmem>>
    %dma_wait3A_296 = tpu.memref_squeeze %dma_wait3A_295 : memref<1x64x128xf32, #tpu.memory_space<vmem>> -> memref<64x128xf32, #tpu.memory_space<vmem>>
    %dma_wait3A_297 = arith.constant 256 : i32
    %dma_wait3A_298 = tpu.memref_slice %arg5[%dma_wait3A_297] : memref<512xi32, #tpu.memory_space<vmem>> -> memref<64xi32, #tpu.memory_space<vmem>>
    %dma_wait3A_299 = arith.constant 0 : i32
    %dma_wait3A_300 = arith.constant 0 : i32
    %dma_wait3A_301 = tpu.memref_slice %arg3[%dma_wait3A_299, %dma_wait3A_300] : memref<100000x128xf32, #tpu.memory_space<hbm>> -> memref<100000x128xf32, #tpu.memory_space<hbm>>
    %dma_wait3A_302 = tpu.memref_slice %arg7[%dma_wait3A_292] : memref<3x!tpu.dma_semaphore, #tpu.memory_space<semaphore_mem>> -> memref<1x!tpu.dma_semaphore, #tpu.memory_space<semaphore_mem>>
    %dma_wait3A_303 = tpu.memref_squeeze %dma_wait3A_302 : memref<1x!tpu.dma_semaphore, #tpu.memory_space<semaphore_mem>> -> memref<!tpu.dma_semaphore, #tpu.memory_space<semaphore_mem>>
    tpu.wait_indirect_dma semaphore(%dma_wait3A_303 : memref<!tpu.dma_semaphore, #tpu.memory_space<semaphore_mem>>) src(%dma_wait3A_301 : memref<100000x128xf32, #tpu.memory_space<hbm>>) dst(%dma_wait3A_296 : memref<64x128xf32, #tpu.memory_space<vmem>>)
    %parallel_loop3A_304 = arith.constant 0 : i32
    %parallel_loop3A_305 = arith.constant 64 : i32
    %parallel_loop3A_306 = arith.constant 1 : i32
    scf.for %parallel_loop3A_504 = %parallel_loop3A_304 to %parallel_loop3A_305 step %parallel_loop3A_306  : i32 {
      %parallel_loop3A_505 = arith.constant 1 : i32
      %parallel_loop3A_506 = arith.index_cast %parallel_loop3A_505 : i32 to index
      %parallel_loop3A_507 = arith.index_cast %parallel_loop3A_504 : i32 to index
      %parallel_loop3A_508 = arith.constant 0 : index
      %parallel_loop3A_509 = tpu.vector_load %arg6[%parallel_loop3A_506, %parallel_loop3A_507, %parallel_loop3A_508] {strides = array<i32>} : memref<3x64x128xf32, #tpu.memory_space<vmem>>, vector<1x1x16xf32>,
      %parallel_loop3A_510 = vector.shape_cast %parallel_loop3A_509 : vector<1x1x16xf32> to vector<16xf32>
      %parallel_loop3A_511 = arith.constant -1.000000e+00 : f32
      %parallel_loop3A_512 = vector.broadcast %parallel_loop3A_511 : f32 to vector<16xf32>
      %parallel_loop3A_513 = arith.mulf %parallel_loop3A_510, %parallel_loop3A_512 : vector<16xf32>
      %parallel_loop3A_514 = math.exp %parallel_loop3A_513 : vector<16xf32>
      %parallel_loop3A_515 = arith.constant 1.000000e+00 : f32
      %parallel_loop3A_516 = vector.broadcast %parallel_loop3A_515 : f32 to vector<16xf32>
      %parallel_loop3A_517 = arith.addf %parallel_loop3A_516, %parallel_loop3A_514 : vector<16xf32>
      %parallel_loop3A_518 = arith.constant 1.000000e+00 : f32
      %parallel_loop3A_519 = vector.broadcast %parallel_loop3A_518 : f32 to vector<16xf32>
      %parallel_loop3A_520 = arith.divf %parallel_loop3A_519, %parallel_loop3A_517 : vector<16xf32>
      %parallel_loop3A_521 = arith.constant 1 : i32
      %parallel_loop3A_522 = arith.index_cast %parallel_loop3A_521 : i32 to index
      %parallel_loop3A_523 = arith.index_cast %parallel_loop3A_504 : i32 to index
      %parallel_loop3A_524 = arith.constant 0 : index
      %parallel_loop3A_525 = tpu.vector_load %arg6[%parallel_loop3A_522, %parallel_loop3A_523, %parallel_loop3A_524] {strides = array<i32>} : memref<3x64x128xf32, #tpu.memory_space<vmem>>, vector<1x1x16xf32>,
      %parallel_loop3A_526 = vector.shape_cast %parallel_loop3A_525 : vector<1x1x16xf32> to vector<16xf32>
      %parallel_loop3A_527 = vector.shape_cast %parallel_loop3A_520 : vector<16xf32> to vector<1x1x16xf32>
      tpu.vector_store %arg6[%parallel_loop3A_522, %parallel_loop3A_523, %parallel_loop3A_524], %parallel_loop3A_527 {strides = array<i32>} : memref<3x64x128xf32, #tpu.memory_space<vmem>>, vector<1x1x16xf32>,
      %parallel_loop3A_528 = arith.constant 1 : i32
      %parallel_loop3A_529 = arith.index_cast %parallel_loop3A_528 : i32 to index
      %parallel_loop3A_530 = arith.index_cast %parallel_loop3A_504 : i32 to index
      %parallel_loop3A_531 = arith.constant 16 : index
      %parallel_loop3A_532 = tpu.vector_load %arg6[%parallel_loop3A_529, %parallel_loop3A_530, %parallel_loop3A_531] {strides = array<i32>} : memref<3x64x128xf32, #tpu.memory_space<vmem>>, vector<1x1x16xf32>,
      %parallel_loop3A_533 = vector.shape_cast %parallel_loop3A_532 : vector<1x1x16xf32> to vector<16xf32>
      %parallel_loop3A_534 = arith.constant -1.000000e+00 : f32
      %parallel_loop3A_535 = vector.broadcast %parallel_loop3A_534 : f32 to vector<16xf32>
      %parallel_loop3A_536 = arith.mulf %parallel_loop3A_533, %parallel_loop3A_535 : vector<16xf32>
      %parallel_loop3A_537 = math.exp %parallel_loop3A_536 : vector<16xf32>
      %parallel_loop3A_538 = arith.constant 1.000000e+00 : f32
      %parallel_loop3A_539 = vector.broadcast %parallel_loop3A_538 : f32 to vector<16xf32>
      %parallel_loop3A_540 = arith.addf %parallel_loop3A_539, %parallel_loop3A_537 : vector<16xf32>
      %parallel_loop3A_541 = arith.constant 1.000000e+00 : f32
      %parallel_loop3A_542 = vector.broadcast %parallel_loop3A_541 : f32 to vector<16xf32>
      %parallel_loop3A_543 = arith.divf %parallel_loop3A_542, %parallel_loop3A_540 : vector<16xf32>
      %parallel_loop3A_544 = arith.constant 1 : i32
      %parallel_loop3A_545 = arith.index_cast %parallel_loop3A_544 : i32 to index
      %parallel_loop3A_546 = arith.index_cast %parallel_loop3A_504 : i32 to index
      %parallel_loop3A_547 = arith.constant 16 : index
      %parallel_loop3A_548 = tpu.vector_load %arg6[%parallel_loop3A_545, %parallel_loop3A_546, %parallel_loop3A_547] {strides = array<i32>} : memref<3x64x128xf32, #tpu.memory_space<vmem>>, vector<1x1x16xf32>,
      %parallel_loop3A_549 = vector.shape_cast %parallel_loop3A_548 : vector<1x1x16xf32> to vector<16xf32>
      %parallel_loop3A_550 = vector.shape_cast %parallel_loop3A_543 : vector<16xf32> to vector<1x1x16xf32>
      tpu.vector_store %arg6[%parallel_loop3A_545, %parallel_loop3A_546, %parallel_loop3A_547], %parallel_loop3A_550 {strides = array<i32>} : memref<3x64x128xf32, #tpu.memory_space<vmem>>, vector<1x1x16xf32>,
      %parallel_loop3A_551 = arith.constant 1 : i32
      %parallel_loop3A_552 = arith.index_cast %parallel_loop3A_551 : i32 to index
      %parallel_loop3A_553 = arith.index_cast %parallel_loop3A_504 : i32 to index
      %parallel_loop3A_554 = arith.constant 32 : index
      %parallel_loop3A_555 = tpu.vector_load %arg6[%parallel_loop3A_552, %parallel_loop3A_553, %parallel_loop3A_554] {strides = array<i32>} : memref<3x64x128xf32, #tpu.memory_space<vmem>>, vector<1x1x16xf32>,
      %parallel_loop3A_556 = vector.shape_cast %parallel_loop3A_555 : vector<1x1x16xf32> to vector<16xf32>
      %parallel_loop3A_557 = arith.constant -1.000000e+00 : f32
      %parallel_loop3A_558 = vector.broadcast %parallel_loop3A_557 : f32 to vector<16xf32>
      %parallel_loop3A_559 = arith.mulf %parallel_loop3A_556, %parallel_loop3A_558 : vector<16xf32>
      %parallel_loop3A_560 = math.exp %parallel_loop3A_559 : vector<16xf32>
      %parallel_loop3A_561 = arith.constant 1.000000e+00 : f32
      %parallel_loop3A_562 = vector.broadcast %parallel_loop3A_561 : f32 to vector<16xf32>
      %parallel_loop3A_563 = arith.addf %parallel_loop3A_562, %parallel_loop3A_560 : vector<16xf32>
      %parallel_loop3A_564 = arith.constant 1.000000e+00 : f32
      %parallel_loop3A_565 = vector.broadcast %parallel_loop3A_564 : f32 to vector<16xf32>
      %parallel_loop3A_566 = arith.divf %parallel_loop3A_565, %parallel_loop3A_563 : vector<16xf32>
      %parallel_loop3A_567 = arith.constant 1 : i32
      %parallel_loop3A_568 = arith.index_cast %parallel_loop3A_567 : i32 to index
      %parallel_loop3A_569 = arith.index_cast %parallel_loop3A_504 : i32 to index
      %parallel_loop3A_570 = arith.constant 32 : index
      %parallel_loop3A_571 = tpu.vector_load %arg6[%parallel_loop3A_568, %parallel_loop3A_569, %parallel_loop3A_570] {strides = array<i32>} : memref<3x64x128xf32, #tpu.memory_space<vmem>>, vector<1x1x16xf32>,
      %parallel_loop3A_572 = vector.shape_cast %parallel_loop3A_571 : vector<1x1x16xf32> to vector<16xf32>
      %parallel_loop3A_573 = vector.shape_cast %parallel_loop3A_566 : vector<16xf32> to vector<1x1x16xf32>
      tpu.vector_store %arg6[%parallel_loop3A_568, %parallel_loop3A_569, %parallel_loop3A_570], %parallel_loop3A_573 {strides = array<i32>} : memref<3x64x128xf32, #tpu.memory_space<vmem>>, vector<1x1x16xf32>,
      %parallel_loop3A_574 = arith.constant 1 : i32
      %parallel_loop3A_575 = arith.index_cast %parallel_loop3A_574 : i32 to index
      %parallel_loop3A_576 = arith.index_cast %parallel_loop3A_504 : i32 to index
      %parallel_loop3A_577 = arith.constant 48 : index
      %parallel_loop3A_578 = tpu.vector_load %arg6[%parallel_loop3A_575, %parallel_loop3A_576, %parallel_loop3A_577] {strides = array<i32>} : memref<3x64x128xf32, #tpu.memory_space<vmem>>, vector<1x1x16xf32>,
      %parallel_loop3A_579 = vector.shape_cast %parallel_loop3A_578 : vector<1x1x16xf32> to vector<16xf32>
      %parallel_loop3A_580 = arith.constant -1.000000e+00 : f32
      %parallel_loop3A_581 = vector.broadcast %parallel_loop3A_580 : f32 to vector<16xf32>
      %parallel_loop3A_582 = arith.mulf %parallel_loop3A_579, %parallel_loop3A_581 : vector<16xf32>
      %parallel_loop3A_583 = math.exp %parallel_loop3A_582 : vector<16xf32>
      %parallel_loop3A_584 = arith.constant 1.000000e+00 : f32
      %parallel_loop3A_585 = vector.broadcast %parallel_loop3A_584 : f32 to vector<16xf32>
      %parallel_loop3A_586 = arith.addf %parallel_loop3A_585, %parallel_loop3A_583 : vector<16xf32>
      %parallel_loop3A_587 = arith.constant 1.000000e+00 : f32
      %parallel_loop3A_588 = vector.broadcast %parallel_loop3A_587 : f32 to vector<16xf32>
      %parallel_loop3A_589 = arith.divf %parallel_loop3A_588, %parallel_loop3A_586 : vector<16xf32>
      %parallel_loop3A_590 = arith.constant 1 : i32
      %parallel_loop3A_591 = arith.index_cast %parallel_loop3A_590 : i32 to index
      %parallel_loop3A_592 = arith.index_cast %parallel_loop3A_504 : i32 to index
      %parallel_loop3A_593 = arith.constant 48 : index
      %parallel_loop3A_594 = tpu.vector_load %arg6[%parallel_loop3A_591, %parallel_loop3A_592, %parallel_loop3A_593] {strides = array<i32>} : memref<3x64x128xf32, #tpu.memory_space<vmem>>, vector<1x1x16xf32>,
      %parallel_loop3A_595 = vector.shape_cast %parallel_loop3A_594 : vector<1x1x16xf32> to vector<16xf32>
      %parallel_loop3A_596 = vector.shape_cast %parallel_loop3A_589 : vector<16xf32> to vector<1x1x16xf32>
      tpu.vector_store %arg6[%parallel_loop3A_591, %parallel_loop3A_592, %parallel_loop3A_593], %parallel_loop3A_596 {strides = array<i32>} : memref<3x64x128xf32, #tpu.memory_space<vmem>>, vector<1x1x16xf32>,
      %parallel_loop3A_597 = arith.constant 1 : i32
      %parallel_loop3A_598 = arith.index_cast %parallel_loop3A_597 : i32 to index
      %parallel_loop3A_599 = arith.index_cast %parallel_loop3A_504 : i32 to index
      %parallel_loop3A_600 = arith.constant 64 : index
      %parallel_loop3A_601 = tpu.vector_load %arg6[%parallel_loop3A_598, %parallel_loop3A_599, %parallel_loop3A_600] {strides = array<i32>} : memref<3x64x128xf32, #tpu.memory_space<vmem>>, vector<1x1x16xf32>,
      %parallel_loop3A_602 = vector.shape_cast %parallel_loop3A_601 : vector<1x1x16xf32> to vector<16xf32>
      %parallel_loop3A_603 = arith.constant -1.000000e+00 : f32
      %parallel_loop3A_604 = vector.broadcast %parallel_loop3A_603 : f32 to vector<16xf32>
      %parallel_loop3A_605 = arith.mulf %parallel_loop3A_602, %parallel_loop3A_604 : vector<16xf32>
      %parallel_loop3A_606 = math.exp %parallel_loop3A_605 : vector<16xf32>
      %parallel_loop3A_607 = arith.constant 1.000000e+00 : f32
      %parallel_loop3A_608 = vector.broadcast %parallel_loop3A_607 : f32 to vector<16xf32>
      %parallel_loop3A_609 = arith.addf %parallel_loop3A_608, %parallel_loop3A_606 : vector<16xf32>
      %parallel_loop3A_610 = arith.constant 1.000000e+00 : f32
      %parallel_loop3A_611 = vector.broadcast %parallel_loop3A_610 : f32 to vector<16xf32>
      %parallel_loop3A_612 = arith.divf %parallel_loop3A_611, %parallel_loop3A_609 : vector<16xf32>
      %parallel_loop3A_613 = arith.constant 1 : i32
      %parallel_loop3A_614 = arith.index_cast %parallel_loop3A_613 : i32 to index
      %parallel_loop3A_615 = arith.index_cast %parallel_loop3A_504 : i32 to index
      %parallel_loop3A_616 = arith.constant 64 : index
      %parallel_loop3A_617 = tpu.vector_load %arg6[%parallel_loop3A_614, %parallel_loop3A_615, %parallel_loop3A_616] {strides = array<i32>} : memref<3x64x128xf32, #tpu.memory_space<vmem>>, vector<1x1x16xf32>,
      %parallel_loop3A_618 = vector.shape_cast %parallel_loop3A_617 : vector<1x1x16xf32> to vector<16xf32>
      %parallel_loop3A_619 = vector.shape_cast %parallel_loop3A_612 : vector<16xf32> to vector<1x1x16xf32>
      tpu.vector_store %arg6[%parallel_loop3A_614, %parallel_loop3A_615, %parallel_loop3A_616], %parallel_loop3A_619 {strides = array<i32>} : memref<3x64x128xf32, #tpu.memory_space<vmem>>, vector<1x1x16xf32>,
      %parallel_loop3A_620 = arith.constant 1 : i32
      %parallel_loop3A_621 = arith.index_cast %parallel_loop3A_620 : i32 to index
      %parallel_loop3A_622 = arith.index_cast %parallel_loop3A_504 : i32 to index
      %parallel_loop3A_623 = arith.constant 80 : index
      %parallel_loop3A_624 = tpu.vector_load %arg6[%parallel_loop3A_621, %parallel_loop3A_622, %parallel_loop3A_623] {strides = array<i32>} : memref<3x64x128xf32, #tpu.memory_space<vmem>>, vector<1x1x16xf32>,
      %parallel_loop3A_625 = vector.shape_cast %parallel_loop3A_624 : vector<1x1x16xf32> to vector<16xf32>
      %parallel_loop3A_626 = arith.constant -1.000000e+00 : f32
      %parallel_loop3A_627 = vector.broadcast %parallel_loop3A_626 : f32 to vector<16xf32>
      %parallel_loop3A_628 = arith.mulf %parallel_loop3A_625, %parallel_loop3A_627 : vector<16xf32>
      %parallel_loop3A_629 = math.exp %parallel_loop3A_628 : vector<16xf32>
      %parallel_loop3A_630 = arith.constant 1.000000e+00 : f32
      %parallel_loop3A_631 = vector.broadcast %parallel_loop3A_630 : f32 to vector<16xf32>
      %parallel_loop3A_632 = arith.addf %parallel_loop3A_631, %parallel_loop3A_629 : vector<16xf32>
      %parallel_loop3A_633 = arith.constant 1.000000e+00 : f32
      %parallel_loop3A_634 = vector.broadcast %parallel_loop3A_633 : f32 to vector<16xf32>
      %parallel_loop3A_635 = arith.divf %parallel_loop3A_634, %parallel_loop3A_632 : vector<16xf32>
      %parallel_loop3A_636 = arith.constant 1 : i32
      %parallel_loop3A_637 = arith.index_cast %parallel_loop3A_636 : i32 to index
      %parallel_loop3A_638 = arith.index_cast %parallel_loop3A_504 : i32 to index
      %parallel_loop3A_639 = arith.constant 80 : index
      %parallel_loop3A_640 = tpu.vector_load %arg6[%parallel_loop3A_637, %parallel_loop3A_638, %parallel_loop3A_639] {strides = array<i32>} : memref<3x64x128xf32, #tpu.memory_space<vmem>>, vector<1x1x16xf32>,
      %parallel_loop3A_641 = vector.shape_cast %parallel_loop3A_640 : vector<1x1x16xf32> to vector<16xf32>
      %parallel_loop3A_642 = vector.shape_cast %parallel_loop3A_635 : vector<16xf32> to vector<1x1x16xf32>
      tpu.vector_store %arg6[%parallel_loop3A_637, %parallel_loop3A_638, %parallel_loop3A_639], %parallel_loop3A_642 {strides = array<i32>} : memref<3x64x128xf32, #tpu.memory_space<vmem>>, vector<1x1x16xf32>,
      %parallel_loop3A_643 = arith.constant 1 : i32
      %parallel_loop3A_644 = arith.index_cast %parallel_loop3A_643 : i32 to index
      %parallel_loop3A_645 = arith.index_cast %parallel_loop3A_504 : i32 to index
      %parallel_loop3A_646 = arith.constant 96 : index
      %parallel_loop3A_647 = tpu.vector_load %arg6[%parallel_loop3A_644, %parallel_loop3A_645, %parallel_loop3A_646] {strides = array<i32>} : memref<3x64x128xf32, #tpu.memory_space<vmem>>, vector<1x1x16xf32>,
      %parallel_loop3A_648 = vector.shape_cast %parallel_loop3A_647 : vector<1x1x16xf32> to vector<16xf32>
      %parallel_loop3A_649 = arith.constant -1.000000e+00 : f32
      %parallel_loop3A_650 = vector.broadcast %parallel_loop3A_649 : f32 to vector<16xf32>
      %parallel_loop3A_651 = arith.mulf %parallel_loop3A_648, %parallel_loop3A_650 : vector<16xf32>
      %parallel_loop3A_652 = math.exp %parallel_loop3A_651 : vector<16xf32>
      %parallel_loop3A_653 = arith.constant 1.000000e+00 : f32
      %parallel_loop3A_654 = vector.broadcast %parallel_loop3A_653 : f32 to vector<16xf32>
      %parallel_loop3A_655 = arith.addf %parallel_loop3A_654, %parallel_loop3A_652 : vector<16xf32>
      %parallel_loop3A_656 = arith.constant 1.000000e+00 : f32
      %parallel_loop3A_657 = vector.broadcast %parallel_loop3A_656 : f32 to vector<16xf32>
      %parallel_loop3A_658 = arith.divf %parallel_loop3A_657, %parallel_loop3A_655 : vector<16xf32>
      %parallel_loop3A_659 = arith.constant 1 : i32
      %parallel_loop3A_660 = arith.index_cast %parallel_loop3A_659 : i32 to index
      %parallel_loop3A_661 = arith.index_cast %parallel_loop3A_504 : i32 to index
      %parallel_loop3A_662 = arith.constant 96 : index
      %parallel_loop3A_663 = tpu.vector_load %arg6[%parallel_loop3A_660, %parallel_loop3A_661, %parallel_loop3A_662] {strides = array<i32>} : memref<3x64x128xf32, #tpu.memory_space<vmem>>, vector<1x1x16xf32>,
      %parallel_loop3A_664 = vector.shape_cast %parallel_loop3A_663 : vector<1x1x16xf32> to vector<16xf32>
      %parallel_loop3A_665 = vector.shape_cast %parallel_loop3A_658 : vector<16xf32> to vector<1x1x16xf32>
      tpu.vector_store %arg6[%parallel_loop3A_660, %parallel_loop3A_661, %parallel_loop3A_662], %parallel_loop3A_665 {strides = array<i32>} : memref<3x64x128xf32, #tpu.memory_space<vmem>>, vector<1x1x16xf32>,
      %parallel_loop3A_666 = arith.constant 1 : i32
      %parallel_loop3A_667 = arith.index_cast %parallel_loop3A_666 : i32 to index
      %parallel_loop3A_668 = arith.index_cast %parallel_loop3A_504 : i32 to index
      %parallel_loop3A_669 = arith.constant 112 : index
      %parallel_loop3A_670 = tpu.vector_load %arg6[%parallel_loop3A_667, %parallel_loop3A_668, %parallel_loop3A_669] {strides = array<i32>} : memref<3x64x128xf32, #tpu.memory_space<vmem>>, vector<1x1x16xf32>,
      %parallel_loop3A_671 = vector.shape_cast %parallel_loop3A_670 : vector<1x1x16xf32> to vector<16xf32>
      %parallel_loop3A_672 = arith.constant -1.000000e+00 : f32
      %parallel_loop3A_673 = vector.broadcast %parallel_loop3A_672 : f32 to vector<16xf32>
      %parallel_loop3A_674 = arith.mulf %parallel_loop3A_671, %parallel_loop3A_673 : vector<16xf32>
      %parallel_loop3A_675 = math.exp %parallel_loop3A_674 : vector<16xf32>
      %parallel_loop3A_676 = arith.constant 1.000000e+00 : f32
      %parallel_loop3A_677 = vector.broadcast %parallel_loop3A_676 : f32 to vector<16xf32>
      %parallel_loop3A_678 = arith.addf %parallel_loop3A_677, %parallel_loop3A_675 : vector<16xf32>
      %parallel_loop3A_679 = arith.constant 1.000000e+00 : f32
      %parallel_loop3A_680 = vector.broadcast %parallel_loop3A_679 : f32 to vector<16xf32>
      %parallel_loop3A_681 = arith.divf %parallel_loop3A_680, %parallel_loop3A_678 : vector<16xf32>
      %parallel_loop3A_682 = arith.constant 1 : i32
      %parallel_loop3A_683 = arith.index_cast %parallel_loop3A_682 : i32 to index
      %parallel_loop3A_684 = arith.index_cast %parallel_loop3A_504 : i32 to index
      %parallel_loop3A_685 = arith.constant 112 : index
      %parallel_loop3A_686 = tpu.vector_load %arg6[%parallel_loop3A_683, %parallel_loop3A_684, %parallel_loop3A_685] {strides = array<i32>} : memref<3x64x128xf32, #tpu.memory_space<vmem>>, vector<1x1x16xf32>,
      %parallel_loop3A_687 = vector.shape_cast %parallel_loop3A_686 : vector<1x1x16xf32> to vector<16xf32>
      %parallel_loop3A_688 = vector.shape_cast %parallel_loop3A_681 : vector<16xf32> to vector<1x1x16xf32>
      tpu.vector_store %arg6[%parallel_loop3A_683, %parallel_loop3A_684, %parallel_loop3A_685], %parallel_loop3A_688 {strides = array<i32>} : memref<3x64x128xf32, #tpu.memory_space<vmem>>, vector<1x1x16xf32>,
    } {sc.loop_unroll_factor = 4 : i64, sc.parallel_access}
    %add3A_307 = arith.constant 256 : i32
    %add3A_308 = arith.addi %mul3A_2, %add3A_307 : i32
    %dma_start3A_309 = arith.constant 1 : i32
    %dma_start3A_310 = arith.constant 1 : i32
    %dma_start3A_311 = arith.constant 0 : i32
    %dma_start3A_312 = arith.constant 0 : i32
    %dma_start3A_313 = tpu.memref_slice %arg6[%dma_start3A_309, %dma_start3A_311, %dma_start3A_312] : memref<3x64x128xf32, #tpu.memory_space<vmem>> -> memref<1x64x128xf32, #tpu.memory_space<vmem>>
    %dma_start3A_314 = tpu.memref_squeeze %dma_start3A_313 : memref<1x64x128xf32, #tpu.memory_space<vmem>> -> memref<64x128xf32, #tpu.memory_space<vmem>>
    %dma_start3A_315 = arith.constant 0 : i32
    %dma_start3A_316 = tpu.memref_slice %arg4[%add3A_308, %dma_start3A_315] : memref<16384x128xf32, #tpu.memory_space<hbm>> -> memref<64x128xf32, #tpu.memory_space<hbm>>
    %dma_start3A_317 = tpu.memref_slice %arg8[%dma_start3A_310] : memref<3x!tpu.dma_semaphore, #tpu.memory_space<semaphore_mem>> -> memref<1x!tpu.dma_semaphore, #tpu.memory_space<semaphore_mem>>
    %dma_start3A_318 = tpu.memref_squeeze %dma_start3A_317 : memref<1x!tpu.dma_semaphore, #tpu.memory_space<semaphore_mem>> -> memref<!tpu.dma_semaphore, #tpu.memory_space<semaphore_mem>>
    %dma_start3A_319 = arith.constant 0 : i32
    %dma_start3A_320 = tpu.memref_slice %arg4[%add3A_308, %dma_start3A_319] : memref<16384x128xf32, #tpu.memory_space<hbm>> -> memref<64x128xf32, #tpu.memory_space<hbm>>
    %dma_start3A_321 = arith.constant 0 : i32
    %dma_start3A_322 = arith.constant 0 : i32
    %dma_start3A_323 = tpu.memref_slice %arg6[%dma_start3A_309, %dma_start3A_321, %dma_start3A_322] : memref<3x64x128xf32, #tpu.memory_space<vmem>> -> memref<1x64x128xf32, #tpu.memory_space<vmem>>
    %dma_start3A_324 = tpu.memref_squeeze %dma_start3A_323 : memref<1x64x128xf32, #tpu.memory_space<vmem>> -> memref<64x128xf32, #tpu.memory_space<vmem>>
    tpu.enqueue_dma source(%dma_start3A_324 : memref<64x128xf32, #tpu.memory_space<vmem>>) target(%dma_start3A_320 : memref<64x128xf32, #tpu.memory_space<hbm>>) target_semaphore(%dma_start3A_318 : memref<!tpu.dma_semaphore, #tpu.memory_space<semaphore_mem>>)
    %dma_wait3A_325 = arith.constant 1 : i32
    %dma_wait3A_326 = arith.constant 1 : i32
    %dma_wait3A_327 = arith.constant 0 : i32
    %dma_wait3A_328 = arith.constant 0 : i32
    %dma_wait3A_329 = tpu.memref_slice %arg6[%dma_wait3A_325, %dma_wait3A_327, %dma_wait3A_328] : memref<3x64x128xf32, #tpu.memory_space<vmem>> -> memref<1x64x128xf32, #tpu.memory_space<vmem>>
    %dma_wait3A_330 = tpu.memref_squeeze %dma_wait3A_329 : memref<1x64x128xf32, #tpu.memory_space<vmem>> -> memref<64x128xf32, #tpu.memory_space<vmem>>
    %dma_wait3A_331 = arith.constant 0 : i32
    %dma_wait3A_332 = tpu.memref_slice %arg4[%add3A_308, %dma_wait3A_331] : memref<16384x128xf32, #tpu.memory_space<hbm>> -> memref<64x128xf32, #tpu.memory_space<hbm>>
    %dma_wait3A_333 = tpu.memref_slice %arg8[%dma_wait3A_326] : memref<3x!tpu.dma_semaphore, #tpu.memory_space<semaphore_mem>> -> memref<1x!tpu.dma_semaphore, #tpu.memory_space<semaphore_mem>>
    %dma_wait3A_334 = tpu.memref_squeeze %dma_wait3A_333 : memref<1x!tpu.dma_semaphore, #tpu.memory_space<semaphore_mem>> -> memref<!tpu.dma_semaphore, #tpu.memory_space<semaphore_mem>>
    %dma_wait3A_335 = arith.constant 0 : i32
    %dma_wait3A_336 = tpu.memref_slice %arg4[%add3A_308, %dma_wait3A_335] : memref<16384x128xf32, #tpu.memory_space<hbm>> -> memref<64x128xf32, #tpu.memory_space<hbm>>
    %dma_wait3A_337 = arith.constant 0 : i32
    %dma_wait3A_338 = arith.constant 0 : i32
    %dma_wait3A_339 = tpu.memref_slice %arg6[%dma_wait3A_325, %dma_wait3A_337, %dma_wait3A_338] : memref<3x64x128xf32, #tpu.memory_space<vmem>> -> memref<1x64x128xf32, #tpu.memory_space<vmem>>
    %dma_wait3A_340 = tpu.memref_squeeze %dma_wait3A_339 : memref<1x64x128xf32, #tpu.memory_space<vmem>> -> memref<64x128xf32, #tpu.memory_space<vmem>>
    tpu.wait_dma2 semaphore(%dma_wait3A_334 : memref<!tpu.dma_semaphore, #tpu.memory_space<semaphore_mem>>) src(%dma_wait3A_340 : memref<64x128xf32, #tpu.memory_space<vmem>>) dst(%dma_wait3A_336 : memref<64x128xf32, #tpu.memory_space<hbm>>)
    %dma_start3A_341 = arith.constant 1 : i32
    %dma_start3A_342 = arith.constant 1 : i32
    %dma_start3A_343 = arith.constant 0 : i32
    %dma_start3A_344 = arith.constant 0 : i32
    %dma_start3A_345 = tpu.memref_slice %arg6[%dma_start3A_341, %dma_start3A_343, %dma_start3A_344] : memref<3x64x128xf32, #tpu.memory_space<vmem>> -> memref<1x64x128xf32, #tpu.memory_space<vmem>>
    %dma_start3A_346 = tpu.memref_squeeze %dma_start3A_345 : memref<1x64x128xf32, #tpu.memory_space<vmem>> -> memref<64x128xf32, #tpu.memory_space<vmem>>
    %dma_start3A_347 = arith.constant 448 : i32
    %dma_start3A_348 = tpu.memref_slice %arg5[%dma_start3A_347] : memref<512xi32, #tpu.memory_space<vmem>> -> memref<64xi32, #tpu.memory_space<vmem>>
    %dma_start3A_349 = arith.constant 0 : i32
    %dma_start3A_350 = arith.constant 0 : i32
    %dma_start3A_351 = tpu.memref_slice %arg3[%dma_start3A_349, %dma_start3A_350] : memref<100000x128xf32, #tpu.memory_space<hbm>> -> memref<100000x128xf32, #tpu.memory_space<hbm>>
    %dma_start3A_352 = tpu.memref_slice %arg7[%dma_start3A_342] : memref<3x!tpu.dma_semaphore, #tpu.memory_space<semaphore_mem>> -> memref<1x!tpu.dma_semaphore, #tpu.memory_space<semaphore_mem>>
    %dma_start3A_353 = tpu.memref_squeeze %dma_start3A_352 : memref<1x!tpu.dma_semaphore, #tpu.memory_space<semaphore_mem>> -> memref<!tpu.dma_semaphore, #tpu.memory_space<semaphore_mem>>
    tpu.enqueue_indirect_dma source(%dma_start3A_351 : memref<100000x128xf32, #tpu.memory_space<hbm>>) target(%dma_start3A_346 : memref<64x128xf32, #tpu.memory_space<vmem>>) offsets(%dma_start3A_348 : memref<64xi32, #tpu.memory_space<vmem>>) semaphore(%dma_start3A_353 : memref<!tpu.dma_semaphore, #tpu.memory_space<semaphore_mem>>)
    %dma_wait3A_354 = arith.constant 2 : i32
    %dma_wait3A_355 = arith.constant 2 : i32
    %dma_wait3A_356 = arith.constant 0 : i32
    %dma_wait3A_357 = arith.constant 0 : i32
    %dma_wait3A_358 = tpu.memref_slice %arg6[%dma_wait3A_354, %dma_wait3A_356, %dma_wait3A_357] : memref<3x64x128xf32, #tpu.memory_space<vmem>> -> memref<1x64x128xf32, #tpu.memory_space<vmem>>
    %dma_wait3A_359 = tpu.memref_squeeze %dma_wait3A_358 : memref<1x64x128xf32, #tpu.memory_space<vmem>> -> memref<64x128xf32, #tpu.memory_space<vmem>>
    %dma_wait3A_360 = arith.constant 320 : i32
    %dma_wait3A_361 = tpu.memref_slice %arg5[%dma_wait3A_360] : memref<512xi32, #tpu.memory_space<vmem>> -> memref<64xi32, #tpu.memory_space<vmem>>
    %dma_wait3A_362 = arith.constant 0 : i32
    %dma_wait3A_363 = arith.constant 0 : i32
    %dma_wait3A_364 = tpu.memref_slice %arg3[%dma_wait3A_362, %dma_wait3A_363] : memref<100000x128xf32, #tpu.memory_space<hbm>> -> memref<100000x128xf32, #tpu.memory_space<hbm>>
    %dma_wait3A_365 = tpu.memref_slice %arg7[%dma_wait3A_355] : memref<3x!tpu.dma_semaphore, #tpu.memory_space<semaphore_mem>> -> memref<1x!tpu.dma_semaphore, #tpu.memory_space<semaphore_mem>>
    %dma_wait3A_366 = tpu.memref_squeeze %dma_wait3A_365 : memref<1x!tpu.dma_semaphore, #tpu.memory_space<semaphore_mem>> -> memref<!tpu.dma_semaphore, #tpu.memory_space<semaphore_mem>>
    tpu.wait_indirect_dma semaphore(%dma_wait3A_366 : memref<!tpu.dma_semaphore, #tpu.memory_space<semaphore_mem>>) src(%dma_wait3A_364 : memref<100000x128xf32, #tpu.memory_space<hbm>>) dst(%dma_wait3A_359 : memref<64x128xf32, #tpu.memory_space<vmem>>)
    %parallel_loop3A_367 = arith.constant 0 : i32
    %parallel_loop3A_368 = arith.constant 64 : i32
    %parallel_loop3A_369 = arith.constant 1 : i32
    scf.for %parallel_loop3A_504 = %parallel_loop3A_367 to %parallel_loop3A_368 step %parallel_loop3A_369  : i32 {
      %parallel_loop3A_505 = arith.constant 2 : i32
      %parallel_loop3A_506 = arith.index_cast %parallel_loop3A_505 : i32 to index
      %parallel_loop3A_507 = arith.index_cast %parallel_loop3A_504 : i32 to index
      %parallel_loop3A_508 = arith.constant 0 : index
      %parallel_loop3A_509 = tpu.vector_load %arg6[%parallel_loop3A_506, %parallel_loop3A_507, %parallel_loop3A_508] {strides = array<i32>} : memref<3x64x128xf32, #tpu.memory_space<vmem>>, vector<1x1x16xf32>,
      %parallel_loop3A_510 = vector.shape_cast %parallel_loop3A_509 : vector<1x1x16xf32> to vector<16xf32>
      %parallel_loop3A_511 = arith.constant -1.000000e+00 : f32
      %parallel_loop3A_512 = vector.broadcast %parallel_loop3A_511 : f32 to vector<16xf32>
      %parallel_loop3A_513 = arith.mulf %parallel_loop3A_510, %parallel_loop3A_512 : vector<16xf32>
      %parallel_loop3A_514 = math.exp %parallel_loop3A_513 : vector<16xf32>
      %parallel_loop3A_515 = arith.constant 1.000000e+00 : f32
      %parallel_loop3A_516 = vector.broadcast %parallel_loop3A_515 : f32 to vector<16xf32>
      %parallel_loop3A_517 = arith.addf %parallel_loop3A_516, %parallel_loop3A_514 : vector<16xf32>
      %parallel_loop3A_518 = arith.constant 1.000000e+00 : f32
      %parallel_loop3A_519 = vector.broadcast %parallel_loop3A_518 : f32 to vector<16xf32>
      %parallel_loop3A_520 = arith.divf %parallel_loop3A_519, %parallel_loop3A_517 : vector<16xf32>
      %parallel_loop3A_521 = arith.constant 2 : i32
      %parallel_loop3A_522 = arith.index_cast %parallel_loop3A_521 : i32 to index
      %parallel_loop3A_523 = arith.index_cast %parallel_loop3A_504 : i32 to index
      %parallel_loop3A_524 = arith.constant 0 : index
      %parallel_loop3A_525 = tpu.vector_load %arg6[%parallel_loop3A_522, %parallel_loop3A_523, %parallel_loop3A_524] {strides = array<i32>} : memref<3x64x128xf32, #tpu.memory_space<vmem>>, vector<1x1x16xf32>,
      %parallel_loop3A_526 = vector.shape_cast %parallel_loop3A_525 : vector<1x1x16xf32> to vector<16xf32>
      %parallel_loop3A_527 = vector.shape_cast %parallel_loop3A_520 : vector<16xf32> to vector<1x1x16xf32>
      tpu.vector_store %arg6[%parallel_loop3A_522, %parallel_loop3A_523, %parallel_loop3A_524], %parallel_loop3A_527 {strides = array<i32>} : memref<3x64x128xf32, #tpu.memory_space<vmem>>, vector<1x1x16xf32>,
      %parallel_loop3A_528 = arith.constant 2 : i32
      %parallel_loop3A_529 = arith.index_cast %parallel_loop3A_528 : i32 to index
      %parallel_loop3A_530 = arith.index_cast %parallel_loop3A_504 : i32 to index
      %parallel_loop3A_531 = arith.constant 16 : index
      %parallel_loop3A_532 = tpu.vector_load %arg6[%parallel_loop3A_529, %parallel_loop3A_530, %parallel_loop3A_531] {strides = array<i32>} : memref<3x64x128xf32, #tpu.memory_space<vmem>>, vector<1x1x16xf32>,
      %parallel_loop3A_533 = vector.shape_cast %parallel_loop3A_532 : vector<1x1x16xf32> to vector<16xf32>
      %parallel_loop3A_534 = arith.constant -1.000000e+00 : f32
      %parallel_loop3A_535 = vector.broadcast %parallel_loop3A_534 : f32 to vector<16xf32>
      %parallel_loop3A_536 = arith.mulf %parallel_loop3A_533, %parallel_loop3A_535 : vector<16xf32>
      %parallel_loop3A_537 = math.exp %parallel_loop3A_536 : vector<16xf32>
      %parallel_loop3A_538 = arith.constant 1.000000e+00 : f32
      %parallel_loop3A_539 = vector.broadcast %parallel_loop3A_538 : f32 to vector<16xf32>
      %parallel_loop3A_540 = arith.addf %parallel_loop3A_539, %parallel_loop3A_537 : vector<16xf32>
      %parallel_loop3A_541 = arith.constant 1.000000e+00 : f32
      %parallel_loop3A_542 = vector.broadcast %parallel_loop3A_541 : f32 to vector<16xf32>
      %parallel_loop3A_543 = arith.divf %parallel_loop3A_542, %parallel_loop3A_540 : vector<16xf32>
      %parallel_loop3A_544 = arith.constant 2 : i32
      %parallel_loop3A_545 = arith.index_cast %parallel_loop3A_544 : i32 to index
      %parallel_loop3A_546 = arith.index_cast %parallel_loop3A_504 : i32 to index
      %parallel_loop3A_547 = arith.constant 16 : index
      %parallel_loop3A_548 = tpu.vector_load %arg6[%parallel_loop3A_545, %parallel_loop3A_546, %parallel_loop3A_547] {strides = array<i32>} : memref<3x64x128xf32, #tpu.memory_space<vmem>>, vector<1x1x16xf32>,
      %parallel_loop3A_549 = vector.shape_cast %parallel_loop3A_548 : vector<1x1x16xf32> to vector<16xf32>
      %parallel_loop3A_550 = vector.shape_cast %parallel_loop3A_543 : vector<16xf32> to vector<1x1x16xf32>
      tpu.vector_store %arg6[%parallel_loop3A_545, %parallel_loop3A_546, %parallel_loop3A_547], %parallel_loop3A_550 {strides = array<i32>} : memref<3x64x128xf32, #tpu.memory_space<vmem>>, vector<1x1x16xf32>,
      %parallel_loop3A_551 = arith.constant 2 : i32
      %parallel_loop3A_552 = arith.index_cast %parallel_loop3A_551 : i32 to index
      %parallel_loop3A_553 = arith.index_cast %parallel_loop3A_504 : i32 to index
      %parallel_loop3A_554 = arith.constant 32 : index
      %parallel_loop3A_555 = tpu.vector_load %arg6[%parallel_loop3A_552, %parallel_loop3A_553, %parallel_loop3A_554] {strides = array<i32>} : memref<3x64x128xf32, #tpu.memory_space<vmem>>, vector<1x1x16xf32>,
      %parallel_loop3A_556 = vector.shape_cast %parallel_loop3A_555 : vector<1x1x16xf32> to vector<16xf32>
      %parallel_loop3A_557 = arith.constant -1.000000e+00 : f32
      %parallel_loop3A_558 = vector.broadcast %parallel_loop3A_557 : f32 to vector<16xf32>
      %parallel_loop3A_559 = arith.mulf %parallel_loop3A_556, %parallel_loop3A_558 : vector<16xf32>
      %parallel_loop3A_560 = math.exp %parallel_loop3A_559 : vector<16xf32>
      %parallel_loop3A_561 = arith.constant 1.000000e+00 : f32
      %parallel_loop3A_562 = vector.broadcast %parallel_loop3A_561 : f32 to vector<16xf32>
      %parallel_loop3A_563 = arith.addf %parallel_loop3A_562, %parallel_loop3A_560 : vector<16xf32>
      %parallel_loop3A_564 = arith.constant 1.000000e+00 : f32
      %parallel_loop3A_565 = vector.broadcast %parallel_loop3A_564 : f32 to vector<16xf32>
      %parallel_loop3A_566 = arith.divf %parallel_loop3A_565, %parallel_loop3A_563 : vector<16xf32>
      %parallel_loop3A_567 = arith.constant 2 : i32
      %parallel_loop3A_568 = arith.index_cast %parallel_loop3A_567 : i32 to index
      %parallel_loop3A_569 = arith.index_cast %parallel_loop3A_504 : i32 to index
      %parallel_loop3A_570 = arith.constant 32 : index
      %parallel_loop3A_571 = tpu.vector_load %arg6[%parallel_loop3A_568, %parallel_loop3A_569, %parallel_loop3A_570] {strides = array<i32>} : memref<3x64x128xf32, #tpu.memory_space<vmem>>, vector<1x1x16xf32>,
      %parallel_loop3A_572 = vector.shape_cast %parallel_loop3A_571 : vector<1x1x16xf32> to vector<16xf32>
      %parallel_loop3A_573 = vector.shape_cast %parallel_loop3A_566 : vector<16xf32> to vector<1x1x16xf32>
      tpu.vector_store %arg6[%parallel_loop3A_568, %parallel_loop3A_569, %parallel_loop3A_570], %parallel_loop3A_573 {strides = array<i32>} : memref<3x64x128xf32, #tpu.memory_space<vmem>>, vector<1x1x16xf32>,
      %parallel_loop3A_574 = arith.constant 2 : i32
      %parallel_loop3A_575 = arith.index_cast %parallel_loop3A_574 : i32 to index
      %parallel_loop3A_576 = arith.index_cast %parallel_loop3A_504 : i32 to index
      %parallel_loop3A_577 = arith.constant 48 : index
      %parallel_loop3A_578 = tpu.vector_load %arg6[%parallel_loop3A_575, %parallel_loop3A_576, %parallel_loop3A_577] {strides = array<i32>} : memref<3x64x128xf32, #tpu.memory_space<vmem>>, vector<1x1x16xf32>,
      %parallel_loop3A_579 = vector.shape_cast %parallel_loop3A_578 : vector<1x1x16xf32> to vector<16xf32>
      %parallel_loop3A_580 = arith.constant -1.000000e+00 : f32
      %parallel_loop3A_581 = vector.broadcast %parallel_loop3A_580 : f32 to vector<16xf32>
      %parallel_loop3A_582 = arith.mulf %parallel_loop3A_579, %parallel_loop3A_581 : vector<16xf32>
      %parallel_loop3A_583 = math.exp %parallel_loop3A_582 : vector<16xf32>
      %parallel_loop3A_584 = arith.constant 1.000000e+00 : f32
      %parallel_loop3A_585 = vector.broadcast %parallel_loop3A_584 : f32 to vector<16xf32>
      %parallel_loop3A_586 = arith.addf %parallel_loop3A_585, %parallel_loop3A_583 : vector<16xf32>
      %parallel_loop3A_587 = arith.constant 1.000000e+00 : f32
      %parallel_loop3A_588 = vector.broadcast %parallel_loop3A_587 : f32 to vector<16xf32>
      %parallel_loop3A_589 = arith.divf %parallel_loop3A_588, %parallel_loop3A_586 : vector<16xf32>
      %parallel_loop3A_590 = arith.constant 2 : i32
      %parallel_loop3A_591 = arith.index_cast %parallel_loop3A_590 : i32 to index
      %parallel_loop3A_592 = arith.index_cast %parallel_loop3A_504 : i32 to index
      %parallel_loop3A_593 = arith.constant 48 : index
      %parallel_loop3A_594 = tpu.vector_load %arg6[%parallel_loop3A_591, %parallel_loop3A_592, %parallel_loop3A_593] {strides = array<i32>} : memref<3x64x128xf32, #tpu.memory_space<vmem>>, vector<1x1x16xf32>,
      %parallel_loop3A_595 = vector.shape_cast %parallel_loop3A_594 : vector<1x1x16xf32> to vector<16xf32>
      %parallel_loop3A_596 = vector.shape_cast %parallel_loop3A_589 : vector<16xf32> to vector<1x1x16xf32>
      tpu.vector_store %arg6[%parallel_loop3A_591, %parallel_loop3A_592, %parallel_loop3A_593], %parallel_loop3A_596 {strides = array<i32>} : memref<3x64x128xf32, #tpu.memory_space<vmem>>, vector<1x1x16xf32>,
      %parallel_loop3A_597 = arith.constant 2 : i32
      %parallel_loop3A_598 = arith.index_cast %parallel_loop3A_597 : i32 to index
      %parallel_loop3A_599 = arith.index_cast %parallel_loop3A_504 : i32 to index
      %parallel_loop3A_600 = arith.constant 64 : index
      %parallel_loop3A_601 = tpu.vector_load %arg6[%parallel_loop3A_598, %parallel_loop3A_599, %parallel_loop3A_600] {strides = array<i32>} : memref<3x64x128xf32, #tpu.memory_space<vmem>>, vector<1x1x16xf32>,
      %parallel_loop3A_602 = vector.shape_cast %parallel_loop3A_601 : vector<1x1x16xf32> to vector<16xf32>
      %parallel_loop3A_603 = arith.constant -1.000000e+00 : f32
      %parallel_loop3A_604 = vector.broadcast %parallel_loop3A_603 : f32 to vector<16xf32>
      %parallel_loop3A_605 = arith.mulf %parallel_loop3A_602, %parallel_loop3A_604 : vector<16xf32>
      %parallel_loop3A_606 = math.exp %parallel_loop3A_605 : vector<16xf32>
      %parallel_loop3A_607 = arith.constant 1.000000e+00 : f32
      %parallel_loop3A_608 = vector.broadcast %parallel_loop3A_607 : f32 to vector<16xf32>
      %parallel_loop3A_609 = arith.addf %parallel_loop3A_608, %parallel_loop3A_606 : vector<16xf32>
      %parallel_loop3A_610 = arith.constant 1.000000e+00 : f32
      %parallel_loop3A_611 = vector.broadcast %parallel_loop3A_610 : f32 to vector<16xf32>
      %parallel_loop3A_612 = arith.divf %parallel_loop3A_611, %parallel_loop3A_609 : vector<16xf32>
      %parallel_loop3A_613 = arith.constant 2 : i32
      %parallel_loop3A_614 = arith.index_cast %parallel_loop3A_613 : i32 to index
      %parallel_loop3A_615 = arith.index_cast %parallel_loop3A_504 : i32 to index
      %parallel_loop3A_616 = arith.constant 64 : index
      %parallel_loop3A_617 = tpu.vector_load %arg6[%parallel_loop3A_614, %parallel_loop3A_615, %parallel_loop3A_616] {strides = array<i32>} : memref<3x64x128xf32, #tpu.memory_space<vmem>>, vector<1x1x16xf32>,
      %parallel_loop3A_618 = vector.shape_cast %parallel_loop3A_617 : vector<1x1x16xf32> to vector<16xf32>
      %parallel_loop3A_619 = vector.shape_cast %parallel_loop3A_612 : vector<16xf32> to vector<1x1x16xf32>
      tpu.vector_store %arg6[%parallel_loop3A_614, %parallel_loop3A_615, %parallel_loop3A_616], %parallel_loop3A_619 {strides = array<i32>} : memref<3x64x128xf32, #tpu.memory_space<vmem>>, vector<1x1x16xf32>,
      %parallel_loop3A_620 = arith.constant 2 : i32
      %parallel_loop3A_621 = arith.index_cast %parallel_loop3A_620 : i32 to index
      %parallel_loop3A_622 = arith.index_cast %parallel_loop3A_504 : i32 to index
      %parallel_loop3A_623 = arith.constant 80 : index
      %parallel_loop3A_624 = tpu.vector_load %arg6[%parallel_loop3A_621, %parallel_loop3A_622, %parallel_loop3A_623] {strides = array<i32>} : memref<3x64x128xf32, #tpu.memory_space<vmem>>, vector<1x1x16xf32>,
      %parallel_loop3A_625 = vector.shape_cast %parallel_loop3A_624 : vector<1x1x16xf32> to vector<16xf32>
      %parallel_loop3A_626 = arith.constant -1.000000e+00 : f32
      %parallel_loop3A_627 = vector.broadcast %parallel_loop3A_626 : f32 to vector<16xf32>
      %parallel_loop3A_628 = arith.mulf %parallel_loop3A_625, %parallel_loop3A_627 : vector<16xf32>
      %parallel_loop3A_629 = math.exp %parallel_loop3A_628 : vector<16xf32>
      %parallel_loop3A_630 = arith.constant 1.000000e+00 : f32
      %parallel_loop3A_631 = vector.broadcast %parallel_loop3A_630 : f32 to vector<16xf32>
      %parallel_loop3A_632 = arith.addf %parallel_loop3A_631, %parallel_loop3A_629 : vector<16xf32>
      %parallel_loop3A_633 = arith.constant 1.000000e+00 : f32
      %parallel_loop3A_634 = vector.broadcast %parallel_loop3A_633 : f32 to vector<16xf32>
      %parallel_loop3A_635 = arith.divf %parallel_loop3A_634, %parallel_loop3A_632 : vector<16xf32>
      %parallel_loop3A_636 = arith.constant 2 : i32
      %parallel_loop3A_637 = arith.index_cast %parallel_loop3A_636 : i32 to index
      %parallel_loop3A_638 = arith.index_cast %parallel_loop3A_504 : i32 to index
      %parallel_loop3A_639 = arith.constant 80 : index
      %parallel_loop3A_640 = tpu.vector_load %arg6[%parallel_loop3A_637, %parallel_loop3A_638, %parallel_loop3A_639] {strides = array<i32>} : memref<3x64x128xf32, #tpu.memory_space<vmem>>, vector<1x1x16xf32>,
      %parallel_loop3A_641 = vector.shape_cast %parallel_loop3A_640 : vector<1x1x16xf32> to vector<16xf32>
      %parallel_loop3A_642 = vector.shape_cast %parallel_loop3A_635 : vector<16xf32> to vector<1x1x16xf32>
      tpu.vector_store %arg6[%parallel_loop3A_637, %parallel_loop3A_638, %parallel_loop3A_639], %parallel_loop3A_642 {strides = array<i32>} : memref<3x64x128xf32, #tpu.memory_space<vmem>>, vector<1x1x16xf32>,
      %parallel_loop3A_643 = arith.constant 2 : i32
      %parallel_loop3A_644 = arith.index_cast %parallel_loop3A_643 : i32 to index
      %parallel_loop3A_645 = arith.index_cast %parallel_loop3A_504 : i32 to index
      %parallel_loop3A_646 = arith.constant 96 : index
      %parallel_loop3A_647 = tpu.vector_load %arg6[%parallel_loop3A_644, %parallel_loop3A_645, %parallel_loop3A_646] {strides = array<i32>} : memref<3x64x128xf32, #tpu.memory_space<vmem>>, vector<1x1x16xf32>,
      %parallel_loop3A_648 = vector.shape_cast %parallel_loop3A_647 : vector<1x1x16xf32> to vector<16xf32>
      %parallel_loop3A_649 = arith.constant -1.000000e+00 : f32
      %parallel_loop3A_650 = vector.broadcast %parallel_loop3A_649 : f32 to vector<16xf32>
      %parallel_loop3A_651 = arith.mulf %parallel_loop3A_648, %parallel_loop3A_650 : vector<16xf32>
      %parallel_loop3A_652 = math.exp %parallel_loop3A_651 : vector<16xf32>
      %parallel_loop3A_653 = arith.constant 1.000000e+00 : f32
      %parallel_loop3A_654 = vector.broadcast %parallel_loop3A_653 : f32 to vector<16xf32>
      %parallel_loop3A_655 = arith.addf %parallel_loop3A_654, %parallel_loop3A_652 : vector<16xf32>
      %parallel_loop3A_656 = arith.constant 1.000000e+00 : f32
      %parallel_loop3A_657 = vector.broadcast %parallel_loop3A_656 : f32 to vector<16xf32>
      %parallel_loop3A_658 = arith.divf %parallel_loop3A_657, %parallel_loop3A_655 : vector<16xf32>
      %parallel_loop3A_659 = arith.constant 2 : i32
      %parallel_loop3A_660 = arith.index_cast %parallel_loop3A_659 : i32 to index
      %parallel_loop3A_661 = arith.index_cast %parallel_loop3A_504 : i32 to index
      %parallel_loop3A_662 = arith.constant 96 : index
      %parallel_loop3A_663 = tpu.vector_load %arg6[%parallel_loop3A_660, %parallel_loop3A_661, %parallel_loop3A_662] {strides = array<i32>} : memref<3x64x128xf32, #tpu.memory_space<vmem>>, vector<1x1x16xf32>,
      %parallel_loop3A_664 = vector.shape_cast %parallel_loop3A_663 : vector<1x1x16xf32> to vector<16xf32>
      %parallel_loop3A_665 = vector.shape_cast %parallel_loop3A_658 : vector<16xf32> to vector<1x1x16xf32>
      tpu.vector_store %arg6[%parallel_loop3A_660, %parallel_loop3A_661, %parallel_loop3A_662], %parallel_loop3A_665 {strides = array<i32>} : memref<3x64x128xf32, #tpu.memory_space<vmem>>, vector<1x1x16xf32>,
      %parallel_loop3A_666 = arith.constant 2 : i32
      %parallel_loop3A_667 = arith.index_cast %parallel_loop3A_666 : i32 to index
      %parallel_loop3A_668 = arith.index_cast %parallel_loop3A_504 : i32 to index
      %parallel_loop3A_669 = arith.constant 112 : index
      %parallel_loop3A_670 = tpu.vector_load %arg6[%parallel_loop3A_667, %parallel_loop3A_668, %parallel_loop3A_669] {strides = array<i32>} : memref<3x64x128xf32, #tpu.memory_space<vmem>>, vector<1x1x16xf32>,
      %parallel_loop3A_671 = vector.shape_cast %parallel_loop3A_670 : vector<1x1x16xf32> to vector<16xf32>
      %parallel_loop3A_672 = arith.constant -1.000000e+00 : f32
      %parallel_loop3A_673 = vector.broadcast %parallel_loop3A_672 : f32 to vector<16xf32>
      %parallel_loop3A_674 = arith.mulf %parallel_loop3A_671, %parallel_loop3A_673 : vector<16xf32>
      %parallel_loop3A_675 = math.exp %parallel_loop3A_674 : vector<16xf32>
      %parallel_loop3A_676 = arith.constant 1.000000e+00 : f32
      %parallel_loop3A_677 = vector.broadcast %parallel_loop3A_676 : f32 to vector<16xf32>
      %parallel_loop3A_678 = arith.addf %parallel_loop3A_677, %parallel_loop3A_675 : vector<16xf32>
      %parallel_loop3A_679 = arith.constant 1.000000e+00 : f32
      %parallel_loop3A_680 = vector.broadcast %parallel_loop3A_679 : f32 to vector<16xf32>
      %parallel_loop3A_681 = arith.divf %parallel_loop3A_680, %parallel_loop3A_678 : vector<16xf32>
      %parallel_loop3A_682 = arith.constant 2 : i32
      %parallel_loop3A_683 = arith.index_cast %parallel_loop3A_682 : i32 to index
      %parallel_loop3A_684 = arith.index_cast %parallel_loop3A_504 : i32 to index
      %parallel_loop3A_685 = arith.constant 112 : index
      %parallel_loop3A_686 = tpu.vector_load %arg6[%parallel_loop3A_683, %parallel_loop3A_684, %parallel_loop3A_685] {strides = array<i32>} : memref<3x64x128xf32, #tpu.memory_space<vmem>>, vector<1x1x16xf32>,
      %parallel_loop3A_687 = vector.shape_cast %parallel_loop3A_686 : vector<1x1x16xf32> to vector<16xf32>
      %parallel_loop3A_688 = vector.shape_cast %parallel_loop3A_681 : vector<16xf32> to vector<1x1x16xf32>
      tpu.vector_store %arg6[%parallel_loop3A_683, %parallel_loop3A_684, %parallel_loop3A_685], %parallel_loop3A_688 {strides = array<i32>} : memref<3x64x128xf32, #tpu.memory_space<vmem>>, vector<1x1x16xf32>,
    } {sc.loop_unroll_factor = 4 : i64, sc.parallel_access}
    %add3A_370 = arith.constant 320 : i32
    %add3A_371 = arith.addi %mul3A_2, %add3A_370 : i32
    %dma_start3A_372 = arith.constant 2 : i32
    %dma_start3A_373 = arith.constant 2 : i32
    %dma_start3A_374 = arith.constant 0 : i32
    %dma_start3A_375 = arith.constant 0 : i32
    %dma_start3A_376 = tpu.memref_slice %arg6[%dma_start3A_372, %dma_start3A_374, %dma_start3A_375] : memref<3x64x128xf32, #tpu.memory_space<vmem>> -> memref<1x64x128xf32, #tpu.memory_space<vmem>>
    %dma_start3A_377 = tpu.memref_squeeze %dma_start3A_376 : memref<1x64x128xf32, #tpu.memory_space<vmem>> -> memref<64x128xf32, #tpu.memory_space<vmem>>
    %dma_start3A_378 = arith.constant 0 : i32
    %dma_start3A_379 = tpu.memref_slice %arg4[%add3A_371, %dma_start3A_378] : memref<16384x128xf32, #tpu.memory_space<hbm>> -> memref<64x128xf32, #tpu.memory_space<hbm>>
    %dma_start3A_380 = tpu.memref_slice %arg8[%dma_start3A_373] : memref<3x!tpu.dma_semaphore, #tpu.memory_space<semaphore_mem>> -> memref<1x!tpu.dma_semaphore, #tpu.memory_space<semaphore_mem>>
    %dma_start3A_381 = tpu.memref_squeeze %dma_start3A_380 : memref<1x!tpu.dma_semaphore, #tpu.memory_space<semaphore_mem>> -> memref<!tpu.dma_semaphore, #tpu.memory_space<semaphore_mem>>
    %dma_start3A_382 = arith.constant 0 : i32
    %dma_start3A_383 = tpu.memref_slice %arg4[%add3A_371, %dma_start3A_382] : memref<16384x128xf32, #tpu.memory_space<hbm>> -> memref<64x128xf32, #tpu.memory_space<hbm>>
    %dma_start3A_384 = arith.constant 0 : i32
    %dma_start3A_385 = arith.constant 0 : i32
    %dma_start3A_386 = tpu.memref_slice %arg6[%dma_start3A_372, %dma_start3A_384, %dma_start3A_385] : memref<3x64x128xf32, #tpu.memory_space<vmem>> -> memref<1x64x128xf32, #tpu.memory_space<vmem>>
    %dma_start3A_387 = tpu.memref_squeeze %dma_start3A_386 : memref<1x64x128xf32, #tpu.memory_space<vmem>> -> memref<64x128xf32, #tpu.memory_space<vmem>>
    tpu.enqueue_dma source(%dma_start3A_387 : memref<64x128xf32, #tpu.memory_space<vmem>>) target(%dma_start3A_383 : memref<64x128xf32, #tpu.memory_space<hbm>>) target_semaphore(%dma_start3A_381 : memref<!tpu.dma_semaphore, #tpu.memory_space<semaphore_mem>>)
    %dma_wait3A_388 = arith.constant 0 : i32
    %dma_wait3A_389 = arith.constant 0 : i32
    %dma_wait3A_390 = arith.constant 0 : i32
    %dma_wait3A_391 = arith.constant 0 : i32
    %dma_wait3A_392 = tpu.memref_slice %arg6[%dma_wait3A_388, %dma_wait3A_390, %dma_wait3A_391] : memref<3x64x128xf32, #tpu.memory_space<vmem>> -> memref<1x64x128xf32, #tpu.memory_space<vmem>>
    %dma_wait3A_393 = tpu.memref_squeeze %dma_wait3A_392 : memref<1x64x128xf32, #tpu.memory_space<vmem>> -> memref<64x128xf32, #tpu.memory_space<vmem>>
    %dma_wait3A_394 = arith.constant 384 : i32
    %dma_wait3A_395 = tpu.memref_slice %arg5[%dma_wait3A_394] : memref<512xi32, #tpu.memory_space<vmem>> -> memref<64xi32, #tpu.memory_space<vmem>>
    %dma_wait3A_396 = arith.constant 0 : i32
    %dma_wait3A_397 = arith.constant 0 : i32
    %dma_wait3A_398 = tpu.memref_slice %arg3[%dma_wait3A_396, %dma_wait3A_397] : memref<100000x128xf32, #tpu.memory_space<hbm>> -> memref<100000x128xf32, #tpu.memory_space<hbm>>
    %dma_wait3A_399 = tpu.memref_slice %arg7[%dma_wait3A_389] : memref<3x!tpu.dma_semaphore, #tpu.memory_space<semaphore_mem>> -> memref<1x!tpu.dma_semaphore, #tpu.memory_space<semaphore_mem>>
    %dma_wait3A_400 = tpu.memref_squeeze %dma_wait3A_399 : memref<1x!tpu.dma_semaphore, #tpu.memory_space<semaphore_mem>> -> memref<!tpu.dma_semaphore, #tpu.memory_space<semaphore_mem>>
    tpu.wait_indirect_dma semaphore(%dma_wait3A_400 : memref<!tpu.dma_semaphore, #tpu.memory_space<semaphore_mem>>) src(%dma_wait3A_398 : memref<100000x128xf32, #tpu.memory_space<hbm>>) dst(%dma_wait3A_393 : memref<64x128xf32, #tpu.memory_space<vmem>>)
    %parallel_loop3A_401 = arith.constant 0 : i32
    %parallel_loop3A_402 = arith.constant 64 : i32
    %parallel_loop3A_403 = arith.constant 1 : i32
    scf.for %parallel_loop3A_504 = %parallel_loop3A_401 to %parallel_loop3A_402 step %parallel_loop3A_403  : i32 {
      %parallel_loop3A_505 = arith.constant 0 : i32
      %parallel_loop3A_506 = arith.index_cast %parallel_loop3A_505 : i32 to index
      %parallel_loop3A_507 = arith.index_cast %parallel_loop3A_504 : i32 to index
      %parallel_loop3A_508 = arith.constant 0 : index
      %parallel_loop3A_509 = tpu.vector_load %arg6[%parallel_loop3A_506, %parallel_loop3A_507, %parallel_loop3A_508] {strides = array<i32>} : memref<3x64x128xf32, #tpu.memory_space<vmem>>, vector<1x1x16xf32>,
      %parallel_loop3A_510 = vector.shape_cast %parallel_loop3A_509 : vector<1x1x16xf32> to vector<16xf32>
      %parallel_loop3A_511 = arith.constant -1.000000e+00 : f32
      %parallel_loop3A_512 = vector.broadcast %parallel_loop3A_511 : f32 to vector<16xf32>
      %parallel_loop3A_513 = arith.mulf %parallel_loop3A_510, %parallel_loop3A_512 : vector<16xf32>
      %parallel_loop3A_514 = math.exp %parallel_loop3A_513 : vector<16xf32>
      %parallel_loop3A_515 = arith.constant 1.000000e+00 : f32
      %parallel_loop3A_516 = vector.broadcast %parallel_loop3A_515 : f32 to vector<16xf32>
      %parallel_loop3A_517 = arith.addf %parallel_loop3A_516, %parallel_loop3A_514 : vector<16xf32>
      %parallel_loop3A_518 = arith.constant 1.000000e+00 : f32
      %parallel_loop3A_519 = vector.broadcast %parallel_loop3A_518 : f32 to vector<16xf32>
      %parallel_loop3A_520 = arith.divf %parallel_loop3A_519, %parallel_loop3A_517 : vector<16xf32>
      %parallel_loop3A_521 = arith.constant 0 : i32
      %parallel_loop3A_522 = arith.index_cast %parallel_loop3A_521 : i32 to index
      %parallel_loop3A_523 = arith.index_cast %parallel_loop3A_504 : i32 to index
      %parallel_loop3A_524 = arith.constant 0 : index
      %parallel_loop3A_525 = tpu.vector_load %arg6[%parallel_loop3A_522, %parallel_loop3A_523, %parallel_loop3A_524] {strides = array<i32>} : memref<3x64x128xf32, #tpu.memory_space<vmem>>, vector<1x1x16xf32>,
      %parallel_loop3A_526 = vector.shape_cast %parallel_loop3A_525 : vector<1x1x16xf32> to vector<16xf32>
      %parallel_loop3A_527 = vector.shape_cast %parallel_loop3A_520 : vector<16xf32> to vector<1x1x16xf32>
      tpu.vector_store %arg6[%parallel_loop3A_522, %parallel_loop3A_523, %parallel_loop3A_524], %parallel_loop3A_527 {strides = array<i32>} : memref<3x64x128xf32, #tpu.memory_space<vmem>>, vector<1x1x16xf32>,
      %parallel_loop3A_528 = arith.constant 0 : i32
      %parallel_loop3A_529 = arith.index_cast %parallel_loop3A_528 : i32 to index
      %parallel_loop3A_530 = arith.index_cast %parallel_loop3A_504 : i32 to index
      %parallel_loop3A_531 = arith.constant 16 : index
      %parallel_loop3A_532 = tpu.vector_load %arg6[%parallel_loop3A_529, %parallel_loop3A_530, %parallel_loop3A_531] {strides = array<i32>} : memref<3x64x128xf32, #tpu.memory_space<vmem>>, vector<1x1x16xf32>,
      %parallel_loop3A_533 = vector.shape_cast %parallel_loop3A_532 : vector<1x1x16xf32> to vector<16xf32>
      %parallel_loop3A_534 = arith.constant -1.000000e+00 : f32
      %parallel_loop3A_535 = vector.broadcast %parallel_loop3A_534 : f32 to vector<16xf32>
      %parallel_loop3A_536 = arith.mulf %parallel_loop3A_533, %parallel_loop3A_535 : vector<16xf32>
      %parallel_loop3A_537 = math.exp %parallel_loop3A_536 : vector<16xf32>
      %parallel_loop3A_538 = arith.constant 1.000000e+00 : f32
      %parallel_loop3A_539 = vector.broadcast %parallel_loop3A_538 : f32 to vector<16xf32>
      %parallel_loop3A_540 = arith.addf %parallel_loop3A_539, %parallel_loop3A_537 : vector<16xf32>
      %parallel_loop3A_541 = arith.constant 1.000000e+00 : f32
      %parallel_loop3A_542 = vector.broadcast %parallel_loop3A_541 : f32 to vector<16xf32>
      %parallel_loop3A_543 = arith.divf %parallel_loop3A_542, %parallel_loop3A_540 : vector<16xf32>
      %parallel_loop3A_544 = arith.constant 0 : i32
      %parallel_loop3A_545 = arith.index_cast %parallel_loop3A_544 : i32 to index
      %parallel_loop3A_546 = arith.index_cast %parallel_loop3A_504 : i32 to index
      %parallel_loop3A_547 = arith.constant 16 : index
      %parallel_loop3A_548 = tpu.vector_load %arg6[%parallel_loop3A_545, %parallel_loop3A_546, %parallel_loop3A_547] {strides = array<i32>} : memref<3x64x128xf32, #tpu.memory_space<vmem>>, vector<1x1x16xf32>,
      %parallel_loop3A_549 = vector.shape_cast %parallel_loop3A_548 : vector<1x1x16xf32> to vector<16xf32>
      %parallel_loop3A_550 = vector.shape_cast %parallel_loop3A_543 : vector<16xf32> to vector<1x1x16xf32>
      tpu.vector_store %arg6[%parallel_loop3A_545, %parallel_loop3A_546, %parallel_loop3A_547], %parallel_loop3A_550 {strides = array<i32>} : memref<3x64x128xf32, #tpu.memory_space<vmem>>, vector<1x1x16xf32>,
      %parallel_loop3A_551 = arith.constant 0 : i32
      %parallel_loop3A_552 = arith.index_cast %parallel_loop3A_551 : i32 to index
      %parallel_loop3A_553 = arith.index_cast %parallel_loop3A_504 : i32 to index
      %parallel_loop3A_554 = arith.constant 32 : index
      %parallel_loop3A_555 = tpu.vector_load %arg6[%parallel_loop3A_552, %parallel_loop3A_553, %parallel_loop3A_554] {strides = array<i32>} : memref<3x64x128xf32, #tpu.memory_space<vmem>>, vector<1x1x16xf32>,
      %parallel_loop3A_556 = vector.shape_cast %parallel_loop3A_555 : vector<1x1x16xf32> to vector<16xf32>
      %parallel_loop3A_557 = arith.constant -1.000000e+00 : f32
      %parallel_loop3A_558 = vector.broadcast %parallel_loop3A_557 : f32 to vector<16xf32>
      %parallel_loop3A_559 = arith.mulf %parallel_loop3A_556, %parallel_loop3A_558 : vector<16xf32>
      %parallel_loop3A_560 = math.exp %parallel_loop3A_559 : vector<16xf32>
      %parallel_loop3A_561 = arith.constant 1.000000e+00 : f32
      %parallel_loop3A_562 = vector.broadcast %parallel_loop3A_561 : f32 to vector<16xf32>
      %parallel_loop3A_563 = arith.addf %parallel_loop3A_562, %parallel_loop3A_560 : vector<16xf32>
      %parallel_loop3A_564 = arith.constant 1.000000e+00 : f32
      %parallel_loop3A_565 = vector.broadcast %parallel_loop3A_564 : f32 to vector<16xf32>
      %parallel_loop3A_566 = arith.divf %parallel_loop3A_565, %parallel_loop3A_563 : vector<16xf32>
      %parallel_loop3A_567 = arith.constant 0 : i32
      %parallel_loop3A_568 = arith.index_cast %parallel_loop3A_567 : i32 to index
      %parallel_loop3A_569 = arith.index_cast %parallel_loop3A_504 : i32 to index
      %parallel_loop3A_570 = arith.constant 32 : index
      %parallel_loop3A_571 = tpu.vector_load %arg6[%parallel_loop3A_568, %parallel_loop3A_569, %parallel_loop3A_570] {strides = array<i32>} : memref<3x64x128xf32, #tpu.memory_space<vmem>>, vector<1x1x16xf32>,
      %parallel_loop3A_572 = vector.shape_cast %parallel_loop3A_571 : vector<1x1x16xf32> to vector<16xf32>
      %parallel_loop3A_573 = vector.shape_cast %parallel_loop3A_566 : vector<16xf32> to vector<1x1x16xf32>
      tpu.vector_store %arg6[%parallel_loop3A_568, %parallel_loop3A_569, %parallel_loop3A_570], %parallel_loop3A_573 {strides = array<i32>} : memref<3x64x128xf32, #tpu.memory_space<vmem>>, vector<1x1x16xf32>,
      %parallel_loop3A_574 = arith.constant 0 : i32
      %parallel_loop3A_575 = arith.index_cast %parallel_loop3A_574 : i32 to index
      %parallel_loop3A_576 = arith.index_cast %parallel_loop3A_504 : i32 to index
      %parallel_loop3A_577 = arith.constant 48 : index
      %parallel_loop3A_578 = tpu.vector_load %arg6[%parallel_loop3A_575, %parallel_loop3A_576, %parallel_loop3A_577] {strides = array<i32>} : memref<3x64x128xf32, #tpu.memory_space<vmem>>, vector<1x1x16xf32>,
      %parallel_loop3A_579 = vector.shape_cast %parallel_loop3A_578 : vector<1x1x16xf32> to vector<16xf32>
      %parallel_loop3A_580 = arith.constant -1.000000e+00 : f32
      %parallel_loop3A_581 = vector.broadcast %parallel_loop3A_580 : f32 to vector<16xf32>
      %parallel_loop3A_582 = arith.mulf %parallel_loop3A_579, %parallel_loop3A_581 : vector<16xf32>
      %parallel_loop3A_583 = math.exp %parallel_loop3A_582 : vector<16xf32>
      %parallel_loop3A_584 = arith.constant 1.000000e+00 : f32
      %parallel_loop3A_585 = vector.broadcast %parallel_loop3A_584 : f32 to vector<16xf32>
      %parallel_loop3A_586 = arith.addf %parallel_loop3A_585, %parallel_loop3A_583 : vector<16xf32>
      %parallel_loop3A_587 = arith.constant 1.000000e+00 : f32
      %parallel_loop3A_588 = vector.broadcast %parallel_loop3A_587 : f32 to vector<16xf32>
      %parallel_loop3A_589 = arith.divf %parallel_loop3A_588, %parallel_loop3A_586 : vector<16xf32>
      %parallel_loop3A_590 = arith.constant 0 : i32
      %parallel_loop3A_591 = arith.index_cast %parallel_loop3A_590 : i32 to index
      %parallel_loop3A_592 = arith.index_cast %parallel_loop3A_504 : i32 to index
      %parallel_loop3A_593 = arith.constant 48 : index
      %parallel_loop3A_594 = tpu.vector_load %arg6[%parallel_loop3A_591, %parallel_loop3A_592, %parallel_loop3A_593] {strides = array<i32>} : memref<3x64x128xf32, #tpu.memory_space<vmem>>, vector<1x1x16xf32>,
      %parallel_loop3A_595 = vector.shape_cast %parallel_loop3A_594 : vector<1x1x16xf32> to vector<16xf32>
      %parallel_loop3A_596 = vector.shape_cast %parallel_loop3A_589 : vector<16xf32> to vector<1x1x16xf32>
      tpu.vector_store %arg6[%parallel_loop3A_591, %parallel_loop3A_592, %parallel_loop3A_593], %parallel_loop3A_596 {strides = array<i32>} : memref<3x64x128xf32, #tpu.memory_space<vmem>>, vector<1x1x16xf32>,
      %parallel_loop3A_597 = arith.constant 0 : i32
      %parallel_loop3A_598 = arith.index_cast %parallel_loop3A_597 : i32 to index
      %parallel_loop3A_599 = arith.index_cast %parallel_loop3A_504 : i32 to index
      %parallel_loop3A_600 = arith.constant 64 : index
      %parallel_loop3A_601 = tpu.vector_load %arg6[%parallel_loop3A_598, %parallel_loop3A_599, %parallel_loop3A_600] {strides = array<i32>} : memref<3x64x128xf32, #tpu.memory_space<vmem>>, vector<1x1x16xf32>,
      %parallel_loop3A_602 = vector.shape_cast %parallel_loop3A_601 : vector<1x1x16xf32> to vector<16xf32>
      %parallel_loop3A_603 = arith.constant -1.000000e+00 : f32
      %parallel_loop3A_604 = vector.broadcast %parallel_loop3A_603 : f32 to vector<16xf32>
      %parallel_loop3A_605 = arith.mulf %parallel_loop3A_602, %parallel_loop3A_604 : vector<16xf32>
      %parallel_loop3A_606 = math.exp %parallel_loop3A_605 : vector<16xf32>
      %parallel_loop3A_607 = arith.constant 1.000000e+00 : f32
      %parallel_loop3A_608 = vector.broadcast %parallel_loop3A_607 : f32 to vector<16xf32>
      %parallel_loop3A_609 = arith.addf %parallel_loop3A_608, %parallel_loop3A_606 : vector<16xf32>
      %parallel_loop3A_610 = arith.constant 1.000000e+00 : f32
      %parallel_loop3A_611 = vector.broadcast %parallel_loop3A_610 : f32 to vector<16xf32>
      %parallel_loop3A_612 = arith.divf %parallel_loop3A_611, %parallel_loop3A_609 : vector<16xf32>
      %parallel_loop3A_613 = arith.constant 0 : i32
      %parallel_loop3A_614 = arith.index_cast %parallel_loop3A_613 : i32 to index
      %parallel_loop3A_615 = arith.index_cast %parallel_loop3A_504 : i32 to index
      %parallel_loop3A_616 = arith.constant 64 : index
      %parallel_loop3A_617 = tpu.vector_load %arg6[%parallel_loop3A_614, %parallel_loop3A_615, %parallel_loop3A_616] {strides = array<i32>} : memref<3x64x128xf32, #tpu.memory_space<vmem>>, vector<1x1x16xf32>,
      %parallel_loop3A_618 = vector.shape_cast %parallel_loop3A_617 : vector<1x1x16xf32> to vector<16xf32>
      %parallel_loop3A_619 = vector.shape_cast %parallel_loop3A_612 : vector<16xf32> to vector<1x1x16xf32>
      tpu.vector_store %arg6[%parallel_loop3A_614, %parallel_loop3A_615, %parallel_loop3A_616], %parallel_loop3A_619 {strides = array<i32>} : memref<3x64x128xf32, #tpu.memory_space<vmem>>, vector<1x1x16xf32>,
      %parallel_loop3A_620 = arith.constant 0 : i32
      %parallel_loop3A_621 = arith.index_cast %parallel_loop3A_620 : i32 to index
      %parallel_loop3A_622 = arith.index_cast %parallel_loop3A_504 : i32 to index
      %parallel_loop3A_623 = arith.constant 80 : index
      %parallel_loop3A_624 = tpu.vector_load %arg6[%parallel_loop3A_621, %parallel_loop3A_622, %parallel_loop3A_623] {strides = array<i32>} : memref<3x64x128xf32, #tpu.memory_space<vmem>>, vector<1x1x16xf32>,
      %parallel_loop3A_625 = vector.shape_cast %parallel_loop3A_624 : vector<1x1x16xf32> to vector<16xf32>
      %parallel_loop3A_626 = arith.constant -1.000000e+00 : f32
      %parallel_loop3A_627 = vector.broadcast %parallel_loop3A_626 : f32 to vector<16xf32>
      %parallel_loop3A_628 = arith.mulf %parallel_loop3A_625, %parallel_loop3A_627 : vector<16xf32>
      %parallel_loop3A_629 = math.exp %parallel_loop3A_628 : vector<16xf32>
      %parallel_loop3A_630 = arith.constant 1.000000e+00 : f32
      %parallel_loop3A_631 = vector.broadcast %parallel_loop3A_630 : f32 to vector<16xf32>
      %parallel_loop3A_632 = arith.addf %parallel_loop3A_631, %parallel_loop3A_629 : vector<16xf32>
      %parallel_loop3A_633 = arith.constant 1.000000e+00 : f32
      %parallel_loop3A_634 = vector.broadcast %parallel_loop3A_633 : f32 to vector<16xf32>
      %parallel_loop3A_635 = arith.divf %parallel_loop3A_634, %parallel_loop3A_632 : vector<16xf32>
      %parallel_loop3A_636 = arith.constant 0 : i32
      %parallel_loop3A_637 = arith.index_cast %parallel_loop3A_636 : i32 to index
      %parallel_loop3A_638 = arith.index_cast %parallel_loop3A_504 : i32 to index
      %parallel_loop3A_639 = arith.constant 80 : index
      %parallel_loop3A_640 = tpu.vector_load %arg6[%parallel_loop3A_637, %parallel_loop3A_638, %parallel_loop3A_639] {strides = array<i32>} : memref<3x64x128xf32, #tpu.memory_space<vmem>>, vector<1x1x16xf32>,
      %parallel_loop3A_641 = vector.shape_cast %parallel_loop3A_640 : vector<1x1x16xf32> to vector<16xf32>
      %parallel_loop3A_642 = vector.shape_cast %parallel_loop3A_635 : vector<16xf32> to vector<1x1x16xf32>
      tpu.vector_store %arg6[%parallel_loop3A_637, %parallel_loop3A_638, %parallel_loop3A_639], %parallel_loop3A_642 {strides = array<i32>} : memref<3x64x128xf32, #tpu.memory_space<vmem>>, vector<1x1x16xf32>,
      %parallel_loop3A_643 = arith.constant 0 : i32
      %parallel_loop3A_644 = arith.index_cast %parallel_loop3A_643 : i32 to index
      %parallel_loop3A_645 = arith.index_cast %parallel_loop3A_504 : i32 to index
      %parallel_loop3A_646 = arith.constant 96 : index
      %parallel_loop3A_647 = tpu.vector_load %arg6[%parallel_loop3A_644, %parallel_loop3A_645, %parallel_loop3A_646] {strides = array<i32>} : memref<3x64x128xf32, #tpu.memory_space<vmem>>, vector<1x1x16xf32>,
      %parallel_loop3A_648 = vector.shape_cast %parallel_loop3A_647 : vector<1x1x16xf32> to vector<16xf32>
      %parallel_loop3A_649 = arith.constant -1.000000e+00 : f32
      %parallel_loop3A_650 = vector.broadcast %parallel_loop3A_649 : f32 to vector<16xf32>
      %parallel_loop3A_651 = arith.mulf %parallel_loop3A_648, %parallel_loop3A_650 : vector<16xf32>
      %parallel_loop3A_652 = math.exp %parallel_loop3A_651 : vector<16xf32>
      %parallel_loop3A_653 = arith.constant 1.000000e+00 : f32
      %parallel_loop3A_654 = vector.broadcast %parallel_loop3A_653 : f32 to vector<16xf32>
      %parallel_loop3A_655 = arith.addf %parallel_loop3A_654, %parallel_loop3A_652 : vector<16xf32>
      %parallel_loop3A_656 = arith.constant 1.000000e+00 : f32
      %parallel_loop3A_657 = vector.broadcast %parallel_loop3A_656 : f32 to vector<16xf32>
      %parallel_loop3A_658 = arith.divf %parallel_loop3A_657, %parallel_loop3A_655 : vector<16xf32>
      %parallel_loop3A_659 = arith.constant 0 : i32
      %parallel_loop3A_660 = arith.index_cast %parallel_loop3A_659 : i32 to index
      %parallel_loop3A_661 = arith.index_cast %parallel_loop3A_504 : i32 to index
      %parallel_loop3A_662 = arith.constant 96 : index
      %parallel_loop3A_663 = tpu.vector_load %arg6[%parallel_loop3A_660, %parallel_loop3A_661, %parallel_loop3A_662] {strides = array<i32>} : memref<3x64x128xf32, #tpu.memory_space<vmem>>, vector<1x1x16xf32>,
      %parallel_loop3A_664 = vector.shape_cast %parallel_loop3A_663 : vector<1x1x16xf32> to vector<16xf32>
      %parallel_loop3A_665 = vector.shape_cast %parallel_loop3A_658 : vector<16xf32> to vector<1x1x16xf32>
      tpu.vector_store %arg6[%parallel_loop3A_660, %parallel_loop3A_661, %parallel_loop3A_662], %parallel_loop3A_665 {strides = array<i32>} : memref<3x64x128xf32, #tpu.memory_space<vmem>>, vector<1x1x16xf32>,
      %parallel_loop3A_666 = arith.constant 0 : i32
      %parallel_loop3A_667 = arith.index_cast %parallel_loop3A_666 : i32 to index
      %parallel_loop3A_668 = arith.index_cast %parallel_loop3A_504 : i32 to index
      %parallel_loop3A_669 = arith.constant 112 : index
      %parallel_loop3A_670 = tpu.vector_load %arg6[%parallel_loop3A_667, %parallel_loop3A_668, %parallel_loop3A_669] {strides = array<i32>} : memref<3x64x128xf32, #tpu.memory_space<vmem>>, vector<1x1x16xf32>,
      %parallel_loop3A_671 = vector.shape_cast %parallel_loop3A_670 : vector<1x1x16xf32> to vector<16xf32>
      %parallel_loop3A_672 = arith.constant -1.000000e+00 : f32
      %parallel_loop3A_673 = vector.broadcast %parallel_loop3A_672 : f32 to vector<16xf32>
      %parallel_loop3A_674 = arith.mulf %parallel_loop3A_671, %parallel_loop3A_673 : vector<16xf32>
      %parallel_loop3A_675 = math.exp %parallel_loop3A_674 : vector<16xf32>
      %parallel_loop3A_676 = arith.constant 1.000000e+00 : f32
      %parallel_loop3A_677 = vector.broadcast %parallel_loop3A_676 : f32 to vector<16xf32>
      %parallel_loop3A_678 = arith.addf %parallel_loop3A_677, %parallel_loop3A_675 : vector<16xf32>
      %parallel_loop3A_679 = arith.constant 1.000000e+00 : f32
      %parallel_loop3A_680 = vector.broadcast %parallel_loop3A_679 : f32 to vector<16xf32>
      %parallel_loop3A_681 = arith.divf %parallel_loop3A_680, %parallel_loop3A_678 : vector<16xf32>
      %parallel_loop3A_682 = arith.constant 0 : i32
      %parallel_loop3A_683 = arith.index_cast %parallel_loop3A_682 : i32 to index
      %parallel_loop3A_684 = arith.index_cast %parallel_loop3A_504 : i32 to index
      %parallel_loop3A_685 = arith.constant 112 : index
      %parallel_loop3A_686 = tpu.vector_load %arg6[%parallel_loop3A_683, %parallel_loop3A_684, %parallel_loop3A_685] {strides = array<i32>} : memref<3x64x128xf32, #tpu.memory_space<vmem>>, vector<1x1x16xf32>,
      %parallel_loop3A_687 = vector.shape_cast %parallel_loop3A_686 : vector<1x1x16xf32> to vector<16xf32>
      %parallel_loop3A_688 = vector.shape_cast %parallel_loop3A_681 : vector<16xf32> to vector<1x1x16xf32>
      tpu.vector_store %arg6[%parallel_loop3A_683, %parallel_loop3A_684, %parallel_loop3A_685], %parallel_loop3A_688 {strides = array<i32>} : memref<3x64x128xf32, #tpu.memory_space<vmem>>, vector<1x1x16xf32>,
    } {sc.loop_unroll_factor = 4 : i64, sc.parallel_access}
    %add3A_404 = arith.constant 384 : i32
    %add3A_405 = arith.addi %mul3A_2, %add3A_404 : i32
    %dma_start3A_406 = arith.constant 0 : i32
    %dma_start3A_407 = arith.constant 0 : i32
    %dma_start3A_408 = arith.constant 0 : i32
    %dma_start3A_409 = arith.constant 0 : i32
    %dma_start3A_410 = tpu.memref_slice %arg6[%dma_start3A_406, %dma_start3A_408, %dma_start3A_409] : memref<3x64x128xf32, #tpu.memory_space<vmem>> -> memref<1x64x128xf32, #tpu.memory_space<vmem>>
    %dma_start3A_411 = tpu.memref_squeeze %dma_start3A_410 : memref<1x64x128xf32, #tpu.memory_space<vmem>> -> memref<64x128xf32, #tpu.memory_space<vmem>>
    %dma_start3A_412 = arith.constant 0 : i32
    %dma_start3A_413 = tpu.memref_slice %arg4[%add3A_405, %dma_start3A_412] : memref<16384x128xf32, #tpu.memory_space<hbm>> -> memref<64x128xf32, #tpu.memory_space<hbm>>
    %dma_start3A_414 = tpu.memref_slice %arg8[%dma_start3A_407] : memref<3x!tpu.dma_semaphore, #tpu.memory_space<semaphore_mem>> -> memref<1x!tpu.dma_semaphore, #tpu.memory_space<semaphore_mem>>
    %dma_start3A_415 = tpu.memref_squeeze %dma_start3A_414 : memref<1x!tpu.dma_semaphore, #tpu.memory_space<semaphore_mem>> -> memref<!tpu.dma_semaphore, #tpu.memory_space<semaphore_mem>>
    %dma_start3A_416 = arith.constant 0 : i32
    %dma_start3A_417 = tpu.memref_slice %arg4[%add3A_405, %dma_start3A_416] : memref<16384x128xf32, #tpu.memory_space<hbm>> -> memref<64x128xf32, #tpu.memory_space<hbm>>
    %dma_start3A_418 = arith.constant 0 : i32
    %dma_start3A_419 = arith.constant 0 : i32
    %dma_start3A_420 = tpu.memref_slice %arg6[%dma_start3A_406, %dma_start3A_418, %dma_start3A_419] : memref<3x64x128xf32, #tpu.memory_space<vmem>> -> memref<1x64x128xf32, #tpu.memory_space<vmem>>
    %dma_start3A_421 = tpu.memref_squeeze %dma_start3A_420 : memref<1x64x128xf32, #tpu.memory_space<vmem>> -> memref<64x128xf32, #tpu.memory_space<vmem>>
    tpu.enqueue_dma source(%dma_start3A_421 : memref<64x128xf32, #tpu.memory_space<vmem>>) target(%dma_start3A_417 : memref<64x128xf32, #tpu.memory_space<hbm>>) target_semaphore(%dma_start3A_415 : memref<!tpu.dma_semaphore, #tpu.memory_space<semaphore_mem>>)
    %dma_wait3A_422 = arith.constant 1 : i32
    %dma_wait3A_423 = arith.constant 1 : i32
    %dma_wait3A_424 = arith.constant 0 : i32
    %dma_wait3A_425 = arith.constant 0 : i32
    %dma_wait3A_426 = tpu.memref_slice %arg6[%dma_wait3A_422, %dma_wait3A_424, %dma_wait3A_425] : memref<3x64x128xf32, #tpu.memory_space<vmem>> -> memref<1x64x128xf32, #tpu.memory_space<vmem>>
    %dma_wait3A_427 = tpu.memref_squeeze %dma_wait3A_426 : memref<1x64x128xf32, #tpu.memory_space<vmem>> -> memref<64x128xf32, #tpu.memory_space<vmem>>
    %dma_wait3A_428 = arith.constant 448 : i32
    %dma_wait3A_429 = tpu.memref_slice %arg5[%dma_wait3A_428] : memref<512xi32, #tpu.memory_space<vmem>> -> memref<64xi32, #tpu.memory_space<vmem>>
    %dma_wait3A_430 = arith.constant 0 : i32
    %dma_wait3A_431 = arith.constant 0 : i32
    %dma_wait3A_432 = tpu.memref_slice %arg3[%dma_wait3A_430, %dma_wait3A_431] : memref<100000x128xf32, #tpu.memory_space<hbm>> -> memref<100000x128xf32, #tpu.memory_space<hbm>>
    %dma_wait3A_433 = tpu.memref_slice %arg7[%dma_wait3A_423] : memref<3x!tpu.dma_semaphore, #tpu.memory_space<semaphore_mem>> -> memref<1x!tpu.dma_semaphore, #tpu.memory_space<semaphore_mem>>
    %dma_wait3A_434 = tpu.memref_squeeze %dma_wait3A_433 : memref<1x!tpu.dma_semaphore, #tpu.memory_space<semaphore_mem>> -> memref<!tpu.dma_semaphore, #tpu.memory_space<semaphore_mem>>
    tpu.wait_indirect_dma semaphore(%dma_wait3A_434 : memref<!tpu.dma_semaphore, #tpu.memory_space<semaphore_mem>>) src(%dma_wait3A_432 : memref<100000x128xf32, #tpu.memory_space<hbm>>) dst(%dma_wait3A_427 : memref<64x128xf32, #tpu.memory_space<vmem>>)
    %parallel_loop3A_435 = arith.constant 0 : i32
    %parallel_loop3A_436 = arith.constant 64 : i32
    %parallel_loop3A_437 = arith.constant 1 : i32
    scf.for %parallel_loop3A_504 = %parallel_loop3A_435 to %parallel_loop3A_436 step %parallel_loop3A_437  : i32 {
      %parallel_loop3A_505 = arith.constant 1 : i32
      %parallel_loop3A_506 = arith.index_cast %parallel_loop3A_505 : i32 to index
      %parallel_loop3A_507 = arith.index_cast %parallel_loop3A_504 : i32 to index
      %parallel_loop3A_508 = arith.constant 0 : index
      %parallel_loop3A_509 = tpu.vector_load %arg6[%parallel_loop3A_506, %parallel_loop3A_507, %parallel_loop3A_508] {strides = array<i32>} : memref<3x64x128xf32, #tpu.memory_space<vmem>>, vector<1x1x16xf32>,
      %parallel_loop3A_510 = vector.shape_cast %parallel_loop3A_509 : vector<1x1x16xf32> to vector<16xf32>
      %parallel_loop3A_511 = arith.constant -1.000000e+00 : f32
      %parallel_loop3A_512 = vector.broadcast %parallel_loop3A_511 : f32 to vector<16xf32>
      %parallel_loop3A_513 = arith.mulf %parallel_loop3A_510, %parallel_loop3A_512 : vector<16xf32>
      %parallel_loop3A_514 = math.exp %parallel_loop3A_513 : vector<16xf32>
      %parallel_loop3A_515 = arith.constant 1.000000e+00 : f32
      %parallel_loop3A_516 = vector.broadcast %parallel_loop3A_515 : f32 to vector<16xf32>
      %parallel_loop3A_517 = arith.addf %parallel_loop3A_516, %parallel_loop3A_514 : vector<16xf32>
      %parallel_loop3A_518 = arith.constant 1.000000e+00 : f32
      %parallel_loop3A_519 = vector.broadcast %parallel_loop3A_518 : f32 to vector<16xf32>
      %parallel_loop3A_520 = arith.divf %parallel_loop3A_519, %parallel_loop3A_517 : vector<16xf32>
      %parallel_loop3A_521 = arith.constant 1 : i32
      %parallel_loop3A_522 = arith.index_cast %parallel_loop3A_521 : i32 to index
      %parallel_loop3A_523 = arith.index_cast %parallel_loop3A_504 : i32 to index
      %parallel_loop3A_524 = arith.constant 0 : index
      %parallel_loop3A_525 = tpu.vector_load %arg6[%parallel_loop3A_522, %parallel_loop3A_523, %parallel_loop3A_524] {strides = array<i32>} : memref<3x64x128xf32, #tpu.memory_space<vmem>>, vector<1x1x16xf32>,
      %parallel_loop3A_526 = vector.shape_cast %parallel_loop3A_525 : vector<1x1x16xf32> to vector<16xf32>
      %parallel_loop3A_527 = vector.shape_cast %parallel_loop3A_520 : vector<16xf32> to vector<1x1x16xf32>
      tpu.vector_store %arg6[%parallel_loop3A_522, %parallel_loop3A_523, %parallel_loop3A_524], %parallel_loop3A_527 {strides = array<i32>} : memref<3x64x128xf32, #tpu.memory_space<vmem>>, vector<1x1x16xf32>,
      %parallel_loop3A_528 = arith.constant 1 : i32
      %parallel_loop3A_529 = arith.index_cast %parallel_loop3A_528 : i32 to index
      %parallel_loop3A_530 = arith.index_cast %parallel_loop3A_504 : i32 to index
      %parallel_loop3A_531 = arith.constant 16 : index
      %parallel_loop3A_532 = tpu.vector_load %arg6[%parallel_loop3A_529, %parallel_loop3A_530, %parallel_loop3A_531] {strides = array<i32>} : memref<3x64x128xf32, #tpu.memory_space<vmem>>, vector<1x1x16xf32>,
      %parallel_loop3A_533 = vector.shape_cast %parallel_loop3A_532 : vector<1x1x16xf32> to vector<16xf32>
      %parallel_loop3A_534 = arith.constant -1.000000e+00 : f32
      %parallel_loop3A_535 = vector.broadcast %parallel_loop3A_534 : f32 to vector<16xf32>
      %parallel_loop3A_536 = arith.mulf %parallel_loop3A_533, %parallel_loop3A_535 : vector<16xf32>
      %parallel_loop3A_537 = math.exp %parallel_loop3A_536 : vector<16xf32>
      %parallel_loop3A_538 = arith.constant 1.000000e+00 : f32
      %parallel_loop3A_539 = vector.broadcast %parallel_loop3A_538 : f32 to vector<16xf32>
      %parallel_loop3A_540 = arith.addf %parallel_loop3A_539, %parallel_loop3A_537 : vector<16xf32>
      %parallel_loop3A_541 = arith.constant 1.000000e+00 : f32
      %parallel_loop3A_542 = vector.broadcast %parallel_loop3A_541 : f32 to vector<16xf32>
      %parallel_loop3A_543 = arith.divf %parallel_loop3A_542, %parallel_loop3A_540 : vector<16xf32>
      %parallel_loop3A_544 = arith.constant 1 : i32
      %parallel_loop3A_545 = arith.index_cast %parallel_loop3A_544 : i32 to index
      %parallel_loop3A_546 = arith.index_cast %parallel_loop3A_504 : i32 to index
      %parallel_loop3A_547 = arith.constant 16 : index
      %parallel_loop3A_548 = tpu.vector_load %arg6[%parallel_loop3A_545, %parallel_loop3A_546, %parallel_loop3A_547] {strides = array<i32>} : memref<3x64x128xf32, #tpu.memory_space<vmem>>, vector<1x1x16xf32>,
      %parallel_loop3A_549 = vector.shape_cast %parallel_loop3A_548 : vector<1x1x16xf32> to vector<16xf32>
      %parallel_loop3A_550 = vector.shape_cast %parallel_loop3A_543 : vector<16xf32> to vector<1x1x16xf32>
      tpu.vector_store %arg6[%parallel_loop3A_545, %parallel_loop3A_546, %parallel_loop3A_547], %parallel_loop3A_550 {strides = array<i32>} : memref<3x64x128xf32, #tpu.memory_space<vmem>>, vector<1x1x16xf32>,
      %parallel_loop3A_551 = arith.constant 1 : i32
      %parallel_loop3A_552 = arith.index_cast %parallel_loop3A_551 : i32 to index
      %parallel_loop3A_553 = arith.index_cast %parallel_loop3A_504 : i32 to index
      %parallel_loop3A_554 = arith.constant 32 : index
      %parallel_loop3A_555 = tpu.vector_load %arg6[%parallel_loop3A_552, %parallel_loop3A_553, %parallel_loop3A_554] {strides = array<i32>} : memref<3x64x128xf32, #tpu.memory_space<vmem>>, vector<1x1x16xf32>,
      %parallel_loop3A_556 = vector.shape_cast %parallel_loop3A_555 : vector<1x1x16xf32> to vector<16xf32>
      %parallel_loop3A_557 = arith.constant -1.000000e+00 : f32
      %parallel_loop3A_558 = vector.broadcast %parallel_loop3A_557 : f32 to vector<16xf32>
      %parallel_loop3A_559 = arith.mulf %parallel_loop3A_556, %parallel_loop3A_558 : vector<16xf32>
      %parallel_loop3A_560 = math.exp %parallel_loop3A_559 : vector<16xf32>
      %parallel_loop3A_561 = arith.constant 1.000000e+00 : f32
      %parallel_loop3A_562 = vector.broadcast %parallel_loop3A_561 : f32 to vector<16xf32>
      %parallel_loop3A_563 = arith.addf %parallel_loop3A_562, %parallel_loop3A_560 : vector<16xf32>
      %parallel_loop3A_564 = arith.constant 1.000000e+00 : f32
      %parallel_loop3A_565 = vector.broadcast %parallel_loop3A_564 : f32 to vector<16xf32>
      %parallel_loop3A_566 = arith.divf %parallel_loop3A_565, %parallel_loop3A_563 : vector<16xf32>
      %parallel_loop3A_567 = arith.constant 1 : i32
      %parallel_loop3A_568 = arith.index_cast %parallel_loop3A_567 : i32 to index
      %parallel_loop3A_569 = arith.index_cast %parallel_loop3A_504 : i32 to index
      %parallel_loop3A_570 = arith.constant 32 : index
      %parallel_loop3A_571 = tpu.vector_load %arg6[%parallel_loop3A_568, %parallel_loop3A_569, %parallel_loop3A_570] {strides = array<i32>} : memref<3x64x128xf32, #tpu.memory_space<vmem>>, vector<1x1x16xf32>,
      %parallel_loop3A_572 = vector.shape_cast %parallel_loop3A_571 : vector<1x1x16xf32> to vector<16xf32>
      %parallel_loop3A_573 = vector.shape_cast %parallel_loop3A_566 : vector<16xf32> to vector<1x1x16xf32>
      tpu.vector_store %arg6[%parallel_loop3A_568, %parallel_loop3A_569, %parallel_loop3A_570], %parallel_loop3A_573 {strides = array<i32>} : memref<3x64x128xf32, #tpu.memory_space<vmem>>, vector<1x1x16xf32>,
      %parallel_loop3A_574 = arith.constant 1 : i32
      %parallel_loop3A_575 = arith.index_cast %parallel_loop3A_574 : i32 to index
      %parallel_loop3A_576 = arith.index_cast %parallel_loop3A_504 : i32 to index
      %parallel_loop3A_577 = arith.constant 48 : index
      %parallel_loop3A_578 = tpu.vector_load %arg6[%parallel_loop3A_575, %parallel_loop3A_576, %parallel_loop3A_577] {strides = array<i32>} : memref<3x64x128xf32, #tpu.memory_space<vmem>>, vector<1x1x16xf32>,
      %parallel_loop3A_579 = vector.shape_cast %parallel_loop3A_578 : vector<1x1x16xf32> to vector<16xf32>
      %parallel_loop3A_580 = arith.constant -1.000000e+00 : f32
      %parallel_loop3A_581 = vector.broadcast %parallel_loop3A_580 : f32 to vector<16xf32>
      %parallel_loop3A_582 = arith.mulf %parallel_loop3A_579, %parallel_loop3A_581 : vector<16xf32>
      %parallel_loop3A_583 = math.exp %parallel_loop3A_582 : vector<16xf32>
      %parallel_loop3A_584 = arith.constant 1.000000e+00 : f32
      %parallel_loop3A_585 = vector.broadcast %parallel_loop3A_584 : f32 to vector<16xf32>
      %parallel_loop3A_586 = arith.addf %parallel_loop3A_585, %parallel_loop3A_583 : vector<16xf32>
      %parallel_loop3A_587 = arith.constant 1.000000e+00 : f32
      %parallel_loop3A_588 = vector.broadcast %parallel_loop3A_587 : f32 to vector<16xf32>
      %parallel_loop3A_589 = arith.divf %parallel_loop3A_588, %parallel_loop3A_586 : vector<16xf32>
      %parallel_loop3A_590 = arith.constant 1 : i32
      %parallel_loop3A_591 = arith.index_cast %parallel_loop3A_590 : i32 to index
      %parallel_loop3A_592 = arith.index_cast %parallel_loop3A_504 : i32 to index
      %parallel_loop3A_593 = arith.constant 48 : index
      %parallel_loop3A_594 = tpu.vector_load %arg6[%parallel_loop3A_591, %parallel_loop3A_592, %parallel_loop3A_593] {strides = array<i32>} : memref<3x64x128xf32, #tpu.memory_space<vmem>>, vector<1x1x16xf32>,
      %parallel_loop3A_595 = vector.shape_cast %parallel_loop3A_594 : vector<1x1x16xf32> to vector<16xf32>
      %parallel_loop3A_596 = vector.shape_cast %parallel_loop3A_589 : vector<16xf32> to vector<1x1x16xf32>
      tpu.vector_store %arg6[%parallel_loop3A_591, %parallel_loop3A_592, %parallel_loop3A_593], %parallel_loop3A_596 {strides = array<i32>} : memref<3x64x128xf32, #tpu.memory_space<vmem>>, vector<1x1x16xf32>,
      %parallel_loop3A_597 = arith.constant 1 : i32
      %parallel_loop3A_598 = arith.index_cast %parallel_loop3A_597 : i32 to index
      %parallel_loop3A_599 = arith.index_cast %parallel_loop3A_504 : i32 to index
      %parallel_loop3A_600 = arith.constant 64 : index
      %parallel_loop3A_601 = tpu.vector_load %arg6[%parallel_loop3A_598, %parallel_loop3A_599, %parallel_loop3A_600] {strides = array<i32>} : memref<3x64x128xf32, #tpu.memory_space<vmem>>, vector<1x1x16xf32>,
      %parallel_loop3A_602 = vector.shape_cast %parallel_loop3A_601 : vector<1x1x16xf32> to vector<16xf32>
      %parallel_loop3A_603 = arith.constant -1.000000e+00 : f32
      %parallel_loop3A_604 = vector.broadcast %parallel_loop3A_603 : f32 to vector<16xf32>
      %parallel_loop3A_605 = arith.mulf %parallel_loop3A_602, %parallel_loop3A_604 : vector<16xf32>
      %parallel_loop3A_606 = math.exp %parallel_loop3A_605 : vector<16xf32>
      %parallel_loop3A_607 = arith.constant 1.000000e+00 : f32
      %parallel_loop3A_608 = vector.broadcast %parallel_loop3A_607 : f32 to vector<16xf32>
      %parallel_loop3A_609 = arith.addf %parallel_loop3A_608, %parallel_loop3A_606 : vector<16xf32>
      %parallel_loop3A_610 = arith.constant 1.000000e+00 : f32
      %parallel_loop3A_611 = vector.broadcast %parallel_loop3A_610 : f32 to vector<16xf32>
      %parallel_loop3A_612 = arith.divf %parallel_loop3A_611, %parallel_loop3A_609 : vector<16xf32>
      %parallel_loop3A_613 = arith.constant 1 : i32
      %parallel_loop3A_614 = arith.index_cast %parallel_loop3A_613 : i32 to index
      %parallel_loop3A_615 = arith.index_cast %parallel_loop3A_504 : i32 to index
      %parallel_loop3A_616 = arith.constant 64 : index
      %parallel_loop3A_617 = tpu.vector_load %arg6[%parallel_loop3A_614, %parallel_loop3A_615, %parallel_loop3A_616] {strides = array<i32>} : memref<3x64x128xf32, #tpu.memory_space<vmem>>, vector<1x1x16xf32>,
      %parallel_loop3A_618 = vector.shape_cast %parallel_loop3A_617 : vector<1x1x16xf32> to vector<16xf32>
      %parallel_loop3A_619 = vector.shape_cast %parallel_loop3A_612 : vector<16xf32> to vector<1x1x16xf32>
      tpu.vector_store %arg6[%parallel_loop3A_614, %parallel_loop3A_615, %parallel_loop3A_616], %parallel_loop3A_619 {strides = array<i32>} : memref<3x64x128xf32, #tpu.memory_space<vmem>>, vector<1x1x16xf32>,
      %parallel_loop3A_620 = arith.constant 1 : i32
      %parallel_loop3A_621 = arith.index_cast %parallel_loop3A_620 : i32 to index
      %parallel_loop3A_622 = arith.index_cast %parallel_loop3A_504 : i32 to index
      %parallel_loop3A_623 = arith.constant 80 : index
      %parallel_loop3A_624 = tpu.vector_load %arg6[%parallel_loop3A_621, %parallel_loop3A_622, %parallel_loop3A_623] {strides = array<i32>} : memref<3x64x128xf32, #tpu.memory_space<vmem>>, vector<1x1x16xf32>,
      %parallel_loop3A_625 = vector.shape_cast %parallel_loop3A_624 : vector<1x1x16xf32> to vector<16xf32>
      %parallel_loop3A_626 = arith.constant -1.000000e+00 : f32
      %parallel_loop3A_627 = vector.broadcast %parallel_loop3A_626 : f32 to vector<16xf32>
      %parallel_loop3A_628 = arith.mulf %parallel_loop3A_625, %parallel_loop3A_627 : vector<16xf32>
      %parallel_loop3A_629 = math.exp %parallel_loop3A_628 : vector<16xf32>
      %parallel_loop3A_630 = arith.constant 1.000000e+00 : f32
      %parallel_loop3A_631 = vector.broadcast %parallel_loop3A_630 : f32 to vector<16xf32>
      %parallel_loop3A_632 = arith.addf %parallel_loop3A_631, %parallel_loop3A_629 : vector<16xf32>
      %parallel_loop3A_633 = arith.constant 1.000000e+00 : f32
      %parallel_loop3A_634 = vector.broadcast %parallel_loop3A_633 : f32 to vector<16xf32>
      %parallel_loop3A_635 = arith.divf %parallel_loop3A_634, %parallel_loop3A_632 : vector<16xf32>
      %parallel_loop3A_636 = arith.constant 1 : i32
      %parallel_loop3A_637 = arith.index_cast %parallel_loop3A_636 : i32 to index
      %parallel_loop3A_638 = arith.index_cast %parallel_loop3A_504 : i32 to index
      %parallel_loop3A_639 = arith.constant 80 : index
      %parallel_loop3A_640 = tpu.vector_load %arg6[%parallel_loop3A_637, %parallel_loop3A_638, %parallel_loop3A_639] {strides = array<i32>} : memref<3x64x128xf32, #tpu.memory_space<vmem>>, vector<1x1x16xf32>,
      %parallel_loop3A_641 = vector.shape_cast %parallel_loop3A_640 : vector<1x1x16xf32> to vector<16xf32>
      %parallel_loop3A_642 = vector.shape_cast %parallel_loop3A_635 : vector<16xf32> to vector<1x1x16xf32>
      tpu.vector_store %arg6[%parallel_loop3A_637, %parallel_loop3A_638, %parallel_loop3A_639], %parallel_loop3A_642 {strides = array<i32>} : memref<3x64x128xf32, #tpu.memory_space<vmem>>, vector<1x1x16xf32>,
      %parallel_loop3A_643 = arith.constant 1 : i32
      %parallel_loop3A_644 = arith.index_cast %parallel_loop3A_643 : i32 to index
      %parallel_loop3A_645 = arith.index_cast %parallel_loop3A_504 : i32 to index
      %parallel_loop3A_646 = arith.constant 96 : index
      %parallel_loop3A_647 = tpu.vector_load %arg6[%parallel_loop3A_644, %parallel_loop3A_645, %parallel_loop3A_646] {strides = array<i32>} : memref<3x64x128xf32, #tpu.memory_space<vmem>>, vector<1x1x16xf32>,
      %parallel_loop3A_648 = vector.shape_cast %parallel_loop3A_647 : vector<1x1x16xf32> to vector<16xf32>
      %parallel_loop3A_649 = arith.constant -1.000000e+00 : f32
      %parallel_loop3A_650 = vector.broadcast %parallel_loop3A_649 : f32 to vector<16xf32>
      %parallel_loop3A_651 = arith.mulf %parallel_loop3A_648, %parallel_loop3A_650 : vector<16xf32>
      %parallel_loop3A_652 = math.exp %parallel_loop3A_651 : vector<16xf32>
      %parallel_loop3A_653 = arith.constant 1.000000e+00 : f32
      %parallel_loop3A_654 = vector.broadcast %parallel_loop3A_653 : f32 to vector<16xf32>
      %parallel_loop3A_655 = arith.addf %parallel_loop3A_654, %parallel_loop3A_652 : vector<16xf32>
      %parallel_loop3A_656 = arith.constant 1.000000e+00 : f32
      %parallel_loop3A_657 = vector.broadcast %parallel_loop3A_656 : f32 to vector<16xf32>
      %parallel_loop3A_658 = arith.divf %parallel_loop3A_657, %parallel_loop3A_655 : vector<16xf32>
      %parallel_loop3A_659 = arith.constant 1 : i32
      %parallel_loop3A_660 = arith.index_cast %parallel_loop3A_659 : i32 to index
      %parallel_loop3A_661 = arith.index_cast %parallel_loop3A_504 : i32 to index
      %parallel_loop3A_662 = arith.constant 96 : index
      %parallel_loop3A_663 = tpu.vector_load %arg6[%parallel_loop3A_660, %parallel_loop3A_661, %parallel_loop3A_662] {strides = array<i32>} : memref<3x64x128xf32, #tpu.memory_space<vmem>>, vector<1x1x16xf32>,
      %parallel_loop3A_664 = vector.shape_cast %parallel_loop3A_663 : vector<1x1x16xf32> to vector<16xf32>
      %parallel_loop3A_665 = vector.shape_cast %parallel_loop3A_658 : vector<16xf32> to vector<1x1x16xf32>
      tpu.vector_store %arg6[%parallel_loop3A_660, %parallel_loop3A_661, %parallel_loop3A_662], %parallel_loop3A_665 {strides = array<i32>} : memref<3x64x128xf32, #tpu.memory_space<vmem>>, vector<1x1x16xf32>,
      %parallel_loop3A_666 = arith.constant 1 : i32
      %parallel_loop3A_667 = arith.index_cast %parallel_loop3A_666 : i32 to index
      %parallel_loop3A_668 = arith.index_cast %parallel_loop3A_504 : i32 to index
      %parallel_loop3A_669 = arith.constant 112 : index
      %parallel_loop3A_670 = tpu.vector_load %arg6[%parallel_loop3A_667, %parallel_loop3A_668, %parallel_loop3A_669] {strides = array<i32>} : memref<3x64x128xf32, #tpu.memory_space<vmem>>, vector<1x1x16xf32>,
      %parallel_loop3A_671 = vector.shape_cast %parallel_loop3A_670 : vector<1x1x16xf32> to vector<16xf32>
      %parallel_loop3A_672 = arith.constant -1.000000e+00 : f32
      %parallel_loop3A_673 = vector.broadcast %parallel_loop3A_672 : f32 to vector<16xf32>
      %parallel_loop3A_674 = arith.mulf %parallel_loop3A_671, %parallel_loop3A_673 : vector<16xf32>
      %parallel_loop3A_675 = math.exp %parallel_loop3A_674 : vector<16xf32>
      %parallel_loop3A_676 = arith.constant 1.000000e+00 : f32
      %parallel_loop3A_677 = vector.broadcast %parallel_loop3A_676 : f32 to vector<16xf32>
      %parallel_loop3A_678 = arith.addf %parallel_loop3A_677, %parallel_loop3A_675 : vector<16xf32>
      %parallel_loop3A_679 = arith.constant 1.000000e+00 : f32
      %parallel_loop3A_680 = vector.broadcast %parallel_loop3A_679 : f32 to vector<16xf32>
      %parallel_loop3A_681 = arith.divf %parallel_loop3A_680, %parallel_loop3A_678 : vector<16xf32>
      %parallel_loop3A_682 = arith.constant 1 : i32
      %parallel_loop3A_683 = arith.index_cast %parallel_loop3A_682 : i32 to index
      %parallel_loop3A_684 = arith.index_cast %parallel_loop3A_504 : i32 to index
      %parallel_loop3A_685 = arith.constant 112 : index
      %parallel_loop3A_686 = tpu.vector_load %arg6[%parallel_loop3A_683, %parallel_loop3A_684, %parallel_loop3A_685] {strides = array<i32>} : memref<3x64x128xf32, #tpu.memory_space<vmem>>, vector<1x1x16xf32>,
      %parallel_loop3A_687 = vector.shape_cast %parallel_loop3A_686 : vector<1x1x16xf32> to vector<16xf32>
      %parallel_loop3A_688 = vector.shape_cast %parallel_loop3A_681 : vector<16xf32> to vector<1x1x16xf32>
      tpu.vector_store %arg6[%parallel_loop3A_683, %parallel_loop3A_684, %parallel_loop3A_685], %parallel_loop3A_688 {strides = array<i32>} : memref<3x64x128xf32, #tpu.memory_space<vmem>>, vector<1x1x16xf32>,
    } {sc.loop_unroll_factor = 4 : i64, sc.parallel_access}
    %add3A_438 = arith.constant 448 : i32
    %add3A_439 = arith.addi %mul3A_2, %add3A_438 : i32
    %dma_start3A_440 = arith.constant 1 : i32
    %dma_start3A_441 = arith.constant 1 : i32
    %dma_start3A_442 = arith.constant 0 : i32
    %dma_start3A_443 = arith.constant 0 : i32
    %dma_start3A_444 = tpu.memref_slice %arg6[%dma_start3A_440, %dma_start3A_442, %dma_start3A_443] : memref<3x64x128xf32, #tpu.memory_space<vmem>> -> memref<1x64x128xf32, #tpu.memory_space<vmem>>
    %dma_start3A_445 = tpu.memref_squeeze %dma_start3A_444 : memref<1x64x128xf32, #tpu.memory_space<vmem>> -> memref<64x128xf32, #tpu.memory_space<vmem>>
    %dma_start3A_446 = arith.constant 0 : i32
    %dma_start3A_447 = tpu.memref_slice %arg4[%add3A_439, %dma_start3A_446] : memref<16384x128xf32, #tpu.memory_space<hbm>> -> memref<64x128xf32, #tpu.memory_space<hbm>>
    %dma_start3A_448 = tpu.memref_slice %arg8[%dma_start3A_441] : memref<3x!tpu.dma_semaphore, #tpu.memory_space<semaphore_mem>> -> memref<1x!tpu.dma_semaphore, #tpu.memory_space<semaphore_mem>>
    %dma_start3A_449 = tpu.memref_squeeze %dma_start3A_448 : memref<1x!tpu.dma_semaphore, #tpu.memory_space<semaphore_mem>> -> memref<!tpu.dma_semaphore, #tpu.memory_space<semaphore_mem>>
    %dma_start3A_450 = arith.constant 0 : i32
    %dma_start3A_451 = tpu.memref_slice %arg4[%add3A_439, %dma_start3A_450] : memref<16384x128xf32, #tpu.memory_space<hbm>> -> memref<64x128xf32, #tpu.memory_space<hbm>>
    %dma_start3A_452 = arith.constant 0 : i32
    %dma_start3A_453 = arith.constant 0 : i32
    %dma_start3A_454 = tpu.memref_slice %arg6[%dma_start3A_440, %dma_start3A_452, %dma_start3A_453] : memref<3x64x128xf32, #tpu.memory_space<vmem>> -> memref<1x64x128xf32, #tpu.memory_space<vmem>>
    %dma_start3A_455 = tpu.memref_squeeze %dma_start3A_454 : memref<1x64x128xf32, #tpu.memory_space<vmem>> -> memref<64x128xf32, #tpu.memory_space<vmem>>
    tpu.enqueue_dma source(%dma_start3A_455 : memref<64x128xf32, #tpu.memory_space<vmem>>) target(%dma_start3A_451 : memref<64x128xf32, #tpu.memory_space<hbm>>) target_semaphore(%dma_start3A_449 : memref<!tpu.dma_semaphore, #tpu.memory_space<semaphore_mem>>)
    %dma_wait3A_456 = arith.constant 2 : i32
    %dma_wait3A_457 = arith.constant 2 : i32
    %dma_wait3A_458 = arith.constant 0 : i32
    %dma_wait3A_459 = arith.constant 0 : i32
    %dma_wait3A_460 = tpu.memref_slice %arg6[%dma_wait3A_456, %dma_wait3A_458, %dma_wait3A_459] : memref<3x64x128xf32, #tpu.memory_space<vmem>> -> memref<1x64x128xf32, #tpu.memory_space<vmem>>
    %dma_wait3A_461 = tpu.memref_squeeze %dma_wait3A_460 : memref<1x64x128xf32, #tpu.memory_space<vmem>> -> memref<64x128xf32, #tpu.memory_space<vmem>>
    %dma_wait3A_462 = arith.constant 0 : i32
    %dma_wait3A_463 = tpu.memref_slice %arg4[%add3A_371, %dma_wait3A_462] : memref<16384x128xf32, #tpu.memory_space<hbm>> -> memref<64x128xf32, #tpu.memory_space<hbm>>
    %dma_wait3A_464 = tpu.memref_slice %arg8[%dma_wait3A_457] : memref<3x!tpu.dma_semaphore, #tpu.memory_space<semaphore_mem>> -> memref<1x!tpu.dma_semaphore, #tpu.memory_space<semaphore_mem>>
    %dma_wait3A_465 = tpu.memref_squeeze %dma_wait3A_464 : memref<1x!tpu.dma_semaphore, #tpu.memory_space<semaphore_mem>> -> memref<!tpu.dma_semaphore, #tpu.memory_space<semaphore_mem>>
    %dma_wait3A_466 = arith.constant 0 : i32
    %dma_wait3A_467 = tpu.memref_slice %arg4[%add3A_371, %dma_wait3A_466] : memref<16384x128xf32, #tpu.memory_space<hbm>> -> memref<64x128xf32, #tpu.memory_space<hbm>>
    %dma_wait3A_468 = arith.constant 0 : i32
    %dma_wait3A_469 = arith.constant 0 : i32
    %dma_wait3A_470 = tpu.memref_slice %arg6[%dma_wait3A_456, %dma_wait3A_468, %dma_wait3A_469] : memref<3x64x128xf32, #tpu.memory_space<vmem>> -> memref<1x64x128xf32, #tpu.memory_space<vmem>>
    %dma_wait3A_471 = tpu.memref_squeeze %dma_wait3A_470 : memref<1x64x128xf32, #tpu.memory_space<vmem>> -> memref<64x128xf32, #tpu.memory_space<vmem>>
    tpu.wait_dma2 semaphore(%dma_wait3A_465 : memref<!tpu.dma_semaphore, #tpu.memory_space<semaphore_mem>>) src(%dma_wait3A_471 : memref<64x128xf32, #tpu.memory_space<vmem>>) dst(%dma_wait3A_467 : memref<64x128xf32, #tpu.memory_space<hbm>>)
    %dma_wait3A_472 = arith.constant 0 : i32
    %dma_wait3A_473 = arith.constant 0 : i32
    %dma_wait3A_474 = arith.constant 0 : i32
    %dma_wait3A_475 = arith.constant 0 : i32
    %dma_wait3A_476 = tpu.memref_slice %arg6[%dma_wait3A_472, %dma_wait3A_474, %dma_wait3A_475] : memref<3x64x128xf32, #tpu.memory_space<vmem>> -> memref<1x64x128xf32, #tpu.memory_space<vmem>>
    %dma_wait3A_477 = tpu.memref_squeeze %dma_wait3A_476 : memref<1x64x128xf32, #tpu.memory_space<vmem>> -> memref<64x128xf32, #tpu.memory_space<vmem>>
    %dma_wait3A_478 = arith.constant 0 : i32
    %dma_wait3A_479 = tpu.memref_slice %arg4[%add3A_405, %dma_wait3A_478] : memref<16384x128xf32, #tpu.memory_space<hbm>> -> memref<64x128xf32, #tpu.memory_space<hbm>>
    %dma_wait3A_480 = tpu.memref_slice %arg8[%dma_wait3A_473] : memref<3x!tpu.dma_semaphore, #tpu.memory_space<semaphore_mem>> -> memref<1x!tpu.dma_semaphore, #tpu.memory_space<semaphore_mem>>
    %dma_wait3A_481 = tpu.memref_squeeze %dma_wait3A_480 : memref<1x!tpu.dma_semaphore, #tpu.memory_space<semaphore_mem>> -> memref<!tpu.dma_semaphore, #tpu.memory_space<semaphore_mem>>
    %dma_wait3A_482 = arith.constant 0 : i32
    %dma_wait3A_483 = tpu.memref_slice %arg4[%add3A_405, %dma_wait3A_482] : memref<16384x128xf32, #tpu.memory_space<hbm>> -> memref<64x128xf32, #tpu.memory_space<hbm>>
    %dma_wait3A_484 = arith.constant 0 : i32
    %dma_wait3A_485 = arith.constant 0 : i32
    %dma_wait3A_486 = tpu.memref_slice %arg6[%dma_wait3A_472, %dma_wait3A_484, %dma_wait3A_485] : memref<3x64x128xf32, #tpu.memory_space<vmem>> -> memref<1x64x128xf32, #tpu.memory_space<vmem>>
    %dma_wait3A_487 = tpu.memref_squeeze %dma_wait3A_486 : memref<1x64x128xf32, #tpu.memory_space<vmem>> -> memref<64x128xf32, #tpu.memory_space<vmem>>
    tpu.wait_dma2 semaphore(%dma_wait3A_481 : memref<!tpu.dma_semaphore, #tpu.memory_space<semaphore_mem>>) src(%dma_wait3A_487 : memref<64x128xf32, #tpu.memory_space<vmem>>) dst(%dma_wait3A_483 : memref<64x128xf32, #tpu.memory_space<hbm>>)
    %dma_wait3A_488 = arith.constant 1 : i32
    %dma_wait3A_489 = arith.constant 1 : i32
    %dma_wait3A_490 = arith.constant 0 : i32
    %dma_wait3A_491 = arith.constant 0 : i32
    %dma_wait3A_492 = tpu.memref_slice %arg6[%dma_wait3A_488, %dma_wait3A_490, %dma_wait3A_491] : memref<3x64x128xf32, #tpu.memory_space<vmem>> -> memref<1x64x128xf32, #tpu.memory_space<vmem>>
    %dma_wait3A_493 = tpu.memref_squeeze %dma_wait3A_492 : memref<1x64x128xf32, #tpu.memory_space<vmem>> -> memref<64x128xf32, #tpu.memory_space<vmem>>
    %dma_wait3A_494 = arith.constant 0 : i32
    %dma_wait3A_495 = tpu.memref_slice %arg4[%add3A_439, %dma_wait3A_494] : memref<16384x128xf32, #tpu.memory_space<hbm>> -> memref<64x128xf32, #tpu.memory_space<hbm>>
    %dma_wait3A_496 = tpu.memref_slice %arg8[%dma_wait3A_489] : memref<3x!tpu.dma_semaphore, #tpu.memory_space<semaphore_mem>> -> memref<1x!tpu.dma_semaphore, #tpu.memory_space<semaphore_mem>>
    %dma_wait3A_497 = tpu.memref_squeeze %dma_wait3A_496 : memref<1x!tpu.dma_semaphore, #tpu.memory_space<semaphore_mem>> -> memref<!tpu.dma_semaphore, #tpu.memory_space<semaphore_mem>>
    %dma_wait3A_498 = arith.constant 0 : i32
    %dma_wait3A_499 = tpu.memref_slice %arg4[%add3A_439, %dma_wait3A_498] : memref<16384x128xf32, #tpu.memory_space<hbm>> -> memref<64x128xf32, #tpu.memory_space<hbm>>
    %dma_wait3A_500 = arith.constant 0 : i32
    %dma_wait3A_501 = arith.constant 0 : i32
    %dma_wait3A_502 = tpu.memref_slice %arg6[%dma_wait3A_488, %dma_wait3A_500, %dma_wait3A_501] : memref<3x64x128xf32, #tpu.memory_space<vmem>> -> memref<1x64x128xf32, #tpu.memory_space<vmem>>
    %dma_wait3A_503 = tpu.memref_squeeze %dma_wait3A_502 : memref<1x64x128xf32, #tpu.memory_space<vmem>> -> memref<64x128xf32, #tpu.memory_space<vmem>>
    tpu.wait_dma2 semaphore(%dma_wait3A_497 : memref<!tpu.dma_semaphore, #tpu.memory_space<semaphore_mem>>) src(%dma_wait3A_503 : memref<64x128xf32, #tpu.memory_space<vmem>>) dst(%dma_wait3A_499 : memref<64x128xf32, #tpu.memory_space<hbm>>)
    return
  }
}

</mosaic_0001>

<sc_bundles>
// kernel: kernel.3.cloned.1.call-start
scs
__scs_entry_jumppad:
0x0: {  	(pc) =	sbr.rel $0x88, $3  }
0x1: {  	(tag) =	ssettag $0x0;
	lr =	simm.s32 $0x1  }
0x2: {  	[smem:$0x3F9F] =	sst lr;
	_ =	strace $0xD0000000  }
0x3: {  	_ = 	snop  }
0x4: {  	_ = 	snop  }
0x5: {  	_ = 	snop  }
0x6: {  	_ = 	snop  }
0x7: {  	_ = 	snop  }
__scs_overlays_trampoline_lowered:
0x8: {  	[smem:$0x3FAE] =	sst s0  }
0x9: {  	[smem:$0x3FAF] =	sst s1  }
0xa: {  	[smem:$0x3FB0] =	sst s2  }
0xb: {  	[smem:$0x3FB1] =	sst s3  }
0xc: {  	[smem:$0x3FB2] =	sst s4  }
0xd: {  	[smem:$0x3FB3] =	sst s5  }
0xe: {  	[smem:$0x3FB4] =	sst s6  }
0xf: {  	[smem:$0x3FB5] =	sst s7  }
0x10: {  	[smem:$0x3FB6] =	sst s8  }
0x11: {  	[smem:$0x3FB7] =	sst s9;
	s0 =	simm.s32 @!p0 $0x0  }
0x12: {  	s1 =	sld [smem:$0x3F9D];
	s0 =	simm.s32 @p0 $0x1  }
0x13: {  	[smem:$0x3FB8] =	sst s0;
	s0 =	simm.s32 @!p1 $0x0  }
0x14: {  	s2 =	sld [smem:$0x3F9C];
	s0 =	simm.s32 @p1 $0x1  }
0x15: {  	[smem:$0x3FB9] =	sst s0;
	s0 =	simm.s32 @!p2 $0x0  }
0x16: {  	s3 =	sld [smem:$0x3FDB];
	s0 =	simm.s32 @p2 $0x1  }
0x17: {  	s4 =	simm.s32 $0x1BF5;
	[smem:$0x3FBB] =	sst s0  }
0x18: {  	s0 =	sld [smem:$0x3F9E];
	_ =	swait.ge [sflag:s4], $0x0  }
0x19: {  	s7 =	sld [smem:$0x3F9F]  }
0x1a: {  	s8 =	sadd.s32 $0xFFFFE003, lr  }
0x1b: {  	s9 =	sadd.s32 $0xFFFFFEF7, lr;
	s5 =	simm.s32 $0xFFFFFFFF;
	p2 =	slt.u32 s8, $0xFFFFF086  }
0x1c: {  	p1 =	slt.u32 s9, $0xF7A;
	s5 =	simm.s32 @!p2 $0x0  }
0x1d: {  	s5 =	simm.s32 @p1 $0x1;
	p0 =	seq.s32 s7, s2  }
0x1e: {  	s7 =	smul.u32 @!p0 $0xF7A, s2;
	p2 =	seq.s32 @!p0 s5, $0x0  }
0x1f: {  	s9 =	smul.u32 $0xF7A, s1;
	s8 =	simm.s32 @!p0 $0x1BF5;
	p2 =	por !p2, p0  }
0x20: {  	[sflag:s8] =	ssyncset.s32 @!p0 $0xFFFFF086;
	s6 =	sadd.s32 @!p0 s3, s7;
	s7 =	simm.s32 @!p0 $0x108  }
0x21: {  	s3 =	sadd.s32 s3, s9;
	s6 =	sadd.s32 @!p0 $0x88, s6;
	s7 =	simm.s32 @p2 $0x1082  }
0x22: {  	[simem:s7], [sflag:s8] =	dma.local @!p0 [hbm:s6], $0xF7A  }
0x23: {  	s9 =	sor.u32 $0xD0000000, s2;
	s6 =	simm.s32 $0x108;
	_ =	swait.ge @!p0 [sflag:s8], $0x0  }
0x24: {  	s3 =	sadd.s32 $0x88, s3;
	s6 =	simm.s32 @!p1 $0x1082;
	[sflag:s4] =	ssyncset.s32 $0xFFFFF086  }
0x25: {  	[simem:s6], [sflag:s4] =	dma.local [hbm:s3], $0xF7A  }
0x26: {  	[smem:$0x3F9F] =	sst s1;
	(tag) =	ssettag s2;
	_ =	strace s9  }
0x27: {  	s1 =	sld [smem:$0x3FAF]  }
0x28: {  	s2 =	sld [smem:$0x3FB0]  }
0x29: {  	s4 =	sld [smem:$0x3FB2]  }
0x2a: {  	p0 =	seq.s32 s5, $0x0;
	s5 =	sld [smem:$0x3FB3]  }
0x2b: {  	s6 =	sld [smem:$0x3FB4]  }
0x2c: {  	s7 =	sld [smem:$0x3FB5]  }
0x2d: {  	s3 =	simm.s32 $0x108;
	s8 =	sld [smem:$0x3FB6]  }
0x2e: {  	s3 =	simm.s32 @!p0 $0x1082;
	s9 =	sld [smem:$0x3FB7]  }
0x2f: {  	lr =	sadd.s32 s0, s3;
	s0 =	sld [smem:$0x3FAE]  }
0x30: {  	s3 =	sld [smem:$0x3FB1]  }
0x31: {  	[smem:$0x3FBA] =	sst s10  }
0x32: {  	s10 =	sld [smem:$0x3FB8];
	_ =	sdelay $0x3  }
0x33: {  	p0 =	seq.s32 s10, $0x1;
	s10 =	sld [smem:$0x3FBA];
	_ =	sdelay $0x3  }
0x34: {  	[smem:$0x3FBA] =	sst s10  }
0x35: {  	s10 =	sld [smem:$0x3FB9];
	_ =	sdelay $0x3  }
0x36: {  	p1 =	seq.s32 s10, $0x1;
	s10 =	sld [smem:$0x3FBA];
	_ =	sdelay $0x3  }
0x37: {  	[smem:$0x3FBA] =	sst s10  }
0x38: {  	s10 =	sld [smem:$0x3FBB]  }
0x39: {  	_ = 	snop;
	(pc) =	sbr.ind lr, $3  }
0x3a: {  	_ = 	snop  }
0x3b: {  	_ = 	snop  }
0x3c: {  	p2 =	seq.s32 s10, $0x1;
	s10 =	sld [smem:$0x3FBA]  }
0x3d: {  	_ =	shalt  }
0x3e: {  	_ =	shalt  }
0x3f: {  	_ =	shalt  }
0x40: {  	_ =	shalt  }
0x41: {  	_ =	shalt  }
0x42: {  	_ =	shalt  }
0x43: {  	_ =	shalt  }
0x44: {  	_ =	shalt  }
0x45: {  	_ =	shalt  }
0x46: {  	_ =	shalt  }
0x47: {  	_ =	shalt  }
0x48: {  	_ =	shalt  }
0x49: {  	_ =	shalt  }
0x4a: {  	_ =	shalt  }
0x4b: {  	_ =	shalt  }
0x4c: {  	_ =	shalt  }
0x4d: {  	_ =	shalt  }
0x4e: {  	_ =	shalt  }
0x4f: {  	_ =	shalt  }
0x50: {  	_ =	shalt  }
0x51: {  	_ =	shalt  }
0x52: {  	_ =	shalt  }
0x53: {  	_ =	shalt  }
0x54: {  	_ =	shalt  }
0x55: {  	_ =	shalt  }
0x56: {  	_ =	shalt  }
0x57: {  	_ =	shalt  }
0x58: {  	_ =	shalt  }
0x59: {  	_ =	shalt  }
0x5a: {  	_ =	shalt  }
0x5b: {  	_ =	shalt  }
0x5c: {  	_ =	shalt  }
0x5d: {  	_ =	shalt  }
0x5e: {  	_ =	shalt  }
0x5f: {  	_ =	shalt  }
0x60: {  	_ =	shalt  }
0x61: {  	_ =	shalt  }
0x62: {  	_ =	shalt  }
0x63: {  	_ =	shalt  }
0x64: {  	_ =	shalt  }
0x65: {  	_ =	shalt  }
0x66: {  	_ =	shalt  }
0x67: {  	_ =	shalt  }
0x68: {  	_ =	shalt  }
0x69: {  	_ =	shalt  }
0x6a: {  	_ =	shalt  }
0x6b: {  	_ =	shalt  }
0x6c: {  	_ =	shalt  }
0x6d: {  	_ =	shalt  }
0x6e: {  	_ =	shalt  }
0x6f: {  	_ =	shalt  }
0x70: {  	_ =	shalt  }
0x71: {  	_ =	shalt  }
0x72: {  	_ =	shalt  }
0x73: {  	_ =	shalt  }
0x74: {  	_ =	shalt  }
0x75: {  	_ =	shalt  }
0x76: {  	_ =	shalt  }
0x77: {  	_ =	shalt  }
0x78: {  	_ =	shalt  }
0x79: {  	_ =	shalt  }
0x7a: {  	_ =	shalt  }
0x7b: {  	_ =	shalt  }
0x7c: {  	_ =	shalt  }
0x7d: {  	_ =	shalt  }
0x7e: {  	_ =	shalt  }
0x7f: {  	_ =	shalt  }
0x80: {  	_ =	shalt  }
0x81: {  	_ =	shalt  }
0x82: {  	_ =	shalt  }
0x83: {  	_ =	shalt  }
0x84: {  	_ =	shalt  }
0x85: {  	_ =	shalt  }
0x86: {  	_ =	shalt  }
0x87: {  	_ =	shalt  }
.Lfunc_end0:
.L_simem_size_0:
called_computation_lowered:
.L_overlay_start_0:
0x88: {  	s2 =	sld [smem:$0x3FD9]  }
0x89: {  	s3 =	sld [smem:$0x3FFE];
	_ =	sdelay $0x1  }
0x8a: {  	s1 =	srdreg.scid  }
0x8b: {  	s0 =	sand.u32 $0x1, s1  }
0x8c: {  	s18 =	sshll.u32 s0, $0xA;
	s2 =	sadd.s32 s3, s2  }
0x8d: {  	s2 =	sadd.s32 s2, s18  }
0x8e: {  	[smem:$0x3FC6] =	sst s2  }
0x8f: {  	_ = 	snop  }
0x90: {  	s2 =	sld [smem:$0x3FC9]  }
0x91: {  	s19 =	sld [smem:$0x3FC8]  }
0x92: {  	s4 =	sld [smem:$0x3FD0];
	(tm) =	ssettm $0x1  }
0x93: {  	s5 =	sld [smem:$0x3FFB];
	_ =	sdelay $0x3  }
0x94: {  	_ =	strace s5  }
0x95: {  	s5 =	sld [smem:$0x3FFC];
	_ =	sdelay $0x3  }
0x96: {  	_ =	strace s5  }
0x97: {  	s5 =	sld [smem:$0x3FFD];
	_ =	sdelay $0x3  }
0x98: {  	_ =	strace s5  }
0x99: {  	_ =	strace $0x8FFFFFFF  }
0x9a: {  	s20 =	sld [smem:$0x3FDB];
	_ =	sdelay $0x1  }
0x9b: {  	s6 =	simm.s32 $_scs_section_size  }
0x9c: {  	s7 =	simm.s32 $_size__tile_overlayer_lowered;
	s8 =	simm.s32 $_tile_overlayer_lowered  }
0x9d: {  	s23 =	simm.s32 $0x1BFF;
	s22 =	sshll.u32 s8, $0x1;
	s5 =	sadd.s32 s6, s20  }
0x9e: {  	s9 =	simm.s32 $0x0;
	s21 =	sshll.u32 s7, $0x1;
	s7 =	sadd.s32 s22, s5  }
0x9f: {  	[timem:s9], [sflag:s23] =	dma.local [hbm:s7], s21  }
0xa0: {  	_ =	swait.ge [sflag:s23], s21  }
0xa1: {  	s6 =	ssub.s32 $0x0, s21;
	[sflag:s23] =	ssyncset.done $0x0  }
0xa2: {  	[sflag:s23] =	ssyncadd.s32 s6;
	_ =	sdelay $0x1  }
0xa3: {  	s24 =	simm.s32 $0x1B8B  }
0xa4: {  	_ =	swait.ge [sflag:s24], $0x1  }
0xa5: {  	[sflag:s24] =	ssyncset.done $0x0  }
0xa6: {  	s25 =	simm.s32 $0x1B8E;
	[sflag:s24] =	ssyncadd.s32 $0xFFFFFFFF  }
0xa7: {  	s26 =	simm.s32 $execute0_lowered;
	[smem:$0x3FD2] =	sst s25  }
0xa8: {  	s6 =	sshll.u32 s26, $0x1;
	_ =	strace $0x80000046;
	[dreg:$0x1] =	wrdreg $0xFFFFFFFF  }
0xa9: {  	s28 =	simm.s32 $_size_execute0_lowered;
	s5 =	sadd.s32 s5, s6;
	[dreg:$0x0] =	wrdreg $0x0  }
0xaa: {  	s6 =	sshll.u32 s28, $0x1;
	[dreg:$0x2] =	wrdreg s5  }
0xab: {  	[dreg:$0x3] =	wrdreg s6  }
0xac: {  	[dreg:$0x4] =	wrdreg $0xC0  }
0xad: {  	_ =	task [dreg:s9], $0x5FFFF  }
0xae: {  	[dreg:$0x1] =	wrdreg $0xFFFFFFFF  }
0xaf: {  	[dreg:$0x0] =	wrdreg $0x60  }
0xb0: {  	[dreg:$0x2] =	wrdreg s2  }
0xb1: {  	[dreg:$0x3] =	wrdreg s19  }
0xb2: {  	[dreg:$0x4] =	wrdreg s4  }
0xb3: {  	[dreg:$0x5] =	wrdreg $0x9  }
0xb4: {  	_ =	task.clear_ibuf [dreg:s9], $0x6FFFF;
	_ =	strace $0x90000046  }
0xb5: {  	s29 =	simm.s32 $0x9;
	_ =	strace $0x80000048  }
0xb6: {  	_ =	swait.ge [sflag:s29], $0x1  }
0xb7: {  	[sflag:s29] =	ssyncadd.s32 $0xFFFFFFFF  }
0xb8: {  	_ =	strace $0x90000048  }
0xb9: {  	_ =	sfence  }
0xba: {  	s30 =	sld [smem:$0x0];
	_ =	sdelay $0x2  }
0xbb: {  	s31 =	sshll.u32 s1, $0xD;
	s1 =	sshrl.u32 s1, $0x2  }
0xbc: {  	s3 =	sand.u32 $0x4000, s31;
	s1 =	sadd.s32 s1, s30  }
0xbd: {  	s0 =	sor.u32 s3, s0;
	s1 =	sshll.u32 s1, $0x11  }
0xbe: {  	s0 =	sor.u32 s1, s0  }
0xbf: {  	s0 =	sadd.s32 $0x8F2B, s0  }
0xc0: {  	[sflag:s0] =	ssyncadd.remote.s32 $0x1  }
0xc1: {  	_ =	sfence.sel $0xFFFF  }
0xc2: {  	[dreg:$0x0] =	wrdreg $0xFFFFFFFF;
	(pc) =	sbr.abs _section_cstart, $3  }
0xc3: {  	[dreg:$0x1] =	wrdreg $0xFFFFFFFF  }
0xc4: {  	_ =	task.clear_ibuf [dreg:s9], $0x2FFFF;
	_ =	strace $0x9FFFFFFF  }
0xc5: {  	(tm) =	ssettm $0x7FFFFFFF  }
tec
execute0_lowered:
.L_overlay_start_1:
0x0: {  	(tag) =	ssettag $0x1  }
0x1: {  	s0 =	rddreg [dreg:$0x0]  }
0x2: {  	s2 =	rddreg [dreg:$0x1]  }
0x3: {  	s1 =	rddreg [dreg:$0x2];
	s3 =	srdreg.scid  }
0x4: {  	s5 =	stileid.u32;
	s14 =	simm.s32 $0x7;
	s15 =	simm.s32 $0x40  }
0x5: {  	s16 =	simm.s32 $0x200;
	s17 =	simm.s32 $0x2200;
	s19 =	simm.s32 $0x4200  }
0x6: {  	s20 =	simm.s32 $0x1;
	s21 =	simm.s32 $0x4;
	s23 =	simm.s32 $0x2  }
0x7: {  	s24 =	simm.s32 $0x5;
	s25 =	simm.s32 $0x100;
	s28 =	simm.s32 $0x6  }
0x8: {  	s29 =	simm.s32 $0x140;
	s30 =	simm.s32 $0x180;
	s31 =	simm.s32 $0x1C0  }
0x9: {  	s4 =	sand.u32 $0x1, s3;
	s3 =	simm.s32 $0x0;
	s5 =	sshll.u32 s5, $0xA  }
0xa: {  	s6 =	sshll.u32 s4, $0x9;
	[smem:$0x7FF] =	sst s3;
	s4 =	ssub.s32 $0x2, s4  }
0xb: {  	s5 =	sor.u32 s6, s5;
	_ =	strace $0x80000047;
	s26 =	sshrl.u32 s4, $0x1  }
0xc: {  	s7 =	sshll.u32 s5, $0x4;
	s13 =	ssub.s32 s4, s26;
	s5 =	sshrl.u32 s5, $0x3  }
0xd: {  	s26 =	simm.s32 $0x3;
	s4 =	sadd.s32 s1, s7;
	s5 =	sadd.s32 s0, s5  }
0xe: {  	s13 =	smax.u32 s13, $0x1;
	s0 =	simm.s32 $0x0;
	s6 =	sadd.s32 $0x400, s4  }
0xf: {  	s7 =	sadd.s32 $0x800, s4;
	s8 =	sadd.s32 $0xC00, s4;
	s9 =	sadd.s32 $0x1000, s4  }
0x10: {  	s10 =	sadd.s32 $0x1400, s4;
	s11 =	sadd.s32 $0x1800, s4;
	s12 =	sadd.s32 $0x1C00, s4  }
.LBB2_1:
0x11: {  	[tilespmem:s3], [sflag:$0x7] =	stream.linear.gather [hbm4b:s5+s3], $0x200, $0x38;
	[tilespmem:$0x6200] =	vst v63  }
0x12: {  	_ =	swait.ge [sflag:s14], $0x200  }
0x13: {  	[sflag:s14] =	ssyncset.done $0x0  }
0x14: {  	[sflag:s14] =	ssyncadd.s32 $0xFFFFFE00  }
0x15: {  	[tilespmem:s16], [sflag:$0x1] =	stream.indirect.gather [hbm4b:s2+s15], $0x80, s3, s15, $0xb8;
	[tilespmem:$0x6200] =	vst v63  }
0x16: {  	_ = 	snop  }
0x17: {  	[tilespmem:s17], [sflag:$0x2] =	stream.indirect.gather [hbm4b:s2+s15], $0x80, s15, s15, $0xb8;
	[tilespmem:$0x6200] =	vst v63  }
0x18: {  	s1 =	simm.s32 $0x80  }
0x19: {  	[tilespmem:s19], [sflag:$0x3] =	stream.indirect.gather [hbm4b:s2+s15], $0x80, s1, s15, $0xb8;
	[tilespmem:$0x6200] =	vst v63  }
0x1a: {  	_ =	swait.ge [sflag:s20], $0x2000  }
0x1b: {  	[sflag:s20] =	ssyncset.done $0x0  }
0x1c: {  	s1 =	simm.s32 $0x300;
	[sflag:s20] =	ssyncadd.s32 $0xFFFFE000  }
0x1d: {  	v0 =	vld [tilespmem:s1+$0xF0]  }
0x1e: {  	v1 =	vld [tilespmem:s1+$0xFFFFFF10]  }
0x1f: {  	v2 =	vld [tilespmem:s1+$0xFFFFFF20]  }
0x20: {  	v4 =	vld [tilespmem:s1+$0xFFFFFF40]  }
0x21: {  	v3 =	vld [tilespmem:s1+$0xFFFFFF30]  }
0x22: {  	v5 =	vld [tilespmem:s1+$0xFFFFFF50];
	v0 =	vmul.f32 $-1.442695020e+00, v0  }
0x23: {  	v6 =	vld [tilespmem:s1+$0xFFFFFF60];
	v1 =	vmul.f32 $-1.442695020e+00, v1  }
0x24: {  	v7 =	vld [tilespmem:s1+$0xFFFFFF70];
	v2 =	vmul.f32 $-1.442695020e+00, v2;
	(erf) = vpow2.f32 v0  }
0x25: {  	(erf) = vpow2.f32 v1;
	v1 =	vmul.f32 $-1.442695020e+00, v4;
	v4 =	vld [tilespmem:s1+$0xFFFFFF90]  }
0x26: {  	v0 =	vmul.f32 $-1.442695020e+00, v3;
	v3 =	vld [tilespmem:s1+$0xFFFFFF80]  }
0x27: {  	(erf) = vpow2.f32 v2;
	v2 =	vmul.f32 $-1.442695020e+00, v5  }
0x28: {  	v5 =	vld [tilespmem:s1+$0xFFFFFFA0];
	(erf) = vpow2.f32 v0;
	v0 =	vmul.f32 $-1.442695020e+00, v6  }
0x29: {  	v6 =	vld [tilespmem:s1+$0xFFFFFFB0];
	(erf) = vpow2.f32 v1;
	v1 =	vmul.f32 $-1.442695020e+00, v7  }
0x2a: {  	(erf) = vpow2.f32 v2;
	v2 =	vld [tilespmem:s1+$0xFFFFFFC0];
	v4 =	vmul.f32 $-1.442695020e+00, v4  }
0x2b: {  	v3 =	vmul.f32 $-1.442695020e+00, v3;
	(erf) = vpow2.f32 v0;
	v0 =	vld [tilespmem:s1+$0xFFFFFFD0]  }
0x2c: {  	(erf) = vpow2.f32 v1;
	v1 =	vld [tilespmem:s1+$0xFFFFFFE0]  }
0x2d: {  	v5 =	vmul.f32 $-1.442695020e+00, v5;
	(erf) = vpow2.f32 v3;
	v3 =	vld [tilespmem:s1+$0xFFFFFFF0]  }
0x2e: {  	v7 =	vld [tilespmem:s1+$0x0];
	v6 =	vmul.f32 $-1.442695020e+00, v6;
	(erf) = vpow2.f32 v4;
	v4 =	vpop (erf)  }
0x2f: {  	v2 =	vmul.f32 $-1.442695020e+00, v2;
	v4 =	vadd.f32 $1.000000000e+00, v4;
	v8 =	vpop (erf);
	(erf) = vpow2.f32 v5;
	v5 =	vld [tilespmem:s1+$0x10]  }
0x30: {  	v0 =	vmul.f32 $-1.442695020e+00, v0;
	v9 =	vpop (erf);
	(erf) = vpow2.f32 v6;
	v6 =	vld [tilespmem:s1+$0x20]  }
0x31: {  	v1 =	vmul.f32 $-1.442695020e+00, v1;
	v10 =	vpop (erf);
	(erf) = vrcp.f32 v4;
	v4 =	vld [tilespmem:s1+$0x30]  }
0x32: {  	v11 =	vpop (erf);
	(erf) = vpow2.f32 v2;
	v2 =	vmul.f32 $-1.442695020e+00, v3;
	v3 =	vld [tilespmem:s1+$0x40]  }
0x33: {  	v12 =	vpop (erf);
	(erf) = vpow2.f32 v0;
	v0 =	vmul.f32 $-1.442695020e+00, v7  }
0x34: {  	v7 =	vld [tilespmem:s1+$0x50];
	v13 =	vpop (erf);
	(erf) = vpow2.f32 v1;
	v1 =	vmul.f32 $-1.442695020e+00, v5  }
0x35: {  	v5 =	vld [tilespmem:s1+$0x60];
	(erf) = vpow2.f32 v2;
	v2 =	vmul.f32 $-1.442695020e+00, v6  }
0x36: {  	v14 =	vpop (erf);
	v6 =	vld [tilespmem:s1+$0x70];
	(erf) = vpow2.f32 v0;
	v0 =	vmul.f32 $-1.442695020e+00, v4  }
0x37: {  	v15 =	vpop (erf);
	v4 =	vld [tilespmem:s1+$0x80];
	(erf) = vpow2.f32 v1;
	v1 =	vmul.f32 $-1.442695020e+00, v3  }
0x38: {  	v16 =	vpop (erf);
	v3 =	vld [tilespmem:s1+$0x90]  }
0x39: {  	v17 =	vpop (erf);
	(erf) = vpow2.f32 v2;
	v2 =	vmul.f32 $-1.442695020e+00, v7;
	v7 =	vld [tilespmem:s1+$0xA0]  }
0x3a: {  	v18 =	vpop (erf);
	(erf) = vpow2.f32 v0;
	v0 =	vmul.f32 $-1.442695020e+00, v5;
	v5 =	vld [tilespmem:s1+$0xB0]  }
0x3b: {  	v19 =	vld [tilespmem:s1+$0xC0];
	(erf) = vpow2.f32 v1;
	v6 =	vmul.f32 $-1.442695020e+00, v6;
	v1 =	vpop (erf)  }
0x3c: {  	(erf) = vpow2.f32 v2;
	v2 =	vmul.f32 $-1.442695020e+00, v4;
	v4 =	vld [tilespmem:s1+$0xD0];
	v20 =	vpop (erf)  }
0x3d: {  	(erf) = vpow2.f32 v0;
	[tilespmem:s1+$0xF0] =	vst v1;
	v0 =	vmul.f32 $-1.442695020e+00, v3;
	v1 =	vld [tilespmem:s1+$0xFFFFFF00];
	v21 =	vpop (erf)  }
0x3e: {  	(erf) = vpow2.f32 v6;
	v7 =	vmul.f32 $-1.442695020e+00, v7;
	v3 =	vpop (erf)  }
0x3f: {  	v6 =	vld [tilespmem:s1+$0xE0];
	v22 =	vpop (erf);
	(erf) = vpow2.f32 v2;
	v2 =	vmul.f32 $-1.442695020e+00, v5  }
0x40: {  	v5 =	vpop (erf);
	(erf) = vpow2.f32 v0;
	v0 =	vmul.f32 $-1.442695020e+00, v19  }
0x41: {  	v4 =	vmul.f32 $-1.442695020e+00, v4;
	v35 =	vpop (erf);
	(erf) = vpow2.f32 v7  }
0x42: {  	v1 =	vmul.f32 $-1.442695020e+00, v1;
	v7 =	vpop (erf);
	(erf) = vpow2.f32 v2  }
0x43: {  	v2 =	vpop (erf);
	(erf) = vpow2.f32 v0  }
0x44: {  	v0 =	vmul.f32 $-1.442695020e+00, v6;
	(erf) = vpow2.f32 v4;
	v4 =	vadd.f32 $1.000000000e+00, v8  }
0x45: {  	v6 =	vpop (erf);
	v8 =	vadd.f32 $1.000000000e+00, v9;
	(erf) = vpow2.f32 v1  }
0x46: {  	v1 =	vpop (erf);
	(erf) = vpow2.f32 v0;
	v0 =	vadd.f32 $1.000000000e+00, v10  }
0x47: {  	v36 =	vpop (erf)  }
0x48: {  	(erf) = vrcp.f32 v4;
	v4 =	vpop (erf)  }
0x49: {  	v37 =	vadd.f32 $1.000000000e+00, v11;
	(erf) = vrcp.f32 v8;
	v8 =	vpop (erf)  }
0x4a: {  	v38 =	vadd.f32 $1.000000000e+00, v12;
	(erf) = vrcp.f32 v0;
	v0 =	vpop (erf)  }
0x4b: {  	v39 =	vadd.f32 $1.000000000e+00, v13;
	(erf) = vrcp.f32 v37;
	v40 =	vpop (erf)  }
0x4c: {  	v41 =	vadd.f32 $1.000000000e+00, v14;
	(erf) = vrcp.f32 v38;
	v42 =	vpop (erf)  }
0x4d: {  	v43 =	vadd.f32 $1.000000000e+00, v15;
	(erf) = vrcp.f32 v39;
	v44 =	vpop (erf)  }
0x4e: {  	v45 =	vadd.f32 $1.000000000e+00, v16;
	(erf) = vrcp.f32 v41;
	v46 =	vpop (erf)  }
0x4f: {  	v47 =	vadd.f32 $1.000000000e+00, v17;
	(erf) = vrcp.f32 v43;
	v48 =	vpop (erf)  }
0x50: {  	(erf) = vrcp.f32 v45;
	v49 =	vadd.f32 $1.000000000e+00, v48;
	v50 =	vpop (erf)  }
0x51: {  	v51 =	vadd.f32 $1.000000000e+00, v18;
	(erf) = vrcp.f32 v47;
	v52 =	vpop (erf)  }
0x52: {  	v53 =	vadd.f32 $1.000000000e+00, v20;
	[tilespmem:s1+$0xFFFFFF10] =	vst v52;
	(erf) = vrcp.f32 v49;
	v54 =	vpop (erf)  }
0x53: {  	v55 =	vadd.f32 $1.000000000e+00, v21;
	[tilespmem:s1+$0xFFFFFF20] =	vst v54;
	v56 =	vpop (erf);
	(erf) = vrcp.f32 v51  }
0x54: {  	v3 =	vadd.f32 $1.000000000e+00, v3;
	[tilespmem:s1+$0xFFFFFF30] =	vst v56;
	v57 =	vpop (erf);
	(erf) = vrcp.f32 v53  }
0x55: {  	v58 =	vadd.f32 $1.000000000e+00, v22;
	v5 =	vadd.f32 $1.000000000e+00, v5;
	[tilespmem:s1+$0xFFFFFF40] =	vst v57;
	v59 =	vpop (erf);
	(erf) = vrcp.f32 v55  }
0x56: {  	[tilespmem:s1+$0xFFFFFF50] =	vst v59;
	v60 =	vpop (erf);
	(erf) = vrcp.f32 v3  }
0x57: {  	v3 =	vadd.f32 $1.000000000e+00, v35;
	[tilespmem:s1+$0xFFFFFF60] =	vst v60;
	v61 =	vpop (erf);
	(erf) = vrcp.f32 v58  }
0x58: {  	v7 =	vadd.f32 $1.000000000e+00, v7;
	v2 =	vadd.f32 $1.000000000e+00, v2;
	[tilespmem:s1+$0xFFFFFF70] =	vst v61;
	v62 =	vpop (erf);
	(erf) = vrcp.f32 v5  }
0x59: {  	[tilespmem:s1+$0xFFFFFF80] =	vst v62;
	v5 =	vpop (erf);
	(erf) = vrcp.f32 v3  }
0x5a: {  	v3 =	vadd.f32 $1.000000000e+00, v6;
	[tilespmem:s1+$0xFFFFFF90] =	vst v5;
	v5 =	vpop (erf);
	(erf) = vrcp.f32 v7  }
0x5b: {  	v1 =	vadd.f32 $1.000000000e+00, v1;
	v7 =	vadd.f32 $1.000000000e+00, v36;
	[tilespmem:s1+$0xFFFFFFA0] =	vst v5;
	v5 =	vpop (erf);
	(erf) = vrcp.f32 v2  }
0x5c: {  	v63 =	vadd.f32 $1.000000000e+00, v4;
	v4 =	vadd.f32 $1.000000000e+00, v42;
	[tilespmem:s1+$0xFFFFFF00] =	vst v5;
	v2 =	vpop (erf);
	(erf) = vrcp.f32 v3  }
0x5d: {  	v6 =	vadd.f32 $1.000000000e+00, v8;
	v5 =	vadd.f32 $1.000000000e+00, v0;
	[tilespmem:s1+$0xFFFFFFB0] =	vst v2;
	v2 =	vpop (erf);
	(erf) = vrcp.f32 v1  }
0x5e: {  	v3 =	vadd.f32 $1.000000000e+00, v40;
	v0 =	vadd.f32 $1.000000000e+00, v44;
	[tilespmem:s1+$0xFFFFFFC0] =	vst v2;
	v8 =	vpop (erf);
	(erf) = vrcp.f32 v7  }
0x5f: {  	s18 =	simm.s32 $0x0;
	s22 =	simm.s32 $0x500;
	v1 =	vadd.f32 $1.000000000e+00, v46;
	v2 =	vadd.f32 $1.000000000e+00, v50;
	[tilespmem:s1+$0xFFFFFFD0] =	vst v8;
	v7 =	vpop (erf);
	(erf) = vrcp.f32 v63  }
.LBB2_2:
0x60: {  	v8 =	vld [tilespmem:s22+$0xF0];
	s18 =	sadd.s32 $0x4, s18;
	[tilespmem:s1+$0xFFFFFFE0] =	vst v7;
	v7 =	vpop (erf);
	(erf) = vrcp.f32 v6  }
0x61: {  	v6 =	vld [tilespmem:s22+$0xFFFFFF10];
	p0 =	slt.u32 s18, $0x3C;
	[tilespmem:s1+$0xFFFFFFF0] =	vst v7;
	v7 =	vpop (erf);
	(erf) = vrcp.f32 v5  }
0x62: {  	v5 =	vld [tilespmem:s22+$0xFFFFFF20];
	[tilespmem:s1+$0x0] =	vst v7;
	v7 =	vpop (erf);
	(erf) = vrcp.f32 v3  }
0x63: {  	v3 =	vld [tilespmem:s22+$0xFFFFFF30];
	[tilespmem:s1+$0x10] =	vst v7;
	v7 =	vpop (erf);
	(erf) = vrcp.f32 v4  }
0x64: {  	v4 =	vld [tilespmem:s22+$0xFFFFFF40];
	[tilespmem:s1+$0x20] =	vst v7;
	v7 =	vpop (erf);
	(erf) = vrcp.f32 v0  }
0x65: {  	v0 =	vld [tilespmem:s22+$0xFFFFFF50];
	v8 =	vmul.f32 $-1.442695020e+00, v8;
	[tilespmem:s1+$0x30] =	vst v7;
	v7 =	vpop (erf);
	(erf) = vrcp.f32 v1  }
0x66: {  	v9 =	vmul.f32 $-1.442695020e+00, v6;
	v6 =	vld [tilespmem:s22+$0xFFFFFF60];
	[tilespmem:s1+$0x40] =	vst v7;
	v7 =	vpop (erf);
	(erf) = vrcp.f32 v2  }
0x67: {  	v2 =	vmul.f32 $-1.442695020e+00, v5;
	v5 =	vld [tilespmem:s22+$0xFFFFFF70];
	(erf) = vpow2.f32 v8;
	[tilespmem:s1+$0x50] =	vst v7;
	v7 =	vpop (erf)  }
0x68: {  	v3 =	vmul.f32 $-1.442695020e+00, v3;
	v8 =	vld [tilespmem:s22+$0xFFFFFF80];
	(erf) = vpow2.f32 v9;
	[tilespmem:s1+$0x60] =	vst v7;
	v1 =	vpop (erf)  }
0x69: {  	v4 =	vmul.f32 $-1.442695020e+00, v4;
	v7 =	vld [tilespmem:s22+$0xFFFFFF90];
	(erf) = vpow2.f32 v2;
	[tilespmem:s1+$0x70] =	vst v1;
	v1 =	vpop (erf)  }
0x6a: {  	v9 =	vmul.f32 $-1.442695020e+00, v0;
	v2 =	vld [tilespmem:s22+$0xFFFFFFA0];
	(erf) = vpow2.f32 v3;
	[tilespmem:s1+$0x80] =	vst v1;
	v1 =	vpop (erf)  }
0x6b: {  	v3 =	vmul.f32 $-1.442695020e+00, v6;
	v6 =	vld [tilespmem:s22+$0xFFFFFFB0];
	(erf) = vpow2.f32 v4;
	[tilespmem:s1+$0x90] =	vst v1;
	v1 =	vpop (erf)  }
0x6c: {  	v4 =	vmul.f32 $-1.442695020e+00, v5;
	v5 =	vld [tilespmem:s22+$0xFFFFFFC0];
	(erf) = vpow2.f32 v9;
	[tilespmem:s1+$0xA0] =	vst v1;
	v0 =	vpop (erf)  }
0x6d: {  	v1 =	vmul.f32 $-1.442695020e+00, v8;
	v8 =	vld [tilespmem:s22+$0xFFFFFFD0];
	(erf) = vpow2.f32 v3;
	[tilespmem:s1+$0xB0] =	vst v0;
	v0 =	vpop (erf)  }
0x6e: {  	v10 =	vmul.f32 $-1.442695020e+00, v7;
	v7 =	vld [tilespmem:s22+$0xFFFFFFE0];
	(erf) = vpow2.f32 v4;
	[tilespmem:s1+$0xC0] =	vst v0;
	v0 =	vpop (erf)  }
0x6f: {  	v2 =	vmul.f32 $-1.442695020e+00, v2;
	v4 =	vld [tilespmem:s22+$0xFFFFFFF0];
	(erf) = vpow2.f32 v1;
	[tilespmem:s1+$0xD0] =	vst v0;
	v0 =	vpop (erf)  }
0x70: {  	v1 =	vmul.f32 $-1.442695020e+00, v6;
	v6 =	vld [tilespmem:s22+$0x0];
	(erf) = vpow2.f32 v10;
	v3 =	vpop (erf);
	[tilespmem:s1+$0xE0] =	vst v0;
	s1 =	smov.u32 s22  }
0x71: {  	v0 =	vmul.f32 $-1.442695020e+00, v5;
	v5 =	vld [tilespmem:s22+$0x10];
	v3 =	vadd.f32 $1.000000000e+00, v3;
	v9 =	vpop (erf);
	(erf) = vpow2.f32 v2  }
0x72: {  	v2 =	vadd.f32 $1.000000000e+00, v9;
	v8 =	vmul.f32 $-1.442695020e+00, v8;
	v9 =	vld [tilespmem:s22+$0x20];
	v10 =	vpop (erf);
	(erf) = vpow2.f32 v1  }
0x73: {  	v1 =	vadd.f32 $1.000000000e+00, v10;
	v7 =	vmul.f32 $-1.442695020e+00, v7;
	v10 =	vld [tilespmem:s22+$0x30];
	v11 =	vpop (erf);
	(erf) = vrcp.f32 v3  }
0x74: {  	v3 =	vadd.f32 $1.000000000e+00, v11;
	v4 =	vmul.f32 $-1.442695020e+00, v4;
	v11 =	vld [tilespmem:s22+$0x40];
	v12 =	vpop (erf);
	(erf) = vpow2.f32 v0  }
0x75: {  	v0 =	vadd.f32 $1.000000000e+00, v12;
	v6 =	vmul.f32 $-1.442695020e+00, v6;
	v12 =	vld [tilespmem:s22+$0x50];
	v13 =	vpop (erf);
	(erf) = vpow2.f32 v8  }
0x76: {  	v8 =	vadd.f32 $1.000000000e+00, v13;
	v5 =	vmul.f32 $-1.442695020e+00, v5;
	v13 =	vld [tilespmem:s22+$0x60];
	v14 =	vpop (erf);
	(erf) = vpow2.f32 v7  }
0x77: {  	v7 =	vadd.f32 $1.000000000e+00, v14;
	v9 =	vmul.f32 $-1.442695020e+00, v9;
	v14 =	vld [tilespmem:s22+$0x70];
	v15 =	vpop (erf);
	(erf) = vpow2.f32 v4  }
0x78: {  	v15 =	vadd.f32 $1.000000000e+00, v15;
	v4 =	vmul.f32 $-1.442695020e+00, v10;
	v10 =	vld [tilespmem:s22+$0x80];
	v16 =	vpop (erf);
	(erf) = vpow2.f32 v6  }
0x79: {  	v16 =	vadd.f32 $1.000000000e+00, v16;
	v20 =	vmul.f32 $-1.442695020e+00, v11;
	v11 =	vld [tilespmem:s22+$0x90];
	v17 =	vpop (erf);
	(erf) = vpow2.f32 v5  }
0x7a: {  	v17 =	vadd.f32 $1.000000000e+00, v17;
	v5 =	vmul.f32 $-1.442695020e+00, v12;
	v12 =	vld [tilespmem:s22+$0xA0];
	v18 =	vpop (erf);
	(erf) = vpow2.f32 v9  }
0x7b: {  	v9 =	vadd.f32 $1.000000000e+00, v18;
	v13 =	vmul.f32 $-1.442695020e+00, v13;
	v18 =	vld [tilespmem:s22+$0xB0];
	v19 =	vpop (erf);
	(erf) = vpow2.f32 v4  }
0x7c: {  	v19 =	vadd.f32 $1.000000000e+00, v19;
	v4 =	vmul.f32 $-1.442695020e+00, v14;
	v14 =	vld [tilespmem:s22+$0xC0];
	(erf) = vpow2.f32 v20;
	v6 =	vpop (erf)  }
0x7d: {  	v10 =	vmul.f32 $-1.442695020e+00, v10;
	v20 =	vld [tilespmem:s22+$0xD0];
	[tilespmem:s22+$0xF0] =	vst v6;
	v6 =	vpop (erf);
	(erf) = vpow2.f32 v5  }
0x7e: {  	v21 =	vadd.f32 $1.000000000e+00, v6;
	v5 =	vmul.f32 $-1.442695020e+00, v11;
	v6 =	vld [tilespmem:s22+$0xE0];
	v11 =	vpop (erf);
	(erf) = vpow2.f32 v13  }
0x7f: {  	v13 =	vld [tilespmem:s22+$0xFFFFFF00];
	v11 =	vadd.f32 $1.000000000e+00, v11;
	v12 =	vmul.f32 $-1.442695020e+00, v12;
	v22 =	vpop (erf);
	(erf) = vpow2.f32 v4  }
0x80: {  	v22 =	vadd.f32 $1.000000000e+00, v22;
	v4 =	vmul.f32 $-1.442695020e+00, v18;
	v18 =	vpop (erf);
	(erf) = vpow2.f32 v10  }
0x81: {  	v10 =	vadd.f32 $1.000000000e+00, v18;
	v14 =	vmul.f32 $-1.442695020e+00, v14;
	v18 =	vpop (erf);
	(erf) = vpow2.f32 v5  }
0x82: {  	v18 =	vadd.f32 $1.000000000e+00, v18;
	v5 =	vmul.f32 $-1.442695020e+00, v20;
	v20 =	vpop (erf);
	(erf) = vpow2.f32 v12  }
0x83: {  	v12 =	vadd.f32 $1.000000000e+00, v20;
	v6 =	vmul.f32 $-1.442695020e+00, v6;
	v20 =	vpop (erf);
	(erf) = vpow2.f32 v4  }
0x84: {  	v23 =	vmul.f32 $-1.442695020e+00, v13;
	v13 =	vadd.f32 $1.000000000e+00, v20;
	v20 =	vpop (erf);
	(erf) = vpow2.f32 v14  }
0x85: {  	v14 =	vadd.f32 $1.000000000e+00, v20;
	v20 =	vpop (erf);
	(erf) = vpow2.f32 v5  }
0x86: {  	v20 =	vadd.f32 $1.000000000e+00, v20;
	(erf) = vpow2.f32 v23;
	v4 =	vpop (erf)  }
0x87: {  	v23 =	vadd.f32 $1.000000000e+00, v4;
	v4 =	vpop (erf);
	(erf) = vpow2.f32 v6  }
0x88: {  	v24 =	vadd.f32 $1.000000000e+00, v4;
	(erf) = vrcp.f32 v2;
	v2 =	vpop (erf)  }
0x89: {  	v25 =	vadd.f32 $1.000000000e+00, v2;
	(erf) = vrcp.f32 v1;
	v1 =	vpop (erf)  }
0x8a: {  	v6 =	vadd.f32 $1.000000000e+00, v1;
	(erf) = vrcp.f32 v3;
	v1 =	vpop (erf)  }
0x8b: {  	v5 =	vadd.f32 $1.000000000e+00, v1;
	(erf) = vrcp.f32 v0;
	v0 =	vpop (erf)  }
0x8c: {  	v3 =	vadd.f32 $1.000000000e+00, v0;
	(erf) = vrcp.f32 v8;
	v0 =	vpop (erf)  }
0x8d: {  	v4 =	vadd.f32 $1.000000000e+00, v0;
	(erf) = vrcp.f32 v7;
	v0 =	vpop (erf)  }
0x8e: {  	v0 =	vadd.f32 $1.000000000e+00, v0;
	(erf) = vrcp.f32 v15;
	v1 =	vpop (erf)  }
0x8f: {  	v1 =	vadd.f32 $1.000000000e+00, v1;
	v2 =	vpop (erf);
	(erf) = vrcp.f32 v16  }
0x90: {  	v15 =	vadd.f32 $1.000000000e+00, v2;
	(erf) = vrcp.f32 v17;
	v2 =	vpop (erf)  }
0x91: {  	v2 =	vadd.f32 $1.000000000e+00, v2;
	v8 =	vpop (erf);
	(erf) = vrcp.f32 v9  }
0x92: {  	[tilespmem:s22+$0xFFFFFF10] =	vst v8;
	(erf) = vrcp.f32 v15;
	v7 =	vpop (erf)  }
0x93: {  	[tilespmem:s22+$0xFFFFFF20] =	vst v7;
	v7 =	vpop (erf);
	(erf) = vrcp.f32 v19  }
0x94: {  	[tilespmem:s22+$0xFFFFFF30] =	vst v7;
	v7 =	vpop (erf);
	(erf) = vrcp.f32 v21  }
0x95: {  	[tilespmem:s22+$0xFFFFFF40] =	vst v7;
	v7 =	vpop (erf);
	(erf) = vrcp.f32 v11  }
0x96: {  	[tilespmem:s22+$0xFFFFFF50] =	vst v7;
	v7 =	vpop (erf);
	(erf) = vrcp.f32 v22  }
0x97: {  	[tilespmem:s22+$0xFFFFFF60] =	vst v7;
	v7 =	vpop (erf);
	(erf) = vrcp.f32 v10  }
0x98: {  	[tilespmem:s22+$0xFFFFFF70] =	vst v7;
	v7 =	vpop (erf);
	(erf) = vrcp.f32 v18  }
0x99: {  	[tilespmem:s22+$0xFFFFFF80] =	vst v7;
	v7 =	vpop (erf);
	(erf) = vrcp.f32 v12  }
0x9a: {  	[tilespmem:s22+$0xFFFFFF90] =	vst v7;
	v7 =	vpop (erf);
	(erf) = vrcp.f32 v13  }
.Ltmp0:
0x9b: {  	[tilespmem:s22+$0xFFFFFFA0] =	vst v7;
	v7 =	vpop (erf);
	(erf) = vrcp.f32 v14;
	(pc) =	sbr.rel @p0 .LBB2_2-.Ltmp0, $4  }
0x9c: {  	[tilespmem:s22+$0xFFFFFF00] =	vst v7;
	v7 =	vpop (erf);
	(erf) = vrcp.f32 v20  }
0x9d: {  	[tilespmem:s22+$0xFFFFFFB0] =	vst v7;
	v7 =	vpop (erf);
	(erf) = vrcp.f32 v23  }
0x9e: {  	[tilespmem:s22+$0xFFFFFFC0] =	vst v7;
	v7 =	vpop (erf);
	(erf) = vrcp.f32 v24  }
0x9f: {  	s22 =	sadd.s32 $0x200, s22;
	[tilespmem:s1+$0xFFFFFFD0] =	vst v7;
	v7 =	vpop (erf);
	(erf) = vrcp.f32 v25  }
0xa0: {  	[tilespmem:s1+$0xFFFFFFE0] =	vst v7;
	v7 =	vpop (erf);
	(erf) = vrcp.f32 v6  }
0xa1: {  	[tilespmem:s1+$0xFFFFFFF0] =	vst v7;
	v6 =	vpop (erf);
	(erf) = vrcp.f32 v5  }
0xa2: {  	[tilespmem:s1+$0x0] =	vst v6;
	v5 =	vpop (erf);
	(erf) = vrcp.f32 v3  }
0xa3: {  	[tilespmem:s1+$0x10] =	vst v5;
	v3 =	vpop (erf);
	(erf) = vrcp.f32 v4  }
0xa4: {  	[tilespmem:s1+$0x20] =	vst v3;
	v3 =	vpop (erf);
	(erf) = vrcp.f32 v0  }
0xa5: {  	[tilespmem:s1+$0x30] =	vst v3;
	v0 =	vpop (erf);
	(erf) = vrcp.f32 v1  }
0xa6: {  	[tilespmem:s1+$0x40] =	vst v0;
	v0 =	vpop (erf);
	(erf) = vrcp.f32 v2  }
0xa7: {  	[tilespmem:s1+$0x50] =	vst v0;
	v0 =	vpop (erf)  }
0xa8: {  	[tilespmem:s1+$0x60] =	vst v0;
	v0 =	vpop (erf)  }
0xa9: {  	[tilespmem:s1+$0x70] =	vst v0;
	v0 =	vpop (erf)  }
0xaa: {  	[tilespmem:s1+$0x80] =	vst v0;
	v0 =	vpop (erf)  }
0xab: {  	[tilespmem:s1+$0x90] =	vst v0;
	v0 =	vpop (erf)  }
0xac: {  	[tilespmem:s1+$0xA0] =	vst v0;
	v0 =	vpop (erf)  }
0xad: {  	[tilespmem:s1+$0xB0] =	vst v0;
	v0 =	vpop (erf)  }
0xae: {  	[tilespmem:s1+$0xC0] =	vst v0;
	v0 =	vpop (erf)  }
0xaf: {  	[tilespmem:s1+$0xD0] =	vst v0;
	v0 =	vpop (erf)  }
0xb0: {  	[tilespmem:s1+$0xE0] =	vst v0  }
0xb1: {  	[hbm4b:s4+s3] =	stream.linear.scatter [tilespmem:s16], [sflag:$0x4], $0x2000, $0x38;
	[tilespmem:$0x6200] =	vst v63  }
0xb2: {  	_ =	swait.ge [sflag:s21], $0x2000  }
0xb3: {  	[sflag:s21] =	ssyncset.done $0x0  }
0xb4: {  	s22 =	simm.s32 $0xC0;
	[sflag:s21] =	ssyncadd.s32 $0xFFFFE000  }
0xb5: {  	[tilespmem:s16], [sflag:$0x1] =	stream.indirect.gather [hbm4b:s2+s15], $0x80, s22, s15, $0xb8;
	[tilespmem:$0x6200] =	vst v63  }
0xb6: {  	_ =	swait.ge [sflag:s23], $0x2000  }
0xb7: {  	[sflag:s23] =	ssyncset.done $0x0  }
0xb8: {  	s1 =	simm.s32 $0x23F0;
	[sflag:s23] =	ssyncadd.s32 $0xFFFFE000  }
0xb9: {  	v0 =	vld [tilespmem:s1+$0x0]  }
0xba: {  	v1 =	vld [tilespmem:s1+$0xFFFFFE20]  }
0xbb: {  	v2 =	vld [tilespmem:s1+$0xFFFFFE30]  }
0xbc: {  	v4 =	vld [tilespmem:s1+$0xFFFFFE50]  }
0xbd: {  	v3 =	vld [tilespmem:s1+$0xFFFFFE40]  }
0xbe: {  	v5 =	vld [tilespmem:s1+$0xFFFFFE60];
	v0 =	vmul.f32 $-1.442695020e+00, v0  }
0xbf: {  	v6 =	vld [tilespmem:s1+$0xFFFFFE70];
	v1 =	vmul.f32 $-1.442695020e+00, v1  }
0xc0: {  	v7 =	vld [tilespmem:s1+$0xFFFFFE80];
	v2 =	vmul.f32 $-1.442695020e+00, v2;
	(erf) = vpow2.f32 v0  }
0xc1: {  	(erf) = vpow2.f32 v1;
	v1 =	vmul.f32 $-1.442695020e+00, v4;
	v4 =	vld [tilespmem:s1+$0xFFFFFEA0]  }
0xc2: {  	v0 =	vmul.f32 $-1.442695020e+00, v3;
	v3 =	vld [tilespmem:s1+$0xFFFFFE90]  }
0xc3: {  	(erf) = vpow2.f32 v2;
	v2 =	vmul.f32 $-1.442695020e+00, v5  }
0xc4: {  	v5 =	vld [tilespmem:s1+$0xFFFFFEB0];
	(erf) = vpow2.f32 v0;
	v0 =	vmul.f32 $-1.442695020e+00, v6  }
0xc5: {  	v6 =	vld [tilespmem:s1+$0xFFFFFEC0];
	(erf) = vpow2.f32 v1;
	v1 =	vmul.f32 $-1.442695020e+00, v7  }
0xc6: {  	(erf) = vpow2.f32 v2;
	v2 =	vld [tilespmem:s1+$0xFFFFFED0];
	v4 =	vmul.f32 $-1.442695020e+00, v4  }
0xc7: {  	v3 =	vmul.f32 $-1.442695020e+00, v3;
	(erf) = vpow2.f32 v0;
	v0 =	vld [tilespmem:s1+$0xFFFFFEE0]  }
0xc8: {  	(erf) = vpow2.f32 v1;
	v1 =	vld [tilespmem:s1+$0xFFFFFEF0]  }
0xc9: {  	v5 =	vmul.f32 $-1.442695020e+00, v5;
	(erf) = vpow2.f32 v3;
	v3 =	vld [tilespmem:s1+$0xFFFFFF00]  }
0xca: {  	v7 =	vld [tilespmem:s1+$0xFFFFFF10];
	v6 =	vmul.f32 $-1.442695020e+00, v6;
	(erf) = vpow2.f32 v4;
	v4 =	vpop (erf)  }
0xcb: {  	(erf) = vpow2.f32 v5;
	v2 =	vmul.f32 $-1.442695020e+00, v2;
	v5 =	vld [tilespmem:s1+$0xFFFFFF20];
	v4 =	vadd.f32 $1.000000000e+00, v4  }
0xcc: {  	v8 =	vpop (erf);
	(erf) = vpow2.f32 v6;
	v0 =	vmul.f32 $-1.442695020e+00, v0;
	v6 =	vld [tilespmem:s1+$0xFFFFFF30]  }
0xcd: {  	v9 =	vpop (erf);
	v1 =	vmul.f32 $-1.442695020e+00, v1;
	(erf) = vrcp.f32 v4;
	v4 =	vld [tilespmem:s1+$0xFFFFFF40]  }
0xce: {  	v10 =	vpop (erf);
	(erf) = vpow2.f32 v2;
	v2 =	vmul.f32 $-1.442695020e+00, v3;
	v3 =	vld [tilespmem:s1+$0xFFFFFF50]  }
0xcf: {  	v11 =	vpop (erf);
	(erf) = vpow2.f32 v0;
	v0 =	vmul.f32 $-1.442695020e+00, v7  }
0xd0: {  	v12 =	vpop (erf);
	v7 =	vld [tilespmem:s1+$0xFFFFFF60];
	(erf) = vpow2.f32 v1;
	v1 =	vmul.f32 $-1.442695020e+00, v5  }
0xd1: {  	v13 =	vpop (erf);
	v5 =	vld [tilespmem:s1+$0xFFFFFF70];
	(erf) = vpow2.f32 v2;
	v2 =	vmul.f32 $-1.442695020e+00, v6  }
0xd2: {  	v14 =	vpop (erf);
	v6 =	vld [tilespmem:s1+$0xFFFFFF80];
	(erf) = vpow2.f32 v0;
	v0 =	vmul.f32 $-1.442695020e+00, v4  }
0xd3: {  	v15 =	vpop (erf);
	v4 =	vld [tilespmem:s1+$0xFFFFFF90];
	(erf) = vpow2.f32 v1;
	v1 =	vmul.f32 $-1.442695020e+00, v3  }
0xd4: {  	v16 =	vpop (erf);
	v3 =	vld [tilespmem:s1+$0xFFFFFFA0]  }
0xd5: {  	v17 =	vpop (erf);
	(erf) = vpow2.f32 v2;
	v2 =	vmul.f32 $-1.442695020e+00, v7;
	v7 =	vld [tilespmem:s1+$0xFFFFFFB0]  }
0xd6: {  	v18 =	vpop (erf);
	(erf) = vpow2.f32 v0;
	v0 =	vmul.f32 $-1.442695020e+00, v5;
	v5 =	vld [tilespmem:s1+$0xFFFFFFC0]  }
0xd7: {  	v19 =	vld [tilespmem:s1+$0xFFFFFFD0];
	(erf) = vpow2.f32 v1;
	v6 =	vmul.f32 $-1.442695020e+00, v6;
	v1 =	vpop (erf)  }
0xd8: {  	(erf) = vpow2.f32 v2;
	v2 =	vmul.f32 $-1.442695020e+00, v4;
	v4 =	vld [tilespmem:s1+$0xFFFFFFE0];
	v20 =	vpop (erf)  }
0xd9: {  	(erf) = vpow2.f32 v0;
	[tilespmem:s1+$0x0] =	vst v1;
	v0 =	vmul.f32 $-1.442695020e+00, v3;
	v1 =	vld [tilespmem:s1+$0xFFFFFE10];
	v21 =	vpop (erf)  }
0xda: {  	(erf) = vpow2.f32 v6;
	v7 =	vmul.f32 $-1.442695020e+00, v7;
	v3 =	vpop (erf)  }
0xdb: {  	v6 =	vld [tilespmem:s1+$0xFFFFFFF0];
	v22 =	vpop (erf);
	(erf) = vpow2.f32 v2;
	v2 =	vmul.f32 $-1.442695020e+00, v5  }
0xdc: {  	v5 =	vpop (erf);
	(erf) = vpow2.f32 v0;
	v0 =	vmul.f32 $-1.442695020e+00, v19  }
0xdd: {  	v4 =	vmul.f32 $-1.442695020e+00, v4;
	v35 =	vpop (erf);
	(erf) = vpow2.f32 v7  }
0xde: {  	v1 =	vmul.f32 $-1.442695020e+00, v1;
	v7 =	vpop (erf);
	(erf) = vpow2.f32 v2  }
0xdf: {  	v2 =	vpop (erf);
	(erf) = vpow2.f32 v0  }
0xe0: {  	v0 =	vmul.f32 $-1.442695020e+00, v6;
	(erf) = vpow2.f32 v4;
	v4 =	vadd.f32 $1.000000000e+00, v8  }
0xe1: {  	v6 =	vpop (erf);
	v8 =	vadd.f32 $1.000000000e+00, v9;
	(erf) = vpow2.f32 v1  }
0xe2: {  	v1 =	vpop (erf);
	(erf) = vpow2.f32 v0;
	v0 =	vadd.f32 $1.000000000e+00, v10  }
0xe3: {  	v36 =	vpop (erf)  }
0xe4: {  	(erf) = vrcp.f32 v4;
	v4 =	vpop (erf)  }
0xe5: {  	v37 =	vadd.f32 $1.000000000e+00, v11;
	(erf) = vrcp.f32 v8;
	v8 =	vpop (erf)  }
0xe6: {  	v38 =	vadd.f32 $1.000000000e+00, v12;
	(erf) = vrcp.f32 v0;
	v0 =	vpop (erf)  }
0xe7: {  	v39 =	vadd.f32 $1.000000000e+00, v13;
	(erf) = vrcp.f32 v37;
	v40 =	vpop (erf)  }
0xe8: {  	v41 =	vadd.f32 $1.000000000e+00, v14;
	(erf) = vrcp.f32 v38;
	v42 =	vpop (erf)  }
0xe9: {  	v43 =	vadd.f32 $1.000000000e+00, v15;
	(erf) = vrcp.f32 v39;
	v44 =	vpop (erf)  }
0xea: {  	v45 =	vadd.f32 $1.000000000e+00, v16;
	(erf) = vrcp.f32 v41;
	v46 =	vpop (erf)  }
0xeb: {  	v47 =	vadd.f32 $1.000000000e+00, v17;
	(erf) = vrcp.f32 v43;
	v48 =	vpop (erf)  }
0xec: {  	(erf) = vrcp.f32 v45;
	v49 =	vadd.f32 $1.000000000e+00, v48;
	v50 =	vpop (erf)  }
0xed: {  	v51 =	vadd.f32 $1.000000000e+00, v18;
	(erf) = vrcp.f32 v47;
	v52 =	vpop (erf)  }
0xee: {  	v53 =	vadd.f32 $1.000000000e+00, v20;
	[tilespmem:s1+$0xFFFFFE20] =	vst v52;
	(erf) = vrcp.f32 v49;
	v54 =	vpop (erf)  }
0xef: {  	v55 =	vadd.f32 $1.000000000e+00, v21;
	[tilespmem:s1+$0xFFFFFE30] =	vst v54;
	v56 =	vpop (erf);
	(erf) = vrcp.f32 v51  }
0xf0: {  	v3 =	vadd.f32 $1.000000000e+00, v3;
	[tilespmem:s1+$0xFFFFFE40] =	vst v56;
	v57 =	vpop (erf);
	(erf) = vrcp.f32 v53  }
0xf1: {  	v58 =	vadd.f32 $1.000000000e+00, v22;
	v5 =	vadd.f32 $1.000000000e+00, v5;
	[tilespmem:s1+$0xFFFFFE50] =	vst v57;
	v59 =	vpop (erf);
	(erf) = vrcp.f32 v55  }
0xf2: {  	[tilespmem:s1+$0xFFFFFE60] =	vst v59;
	v60 =	vpop (erf);
	(erf) = vrcp.f32 v3  }
0xf3: {  	v3 =	vadd.f32 $1.000000000e+00, v35;
	[tilespmem:s1+$0xFFFFFE70] =	vst v60;
	v61 =	vpop (erf);
	(erf) = vrcp.f32 v58  }
0xf4: {  	v7 =	vadd.f32 $1.000000000e+00, v7;
	v2 =	vadd.f32 $1.000000000e+00, v2;
	[tilespmem:s1+$0xFFFFFE80] =	vst v61;
	v62 =	vpop (erf);
	(erf) = vrcp.f32 v5  }
0xf5: {  	[tilespmem:s1+$0xFFFFFE90] =	vst v62;
	v5 =	vpop (erf);
	(erf) = vrcp.f32 v3  }
0xf6: {  	v3 =	vadd.f32 $1.000000000e+00, v6;
	[tilespmem:s1+$0xFFFFFEA0] =	vst v5;
	v5 =	vpop (erf);
	(erf) = vrcp.f32 v7  }
0xf7: {  	v1 =	vadd.f32 $1.000000000e+00, v1;
	v7 =	vadd.f32 $1.000000000e+00, v36;
	[tilespmem:s1+$0xFFFFFEB0] =	vst v5;
	v5 =	vpop (erf);
	(erf) = vrcp.f32 v2  }
0xf8: {  	v63 =	vadd.f32 $1.000000000e+00, v4;
	v4 =	vadd.f32 $1.000000000e+00, v42;
	[tilespmem:s1+$0xFFFFFE10] =	vst v5;
	v2 =	vpop (erf);
	(erf) = vrcp.f32 v3  }
0xf9: {  	v6 =	vadd.f32 $1.000000000e+00, v8;
	v5 =	vadd.f32 $1.000000000e+00, v0;
	[tilespmem:s1+$0xFFFFFEC0] =	vst v2;
	v2 =	vpop (erf);
	(erf) = vrcp.f32 v1  }
0xfa: {  	v3 =	vadd.f32 $1.000000000e+00, v40;
	v0 =	vadd.f32 $1.000000000e+00, v44;
	[tilespmem:s1+$0xFFFFFED0] =	vst v2;
	v8 =	vpop (erf);
	(erf) = vrcp.f32 v7  }
0xfb: {  	s18 =	simm.s32 $0x0;
	s22 =	simm.s32 $0x25F0;
	v1 =	vadd.f32 $1.000000000e+00, v46;
	v2 =	vadd.f32 $1.000000000e+00, v50;
	[tilespmem:s1+$0xFFFFFEE0] =	vst v8;
	v7 =	vpop (erf);
	(erf) = vrcp.f32 v63  }
.LBB2_4:
0xfc: {  	v8 =	vld [tilespmem:s22+$0x0];
	s18 =	sadd.s32 $0x4, s18;
	[tilespmem:s1+$0xFFFFFEF0] =	vst v7;
	v7 =	vpop (erf);
	(erf) = vrcp.f32 v6  }
0xfd: {  	v6 =	vld [tilespmem:s22+$0xFFFFFE20];
	p0 =	slt.u32 s18, $0x3C;
	[tilespmem:s1+$0xFFFFFF00] =	vst v7;
	v7 =	vpop (erf);
	(erf) = vrcp.f32 v5  }
0xfe: {  	v5 =	vld [tilespmem:s22+$0xFFFFFE30];
	[tilespmem:s1+$0xFFFFFF10] =	vst v7;
	v7 =	vpop (erf);
	(erf) = vrcp.f32 v3  }
0xff: {  	v3 =	vld [tilespmem:s22+$0xFFFFFE40];
	[tilespmem:s1+$0xFFFFFF20] =	vst v7;
	v7 =	vpop (erf);
	(erf) = vrcp.f32 v4  }
0x100: {  	v4 =	vld [tilespmem:s22+$0xFFFFFE50];
	[tilespmem:s1+$0xFFFFFF30] =	vst v7;
	v7 =	vpop (erf);
	(erf) = vrcp.f32 v0  }
0x101: {  	v0 =	vld [tilespmem:s22+$0xFFFFFE60];
	v8 =	vmul.f32 $-1.442695020e+00, v8;
	[tilespmem:s1+$0xFFFFFF40] =	vst v7;
	v7 =	vpop (erf);
	(erf) = vrcp.f32 v1  }
0x102: {  	v9 =	vmul.f32 $-1.442695020e+00, v6;
	v6 =	vld [tilespmem:s22+$0xFFFFFE70];
	[tilespmem:s1+$0xFFFFFF50] =	vst v7;
	v7 =	vpop (erf);
	(erf) = vrcp.f32 v2  }
0x103: {  	v2 =	vmul.f32 $-1.442695020e+00, v5;
	v5 =	vld [tilespmem:s22+$0xFFFFFE80];
	(erf) = vpow2.f32 v8;
	[tilespmem:s1+$0xFFFFFF60] =	vst v7;
	v7 =	vpop (erf)  }
0x104: {  	v3 =	vmul.f32 $-1.442695020e+00, v3;
	v8 =	vld [tilespmem:s22+$0xFFFFFE90];
	(erf) = vpow2.f32 v9;
	[tilespmem:s1+$0xFFFFFF70] =	vst v7;
	v1 =	vpop (erf)  }
0x105: {  	v4 =	vmul.f32 $-1.442695020e+00, v4;
	v7 =	vld [tilespmem:s22+$0xFFFFFEA0];
	(erf) = vpow2.f32 v2;
	[tilespmem:s1+$0xFFFFFF80] =	vst v1;
	v1 =	vpop (erf)  }
0x106: {  	v9 =	vmul.f32 $-1.442695020e+00, v0;
	v2 =	vld [tilespmem:s22+$0xFFFFFEB0];
	(erf) = vpow2.f32 v3;
	[tilespmem:s1+$0xFFFFFF90] =	vst v1;
	v1 =	vpop (erf)  }
0x107: {  	v3 =	vmul.f32 $-1.442695020e+00, v6;
	v6 =	vld [tilespmem:s22+$0xFFFFFEC0];
	(erf) = vpow2.f32 v4;
	[tilespmem:s1+$0xFFFFFFA0] =	vst v1;
	v1 =	vpop (erf)  }
0x108: {  	v4 =	vmul.f32 $-1.442695020e+00, v5;
	v5 =	vld [tilespmem:s22+$0xFFFFFED0];
	(erf) = vpow2.f32 v9;
	[tilespmem:s1+$0xFFFFFFB0] =	vst v1;
	v0 =	vpop (erf)  }
0x109: {  	v1 =	vmul.f32 $-1.442695020e+00, v8;
	v8 =	vld [tilespmem:s22+$0xFFFFFEE0];
	(erf) = vpow2.f32 v3;
	[tilespmem:s1+$0xFFFFFFC0] =	vst v0;
	v0 =	vpop (erf)  }
0x10a: {  	v10 =	vmul.f32 $-1.442695020e+00, v7;
	v7 =	vld [tilespmem:s22+$0xFFFFFEF0];
	(erf) = vpow2.f32 v4;
	[tilespmem:s1+$0xFFFFFFD0] =	vst v0;
	v0 =	vpop (erf)  }
0x10b: {  	v2 =	vmul.f32 $-1.442695020e+00, v2;
	v4 =	vld [tilespmem:s22+$0xFFFFFF00];
	(erf) = vpow2.f32 v1;
	[tilespmem:s1+$0xFFFFFFE0] =	vst v0;
	v0 =	vpop (erf)  }
0x10c: {  	v1 =	vmul.f32 $-1.442695020e+00, v6;
	v6 =	vld [tilespmem:s22+$0xFFFFFF10];
	(erf) = vpow2.f32 v10;
	v3 =	vpop (erf);
	[tilespmem:s1+$0xFFFFFFF0] =	vst v0;
	s1 =	smov.u32 s22  }
0x10d: {  	v0 =	vmul.f32 $-1.442695020e+00, v5;
	v5 =	vld [tilespmem:s22+$0xFFFFFF20];
	v3 =	vadd.f32 $1.000000000e+00, v3;
	v9 =	vpop (erf);
	(erf) = vpow2.f32 v2  }
0x10e: {  	v2 =	vadd.f32 $1.000000000e+00, v9;
	v8 =	vmul.f32 $-1.442695020e+00, v8;
	v9 =	vld [tilespmem:s22+$0xFFFFFF30];
	v10 =	vpop (erf);
	(erf) = vpow2.f32 v1  }
0x10f: {  	v1 =	vadd.f32 $1.000000000e+00, v10;
	v7 =	vmul.f32 $-1.442695020e+00, v7;
	v10 =	vld [tilespmem:s22+$0xFFFFFF40];
	v11 =	vpop (erf);
	(erf) = vrcp.f32 v3  }
0x110: {  	v3 =	vadd.f32 $1.000000000e+00, v11;
	v4 =	vmul.f32 $-1.442695020e+00, v4;
	v11 =	vld [tilespmem:s22+$0xFFFFFF50];
	v12 =	vpop (erf);
	(erf) = vpow2.f32 v0  }
0x111: {  	v0 =	vadd.f32 $1.000000000e+00, v12;
	v6 =	vmul.f32 $-1.442695020e+00, v6;
	v12 =	vld [tilespmem:s22+$0xFFFFFF60];
	v13 =	vpop (erf);
	(erf) = vpow2.f32 v8  }
0x112: {  	v8 =	vadd.f32 $1.000000000e+00, v13;
	v5 =	vmul.f32 $-1.442695020e+00, v5;
	v13 =	vld [tilespmem:s22+$0xFFFFFF70];
	v14 =	vpop (erf);
	(erf) = vpow2.f32 v7  }
0x113: {  	v7 =	vadd.f32 $1.000000000e+00, v14;
	v9 =	vmul.f32 $-1.442695020e+00, v9;
	v14 =	vld [tilespmem:s22+$0xFFFFFF80];
	v15 =	vpop (erf);
	(erf) = vpow2.f32 v4  }
0x114: {  	v15 =	vadd.f32 $1.000000000e+00, v15;
	v4 =	vmul.f32 $-1.442695020e+00, v10;
	v10 =	vld [tilespmem:s22+$0xFFFFFF90];
	v16 =	vpop (erf);
	(erf) = vpow2.f32 v6  }
0x115: {  	v16 =	vadd.f32 $1.000000000e+00, v16;
	v20 =	vmul.f32 $-1.442695020e+00, v11;
	v11 =	vld [tilespmem:s22+$0xFFFFFFA0];
	v17 =	vpop (erf);
	(erf) = vpow2.f32 v5  }
0x116: {  	v17 =	vadd.f32 $1.000000000e+00, v17;
	v5 =	vmul.f32 $-1.442695020e+00, v12;
	v12 =	vld [tilespmem:s22+$0xFFFFFFB0];
	v18 =	vpop (erf);
	(erf) = vpow2.f32 v9  }
0x117: {  	v9 =	vadd.f32 $1.000000000e+00, v18;
	v13 =	vmul.f32 $-1.442695020e+00, v13;
	v18 =	vld [tilespmem:s22+$0xFFFFFFC0];
	v19 =	vpop (erf);
	(erf) = vpow2.f32 v4  }
0x118: {  	v19 =	vadd.f32 $1.000000000e+00, v19;
	v4 =	vmul.f32 $-1.442695020e+00, v14;
	v14 =	vld [tilespmem:s22+$0xFFFFFFD0];
	(erf) = vpow2.f32 v20;
	v6 =	vpop (erf)  }
0x119: {  	v10 =	vmul.f32 $-1.442695020e+00, v10;
	v20 =	vld [tilespmem:s22+$0xFFFFFFE0];
	[tilespmem:s22+$0x0] =	vst v6;
	v6 =	vpop (erf);
	(erf) = vpow2.f32 v5  }
0x11a: {  	v21 =	vadd.f32 $1.000000000e+00, v6;
	v5 =	vmul.f32 $-1.442695020e+00, v11;
	v6 =	vld [tilespmem:s22+$0xFFFFFFF0];
	v11 =	vpop (erf);
	(erf) = vpow2.f32 v13  }
0x11b: {  	v13 =	vld [tilespmem:s22+$0xFFFFFE10];
	v11 =	vadd.f32 $1.000000000e+00, v11;
	v12 =	vmul.f32 $-1.442695020e+00, v12;
	v22 =	vpop (erf);
	(erf) = vpow2.f32 v4  }
0x11c: {  	v22 =	vadd.f32 $1.000000000e+00, v22;
	v4 =	vmul.f32 $-1.442695020e+00, v18;
	v18 =	vpop (erf);
	(erf) = vpow2.f32 v10  }
0x11d: {  	v10 =	vadd.f32 $1.000000000e+00, v18;
	v14 =	vmul.f32 $-1.442695020e+00, v14;
	v18 =	vpop (erf);
	(erf) = vpow2.f32 v5  }
0x11e: {  	v18 =	vadd.f32 $1.000000000e+00, v18;
	v5 =	vmul.f32 $-1.442695020e+00, v20;
	v20 =	vpop (erf);
	(erf) = vpow2.f32 v12  }
0x11f: {  	v12 =	vadd.f32 $1.000000000e+00, v20;
	v6 =	vmul.f32 $-1.442695020e+00, v6;
	v20 =	vpop (erf);
	(erf) = vpow2.f32 v4  }
0x120: {  	v23 =	vmul.f32 $-1.442695020e+00, v13;
	v13 =	vadd.f32 $1.000000000e+00, v20;
	v20 =	vpop (erf);
	(erf) = vpow2.f32 v14  }
0x121: {  	v14 =	vadd.f32 $1.000000000e+00, v20;
	v20 =	vpop (erf);
	(erf) = vpow2.f32 v5  }
0x122: {  	v20 =	vadd.f32 $1.000000000e+00, v20;
	(erf) = vpow2.f32 v23;
	v4 =	vpop (erf)  }
0x123: {  	v23 =	vadd.f32 $1.000000000e+00, v4;
	v4 =	vpop (erf);
	(erf) = vpow2.f32 v6  }
0x124: {  	v24 =	vadd.f32 $1.000000000e+00, v4;
	(erf) = vrcp.f32 v2;
	v2 =	vpop (erf)  }
0x125: {  	v25 =	vadd.f32 $1.000000000e+00, v2;
	(erf) = vrcp.f32 v1;
	v1 =	vpop (erf)  }
0x126: {  	v6 =	vadd.f32 $1.000000000e+00, v1;
	(erf) = vrcp.f32 v3;
	v1 =	vpop (erf)  }
0x127: {  	v5 =	vadd.f32 $1.000000000e+00, v1;
	(erf) = vrcp.f32 v0;
	v0 =	vpop (erf)  }
0x128: {  	v3 =	vadd.f32 $1.000000000e+00, v0;
	(erf) = vrcp.f32 v8;
	v0 =	vpop (erf)  }
0x129: {  	v4 =	vadd.f32 $1.000000000e+00, v0;
	(erf) = vrcp.f32 v7;
	v0 =	vpop (erf)  }
0x12a: {  	v0 =	vadd.f32 $1.000000000e+00, v0;
	(erf) = vrcp.f32 v15;
	v1 =	vpop (erf)  }
0x12b: {  	v1 =	vadd.f32 $1.000000000e+00, v1;
	v2 =	vpop (erf);
	(erf) = vrcp.f32 v16  }
0x12c: {  	v15 =	vadd.f32 $1.000000000e+00, v2;
	(erf) = vrcp.f32 v17;
	v2 =	vpop (erf)  }
0x12d: {  	v2 =	vadd.f32 $1.000000000e+00, v2;
	v8 =	vpop (erf);
	(erf) = vrcp.f32 v9  }
0x12e: {  	[tilespmem:s22+$0xFFFFFE20] =	vst v8;
	(erf) = vrcp.f32 v15;
	v7 =	vpop (erf)  }
0x12f: {  	[tilespmem:s22+$0xFFFFFE30] =	vst v7;
	v7 =	vpop (erf);
	(erf) = vrcp.f32 v19  }
0x130: {  	[tilespmem:s22+$0xFFFFFE40] =	vst v7;
	v7 =	vpop (erf);
	(erf) = vrcp.f32 v21  }
0x131: {  	[tilespmem:s22+$0xFFFFFE50] =	vst v7;
	v7 =	vpop (erf);
	(erf) = vrcp.f32 v11  }
0x132: {  	[tilespmem:s22+$0xFFFFFE60] =	vst v7;
	v7 =	vpop (erf);
	(erf) = vrcp.f32 v22  }
0x133: {  	[tilespmem:s22+$0xFFFFFE70] =	vst v7;
	v7 =	vpop (erf);
	(erf) = vrcp.f32 v10  }
0x134: {  	[tilespmem:s22+$0xFFFFFE80] =	vst v7;
	v7 =	vpop (erf);
	(erf) = vrcp.f32 v18  }
0x135: {  	[tilespmem:s22+$0xFFFFFE90] =	vst v7;
	v7 =	vpop (erf);
	(erf) = vrcp.f32 v12  }
0x136: {  	[tilespmem:s22+$0xFFFFFEA0] =	vst v7;
	v7 =	vpop (erf);
	(erf) = vrcp.f32 v13  }
.Ltmp1:
0x137: {  	[tilespmem:s22+$0xFFFFFEB0] =	vst v7;
	v7 =	vpop (erf);
	(erf) = vrcp.f32 v14;
	(pc) =	sbr.rel @p0 .LBB2_4-.Ltmp1, $4  }
0x138: {  	[tilespmem:s22+$0xFFFFFE10] =	vst v7;
	v7 =	vpop (erf);
	(erf) = vrcp.f32 v20  }
0x139: {  	[tilespmem:s22+$0xFFFFFEC0] =	vst v7;
	v7 =	vpop (erf);
	(erf) = vrcp.f32 v23  }
0x13a: {  	[tilespmem:s22+$0xFFFFFED0] =	vst v7;
	v7 =	vpop (erf);
	(erf) = vrcp.f32 v24  }
0x13b: {  	s22 =	sadd.s32 $0x200, s22;
	[tilespmem:s1+$0xFFFFFEE0] =	vst v7;
	v7 =	vpop (erf);
	(erf) = vrcp.f32 v25  }
0x13c: {  	[tilespmem:s1+$0xFFFFFEF0] =	vst v7;
	v7 =	vpop (erf);
	(erf) = vrcp.f32 v6  }
0x13d: {  	[tilespmem:s1+$0xFFFFFF00] =	vst v7;
	v6 =	vpop (erf);
	(erf) = vrcp.f32 v5  }
0x13e: {  	[tilespmem:s1+$0xFFFFFF10] =	vst v6;
	v5 =	vpop (erf);
	(erf) = vrcp.f32 v3  }
0x13f: {  	[tilespmem:s1+$0xFFFFFF20] =	vst v5;
	v3 =	vpop (erf);
	(erf) = vrcp.f32 v4  }
0x140: {  	[tilespmem:s1+$0xFFFFFF30] =	vst v3;
	v3 =	vpop (erf);
	(erf) = vrcp.f32 v0  }
0x141: {  	[tilespmem:s1+$0xFFFFFF40] =	vst v3;
	v0 =	vpop (erf);
	(erf) = vrcp.f32 v1  }
0x142: {  	[tilespmem:s1+$0xFFFFFF50] =	vst v0;
	v0 =	vpop (erf);
	(erf) = vrcp.f32 v2  }
0x143: {  	[tilespmem:s1+$0xFFFFFF60] =	vst v0;
	v0 =	vpop (erf)  }
0x144: {  	[tilespmem:s1+$0xFFFFFF70] =	vst v0;
	v0 =	vpop (erf)  }
0x145: {  	[tilespmem:s1+$0xFFFFFF80] =	vst v0;
	v0 =	vpop (erf)  }
0x146: {  	[tilespmem:s1+$0xFFFFFF90] =	vst v0;
	v0 =	vpop (erf)  }
0x147: {  	[tilespmem:s1+$0xFFFFFFA0] =	vst v0;
	v0 =	vpop (erf)  }
0x148: {  	[tilespmem:s1+$0xFFFFFFB0] =	vst v0;
	v0 =	vpop (erf)  }
0x149: {  	[tilespmem:s1+$0xFFFFFFC0] =	vst v0;
	v0 =	vpop (erf)  }
0x14a: {  	[tilespmem:s1+$0xFFFFFFD0] =	vst v0;
	v0 =	vpop (erf)  }
0x14b: {  	[tilespmem:s1+$0xFFFFFFE0] =	vst v0;
	v0 =	vpop (erf)  }
0x14c: {  	[tilespmem:s1+$0xFFFFFFF0] =	vst v0  }
0x14d: {  	[hbm4b:s6+s3] =	stream.linear.scatter [tilespmem:s17], [sflag:$0x5], $0x2000, $0x38;
	[tilespmem:$0x6200] =	vst v63  }
0x14e: {  	_ =	swait.ge [sflag:s24], $0x2000  }
0x14f: {  	[sflag:s24] =	ssyncset.done $0x0  }
0x150: {  	[sflag:s24] =	ssyncadd.s32 $0xFFFFE000  }
0x151: {  	[tilespmem:s17], [sflag:$0x2] =	stream.indirect.gather [hbm4b:s2+s15], $0x80, s25, s15, $0xb8;
	[tilespmem:$0x6200] =	vst v63  }
0x152: {  	_ =	swait.ge [sflag:s26], $0x2000  }
0x153: {  	[sflag:s26] =	ssyncset.done $0x0  }
0x154: {  	s1 =	simm.s32 $0x4200;
	[sflag:s26] =	ssyncadd.s32 $0xFFFFE000  }
0x155: {  	v0 =	vld [tilespmem:s1+$0x1F0]  }
0x156: {  	v1 =	vld [tilespmem:s1+$0x10]  }
0x157: {  	v2 =	vld [tilespmem:s1+$0x20]  }
0x158: {  	v4 =	vld [tilespmem:s1+$0x40]  }
0x159: {  	v3 =	vld [tilespmem:s1+$0x30]  }
0x15a: {  	v5 =	vld [tilespmem:s1+$0x50];
	v0 =	vmul.f32 $-1.442695020e+00, v0  }
0x15b: {  	v6 =	vld [tilespmem:s1+$0x60];
	v1 =	vmul.f32 $-1.442695020e+00, v1  }
0x15c: {  	v7 =	vld [tilespmem:s1+$0x70];
	v2 =	vmul.f32 $-1.442695020e+00, v2;
	(erf) = vpow2.f32 v0  }
0x15d: {  	(erf) = vpow2.f32 v1;
	v1 =	vmul.f32 $-1.442695020e+00, v4;
	v4 =	vld [tilespmem:s1+$0x90]  }
0x15e: {  	v0 =	vmul.f32 $-1.442695020e+00, v3;
	v3 =	vld [tilespmem:s1+$0x80]  }
0x15f: {  	(erf) = vpow2.f32 v2;
	v2 =	vmul.f32 $-1.442695020e+00, v5  }
0x160: {  	v5 =	vld [tilespmem:s1+$0xA0];
	(erf) = vpow2.f32 v0;
	v0 =	vmul.f32 $-1.442695020e+00, v6  }
0x161: {  	v6 =	vld [tilespmem:s1+$0xB0];
	(erf) = vpow2.f32 v1;
	v1 =	vmul.f32 $-1.442695020e+00, v7  }
0x162: {  	(erf) = vpow2.f32 v2;
	v2 =	vld [tilespmem:s1+$0xC0];
	v4 =	vmul.f32 $-1.442695020e+00, v4  }
0x163: {  	v3 =	vmul.f32 $-1.442695020e+00, v3;
	(erf) = vpow2.f32 v0;
	v0 =	vld [tilespmem:s1+$0xD0]  }
0x164: {  	(erf) = vpow2.f32 v1;
	v1 =	vld [tilespmem:s1+$0xE0]  }
0x165: {  	v5 =	vmul.f32 $-1.442695020e+00, v5;
	(erf) = vpow2.f32 v3;
	v3 =	vld [tilespmem:s1+$0xF0]  }
0x166: {  	v7 =	vld [tilespmem:s1+$0x100];
	v6 =	vmul.f32 $-1.442695020e+00, v6;
	(erf) = vpow2.f32 v4;
	v4 =	vpop (erf)  }
0x167: {  	(erf) = vpow2.f32 v5;
	v2 =	vmul.f32 $-1.442695020e+00, v2;
	v5 =	vld [tilespmem:s1+$0x110];
	v4 =	vadd.f32 $1.000000000e+00, v4  }
0x168: {  	v8 =	vpop (erf);
	(erf) = vpow2.f32 v6;
	v0 =	vmul.f32 $-1.442695020e+00, v0;
	v6 =	vld [tilespmem:s1+$0x120]  }
0x169: {  	v9 =	vpop (erf);
	v1 =	vmul.f32 $-1.442695020e+00, v1;
	(erf) = vrcp.f32 v4;
	v4 =	vld [tilespmem:s1+$0x130]  }
0x16a: {  	v10 =	vpop (erf);
	(erf) = vpow2.f32 v2;
	v2 =	vmul.f32 $-1.442695020e+00, v3;
	v3 =	vld [tilespmem:s1+$0x140]  }
0x16b: {  	v11 =	vpop (erf);
	(erf) = vpow2.f32 v0;
	v0 =	vmul.f32 $-1.442695020e+00, v7  }
0x16c: {  	v12 =	vpop (erf);
	v7 =	vld [tilespmem:s1+$0x150];
	(erf) = vpow2.f32 v1;
	v1 =	vmul.f32 $-1.442695020e+00, v5  }
0x16d: {  	v13 =	vpop (erf);
	v5 =	vld [tilespmem:s1+$0x160];
	(erf) = vpow2.f32 v2;
	v2 =	vmul.f32 $-1.442695020e+00, v6  }
0x16e: {  	v14 =	vpop (erf);
	v6 =	vld [tilespmem:s1+$0x170];
	(erf) = vpow2.f32 v0;
	v0 =	vmul.f32 $-1.442695020e+00, v4  }
0x16f: {  	v15 =	vpop (erf);
	v4 =	vld [tilespmem:s1+$0x180];
	(erf) = vpow2.f32 v1;
	v1 =	vmul.f32 $-1.442695020e+00, v3  }
0x170: {  	v16 =	vpop (erf);
	v3 =	vld [tilespmem:s1+$0x190]  }
0x171: {  	v17 =	vpop (erf);
	(erf) = vpow2.f32 v2;
	v2 =	vmul.f32 $-1.442695020e+00, v7;
	v7 =	vld [tilespmem:s1+$0x1A0]  }
0x172: {  	v18 =	vpop (erf);
	(erf) = vpow2.f32 v0;
	v0 =	vmul.f32 $-1.442695020e+00, v5;
	v5 =	vld [tilespmem:s1+$0x1B0]  }
0x173: {  	v19 =	vld [tilespmem:s1+$0x1C0];
	(erf) = vpow2.f32 v1;
	v6 =	vmul.f32 $-1.442695020e+00, v6;
	v1 =	vpop (erf)  }
0x174: {  	(erf) = vpow2.f32 v2;
	v2 =	vmul.f32 $-1.442695020e+00, v4;
	v4 =	vld [tilespmem:s1+$0x1D0];
	v20 =	vpop (erf)  }
0x175: {  	(erf) = vpow2.f32 v0;
	[tilespmem:s1+$0x1F0] =	vst v1;
	v0 =	vmul.f32 $-1.442695020e+00, v3;
	v1 =	vld [tilespmem:s1+$0x0];
	v21 =	vpop (erf)  }
0x176: {  	(erf) = vpow2.f32 v6;
	v7 =	vmul.f32 $-1.442695020e+00, v7;
	v3 =	vpop (erf)  }
0x177: {  	v6 =	vld [tilespmem:s1+$0x1E0];
	v22 =	vpop (erf);
	(erf) = vpow2.f32 v2;
	v2 =	vmul.f32 $-1.442695020e+00, v5  }
0x178: {  	v5 =	vpop (erf);
	(erf) = vpow2.f32 v0;
	v0 =	vmul.f32 $-1.442695020e+00, v19  }
0x179: {  	v4 =	vmul.f32 $-1.442695020e+00, v4;
	v35 =	vpop (erf);
	(erf) = vpow2.f32 v7  }
0x17a: {  	v1 =	vmul.f32 $-1.442695020e+00, v1;
	v7 =	vpop (erf);
	(erf) = vpow2.f32 v2  }
0x17b: {  	v2 =	vpop (erf);
	(erf) = vpow2.f32 v0  }
0x17c: {  	v0 =	vmul.f32 $-1.442695020e+00, v6;
	(erf) = vpow2.f32 v4;
	v4 =	vadd.f32 $1.000000000e+00, v8  }
0x17d: {  	v6 =	vpop (erf);
	v8 =	vadd.f32 $1.000000000e+00, v9;
	(erf) = vpow2.f32 v1  }
0x17e: {  	v1 =	vpop (erf);
	(erf) = vpow2.f32 v0;
	v0 =	vadd.f32 $1.000000000e+00, v10  }
0x17f: {  	v36 =	vpop (erf)  }
0x180: {  	(erf) = vrcp.f32 v4;
	v4 =	vpop (erf)  }
0x181: {  	v37 =	vadd.f32 $1.000000000e+00, v11;
	(erf) = vrcp.f32 v8;
	v8 =	vpop (erf)  }
0x182: {  	v38 =	vadd.f32 $1.000000000e+00, v12;
	(erf) = vrcp.f32 v0;
	v0 =	vpop (erf)  }
0x183: {  	v39 =	vadd.f32 $1.000000000e+00, v13;
	(erf) = vrcp.f32 v37;
	v40 =	vpop (erf)  }
0x184: {  	v41 =	vadd.f32 $1.000000000e+00, v14;
	(erf) = vrcp.f32 v38;
	v42 =	vpop (erf)  }
0x185: {  	v43 =	vadd.f32 $1.000000000e+00, v15;
	(erf) = vrcp.f32 v39;
	v44 =	vpop (erf)  }
0x186: {  	v45 =	vadd.f32 $1.000000000e+00, v16;
	(erf) = vrcp.f32 v41;
	v46 =	vpop (erf)  }
0x187: {  	v47 =	vadd.f32 $1.000000000e+00, v17;
	(erf) = vrcp.f32 v43;
	v48 =	vpop (erf)  }
0x188: {  	(erf) = vrcp.f32 v45;
	v49 =	vadd.f32 $1.000000000e+00, v48;
	v50 =	vpop (erf)  }
0x189: {  	v51 =	vadd.f32 $1.000000000e+00, v18;
	(erf) = vrcp.f32 v47;
	v52 =	vpop (erf)  }
0x18a: {  	v53 =	vadd.f32 $1.000000000e+00, v20;
	[tilespmem:s1+$0x10] =	vst v52;
	(erf) = vrcp.f32 v49;
	v54 =	vpop (erf)  }
0x18b: {  	v55 =	vadd.f32 $1.000000000e+00, v21;
	[tilespmem:s1+$0x20] =	vst v54;
	v56 =	vpop (erf);
	(erf) = vrcp.f32 v51  }
0x18c: {  	v3 =	vadd.f32 $1.000000000e+00, v3;
	[tilespmem:s1+$0x30] =	vst v56;
	v57 =	vpop (erf);
	(erf) = vrcp.f32 v53  }
0x18d: {  	v58 =	vadd.f32 $1.000000000e+00, v22;
	v5 =	vadd.f32 $1.000000000e+00, v5;
	[tilespmem:s1+$0x40] =	vst v57;
	v59 =	vpop (erf);
	(erf) = vrcp.f32 v55  }
0x18e: {  	[tilespmem:s1+$0x50] =	vst v59;
	v60 =	vpop (erf);
	(erf) = vrcp.f32 v3  }
0x18f: {  	v3 =	vadd.f32 $1.000000000e+00, v35;
	[tilespmem:s1+$0x60] =	vst v60;
	v61 =	vpop (erf);
	(erf) = vrcp.f32 v58  }
0x190: {  	v7 =	vadd.f32 $1.000000000e+00, v7;
	v2 =	vadd.f32 $1.000000000e+00, v2;
	[tilespmem:s1+$0x70] =	vst v61;
	v62 =	vpop (erf);
	(erf) = vrcp.f32 v5  }
0x191: {  	[tilespmem:s1+$0x80] =	vst v62;
	v5 =	vpop (erf);
	(erf) = vrcp.f32 v3  }
0x192: {  	v3 =	vadd.f32 $1.000000000e+00, v6;
	[tilespmem:s1+$0x90] =	vst v5;
	v5 =	vpop (erf);
	(erf) = vrcp.f32 v7  }
0x193: {  	v1 =	vadd.f32 $1.000000000e+00, v1;
	v7 =	vadd.f32 $1.000000000e+00, v36;
	[tilespmem:s1+$0xA0] =	vst v5;
	v5 =	vpop (erf);
	(erf) = vrcp.f32 v2  }
0x194: {  	v63 =	vadd.f32 $1.000000000e+00, v4;
	v4 =	vadd.f32 $1.000000000e+00, v42;
	[tilespmem:s1+$0x0] =	vst v5;
	v2 =	vpop (erf);
	(erf) = vrcp.f32 v3  }
0x195: {  	v6 =	vadd.f32 $1.000000000e+00, v8;
	v5 =	vadd.f32 $1.000000000e+00, v0;
	[tilespmem:s1+$0xB0] =	vst v2;
	v2 =	vpop (erf);
	(erf) = vrcp.f32 v1  }
0x196: {  	v3 =	vadd.f32 $1.000000000e+00, v40;
	v0 =	vadd.f32 $1.000000000e+00, v44;
	[tilespmem:s1+$0xC0] =	vst v2;
	v8 =	vpop (erf);
	(erf) = vrcp.f32 v7  }
0x197: {  	s18 =	simm.s32 $0x0;
	s22 =	simm.s32 $0x4400;
	v1 =	vadd.f32 $1.000000000e+00, v46;
	v2 =	vadd.f32 $1.000000000e+00, v50;
	[tilespmem:s1+$0xD0] =	vst v8;
	v7 =	vpop (erf);
	(erf) = vrcp.f32 v63  }
.LBB2_6:
0x198: {  	v8 =	vld [tilespmem:s22+$0x1F0];
	s18 =	sadd.s32 $0x4, s18;
	[tilespmem:s1+$0xE0] =	vst v7;
	v7 =	vpop (erf);
	(erf) = vrcp.f32 v6  }
0x199: {  	v6 =	vld [tilespmem:s22+$0x10];
	p0 =	slt.u32 s18, $0x3C;
	[tilespmem:s1+$0xF0] =	vst v7;
	v7 =	vpop (erf);
	(erf) = vrcp.f32 v5  }
0x19a: {  	v5 =	vld [tilespmem:s22+$0x20];
	[tilespmem:s1+$0x100] =	vst v7;
	v7 =	vpop (erf);
	(erf) = vrcp.f32 v3  }
0x19b: {  	v3 =	vld [tilespmem:s22+$0x30];
	[tilespmem:s1+$0x110] =	vst v7;
	v7 =	vpop (erf);
	(erf) = vrcp.f32 v4  }
0x19c: {  	v4 =	vld [tilespmem:s22+$0x40];
	[tilespmem:s1+$0x120] =	vst v7;
	v7 =	vpop (erf);
	(erf) = vrcp.f32 v0  }
0x19d: {  	v0 =	vld [tilespmem:s22+$0x50];
	v8 =	vmul.f32 $-1.442695020e+00, v8;
	[tilespmem:s1+$0x130] =	vst v7;
	v7 =	vpop (erf);
	(erf) = vrcp.f32 v1  }
0x19e: {  	v9 =	vmul.f32 $-1.442695020e+00, v6;
	v6 =	vld [tilespmem:s22+$0x60];
	[tilespmem:s1+$0x140] =	vst v7;
	v7 =	vpop (erf);
	(erf) = vrcp.f32 v2  }
0x19f: {  	v2 =	vmul.f32 $-1.442695020e+00, v5;
	v5 =	vld [tilespmem:s22+$0x70];
	(erf) = vpow2.f32 v8;
	[tilespmem:s1+$0x150] =	vst v7;
	v7 =	vpop (erf)  }
0x1a0: {  	v3 =	vmul.f32 $-1.442695020e+00, v3;
	v8 =	vld [tilespmem:s22+$0x80];
	(erf) = vpow2.f32 v9;
	[tilespmem:s1+$0x160] =	vst v7;
	v1 =	vpop (erf)  }
0x1a1: {  	v4 =	vmul.f32 $-1.442695020e+00, v4;
	v7 =	vld [tilespmem:s22+$0x90];
	(erf) = vpow2.f32 v2;
	[tilespmem:s1+$0x170] =	vst v1;
	v1 =	vpop (erf)  }
0x1a2: {  	v9 =	vmul.f32 $-1.442695020e+00, v0;
	v2 =	vld [tilespmem:s22+$0xA0];
	(erf) = vpow2.f32 v3;
	[tilespmem:s1+$0x180] =	vst v1;
	v1 =	vpop (erf)  }
0x1a3: {  	v3 =	vmul.f32 $-1.442695020e+00, v6;
	v6 =	vld [tilespmem:s22+$0xB0];
	(erf) = vpow2.f32 v4;
	[tilespmem:s1+$0x190] =	vst v1;
	v1 =	vpop (erf)  }
0x1a4: {  	v4 =	vmul.f32 $-1.442695020e+00, v5;
	v5 =	vld [tilespmem:s22+$0xC0];
	(erf) = vpow2.f32 v9;
	[tilespmem:s1+$0x1A0] =	vst v1;
	v0 =	vpop (erf)  }
0x1a5: {  	v1 =	vmul.f32 $-1.442695020e+00, v8;
	v8 =	vld [tilespmem:s22+$0xD0];
	(erf) = vpow2.f32 v3;
	[tilespmem:s1+$0x1B0] =	vst v0;
	v0 =	vpop (erf)  }
0x1a6: {  	v10 =	vmul.f32 $-1.442695020e+00, v7;
	v7 =	vld [tilespmem:s22+$0xE0];
	(erf) = vpow2.f32 v4;
	[tilespmem:s1+$0x1C0] =	vst v0;
	v0 =	vpop (erf)  }
0x1a7: {  	v2 =	vmul.f32 $-1.442695020e+00, v2;
	v4 =	vld [tilespmem:s22+$0xF0];
	(erf) = vpow2.f32 v1;
	[tilespmem:s1+$0x1D0] =	vst v0;
	v0 =	vpop (erf)  }
0x1a8: {  	v1 =	vmul.f32 $-1.442695020e+00, v6;
	v6 =	vld [tilespmem:s22+$0x100];
	(erf) = vpow2.f32 v10;
	v3 =	vpop (erf);
	[tilespmem:s1+$0x1E0] =	vst v0;
	s1 =	smov.u32 s22  }
0x1a9: {  	v0 =	vmul.f32 $-1.442695020e+00, v5;
	v5 =	vld [tilespmem:s22+$0x110];
	v3 =	vadd.f32 $1.000000000e+00, v3;
	v9 =	vpop (erf);
	(erf) = vpow2.f32 v2  }
0x1aa: {  	v2 =	vadd.f32 $1.000000000e+00, v9;
	v8 =	vmul.f32 $-1.442695020e+00, v8;
	v9 =	vld [tilespmem:s22+$0x120];
	v10 =	vpop (erf);
	(erf) = vpow2.f32 v1  }
0x1ab: {  	v1 =	vadd.f32 $1.000000000e+00, v10;
	v7 =	vmul.f32 $-1.442695020e+00, v7;
	v10 =	vld [tilespmem:s22+$0x130];
	v11 =	vpop (erf);
	(erf) = vrcp.f32 v3  }
0x1ac: {  	v3 =	vadd.f32 $1.000000000e+00, v11;
	v4 =	vmul.f32 $-1.442695020e+00, v4;
	v11 =	vld [tilespmem:s22+$0x140];
	v12 =	vpop (erf);
	(erf) = vpow2.f32 v0  }
0x1ad: {  	v0 =	vadd.f32 $1.000000000e+00, v12;
	v6 =	vmul.f32 $-1.442695020e+00, v6;
	v12 =	vld [tilespmem:s22+$0x150];
	v13 =	vpop (erf);
	(erf) = vpow2.f32 v8  }
0x1ae: {  	v8 =	vadd.f32 $1.000000000e+00, v13;
	v5 =	vmul.f32 $-1.442695020e+00, v5;
	v13 =	vld [tilespmem:s22+$0x160];
	v14 =	vpop (erf);
	(erf) = vpow2.f32 v7  }
0x1af: {  	v7 =	vadd.f32 $1.000000000e+00, v14;
	v9 =	vmul.f32 $-1.442695020e+00, v9;
	v14 =	vld [tilespmem:s22+$0x170];
	v15 =	vpop (erf);
	(erf) = vpow2.f32 v4  }
0x1b0: {  	v15 =	vadd.f32 $1.000000000e+00, v15;
	v4 =	vmul.f32 $-1.442695020e+00, v10;
	v10 =	vld [tilespmem:s22+$0x180];
	v16 =	vpop (erf);
	(erf) = vpow2.f32 v6  }
0x1b1: {  	v16 =	vadd.f32 $1.000000000e+00, v16;
	v20 =	vmul.f32 $-1.442695020e+00, v11;
	v11 =	vld [tilespmem:s22+$0x190];
	v17 =	vpop (erf);
	(erf) = vpow2.f32 v5  }
0x1b2: {  	v17 =	vadd.f32 $1.000000000e+00, v17;
	v5 =	vmul.f32 $-1.442695020e+00, v12;
	v12 =	vld [tilespmem:s22+$0x1A0];
	v18 =	vpop (erf);
	(erf) = vpow2.f32 v9  }
0x1b3: {  	v9 =	vadd.f32 $1.000000000e+00, v18;
	v13 =	vmul.f32 $-1.442695020e+00, v13;
	v18 =	vld [tilespmem:s22+$0x1B0];
	v19 =	vpop (erf);
	(erf) = vpow2.f32 v4  }
0x1b4: {  	v19 =	vadd.f32 $1.000000000e+00, v19;
	v4 =	vmul.f32 $-1.442695020e+00, v14;
	v14 =	vld [tilespmem:s22+$0x1C0];
	(erf) = vpow2.f32 v20;
	v6 =	vpop (erf)  }
0x1b5: {  	v10 =	vmul.f32 $-1.442695020e+00, v10;
	v20 =	vld [tilespmem:s22+$0x1D0];
	[tilespmem:s22+$0x1F0] =	vst v6;
	v6 =	vpop (erf);
	(erf) = vpow2.f32 v5  }
0x1b6: {  	v21 =	vadd.f32 $1.000000000e+00, v6;
	v5 =	vmul.f32 $-1.442695020e+00, v11;
	v6 =	vld [tilespmem:s22+$0x1E0];
	v11 =	vpop (erf);
	(erf) = vpow2.f32 v13  }
0x1b7: {  	v13 =	vld [tilespmem:s22+$0x0];
	v11 =	vadd.f32 $1.000000000e+00, v11;
	v12 =	vmul.f32 $-1.442695020e+00, v12;
	v22 =	vpop (erf);
	(erf) = vpow2.f32 v4  }
0x1b8: {  	v22 =	vadd.f32 $1.000000000e+00, v22;
	v4 =	vmul.f32 $-1.442695020e+00, v18;
	v18 =	vpop (erf);
	(erf) = vpow2.f32 v10  }
0x1b9: {  	v10 =	vadd.f32 $1.000000000e+00, v18;
	v14 =	vmul.f32 $-1.442695020e+00, v14;
	v18 =	vpop (erf);
	(erf) = vpow2.f32 v5  }
0x1ba: {  	v18 =	vadd.f32 $1.000000000e+00, v18;
	v5 =	vmul.f32 $-1.442695020e+00, v20;
	v20 =	vpop (erf);
	(erf) = vpow2.f32 v12  }
0x1bb: {  	v12 =	vadd.f32 $1.000000000e+00, v20;
	v6 =	vmul.f32 $-1.442695020e+00, v6;
	v20 =	vpop (erf);
	(erf) = vpow2.f32 v4  }
0x1bc: {  	v23 =	vmul.f32 $-1.442695020e+00, v13;
	v13 =	vadd.f32 $1.000000000e+00, v20;
	v20 =	vpop (erf);
	(erf) = vpow2.f32 v14  }
0x1bd: {  	v14 =	vadd.f32 $1.000000000e+00, v20;
	v20 =	vpop (erf);
	(erf) = vpow2.f32 v5  }
0x1be: {  	v20 =	vadd.f32 $1.000000000e+00, v20;
	(erf) = vpow2.f32 v23;
	v4 =	vpop (erf)  }
0x1bf: {  	v23 =	vadd.f32 $1.000000000e+00, v4;
	v4 =	vpop (erf);
	(erf) = vpow2.f32 v6  }
0x1c0: {  	v24 =	vadd.f32 $1.000000000e+00, v4;
	(erf) = vrcp.f32 v2;
	v2 =	vpop (erf)  }
0x1c1: {  	v25 =	vadd.f32 $1.000000000e+00, v2;
	(erf) = vrcp.f32 v1;
	v1 =	vpop (erf)  }
0x1c2: {  	v6 =	vadd.f32 $1.000000000e+00, v1;
	(erf) = vrcp.f32 v3;
	v1 =	vpop (erf)  }
0x1c3: {  	v5 =	vadd.f32 $1.000000000e+00, v1;
	(erf) = vrcp.f32 v0;
	v0 =	vpop (erf)  }
0x1c4: {  	v3 =	vadd.f32 $1.000000000e+00, v0;
	(erf) = vrcp.f32 v8;
	v0 =	vpop (erf)  }
0x1c5: {  	v4 =	vadd.f32 $1.000000000e+00, v0;
	(erf) = vrcp.f32 v7;
	v0 =	vpop (erf)  }
0x1c6: {  	v0 =	vadd.f32 $1.000000000e+00, v0;
	(erf) = vrcp.f32 v15;
	v1 =	vpop (erf)  }
0x1c7: {  	v1 =	vadd.f32 $1.000000000e+00, v1;
	v2 =	vpop (erf);
	(erf) = vrcp.f32 v16  }
0x1c8: {  	v15 =	vadd.f32 $1.000000000e+00, v2;
	(erf) = vrcp.f32 v17;
	v2 =	vpop (erf)  }
0x1c9: {  	v2 =	vadd.f32 $1.000000000e+00, v2;
	v8 =	vpop (erf);
	(erf) = vrcp.f32 v9  }
0x1ca: {  	[tilespmem:s22+$0x10] =	vst v8;
	(erf) = vrcp.f32 v15;
	v7 =	vpop (erf)  }
0x1cb: {  	[tilespmem:s22+$0x20] =	vst v7;
	v7 =	vpop (erf);
	(erf) = vrcp.f32 v19  }
0x1cc: {  	[tilespmem:s22+$0x30] =	vst v7;
	v7 =	vpop (erf);
	(erf) = vrcp.f32 v21  }
0x1cd: {  	[tilespmem:s22+$0x40] =	vst v7;
	v7 =	vpop (erf);
	(erf) = vrcp.f32 v11  }
0x1ce: {  	[tilespmem:s22+$0x50] =	vst v7;
	v7 =	vpop (erf);
	(erf) = vrcp.f32 v22  }
0x1cf: {  	[tilespmem:s22+$0x60] =	vst v7;
	v7 =	vpop (erf);
	(erf) = vrcp.f32 v10  }
0x1d0: {  	[tilespmem:s22+$0x70] =	vst v7;
	v7 =	vpop (erf);
	(erf) = vrcp.f32 v18  }
0x1d1: {  	[tilespmem:s22+$0x80] =	vst v7;
	v7 =	vpop (erf);
	(erf) = vrcp.f32 v12  }
0x1d2: {  	[tilespmem:s22+$0x90] =	vst v7;
	v7 =	vpop (erf);
	(erf) = vrcp.f32 v13  }
.Ltmp2:
0x1d3: {  	[tilespmem:s22+$0xA0] =	vst v7;
	v7 =	vpop (erf);
	(erf) = vrcp.f32 v14;
	(pc) =	sbr.rel @p0 .LBB2_6-.Ltmp2, $4  }
0x1d4: {  	[tilespmem:s22+$0x0] =	vst v7;
	v7 =	vpop (erf);
	(erf) = vrcp.f32 v20  }
0x1d5: {  	[tilespmem:s22+$0xB0] =	vst v7;
	v7 =	vpop (erf);
	(erf) = vrcp.f32 v23  }
0x1d6: {  	[tilespmem:s22+$0xC0] =	vst v7;
	v7 =	vpop (erf);
	(erf) = vrcp.f32 v24  }
0x1d7: {  	s22 =	sadd.s32 $0x200, s22;
	[tilespmem:s1+$0xD0] =	vst v7;
	v7 =	vpop (erf);
	(erf) = vrcp.f32 v25  }
0x1d8: {  	[tilespmem:s1+$0xE0] =	vst v7;
	v7 =	vpop (erf);
	(erf) = vrcp.f32 v6  }
0x1d9: {  	[tilespmem:s1+$0xF0] =	vst v7;
	v6 =	vpop (erf);
	(erf) = vrcp.f32 v5  }
0x1da: {  	[tilespmem:s1+$0x100] =	vst v6;
	v5 =	vpop (erf);
	(erf) = vrcp.f32 v3  }
0x1db: {  	[tilespmem:s1+$0x110] =	vst v5;
	v3 =	vpop (erf);
	(erf) = vrcp.f32 v4  }
0x1dc: {  	[tilespmem:s1+$0x120] =	vst v3;
	v3 =	vpop (erf);
	(erf) = vrcp.f32 v0  }
0x1dd: {  	[tilespmem:s1+$0x130] =	vst v3;
	v0 =	vpop (erf);
	(erf) = vrcp.f32 v1  }
0x1de: {  	[tilespmem:s1+$0x140] =	vst v0;
	v0 =	vpop (erf);
	(erf) = vrcp.f32 v2  }
0x1df: {  	[tilespmem:s1+$0x150] =	vst v0;
	v0 =	vpop (erf)  }
0x1e0: {  	[tilespmem:s1+$0x160] =	vst v0;
	v0 =	vpop (erf)  }
0x1e1: {  	[tilespmem:s1+$0x170] =	vst v0;
	v0 =	vpop (erf)  }
0x1e2: {  	[tilespmem:s1+$0x180] =	vst v0;
	v0 =	vpop (erf)  }
0x1e3: {  	[tilespmem:s1+$0x190] =	vst v0;
	v0 =	vpop (erf)  }
0x1e4: {  	[tilespmem:s1+$0x1A0] =	vst v0;
	v0 =	vpop (erf)  }
0x1e5: {  	[tilespmem:s1+$0x1B0] =	vst v0;
	v0 =	vpop (erf)  }
0x1e6: {  	[tilespmem:s1+$0x1C0] =	vst v0;
	v0 =	vpop (erf)  }
0x1e7: {  	[tilespmem:s1+$0x1D0] =	vst v0;
	v0 =	vpop (erf)  }
0x1e8: {  	[tilespmem:s1+$0x1E0] =	vst v0  }
0x1e9: {  	[hbm4b:s7+s3] =	stream.linear.scatter [tilespmem:s19], [sflag:$0x6], $0x2000, $0x38;
	[tilespmem:$0x6200] =	vst v63  }
0x1ea: {  	_ =	swait.ge [sflag:s28], $0x2000  }
0x1eb: {  	[sflag:s28] =	ssyncset.done $0x0  }
0x1ec: {  	[sflag:s28] =	ssyncadd.s32 $0xFFFFE000  }
0x1ed: {  	[tilespmem:s19], [sflag:$0x3] =	stream.indirect.gather [hbm4b:s2+s15], $0x80, s29, s15, $0xb8;
	[tilespmem:$0x6200] =	vst v63  }
0x1ee: {  	_ =	swait.ge [sflag:s20], $0x2000  }
0x1ef: {  	[sflag:s20] =	ssyncset.done $0x0  }
0x1f0: {  	s1 =	simm.s32 $0x300;
	[sflag:s20] =	ssyncadd.s32 $0xFFFFE000  }
0x1f1: {  	v0 =	vld [tilespmem:s1+$0xF0]  }
0x1f2: {  	v1 =	vld [tilespmem:s1+$0xFFFFFF10]  }
0x1f3: {  	v2 =	vld [tilespmem:s1+$0xFFFFFF20]  }
0x1f4: {  	v4 =	vld [tilespmem:s1+$0xFFFFFF40]  }
0x1f5: {  	v3 =	vld [tilespmem:s1+$0xFFFFFF30]  }
0x1f6: {  	v5 =	vld [tilespmem:s1+$0xFFFFFF50];
	v0 =	vmul.f32 $-1.442695020e+00, v0  }
0x1f7: {  	v6 =	vld [tilespmem:s1+$0xFFFFFF60];
	v1 =	vmul.f32 $-1.442695020e+00, v1  }
0x1f8: {  	v7 =	vld [tilespmem:s1+$0xFFFFFF70];
	v2 =	vmul.f32 $-1.442695020e+00, v2;
	(erf) = vpow2.f32 v0  }
0x1f9: {  	(erf) = vpow2.f32 v1;
	v1 =	vmul.f32 $-1.442695020e+00, v4;
	v4 =	vld [tilespmem:s1+$0xFFFFFF90]  }
0x1fa: {  	v0 =	vmul.f32 $-1.442695020e+00, v3;
	v3 =	vld [tilespmem:s1+$0xFFFFFF80]  }
0x1fb: {  	(erf) = vpow2.f32 v2;
	v2 =	vmul.f32 $-1.442695020e+00, v5  }
0x1fc: {  	v5 =	vld [tilespmem:s1+$0xFFFFFFA0];
	(erf) = vpow2.f32 v0;
	v0 =	vmul.f32 $-1.442695020e+00, v6  }
0x1fd: {  	v6 =	vld [tilespmem:s1+$0xFFFFFFB0];
	(erf) = vpow2.f32 v1;
	v1 =	vmul.f32 $-1.442695020e+00, v7  }
0x1fe: {  	(erf) = vpow2.f32 v2;
	v2 =	vld [tilespmem:s1+$0xFFFFFFC0];
	v4 =	vmul.f32 $-1.442695020e+00, v4  }
0x1ff: {  	v3 =	vmul.f32 $-1.442695020e+00, v3;
	(erf) = vpow2.f32 v0;
	v0 =	vld [tilespmem:s1+$0xFFFFFFD0]  }
0x200: {  	(erf) = vpow2.f32 v1;
	v1 =	vld [tilespmem:s1+$0xFFFFFFE0]  }
0x201: {  	v5 =	vmul.f32 $-1.442695020e+00, v5;
	(erf) = vpow2.f32 v3;
	v3 =	vld [tilespmem:s1+$0xFFFFFFF0]  }
0x202: {  	v7 =	vld [tilespmem:s1+$0x0];
	v6 =	vmul.f32 $-1.442695020e+00, v6;
	(erf) = vpow2.f32 v4;
	v4 =	vpop (erf)  }
0x203: {  	(erf) = vpow2.f32 v5;
	v2 =	vmul.f32 $-1.442695020e+00, v2;
	v5 =	vld [tilespmem:s1+$0x10];
	v4 =	vadd.f32 $1.000000000e+00, v4  }
0x204: {  	v8 =	vpop (erf);
	(erf) = vpow2.f32 v6;
	v0 =	vmul.f32 $-1.442695020e+00, v0;
	v6 =	vld [tilespmem:s1+$0x20]  }
0x205: {  	v9 =	vpop (erf);
	v1 =	vmul.f32 $-1.442695020e+00, v1;
	(erf) = vrcp.f32 v4;
	v4 =	vld [tilespmem:s1+$0x30]  }
0x206: {  	v10 =	vpop (erf);
	(erf) = vpow2.f32 v2;
	v2 =	vmul.f32 $-1.442695020e+00, v3;
	v3 =	vld [tilespmem:s1+$0x40]  }
0x207: {  	v11 =	vpop (erf);
	(erf) = vpow2.f32 v0;
	v0 =	vmul.f32 $-1.442695020e+00, v7  }
0x208: {  	v12 =	vpop (erf);
	v7 =	vld [tilespmem:s1+$0x50];
	(erf) = vpow2.f32 v1;
	v1 =	vmul.f32 $-1.442695020e+00, v5  }
0x209: {  	v13 =	vpop (erf);
	v5 =	vld [tilespmem:s1+$0x60];
	(erf) = vpow2.f32 v2;
	v2 =	vmul.f32 $-1.442695020e+00, v6  }
0x20a: {  	v14 =	vpop (erf);
	v6 =	vld [tilespmem:s1+$0x70];
	(erf) = vpow2.f32 v0;
	v0 =	vmul.f32 $-1.442695020e+00, v4  }
0x20b: {  	v15 =	vpop (erf);
	v4 =	vld [tilespmem:s1+$0x80];
	(erf) = vpow2.f32 v1;
	v1 =	vmul.f32 $-1.442695020e+00, v3  }
0x20c: {  	v16 =	vpop (erf);
	v3 =	vld [tilespmem:s1+$0x90]  }
0x20d: {  	v17 =	vpop (erf);
	(erf) = vpow2.f32 v2;
	v2 =	vmul.f32 $-1.442695020e+00, v7;
	v7 =	vld [tilespmem:s1+$0xA0]  }
0x20e: {  	v18 =	vpop (erf);
	(erf) = vpow2.f32 v0;
	v0 =	vmul.f32 $-1.442695020e+00, v5;
	v5 =	vld [tilespmem:s1+$0xB0]  }
0x20f: {  	v19 =	vld [tilespmem:s1+$0xC0];
	(erf) = vpow2.f32 v1;
	v6 =	vmul.f32 $-1.442695020e+00, v6;
	v1 =	vpop (erf)  }
0x210: {  	(erf) = vpow2.f32 v2;
	v2 =	vmul.f32 $-1.442695020e+00, v4;
	v4 =	vld [tilespmem:s1+$0xD0];
	v20 =	vpop (erf)  }
0x211: {  	(erf) = vpow2.f32 v0;
	[tilespmem:s1+$0xF0] =	vst v1;
	v0 =	vmul.f32 $-1.442695020e+00, v3;
	v1 =	vld [tilespmem:s1+$0xFFFFFF00];
	v21 =	vpop (erf)  }
0x212: {  	(erf) = vpow2.f32 v6;
	v7 =	vmul.f32 $-1.442695020e+00, v7;
	v3 =	vpop (erf)  }
0x213: {  	v6 =	vld [tilespmem:s1+$0xE0];
	v22 =	vpop (erf);
	(erf) = vpow2.f32 v2;
	v2 =	vmul.f32 $-1.442695020e+00, v5  }
0x214: {  	v5 =	vpop (erf);
	(erf) = vpow2.f32 v0;
	v0 =	vmul.f32 $-1.442695020e+00, v19  }
0x215: {  	v4 =	vmul.f32 $-1.442695020e+00, v4;
	v35 =	vpop (erf);
	(erf) = vpow2.f32 v7  }
0x216: {  	v1 =	vmul.f32 $-1.442695020e+00, v1;
	v7 =	vpop (erf);
	(erf) = vpow2.f32 v2  }
0x217: {  	v2 =	vpop (erf);
	(erf) = vpow2.f32 v0  }
0x218: {  	v0 =	vmul.f32 $-1.442695020e+00, v6;
	(erf) = vpow2.f32 v4;
	v4 =	vadd.f32 $1.000000000e+00, v8  }
0x219: {  	v6 =	vpop (erf);
	v8 =	vadd.f32 $1.000000000e+00, v9;
	(erf) = vpow2.f32 v1  }
0x21a: {  	v1 =	vpop (erf);
	(erf) = vpow2.f32 v0;
	v0 =	vadd.f32 $1.000000000e+00, v10  }
0x21b: {  	v36 =	vpop (erf)  }
0x21c: {  	(erf) = vrcp.f32 v4;
	v4 =	vpop (erf)  }
0x21d: {  	v37 =	vadd.f32 $1.000000000e+00, v11;
	(erf) = vrcp.f32 v8;
	v8 =	vpop (erf)  }
0x21e: {  	v38 =	vadd.f32 $1.000000000e+00, v12;
	(erf) = vrcp.f32 v0;
	v0 =	vpop (erf)  }
0x21f: {  	v39 =	vadd.f32 $1.000000000e+00, v13;
	(erf) = vrcp.f32 v37;
	v40 =	vpop (erf)  }
0x220: {  	v41 =	vadd.f32 $1.000000000e+00, v14;
	(erf) = vrcp.f32 v38;
	v42 =	vpop (erf)  }
0x221: {  	v43 =	vadd.f32 $1.000000000e+00, v15;
	(erf) = vrcp.f32 v39;
	v44 =	vpop (erf)  }
0x222: {  	v45 =	vadd.f32 $1.000000000e+00, v16;
	(erf) = vrcp.f32 v41;
	v46 =	vpop (erf)  }
0x223: {  	v47 =	vadd.f32 $1.000000000e+00, v17;
	(erf) = vrcp.f32 v43;
	v48 =	vpop (erf)  }
0x224: {  	(erf) = vrcp.f32 v45;
	v49 =	vadd.f32 $1.000000000e+00, v48;
	v50 =	vpop (erf)  }
0x225: {  	v51 =	vadd.f32 $1.000000000e+00, v18;
	(erf) = vrcp.f32 v47;
	v52 =	vpop (erf)  }
0x226: {  	v53 =	vadd.f32 $1.000000000e+00, v20;
	[tilespmem:s1+$0xFFFFFF10] =	vst v52;
	(erf) = vrcp.f32 v49;
	v54 =	vpop (erf)  }
0x227: {  	v55 =	vadd.f32 $1.000000000e+00, v21;
	[tilespmem:s1+$0xFFFFFF20] =	vst v54;
	v56 =	vpop (erf);
	(erf) = vrcp.f32 v51  }
0x228: {  	v3 =	vadd.f32 $1.000000000e+00, v3;
	[tilespmem:s1+$0xFFFFFF30] =	vst v56;
	v57 =	vpop (erf);
	(erf) = vrcp.f32 v53  }
0x229: {  	v58 =	vadd.f32 $1.000000000e+00, v22;
	v5 =	vadd.f32 $1.000000000e+00, v5;
	[tilespmem:s1+$0xFFFFFF40] =	vst v57;
	v59 =	vpop (erf);
	(erf) = vrcp.f32 v55  }
0x22a: {  	[tilespmem:s1+$0xFFFFFF50] =	vst v59;
	v60 =	vpop (erf);
	(erf) = vrcp.f32 v3  }
0x22b: {  	v3 =	vadd.f32 $1.000000000e+00, v35;
	[tilespmem:s1+$0xFFFFFF60] =	vst v60;
	v61 =	vpop (erf);
	(erf) = vrcp.f32 v58  }
0x22c: {  	v7 =	vadd.f32 $1.000000000e+00, v7;
	v2 =	vadd.f32 $1.000000000e+00, v2;
	[tilespmem:s1+$0xFFFFFF70] =	vst v61;
	v62 =	vpop (erf);
	(erf) = vrcp.f32 v5  }
0x22d: {  	[tilespmem:s1+$0xFFFFFF80] =	vst v62;
	v5 =	vpop (erf);
	(erf) = vrcp.f32 v3  }
0x22e: {  	v3 =	vadd.f32 $1.000000000e+00, v6;
	[tilespmem:s1+$0xFFFFFF90] =	vst v5;
	v5 =	vpop (erf);
	(erf) = vrcp.f32 v7  }
0x22f: {  	v1 =	vadd.f32 $1.000000000e+00, v1;
	v7 =	vadd.f32 $1.000000000e+00, v36;
	[tilespmem:s1+$0xFFFFFFA0] =	vst v5;
	v5 =	vpop (erf);
	(erf) = vrcp.f32 v2  }
0x230: {  	v63 =	vadd.f32 $1.000000000e+00, v4;
	v4 =	vadd.f32 $1.000000000e+00, v42;
	[tilespmem:s1+$0xFFFFFF00] =	vst v5;
	v2 =	vpop (erf);
	(erf) = vrcp.f32 v3  }
0x231: {  	v6 =	vadd.f32 $1.000000000e+00, v8;
	v5 =	vadd.f32 $1.000000000e+00, v0;
	[tilespmem:s1+$0xFFFFFFB0] =	vst v2;
	v2 =	vpop (erf);
	(erf) = vrcp.f32 v1  }
0x232: {  	v3 =	vadd.f32 $1.000000000e+00, v40;
	v0 =	vadd.f32 $1.000000000e+00, v44;
	[tilespmem:s1+$0xFFFFFFC0] =	vst v2;
	v8 =	vpop (erf);
	(erf) = vrcp.f32 v7  }
0x233: {  	s18 =	simm.s32 $0x0;
	s22 =	simm.s32 $0x500;
	v1 =	vadd.f32 $1.000000000e+00, v46;
	v2 =	vadd.f32 $1.000000000e+00, v50;
	[tilespmem:s1+$0xFFFFFFD0] =	vst v8;
	v7 =	vpop (erf);
	(erf) = vrcp.f32 v63  }
.LBB2_8:
0x234: {  	v8 =	vld [tilespmem:s22+$0xF0];
	s18 =	sadd.s32 $0x4, s18;
	[tilespmem:s1+$0xFFFFFFE0] =	vst v7;
	v7 =	vpop (erf);
	(erf) = vrcp.f32 v6  }
0x235: {  	v6 =	vld [tilespmem:s22+$0xFFFFFF10];
	p0 =	slt.u32 s18, $0x3C;
	[tilespmem:s1+$0xFFFFFFF0] =	vst v7;
	v7 =	vpop (erf);
	(erf) = vrcp.f32 v5  }
0x236: {  	v5 =	vld [tilespmem:s22+$0xFFFFFF20];
	[tilespmem:s1+$0x0] =	vst v7;
	v7 =	vpop (erf);
	(erf) = vrcp.f32 v3  }
0x237: {  	v3 =	vld [tilespmem:s22+$0xFFFFFF30];
	[tilespmem:s1+$0x10] =	vst v7;
	v7 =	vpop (erf);
	(erf) = vrcp.f32 v4  }
0x238: {  	v4 =	vld [tilespmem:s22+$0xFFFFFF40];
	[tilespmem:s1+$0x20] =	vst v7;
	v7 =	vpop (erf);
	(erf) = vrcp.f32 v0  }
0x239: {  	v0 =	vld [tilespmem:s22+$0xFFFFFF50];
	v8 =	vmul.f32 $-1.442695020e+00, v8;
	[tilespmem:s1+$0x30] =	vst v7;
	v7 =	vpop (erf);
	(erf) = vrcp.f32 v1  }
0x23a: {  	v9 =	vmul.f32 $-1.442695020e+00, v6;
	v6 =	vld [tilespmem:s22+$0xFFFFFF60];
	[tilespmem:s1+$0x40] =	vst v7;
	v7 =	vpop (erf);
	(erf) = vrcp.f32 v2  }
0x23b: {  	v2 =	vmul.f32 $-1.442695020e+00, v5;
	v5 =	vld [tilespmem:s22+$0xFFFFFF70];
	(erf) = vpow2.f32 v8;
	[tilespmem:s1+$0x50] =	vst v7;
	v7 =	vpop (erf)  }
0x23c: {  	v3 =	vmul.f32 $-1.442695020e+00, v3;
	v8 =	vld [tilespmem:s22+$0xFFFFFF80];
	(erf) = vpow2.f32 v9;
	[tilespmem:s1+$0x60] =	vst v7;
	v1 =	vpop (erf)  }
0x23d: {  	v4 =	vmul.f32 $-1.442695020e+00, v4;
	v7 =	vld [tilespmem:s22+$0xFFFFFF90];
	(erf) = vpow2.f32 v2;
	[tilespmem:s1+$0x70] =	vst v1;
	v1 =	vpop (erf)  }
0x23e: {  	v9 =	vmul.f32 $-1.442695020e+00, v0;
	v2 =	vld [tilespmem:s22+$0xFFFFFFA0];
	(erf) = vpow2.f32 v3;
	[tilespmem:s1+$0x80] =	vst v1;
	v1 =	vpop (erf)  }
0x23f: {  	v3 =	vmul.f32 $-1.442695020e+00, v6;
	v6 =	vld [tilespmem:s22+$0xFFFFFFB0];
	(erf) = vpow2.f32 v4;
	[tilespmem:s1+$0x90] =	vst v1;
	v1 =	vpop (erf)  }
0x240: {  	v4 =	vmul.f32 $-1.442695020e+00, v5;
	v5 =	vld [tilespmem:s22+$0xFFFFFFC0];
	(erf) = vpow2.f32 v9;
	[tilespmem:s1+$0xA0] =	vst v1;
	v0 =	vpop (erf)  }
0x241: {  	v1 =	vmul.f32 $-1.442695020e+00, v8;
	v8 =	vld [tilespmem:s22+$0xFFFFFFD0];
	(erf) = vpow2.f32 v3;
	[tilespmem:s1+$0xB0] =	vst v0;
	v0 =	vpop (erf)  }
0x242: {  	v10 =	vmul.f32 $-1.442695020e+00, v7;
	v7 =	vld [tilespmem:s22+$0xFFFFFFE0];
	(erf) = vpow2.f32 v4;
	[tilespmem:s1+$0xC0] =	vst v0;
	v0 =	vpop (erf)  }
0x243: {  	v2 =	vmul.f32 $-1.442695020e+00, v2;
	v4 =	vld [tilespmem:s22+$0xFFFFFFF0];
	(erf) = vpow2.f32 v1;
	[tilespmem:s1+$0xD0] =	vst v0;
	v0 =	vpop (erf)  }
0x244: {  	v1 =	vmul.f32 $-1.442695020e+00, v6;
	v6 =	vld [tilespmem:s22+$0x0];
	(erf) = vpow2.f32 v10;
	v3 =	vpop (erf);
	[tilespmem:s1+$0xE0] =	vst v0;
	s1 =	smov.u32 s22  }
0x245: {  	v0 =	vmul.f32 $-1.442695020e+00, v5;
	v5 =	vld [tilespmem:s22+$0x10];
	v3 =	vadd.f32 $1.000000000e+00, v3;
	v9 =	vpop (erf);
	(erf) = vpow2.f32 v2  }
0x246: {  	v2 =	vadd.f32 $1.000000000e+00, v9;
	v8 =	vmul.f32 $-1.442695020e+00, v8;
	v9 =	vld [tilespmem:s22+$0x20];
	v10 =	vpop (erf);
	(erf) = vpow2.f32 v1  }
0x247: {  	v1 =	vadd.f32 $1.000000000e+00, v10;
	v7 =	vmul.f32 $-1.442695020e+00, v7;
	v10 =	vld [tilespmem:s22+$0x30];
	v11 =	vpop (erf);
	(erf) = vrcp.f32 v3  }
0x248: {  	v3 =	vadd.f32 $1.000000000e+00, v11;
	v4 =	vmul.f32 $-1.442695020e+00, v4;
	v11 =	vld [tilespmem:s22+$0x40];
	v12 =	vpop (erf);
	(erf) = vpow2.f32 v0  }
0x249: {  	v0 =	vadd.f32 $1.000000000e+00, v12;
	v6 =	vmul.f32 $-1.442695020e+00, v6;
	v12 =	vld [tilespmem:s22+$0x50];
	v13 =	vpop (erf);
	(erf) = vpow2.f32 v8  }
0x24a: {  	v8 =	vadd.f32 $1.000000000e+00, v13;
	v5 =	vmul.f32 $-1.442695020e+00, v5;
	v13 =	vld [tilespmem:s22+$0x60];
	v14 =	vpop (erf);
	(erf) = vpow2.f32 v7  }
0x24b: {  	v7 =	vadd.f32 $1.000000000e+00, v14;
	v9 =	vmul.f32 $-1.442695020e+00, v9;
	v14 =	vld [tilespmem:s22+$0x70];
	v15 =	vpop (erf);
	(erf) = vpow2.f32 v4  }
0x24c: {  	v15 =	vadd.f32 $1.000000000e+00, v15;
	v4 =	vmul.f32 $-1.442695020e+00, v10;
	v10 =	vld [tilespmem:s22+$0x80];
	v16 =	vpop (erf);
	(erf) = vpow2.f32 v6  }
0x24d: {  	v16 =	vadd.f32 $1.000000000e+00, v16;
	v20 =	vmul.f32 $-1.442695020e+00, v11;
	v11 =	vld [tilespmem:s22+$0x90];
	v17 =	vpop (erf);
	(erf) = vpow2.f32 v5  }
0x24e: {  	v17 =	vadd.f32 $1.000000000e+00, v17;
	v5 =	vmul.f32 $-1.442695020e+00, v12;
	v12 =	vld [tilespmem:s22+$0xA0];
	v18 =	vpop (erf);
	(erf) = vpow2.f32 v9  }
0x24f: {  	v9 =	vadd.f32 $1.000000000e+00, v18;
	v13 =	vmul.f32 $-1.442695020e+00, v13;
	v18 =	vld [tilespmem:s22+$0xB0];
	v19 =	vpop (erf);
	(erf) = vpow2.f32 v4  }
0x250: {  	v19 =	vadd.f32 $1.000000000e+00, v19;
	v4 =	vmul.f32 $-1.442695020e+00, v14;
	v14 =	vld [tilespmem:s22+$0xC0];
	(erf) = vpow2.f32 v20;
	v6 =	vpop (erf)  }
0x251: {  	v10 =	vmul.f32 $-1.442695020e+00, v10;
	v20 =	vld [tilespmem:s22+$0xD0];
	[tilespmem:s22+$0xF0] =	vst v6;
	v6 =	vpop (erf);
	(erf) = vpow2.f32 v5  }
0x252: {  	v21 =	vadd.f32 $1.000000000e+00, v6;
	v5 =	vmul.f32 $-1.442695020e+00, v11;
	v6 =	vld [tilespmem:s22+$0xE0];
	v11 =	vpop (erf);
	(erf) = vpow2.f32 v13  }
0x253: {  	v13 =	vld [tilespmem:s22+$0xFFFFFF00];
	v11 =	vadd.f32 $1.000000000e+00, v11;
	v12 =	vmul.f32 $-1.442695020e+00, v12;
	v22 =	vpop (erf);
	(erf) = vpow2.f32 v4  }
0x254: {  	v22 =	vadd.f32 $1.000000000e+00, v22;
	v4 =	vmul.f32 $-1.442695020e+00, v18;
	v18 =	vpop (erf);
	(erf) = vpow2.f32 v10  }
0x255: {  	v10 =	vadd.f32 $1.000000000e+00, v18;
	v14 =	vmul.f32 $-1.442695020e+00, v14;
	v18 =	vpop (erf);
	(erf) = vpow2.f32 v5  }
0x256: {  	v18 =	vadd.f32 $1.000000000e+00, v18;
	v5 =	vmul.f32 $-1.442695020e+00, v20;
	v20 =	vpop (erf);
	(erf) = vpow2.f32 v12  }
0x257: {  	v12 =	vadd.f32 $1.000000000e+00, v20;
	v6 =	vmul.f32 $-1.442695020e+00, v6;
	v20 =	vpop (erf);
	(erf) = vpow2.f32 v4  }
0x258: {  	v23 =	vmul.f32 $-1.442695020e+00, v13;
	v13 =	vadd.f32 $1.000000000e+00, v20;
	v20 =	vpop (erf);
	(erf) = vpow2.f32 v14  }
0x259: {  	v14 =	vadd.f32 $1.000000000e+00, v20;
	v20 =	vpop (erf);
	(erf) = vpow2.f32 v5  }
0x25a: {  	v20 =	vadd.f32 $1.000000000e+00, v20;
	(erf) = vpow2.f32 v23;
	v4 =	vpop (erf)  }
0x25b: {  	v23 =	vadd.f32 $1.000000000e+00, v4;
	v4 =	vpop (erf);
	(erf) = vpow2.f32 v6  }
0x25c: {  	v24 =	vadd.f32 $1.000000000e+00, v4;
	(erf) = vrcp.f32 v2;
	v2 =	vpop (erf)  }
0x25d: {  	v25 =	vadd.f32 $1.000000000e+00, v2;
	(erf) = vrcp.f32 v1;
	v1 =	vpop (erf)  }
0x25e: {  	v6 =	vadd.f32 $1.000000000e+00, v1;
	(erf) = vrcp.f32 v3;
	v1 =	vpop (erf)  }
0x25f: {  	v5 =	vadd.f32 $1.000000000e+00, v1;
	(erf) = vrcp.f32 v0;
	v0 =	vpop (erf)  }
0x260: {  	v3 =	vadd.f32 $1.000000000e+00, v0;
	(erf) = vrcp.f32 v8;
	v0 =	vpop (erf)  }
0x261: {  	v4 =	vadd.f32 $1.000000000e+00, v0;
	(erf) = vrcp.f32 v7;
	v0 =	vpop (erf)  }
0x262: {  	v0 =	vadd.f32 $1.000000000e+00, v0;
	(erf) = vrcp.f32 v15;
	v1 =	vpop (erf)  }
0x263: {  	v1 =	vadd.f32 $1.000000000e+00, v1;
	v2 =	vpop (erf);
	(erf) = vrcp.f32 v16  }
0x264: {  	v15 =	vadd.f32 $1.000000000e+00, v2;
	(erf) = vrcp.f32 v17;
	v2 =	vpop (erf)  }
0x265: {  	v2 =	vadd.f32 $1.000000000e+00, v2;
	v8 =	vpop (erf);
	(erf) = vrcp.f32 v9  }
0x266: {  	[tilespmem:s22+$0xFFFFFF10] =	vst v8;
	(erf) = vrcp.f32 v15;
	v7 =	vpop (erf)  }
0x267: {  	[tilespmem:s22+$0xFFFFFF20] =	vst v7;
	v7 =	vpop (erf);
	(erf) = vrcp.f32 v19  }
0x268: {  	[tilespmem:s22+$0xFFFFFF30] =	vst v7;
	v7 =	vpop (erf);
	(erf) = vrcp.f32 v21  }
0x269: {  	[tilespmem:s22+$0xFFFFFF40] =	vst v7;
	v7 =	vpop (erf);
	(erf) = vrcp.f32 v11  }
0x26a: {  	[tilespmem:s22+$0xFFFFFF50] =	vst v7;
	v7 =	vpop (erf);
	(erf) = vrcp.f32 v22  }
0x26b: {  	[tilespmem:s22+$0xFFFFFF60] =	vst v7;
	v7 =	vpop (erf);
	(erf) = vrcp.f32 v10  }
0x26c: {  	[tilespmem:s22+$0xFFFFFF70] =	vst v7;
	v7 =	vpop (erf);
	(erf) = vrcp.f32 v18  }
0x26d: {  	[tilespmem:s22+$0xFFFFFF80] =	vst v7;
	v7 =	vpop (erf);
	(erf) = vrcp.f32 v12  }
0x26e: {  	[tilespmem:s22+$0xFFFFFF90] =	vst v7;
	v7 =	vpop (erf);
	(erf) = vrcp.f32 v13  }
.Ltmp3:
0x26f: {  	[tilespmem:s22+$0xFFFFFFA0] =	vst v7;
	v7 =	vpop (erf);
	(erf) = vrcp.f32 v14;
	(pc) =	sbr.rel @p0 .LBB2_8-.Ltmp3, $4  }
0x270: {  	[tilespmem:s22+$0xFFFFFF00] =	vst v7;
	v7 =	vpop (erf);
	(erf) = vrcp.f32 v20  }
0x271: {  	[tilespmem:s22+$0xFFFFFFB0] =	vst v7;
	v7 =	vpop (erf);
	(erf) = vrcp.f32 v23  }
0x272: {  	[tilespmem:s22+$0xFFFFFFC0] =	vst v7;
	v7 =	vpop (erf);
	(erf) = vrcp.f32 v24  }
0x273: {  	s22 =	sadd.s32 $0x200, s22;
	[tilespmem:s1+$0xFFFFFFD0] =	vst v7;
	v7 =	vpop (erf);
	(erf) = vrcp.f32 v25  }
0x274: {  	[tilespmem:s1+$0xFFFFFFE0] =	vst v7;
	v7 =	vpop (erf);
	(erf) = vrcp.f32 v6  }
0x275: {  	[tilespmem:s1+$0xFFFFFFF0] =	vst v7;
	v6 =	vpop (erf);
	(erf) = vrcp.f32 v5  }
0x276: {  	[tilespmem:s1+$0x0] =	vst v6;
	v5 =	vpop (erf);
	(erf) = vrcp.f32 v3  }
0x277: {  	[tilespmem:s1+$0x10] =	vst v5;
	v3 =	vpop (erf);
	(erf) = vrcp.f32 v4  }
0x278: {  	[tilespmem:s1+$0x20] =	vst v3;
	v3 =	vpop (erf);
	(erf) = vrcp.f32 v0  }
0x279: {  	[tilespmem:s1+$0x30] =	vst v3;
	v0 =	vpop (erf);
	(erf) = vrcp.f32 v1  }
0x27a: {  	[tilespmem:s1+$0x40] =	vst v0;
	v0 =	vpop (erf);
	(erf) = vrcp.f32 v2  }
0x27b: {  	[tilespmem:s1+$0x50] =	vst v0;
	v0 =	vpop (erf)  }
0x27c: {  	[tilespmem:s1+$0x60] =	vst v0;
	v0 =	vpop (erf)  }
0x27d: {  	[tilespmem:s1+$0x70] =	vst v0;
	v0 =	vpop (erf)  }
0x27e: {  	[tilespmem:s1+$0x80] =	vst v0;
	v0 =	vpop (erf)  }
0x27f: {  	[tilespmem:s1+$0x90] =	vst v0;
	v0 =	vpop (erf)  }
0x280: {  	[tilespmem:s1+$0xA0] =	vst v0;
	v0 =	vpop (erf)  }
0x281: {  	[tilespmem:s1+$0xB0] =	vst v0;
	v0 =	vpop (erf)  }
0x282: {  	[tilespmem:s1+$0xC0] =	vst v0;
	v0 =	vpop (erf)  }
0x283: {  	[tilespmem:s1+$0xD0] =	vst v0;
	v0 =	vpop (erf)  }
0x284: {  	[tilespmem:s1+$0xE0] =	vst v0  }
0x285: {  	[hbm4b:s8+s3] =	stream.linear.scatter [tilespmem:s16], [sflag:$0x4], $0x2000, $0x38;
	[tilespmem:$0x6200] =	vst v63  }
0x286: {  	_ =	swait.ge [sflag:s21], $0x2000  }
0x287: {  	[sflag:s21] =	ssyncset.done $0x0  }
0x288: {  	[sflag:s21] =	ssyncadd.s32 $0xFFFFE000  }
0x289: {  	[tilespmem:s16], [sflag:$0x1] =	stream.indirect.gather [hbm4b:s2+s15], $0x80, s30, s15, $0xb8;
	[tilespmem:$0x6200] =	vst v63  }
0x28a: {  	_ =	swait.ge [sflag:s23], $0x2000  }
0x28b: {  	[sflag:s23] =	ssyncset.done $0x0  }
0x28c: {  	s1 =	simm.s32 $0x23F0;
	[sflag:s23] =	ssyncadd.s32 $0xFFFFE000  }
0x28d: {  	v0 =	vld [tilespmem:s1+$0x0]  }
0x28e: {  	v1 =	vld [tilespmem:s1+$0xFFFFFE20]  }
0x28f: {  	v2 =	vld [tilespmem:s1+$0xFFFFFE30]  }
0x290: {  	v4 =	vld [tilespmem:s1+$0xFFFFFE50]  }
0x291: {  	v3 =	vld [tilespmem:s1+$0xFFFFFE40]  }
0x292: {  	v5 =	vld [tilespmem:s1+$0xFFFFFE60];
	v0 =	vmul.f32 $-1.442695020e+00, v0  }
0x293: {  	v6 =	vld [tilespmem:s1+$0xFFFFFE70];
	v1 =	vmul.f32 $-1.442695020e+00, v1  }
0x294: {  	v7 =	vld [tilespmem:s1+$0xFFFFFE80];
	v2 =	vmul.f32 $-1.442695020e+00, v2;
	(erf) = vpow2.f32 v0  }
0x295: {  	(erf) = vpow2.f32 v1;
	v1 =	vmul.f32 $-1.442695020e+00, v4;
	v4 =	vld [tilespmem:s1+$0xFFFFFEA0]  }
0x296: {  	v0 =	vmul.f32 $-1.442695020e+00, v3;
	v3 =	vld [tilespmem:s1+$0xFFFFFE90]  }
0x297: {  	(erf) = vpow2.f32 v2;
	v2 =	vmul.f32 $-1.442695020e+00, v5  }
0x298: {  	v5 =	vld [tilespmem:s1+$0xFFFFFEB0];
	(erf) = vpow2.f32 v0;
	v0 =	vmul.f32 $-1.442695020e+00, v6  }
0x299: {  	v6 =	vld [tilespmem:s1+$0xFFFFFEC0];
	(erf) = vpow2.f32 v1;
	v1 =	vmul.f32 $-1.442695020e+00, v7  }
0x29a: {  	(erf) = vpow2.f32 v2;
	v2 =	vld [tilespmem:s1+$0xFFFFFED0];
	v4 =	vmul.f32 $-1.442695020e+00, v4  }
0x29b: {  	v3 =	vmul.f32 $-1.442695020e+00, v3;
	(erf) = vpow2.f32 v0;
	v0 =	vld [tilespmem:s1+$0xFFFFFEE0]  }
0x29c: {  	(erf) = vpow2.f32 v1;
	v1 =	vld [tilespmem:s1+$0xFFFFFEF0]  }
0x29d: {  	v5 =	vmul.f32 $-1.442695020e+00, v5;
	(erf) = vpow2.f32 v3;
	v3 =	vld [tilespmem:s1+$0xFFFFFF00]  }
0x29e: {  	v7 =	vld [tilespmem:s1+$0xFFFFFF10];
	v6 =	vmul.f32 $-1.442695020e+00, v6;
	(erf) = vpow2.f32 v4;
	v4 =	vpop (erf)  }
0x29f: {  	(erf) = vpow2.f32 v5;
	v2 =	vmul.f32 $-1.442695020e+00, v2;
	v5 =	vld [tilespmem:s1+$0xFFFFFF20];
	v4 =	vadd.f32 $1.000000000e+00, v4  }
0x2a0: {  	v8 =	vpop (erf);
	(erf) = vpow2.f32 v6;
	v0 =	vmul.f32 $-1.442695020e+00, v0;
	v6 =	vld [tilespmem:s1+$0xFFFFFF30]  }
0x2a1: {  	v9 =	vpop (erf);
	v1 =	vmul.f32 $-1.442695020e+00, v1;
	(erf) = vrcp.f32 v4;
	v4 =	vld [tilespmem:s1+$0xFFFFFF40]  }
0x2a2: {  	v10 =	vpop (erf);
	(erf) = vpow2.f32 v2;
	v2 =	vmul.f32 $-1.442695020e+00, v3;
	v3 =	vld [tilespmem:s1+$0xFFFFFF50]  }
0x2a3: {  	v11 =	vpop (erf);
	(erf) = vpow2.f32 v0;
	v0 =	vmul.f32 $-1.442695020e+00, v7  }
0x2a4: {  	v12 =	vpop (erf);
	v7 =	vld [tilespmem:s1+$0xFFFFFF60];
	(erf) = vpow2.f32 v1;
	v1 =	vmul.f32 $-1.442695020e+00, v5  }
0x2a5: {  	v13 =	vpop (erf);
	v5 =	vld [tilespmem:s1+$0xFFFFFF70];
	(erf) = vpow2.f32 v2;
	v2 =	vmul.f32 $-1.442695020e+00, v6  }
0x2a6: {  	v14 =	vpop (erf);
	v6 =	vld [tilespmem:s1+$0xFFFFFF80];
	(erf) = vpow2.f32 v0;
	v0 =	vmul.f32 $-1.442695020e+00, v4  }
0x2a7: {  	v15 =	vpop (erf);
	v4 =	vld [tilespmem:s1+$0xFFFFFF90];
	(erf) = vpow2.f32 v1;
	v1 =	vmul.f32 $-1.442695020e+00, v3  }
0x2a8: {  	v16 =	vpop (erf);
	v3 =	vld [tilespmem:s1+$0xFFFFFFA0]  }
0x2a9: {  	v17 =	vpop (erf);
	(erf) = vpow2.f32 v2;
	v2 =	vmul.f32 $-1.442695020e+00, v7;
	v7 =	vld [tilespmem:s1+$0xFFFFFFB0]  }
0x2aa: {  	v18 =	vpop (erf);
	(erf) = vpow2.f32 v0;
	v0 =	vmul.f32 $-1.442695020e+00, v5;
	v5 =	vld [tilespmem:s1+$0xFFFFFFC0]  }
0x2ab: {  	v19 =	vld [tilespmem:s1+$0xFFFFFFD0];
	(erf) = vpow2.f32 v1;
	v6 =	vmul.f32 $-1.442695020e+00, v6;
	v1 =	vpop (erf)  }
0x2ac: {  	(erf) = vpow2.f32 v2;
	v2 =	vmul.f32 $-1.442695020e+00, v4;
	v4 =	vld [tilespmem:s1+$0xFFFFFFE0];
	v20 =	vpop (erf)  }
0x2ad: {  	(erf) = vpow2.f32 v0;
	[tilespmem:s1+$0x0] =	vst v1;
	v0 =	vmul.f32 $-1.442695020e+00, v3;
	v1 =	vld [tilespmem:s1+$0xFFFFFE10];
	v21 =	vpop (erf)  }
0x2ae: {  	(erf) = vpow2.f32 v6;
	v7 =	vmul.f32 $-1.442695020e+00, v7;
	v3 =	vpop (erf)  }
0x2af: {  	v6 =	vld [tilespmem:s1+$0xFFFFFFF0];
	v22 =	vpop (erf);
	(erf) = vpow2.f32 v2;
	v2 =	vmul.f32 $-1.442695020e+00, v5  }
0x2b0: {  	v5 =	vpop (erf);
	(erf) = vpow2.f32 v0;
	v0 =	vmul.f32 $-1.442695020e+00, v19  }
0x2b1: {  	v4 =	vmul.f32 $-1.442695020e+00, v4;
	v35 =	vpop (erf);
	(erf) = vpow2.f32 v7  }
0x2b2: {  	v1 =	vmul.f32 $-1.442695020e+00, v1;
	v7 =	vpop (erf);
	(erf) = vpow2.f32 v2  }
0x2b3: {  	v2 =	vpop (erf);
	(erf) = vpow2.f32 v0  }
0x2b4: {  	v0 =	vmul.f32 $-1.442695020e+00, v6;
	(erf) = vpow2.f32 v4;
	v4 =	vadd.f32 $1.000000000e+00, v8  }
0x2b5: {  	v6 =	vpop (erf);
	v8 =	vadd.f32 $1.000000000e+00, v9;
	(erf) = vpow2.f32 v1  }
0x2b6: {  	v1 =	vpop (erf);
	(erf) = vpow2.f32 v0;
	v0 =	vadd.f32 $1.000000000e+00, v10  }
0x2b7: {  	v36 =	vpop (erf)  }
0x2b8: {  	(erf) = vrcp.f32 v4;
	v4 =	vpop (erf)  }
0x2b9: {  	v37 =	vadd.f32 $1.000000000e+00, v11;
	(erf) = vrcp.f32 v8;
	v8 =	vpop (erf)  }
0x2ba: {  	v38 =	vadd.f32 $1.000000000e+00, v12;
	(erf) = vrcp.f32 v0;
	v0 =	vpop (erf)  }
0x2bb: {  	v39 =	vadd.f32 $1.000000000e+00, v13;
	(erf) = vrcp.f32 v37;
	v40 =	vpop (erf)  }
0x2bc: {  	v41 =	vadd.f32 $1.000000000e+00, v14;
	(erf) = vrcp.f32 v38;
	v42 =	vpop (erf)  }
0x2bd: {  	v43 =	vadd.f32 $1.000000000e+00, v15;
	(erf) = vrcp.f32 v39;
	v44 =	vpop (erf)  }
0x2be: {  	v45 =	vadd.f32 $1.000000000e+00, v16;
	(erf) = vrcp.f32 v41;
	v46 =	vpop (erf)  }
0x2bf: {  	v47 =	vadd.f32 $1.000000000e+00, v17;
	(erf) = vrcp.f32 v43;
	v48 =	vpop (erf)  }
0x2c0: {  	(erf) = vrcp.f32 v45;
	v49 =	vadd.f32 $1.000000000e+00, v48;
	v50 =	vpop (erf)  }
0x2c1: {  	v51 =	vadd.f32 $1.000000000e+00, v18;
	(erf) = vrcp.f32 v47;
	v52 =	vpop (erf)  }
0x2c2: {  	v53 =	vadd.f32 $1.000000000e+00, v20;
	[tilespmem:s1+$0xFFFFFE20] =	vst v52;
	(erf) = vrcp.f32 v49;
	v54 =	vpop (erf)  }
0x2c3: {  	v55 =	vadd.f32 $1.000000000e+00, v21;
	[tilespmem:s1+$0xFFFFFE30] =	vst v54;
	v56 =	vpop (erf);
	(erf) = vrcp.f32 v51  }
0x2c4: {  	v3 =	vadd.f32 $1.000000000e+00, v3;
	[tilespmem:s1+$0xFFFFFE40] =	vst v56;
	v57 =	vpop (erf);
	(erf) = vrcp.f32 v53  }
0x2c5: {  	v58 =	vadd.f32 $1.000000000e+00, v22;
	v5 =	vadd.f32 $1.000000000e+00, v5;
	[tilespmem:s1+$0xFFFFFE50] =	vst v57;
	v59 =	vpop (erf);
	(erf) = vrcp.f32 v55  }
0x2c6: {  	[tilespmem:s1+$0xFFFFFE60] =	vst v59;
	v60 =	vpop (erf);
	(erf) = vrcp.f32 v3  }
0x2c7: {  	v3 =	vadd.f32 $1.000000000e+00, v35;
	[tilespmem:s1+$0xFFFFFE70] =	vst v60;
	v61 =	vpop (erf);
	(erf) = vrcp.f32 v58  }
0x2c8: {  	v7 =	vadd.f32 $1.000000000e+00, v7;
	v2 =	vadd.f32 $1.000000000e+00, v2;
	[tilespmem:s1+$0xFFFFFE80] =	vst v61;
	v62 =	vpop (erf);
	(erf) = vrcp.f32 v5  }
0x2c9: {  	[tilespmem:s1+$0xFFFFFE90] =	vst v62;
	v5 =	vpop (erf);
	(erf) = vrcp.f32 v3  }
0x2ca: {  	v3 =	vadd.f32 $1.000000000e+00, v6;
	[tilespmem:s1+$0xFFFFFEA0] =	vst v5;
	v5 =	vpop (erf);
	(erf) = vrcp.f32 v7  }
0x2cb: {  	v1 =	vadd.f32 $1.000000000e+00, v1;
	v7 =	vadd.f32 $1.000000000e+00, v36;
	[tilespmem:s1+$0xFFFFFEB0] =	vst v5;
	v5 =	vpop (erf);
	(erf) = vrcp.f32 v2  }
0x2cc: {  	v63 =	vadd.f32 $1.000000000e+00, v4;
	v4 =	vadd.f32 $1.000000000e+00, v42;
	[tilespmem:s1+$0xFFFFFE10] =	vst v5;
	v2 =	vpop (erf);
	(erf) = vrcp.f32 v3  }
0x2cd: {  	v6 =	vadd.f32 $1.000000000e+00, v8;
	v5 =	vadd.f32 $1.000000000e+00, v0;
	[tilespmem:s1+$0xFFFFFEC0] =	vst v2;
	v2 =	vpop (erf);
	(erf) = vrcp.f32 v1  }
0x2ce: {  	v3 =	vadd.f32 $1.000000000e+00, v40;
	v0 =	vadd.f32 $1.000000000e+00, v44;
	[tilespmem:s1+$0xFFFFFED0] =	vst v2;
	v8 =	vpop (erf);
	(erf) = vrcp.f32 v7  }
0x2cf: {  	s18 =	simm.s32 $0x0;
	s22 =	simm.s32 $0x25F0;
	v1 =	vadd.f32 $1.000000000e+00, v46;
	v2 =	vadd.f32 $1.000000000e+00, v50;
	[tilespmem:s1+$0xFFFFFEE0] =	vst v8;
	v7 =	vpop (erf);
	(erf) = vrcp.f32 v63  }
.LBB2_10:
0x2d0: {  	v8 =	vld [tilespmem:s22+$0x0];
	s18 =	sadd.s32 $0x4, s18;
	[tilespmem:s1+$0xFFFFFEF0] =	vst v7;
	v7 =	vpop (erf);
	(erf) = vrcp.f32 v6  }
0x2d1: {  	v6 =	vld [tilespmem:s22+$0xFFFFFE20];
	p0 =	slt.u32 s18, $0x3C;
	[tilespmem:s1+$0xFFFFFF00] =	vst v7;
	v7 =	vpop (erf);
	(erf) = vrcp.f32 v5  }
0x2d2: {  	v5 =	vld [tilespmem:s22+$0xFFFFFE30];
	[tilespmem:s1+$0xFFFFFF10] =	vst v7;
	v7 =	vpop (erf);
	(erf) = vrcp.f32 v3  }
0x2d3: {  	v3 =	vld [tilespmem:s22+$0xFFFFFE40];
	[tilespmem:s1+$0xFFFFFF20] =	vst v7;
	v7 =	vpop (erf);
	(erf) = vrcp.f32 v4  }
0x2d4: {  	v4 =	vld [tilespmem:s22+$0xFFFFFE50];
	[tilespmem:s1+$0xFFFFFF30] =	vst v7;
	v7 =	vpop (erf);
	(erf) = vrcp.f32 v0  }
0x2d5: {  	v0 =	vld [tilespmem:s22+$0xFFFFFE60];
	v8 =	vmul.f32 $-1.442695020e+00, v8;
	[tilespmem:s1+$0xFFFFFF40] =	vst v7;
	v7 =	vpop (erf);
	(erf) = vrcp.f32 v1  }
0x2d6: {  	v9 =	vmul.f32 $-1.442695020e+00, v6;
	v6 =	vld [tilespmem:s22+$0xFFFFFE70];
	[tilespmem:s1+$0xFFFFFF50] =	vst v7;
	v7 =	vpop (erf);
	(erf) = vrcp.f32 v2  }
0x2d7: {  	v2 =	vmul.f32 $-1.442695020e+00, v5;
	v5 =	vld [tilespmem:s22+$0xFFFFFE80];
	(erf) = vpow2.f32 v8;
	[tilespmem:s1+$0xFFFFFF60] =	vst v7;
	v7 =	vpop (erf)  }
0x2d8: {  	v3 =	vmul.f32 $-1.442695020e+00, v3;
	v8 =	vld [tilespmem:s22+$0xFFFFFE90];
	(erf) = vpow2.f32 v9;
	[tilespmem:s1+$0xFFFFFF70] =	vst v7;
	v1 =	vpop (erf)  }
0x2d9: {  	v4 =	vmul.f32 $-1.442695020e+00, v4;
	v7 =	vld [tilespmem:s22+$0xFFFFFEA0];
	(erf) = vpow2.f32 v2;
	[tilespmem:s1+$0xFFFFFF80] =	vst v1;
	v1 =	vpop (erf)  }
0x2da: {  	v9 =	vmul.f32 $-1.442695020e+00, v0;
	v2 =	vld [tilespmem:s22+$0xFFFFFEB0];
	(erf) = vpow2.f32 v3;
	[tilespmem:s1+$0xFFFFFF90] =	vst v1;
	v1 =	vpop (erf)  }
0x2db: {  	v3 =	vmul.f32 $-1.442695020e+00, v6;
	v6 =	vld [tilespmem:s22+$0xFFFFFEC0];
	(erf) = vpow2.f32 v4;
	[tilespmem:s1+$0xFFFFFFA0] =	vst v1;
	v1 =	vpop (erf)  }
0x2dc: {  	v4 =	vmul.f32 $-1.442695020e+00, v5;
	v5 =	vld [tilespmem:s22+$0xFFFFFED0];
	(erf) = vpow2.f32 v9;
	[tilespmem:s1+$0xFFFFFFB0] =	vst v1;
	v0 =	vpop (erf)  }
0x2dd: {  	v1 =	vmul.f32 $-1.442695020e+00, v8;
	v8 =	vld [tilespmem:s22+$0xFFFFFEE0];
	(erf) = vpow2.f32 v3;
	[tilespmem:s1+$0xFFFFFFC0] =	vst v0;
	v0 =	vpop (erf)  }
0x2de: {  	v10 =	vmul.f32 $-1.442695020e+00, v7;
	v7 =	vld [tilespmem:s22+$0xFFFFFEF0];
	(erf) = vpow2.f32 v4;
	[tilespmem:s1+$0xFFFFFFD0] =	vst v0;
	v0 =	vpop (erf)  }
0x2df: {  	v2 =	vmul.f32 $-1.442695020e+00, v2;
	v4 =	vld [tilespmem:s22+$0xFFFFFF00];
	(erf) = vpow2.f32 v1;
	[tilespmem:s1+$0xFFFFFFE0] =	vst v0;
	v0 =	vpop (erf)  }
0x2e0: {  	v1 =	vmul.f32 $-1.442695020e+00, v6;
	v6 =	vld [tilespmem:s22+$0xFFFFFF10];
	(erf) = vpow2.f32 v10;
	v3 =	vpop (erf);
	[tilespmem:s1+$0xFFFFFFF0] =	vst v0;
	s1 =	smov.u32 s22  }
0x2e1: {  	v0 =	vmul.f32 $-1.442695020e+00, v5;
	v5 =	vld [tilespmem:s22+$0xFFFFFF20];
	v3 =	vadd.f32 $1.000000000e+00, v3;
	v9 =	vpop (erf);
	(erf) = vpow2.f32 v2  }
0x2e2: {  	v2 =	vadd.f32 $1.000000000e+00, v9;
	v8 =	vmul.f32 $-1.442695020e+00, v8;
	v9 =	vld [tilespmem:s22+$0xFFFFFF30];
	v10 =	vpop (erf);
	(erf) = vpow2.f32 v1  }
0x2e3: {  	v1 =	vadd.f32 $1.000000000e+00, v10;
	v7 =	vmul.f32 $-1.442695020e+00, v7;
	v10 =	vld [tilespmem:s22+$0xFFFFFF40];
	v11 =	vpop (erf);
	(erf) = vrcp.f32 v3  }
0x2e4: {  	v3 =	vadd.f32 $1.000000000e+00, v11;
	v4 =	vmul.f32 $-1.442695020e+00, v4;
	v11 =	vld [tilespmem:s22+$0xFFFFFF50];
	v12 =	vpop (erf);
	(erf) = vpow2.f32 v0  }
0x2e5: {  	v0 =	vadd.f32 $1.000000000e+00, v12;
	v6 =	vmul.f32 $-1.442695020e+00, v6;
	v12 =	vld [tilespmem:s22+$0xFFFFFF60];
	v13 =	vpop (erf);
	(erf) = vpow2.f32 v8  }
0x2e6: {  	v8 =	vadd.f32 $1.000000000e+00, v13;
	v5 =	vmul.f32 $-1.442695020e+00, v5;
	v13 =	vld [tilespmem:s22+$0xFFFFFF70];
	v14 =	vpop (erf);
	(erf) = vpow2.f32 v7  }
0x2e7: {  	v7 =	vadd.f32 $1.000000000e+00, v14;
	v9 =	vmul.f32 $-1.442695020e+00, v9;
	v14 =	vld [tilespmem:s22+$0xFFFFFF80];
	v15 =	vpop (erf);
	(erf) = vpow2.f32 v4  }
0x2e8: {  	v15 =	vadd.f32 $1.000000000e+00, v15;
	v4 =	vmul.f32 $-1.442695020e+00, v10;
	v10 =	vld [tilespmem:s22+$0xFFFFFF90];
	v16 =	vpop (erf);
	(erf) = vpow2.f32 v6  }
0x2e9: {  	v16 =	vadd.f32 $1.000000000e+00, v16;
	v20 =	vmul.f32 $-1.442695020e+00, v11;
	v11 =	vld [tilespmem:s22+$0xFFFFFFA0];
	v17 =	vpop (erf);
	(erf) = vpow2.f32 v5  }
0x2ea: {  	v17 =	vadd.f32 $1.000000000e+00, v17;
	v5 =	vmul.f32 $-1.442695020e+00, v12;
	v12 =	vld [tilespmem:s22+$0xFFFFFFB0];
	v18 =	vpop (erf);
	(erf) = vpow2.f32 v9  }
0x2eb: {  	v9 =	vadd.f32 $1.000000000e+00, v18;
	v13 =	vmul.f32 $-1.442695020e+00, v13;
	v18 =	vld [tilespmem:s22+$0xFFFFFFC0];
	v19 =	vpop (erf);
	(erf) = vpow2.f32 v4  }
0x2ec: {  	v19 =	vadd.f32 $1.000000000e+00, v19;
	v4 =	vmul.f32 $-1.442695020e+00, v14;
	v14 =	vld [tilespmem:s22+$0xFFFFFFD0];
	(erf) = vpow2.f32 v20;
	v6 =	vpop (erf)  }
0x2ed: {  	v10 =	vmul.f32 $-1.442695020e+00, v10;
	v20 =	vld [tilespmem:s22+$0xFFFFFFE0];
	[tilespmem:s22+$0x0] =	vst v6;
	v6 =	vpop (erf);
	(erf) = vpow2.f32 v5  }
0x2ee: {  	v21 =	vadd.f32 $1.000000000e+00, v6;
	v5 =	vmul.f32 $-1.442695020e+00, v11;
	v6 =	vld [tilespmem:s22+$0xFFFFFFF0];
	v11 =	vpop (erf);
	(erf) = vpow2.f32 v13  }
0x2ef: {  	v13 =	vld [tilespmem:s22+$0xFFFFFE10];
	v11 =	vadd.f32 $1.000000000e+00, v11;
	v12 =	vmul.f32 $-1.442695020e+00, v12;
	v22 =	vpop (erf);
	(erf) = vpow2.f32 v4  }
0x2f0: {  	v22 =	vadd.f32 $1.000000000e+00, v22;
	v4 =	vmul.f32 $-1.442695020e+00, v18;
	v18 =	vpop (erf);
	(erf) = vpow2.f32 v10  }
0x2f1: {  	v10 =	vadd.f32 $1.000000000e+00, v18;
	v14 =	vmul.f32 $-1.442695020e+00, v14;
	v18 =	vpop (erf);
	(erf) = vpow2.f32 v5  }
0x2f2: {  	v18 =	vadd.f32 $1.000000000e+00, v18;
	v5 =	vmul.f32 $-1.442695020e+00, v20;
	v20 =	vpop (erf);
	(erf) = vpow2.f32 v12  }
0x2f3: {  	v12 =	vadd.f32 $1.000000000e+00, v20;
	v6 =	vmul.f32 $-1.442695020e+00, v6;
	v20 =	vpop (erf);
	(erf) = vpow2.f32 v4  }
0x2f4: {  	v23 =	vmul.f32 $-1.442695020e+00, v13;
	v13 =	vadd.f32 $1.000000000e+00, v20;
	v20 =	vpop (erf);
	(erf) = vpow2.f32 v14  }
0x2f5: {  	v14 =	vadd.f32 $1.000000000e+00, v20;
	v20 =	vpop (erf);
	(erf) = vpow2.f32 v5  }
0x2f6: {  	v20 =	vadd.f32 $1.000000000e+00, v20;
	(erf) = vpow2.f32 v23;
	v4 =	vpop (erf)  }
0x2f7: {  	v23 =	vadd.f32 $1.000000000e+00, v4;
	v4 =	vpop (erf);
	(erf) = vpow2.f32 v6  }
0x2f8: {  	v24 =	vadd.f32 $1.000000000e+00, v4;
	(erf) = vrcp.f32 v2;
	v2 =	vpop (erf)  }
0x2f9: {  	v25 =	vadd.f32 $1.000000000e+00, v2;
	(erf) = vrcp.f32 v1;
	v1 =	vpop (erf)  }
0x2fa: {  	v6 =	vadd.f32 $1.000000000e+00, v1;
	(erf) = vrcp.f32 v3;
	v1 =	vpop (erf)  }
0x2fb: {  	v5 =	vadd.f32 $1.000000000e+00, v1;
	(erf) = vrcp.f32 v0;
	v0 =	vpop (erf)  }
0x2fc: {  	v3 =	vadd.f32 $1.000000000e+00, v0;
	(erf) = vrcp.f32 v8;
	v0 =	vpop (erf)  }
0x2fd: {  	v4 =	vadd.f32 $1.000000000e+00, v0;
	(erf) = vrcp.f32 v7;
	v0 =	vpop (erf)  }
0x2fe: {  	v0 =	vadd.f32 $1.000000000e+00, v0;
	(erf) = vrcp.f32 v15;
	v1 =	vpop (erf)  }
0x2ff: {  	v1 =	vadd.f32 $1.000000000e+00, v1;
	v2 =	vpop (erf);
	(erf) = vrcp.f32 v16  }
0x300: {  	v15 =	vadd.f32 $1.000000000e+00, v2;
	(erf) = vrcp.f32 v17;
	v2 =	vpop (erf)  }
0x301: {  	v2 =	vadd.f32 $1.000000000e+00, v2;
	v8 =	vpop (erf);
	(erf) = vrcp.f32 v9  }
0x302: {  	[tilespmem:s22+$0xFFFFFE20] =	vst v8;
	(erf) = vrcp.f32 v15;
	v7 =	vpop (erf)  }
0x303: {  	[tilespmem:s22+$0xFFFFFE30] =	vst v7;
	v7 =	vpop (erf);
	(erf) = vrcp.f32 v19  }
0x304: {  	[tilespmem:s22+$0xFFFFFE40] =	vst v7;
	v7 =	vpop (erf);
	(erf) = vrcp.f32 v21  }
0x305: {  	[tilespmem:s22+$0xFFFFFE50] =	vst v7;
	v7 =	vpop (erf);
	(erf) = vrcp.f32 v11  }
0x306: {  	[tilespmem:s22+$0xFFFFFE60] =	vst v7;
	v7 =	vpop (erf);
	(erf) = vrcp.f32 v22  }
0x307: {  	[tilespmem:s22+$0xFFFFFE70] =	vst v7;
	v7 =	vpop (erf);
	(erf) = vrcp.f32 v10  }
0x308: {  	[tilespmem:s22+$0xFFFFFE80] =	vst v7;
	v7 =	vpop (erf);
	(erf) = vrcp.f32 v18  }
0x309: {  	[tilespmem:s22+$0xFFFFFE90] =	vst v7;
	v7 =	vpop (erf);
	(erf) = vrcp.f32 v12  }
0x30a: {  	[tilespmem:s22+$0xFFFFFEA0] =	vst v7;
	v7 =	vpop (erf);
	(erf) = vrcp.f32 v13  }
.Ltmp4:
0x30b: {  	[tilespmem:s22+$0xFFFFFEB0] =	vst v7;
	v7 =	vpop (erf);
	(erf) = vrcp.f32 v14;
	(pc) =	sbr.rel @p0 .LBB2_10-.Ltmp4, $4  }
0x30c: {  	[tilespmem:s22+$0xFFFFFE10] =	vst v7;
	v7 =	vpop (erf);
	(erf) = vrcp.f32 v20  }
0x30d: {  	[tilespmem:s22+$0xFFFFFEC0] =	vst v7;
	v7 =	vpop (erf);
	(erf) = vrcp.f32 v23  }
0x30e: {  	[tilespmem:s22+$0xFFFFFED0] =	vst v7;
	v7 =	vpop (erf);
	(erf) = vrcp.f32 v24  }
0x30f: {  	s22 =	sadd.s32 $0x200, s22;
	[tilespmem:s1+$0xFFFFFEE0] =	vst v7;
	v7 =	vpop (erf);
	(erf) = vrcp.f32 v25  }
0x310: {  	[tilespmem:s1+$0xFFFFFEF0] =	vst v7;
	v7 =	vpop (erf);
	(erf) = vrcp.f32 v6  }
0x311: {  	[tilespmem:s1+$0xFFFFFF00] =	vst v7;
	v6 =	vpop (erf);
	(erf) = vrcp.f32 v5  }
0x312: {  	[tilespmem:s1+$0xFFFFFF10] =	vst v6;
	v5 =	vpop (erf);
	(erf) = vrcp.f32 v3  }
0x313: {  	[tilespmem:s1+$0xFFFFFF20] =	vst v5;
	v3 =	vpop (erf);
	(erf) = vrcp.f32 v4  }
0x314: {  	[tilespmem:s1+$0xFFFFFF30] =	vst v3;
	v3 =	vpop (erf);
	(erf) = vrcp.f32 v0  }
0x315: {  	[tilespmem:s1+$0xFFFFFF40] =	vst v3;
	v0 =	vpop (erf);
	(erf) = vrcp.f32 v1  }
0x316: {  	[tilespmem:s1+$0xFFFFFF50] =	vst v0;
	v0 =	vpop (erf);
	(erf) = vrcp.f32 v2  }
0x317: {  	[tilespmem:s1+$0xFFFFFF60] =	vst v0;
	v0 =	vpop (erf)  }
0x318: {  	[tilespmem:s1+$0xFFFFFF70] =	vst v0;
	v0 =	vpop (erf)  }
0x319: {  	[tilespmem:s1+$0xFFFFFF80] =	vst v0;
	v0 =	vpop (erf)  }
0x31a: {  	[tilespmem:s1+$0xFFFFFF90] =	vst v0;
	v0 =	vpop (erf)  }
0x31b: {  	[tilespmem:s1+$0xFFFFFFA0] =	vst v0;
	v0 =	vpop (erf)  }
0x31c: {  	[tilespmem:s1+$0xFFFFFFB0] =	vst v0;
	v0 =	vpop (erf)  }
0x31d: {  	[tilespmem:s1+$0xFFFFFFC0] =	vst v0;
	v0 =	vpop (erf)  }
0x31e: {  	[tilespmem:s1+$0xFFFFFFD0] =	vst v0;
	v0 =	vpop (erf)  }
0x31f: {  	[tilespmem:s1+$0xFFFFFFE0] =	vst v0;
	v0 =	vpop (erf)  }
0x320: {  	[tilespmem:s1+$0xFFFFFFF0] =	vst v0  }
0x321: {  	[hbm4b:s9+s3] =	stream.linear.scatter [tilespmem:s17], [sflag:$0x5], $0x2000, $0x38;
	[tilespmem:$0x6200] =	vst v63  }
0x322: {  	_ =	swait.ge [sflag:s24], $0x2000  }
0x323: {  	[sflag:s24] =	ssyncset.done $0x0  }
0x324: {  	[sflag:s24] =	ssyncadd.s32 $0xFFFFE000  }
0x325: {  	[tilespmem:s17], [sflag:$0x2] =	stream.indirect.gather [hbm4b:s2+s15], $0x80, s31, s15, $0xb8;
	[tilespmem:$0x6200] =	vst v63  }
0x326: {  	_ =	swait.ge [sflag:s26], $0x2000  }
0x327: {  	[sflag:s26] =	ssyncset.done $0x0  }
0x328: {  	s1 =	simm.s32 $0x4200;
	[sflag:s26] =	ssyncadd.s32 $0xFFFFE000  }
0x329: {  	v0 =	vld [tilespmem:s1+$0x1F0]  }
0x32a: {  	v1 =	vld [tilespmem:s1+$0x10]  }
0x32b: {  	v2 =	vld [tilespmem:s1+$0x20]  }
0x32c: {  	v4 =	vld [tilespmem:s1+$0x40]  }
0x32d: {  	v3 =	vld [tilespmem:s1+$0x30]  }
0x32e: {  	v5 =	vld [tilespmem:s1+$0x50];
	v0 =	vmul.f32 $-1.442695020e+00, v0  }
0x32f: {  	v6 =	vld [tilespmem:s1+$0x60];
	v1 =	vmul.f32 $-1.442695020e+00, v1  }
0x330: {  	v7 =	vld [tilespmem:s1+$0x70];
	v2 =	vmul.f32 $-1.442695020e+00, v2;
	(erf) = vpow2.f32 v0  }
0x331: {  	(erf) = vpow2.f32 v1;
	v1 =	vmul.f32 $-1.442695020e+00, v4;
	v4 =	vld [tilespmem:s1+$0x90]  }
0x332: {  	v0 =	vmul.f32 $-1.442695020e+00, v3;
	v3 =	vld [tilespmem:s1+$0x80]  }
0x333: {  	(erf) = vpow2.f32 v2;
	v2 =	vmul.f32 $-1.442695020e+00, v5  }
0x334: {  	v5 =	vld [tilespmem:s1+$0xA0];
	(erf) = vpow2.f32 v0;
	v0 =	vmul.f32 $-1.442695020e+00, v6  }
0x335: {  	v6 =	vld [tilespmem:s1+$0xB0];
	(erf) = vpow2.f32 v1;
	v1 =	vmul.f32 $-1.442695020e+00, v7  }
0x336: {  	(erf) = vpow2.f32 v2;
	v2 =	vld [tilespmem:s1+$0xC0];
	v4 =	vmul.f32 $-1.442695020e+00, v4  }
0x337: {  	v3 =	vmul.f32 $-1.442695020e+00, v3;
	(erf) = vpow2.f32 v0;
	v0 =	vld [tilespmem:s1+$0xD0]  }
0x338: {  	(erf) = vpow2.f32 v1;
	v1 =	vld [tilespmem:s1+$0xE0]  }
0x339: {  	v5 =	vmul.f32 $-1.442695020e+00, v5;
	(erf) = vpow2.f32 v3;
	v3 =	vld [tilespmem:s1+$0xF0]  }
0x33a: {  	v7 =	vld [tilespmem:s1+$0x100];
	v6 =	vmul.f32 $-1.442695020e+00, v6;
	(erf) = vpow2.f32 v4;
	v4 =	vpop (erf)  }
0x33b: {  	(erf) = vpow2.f32 v5;
	v2 =	vmul.f32 $-1.442695020e+00, v2;
	v5 =	vld [tilespmem:s1+$0x110];
	v4 =	vadd.f32 $1.000000000e+00, v4  }
0x33c: {  	v8 =	vpop (erf);
	(erf) = vpow2.f32 v6;
	v0 =	vmul.f32 $-1.442695020e+00, v0;
	v6 =	vld [tilespmem:s1+$0x120]  }
0x33d: {  	v9 =	vpop (erf);
	v1 =	vmul.f32 $-1.442695020e+00, v1;
	(erf) = vrcp.f32 v4;
	v4 =	vld [tilespmem:s1+$0x130]  }
0x33e: {  	v10 =	vpop (erf);
	(erf) = vpow2.f32 v2;
	v2 =	vmul.f32 $-1.442695020e+00, v3;
	v3 =	vld [tilespmem:s1+$0x140]  }
0x33f: {  	v11 =	vpop (erf);
	(erf) = vpow2.f32 v0;
	v0 =	vmul.f32 $-1.442695020e+00, v7  }
0x340: {  	v12 =	vpop (erf);
	v7 =	vld [tilespmem:s1+$0x150];
	(erf) = vpow2.f32 v1;
	v1 =	vmul.f32 $-1.442695020e+00, v5  }
0x341: {  	v13 =	vpop (erf);
	v5 =	vld [tilespmem:s1+$0x160];
	(erf) = vpow2.f32 v2;
	v2 =	vmul.f32 $-1.442695020e+00, v6  }
0x342: {  	v14 =	vpop (erf);
	v6 =	vld [tilespmem:s1+$0x170];
	(erf) = vpow2.f32 v0;
	v0 =	vmul.f32 $-1.442695020e+00, v4  }
0x343: {  	v15 =	vpop (erf);
	v4 =	vld [tilespmem:s1+$0x180];
	(erf) = vpow2.f32 v1;
	v1 =	vmul.f32 $-1.442695020e+00, v3  }
0x344: {  	v16 =	vpop (erf);
	v3 =	vld [tilespmem:s1+$0x190]  }
0x345: {  	v17 =	vpop (erf);
	(erf) = vpow2.f32 v2;
	v2 =	vmul.f32 $-1.442695020e+00, v7;
	v7 =	vld [tilespmem:s1+$0x1A0]  }
0x346: {  	v18 =	vpop (erf);
	(erf) = vpow2.f32 v0;
	v0 =	vmul.f32 $-1.442695020e+00, v5;
	v5 =	vld [tilespmem:s1+$0x1B0]  }
0x347: {  	v19 =	vld [tilespmem:s1+$0x1C0];
	(erf) = vpow2.f32 v1;
	v6 =	vmul.f32 $-1.442695020e+00, v6;
	v1 =	vpop (erf)  }
0x348: {  	(erf) = vpow2.f32 v2;
	v2 =	vmul.f32 $-1.442695020e+00, v4;
	v4 =	vld [tilespmem:s1+$0x1D0];
	v20 =	vpop (erf)  }
0x349: {  	(erf) = vpow2.f32 v0;
	[tilespmem:s1+$0x1F0] =	vst v1;
	v0 =	vmul.f32 $-1.442695020e+00, v3;
	v1 =	vld [tilespmem:s1+$0x0];
	v21 =	vpop (erf)  }
0x34a: {  	(erf) = vpow2.f32 v6;
	v7 =	vmul.f32 $-1.442695020e+00, v7;
	v3 =	vpop (erf)  }
0x34b: {  	v6 =	vld [tilespmem:s1+$0x1E0];
	v22 =	vpop (erf);
	(erf) = vpow2.f32 v2;
	v2 =	vmul.f32 $-1.442695020e+00, v5  }
0x34c: {  	v5 =	vpop (erf);
	(erf) = vpow2.f32 v0;
	v0 =	vmul.f32 $-1.442695020e+00, v19  }
0x34d: {  	v4 =	vmul.f32 $-1.442695020e+00, v4;
	v35 =	vpop (erf);
	(erf) = vpow2.f32 v7  }
0x34e: {  	v1 =	vmul.f32 $-1.442695020e+00, v1;
	v7 =	vpop (erf);
	(erf) = vpow2.f32 v2  }
0x34f: {  	v2 =	vpop (erf);
	(erf) = vpow2.f32 v0  }
0x350: {  	v0 =	vmul.f32 $-1.442695020e+00, v6;
	(erf) = vpow2.f32 v4;
	v4 =	vadd.f32 $1.000000000e+00, v8  }
0x351: {  	v6 =	vpop (erf);
	v8 =	vadd.f32 $1.000000000e+00, v9;
	(erf) = vpow2.f32 v1  }
0x352: {  	v1 =	vpop (erf);
	(erf) = vpow2.f32 v0;
	v0 =	vadd.f32 $1.000000000e+00, v10  }
0x353: {  	v36 =	vpop (erf)  }
0x354: {  	(erf) = vrcp.f32 v4;
	v4 =	vpop (erf)  }
0x355: {  	v37 =	vadd.f32 $1.000000000e+00, v11;
	(erf) = vrcp.f32 v8;
	v8 =	vpop (erf)  }
0x356: {  	v38 =	vadd.f32 $1.000000000e+00, v12;
	(erf) = vrcp.f32 v0;
	v0 =	vpop (erf)  }
0x357: {  	v39 =	vadd.f32 $1.000000000e+00, v13;
	(erf) = vrcp.f32 v37;
	v40 =	vpop (erf)  }
0x358: {  	v41 =	vadd.f32 $1.000000000e+00, v14;
	(erf) = vrcp.f32 v38;
	v42 =	vpop (erf)  }
0x359: {  	v43 =	vadd.f32 $1.000000000e+00, v15;
	(erf) = vrcp.f32 v39;
	v44 =	vpop (erf)  }
0x35a: {  	v45 =	vadd.f32 $1.000000000e+00, v16;
	(erf) = vrcp.f32 v41;
	v46 =	vpop (erf)  }
0x35b: {  	v47 =	vadd.f32 $1.000000000e+00, v17;
	(erf) = vrcp.f32 v43;
	v48 =	vpop (erf)  }
0x35c: {  	(erf) = vrcp.f32 v45;
	v49 =	vadd.f32 $1.000000000e+00, v48;
	v50 =	vpop (erf)  }
0x35d: {  	v51 =	vadd.f32 $1.000000000e+00, v18;
	(erf) = vrcp.f32 v47;
	v52 =	vpop (erf)  }
0x35e: {  	v53 =	vadd.f32 $1.000000000e+00, v20;
	[tilespmem:s1+$0x10] =	vst v52;
	(erf) = vrcp.f32 v49;
	v54 =	vpop (erf)  }
0x35f: {  	v55 =	vadd.f32 $1.000000000e+00, v21;
	[tilespmem:s1+$0x20] =	vst v54;
	v56 =	vpop (erf);
	(erf) = vrcp.f32 v51  }
0x360: {  	v3 =	vadd.f32 $1.000000000e+00, v3;
	[tilespmem:s1+$0x30] =	vst v56;
	v57 =	vpop (erf);
	(erf) = vrcp.f32 v53  }
0x361: {  	v58 =	vadd.f32 $1.000000000e+00, v22;
	v5 =	vadd.f32 $1.000000000e+00, v5;
	[tilespmem:s1+$0x40] =	vst v57;
	v59 =	vpop (erf);
	(erf) = vrcp.f32 v55  }
0x362: {  	[tilespmem:s1+$0x50] =	vst v59;
	v60 =	vpop (erf);
	(erf) = vrcp.f32 v3  }
0x363: {  	v3 =	vadd.f32 $1.000000000e+00, v35;
	[tilespmem:s1+$0x60] =	vst v60;
	v61 =	vpop (erf);
	(erf) = vrcp.f32 v58  }
0x364: {  	v7 =	vadd.f32 $1.000000000e+00, v7;
	v2 =	vadd.f32 $1.000000000e+00, v2;
	[tilespmem:s1+$0x70] =	vst v61;
	v62 =	vpop (erf);
	(erf) = vrcp.f32 v5  }
0x365: {  	[tilespmem:s1+$0x80] =	vst v62;
	v5 =	vpop (erf);
	(erf) = vrcp.f32 v3  }
0x366: {  	v3 =	vadd.f32 $1.000000000e+00, v6;
	[tilespmem:s1+$0x90] =	vst v5;
	v5 =	vpop (erf);
	(erf) = vrcp.f32 v7  }
0x367: {  	v1 =	vadd.f32 $1.000000000e+00, v1;
	v7 =	vadd.f32 $1.000000000e+00, v36;
	[tilespmem:s1+$0xA0] =	vst v5;
	v5 =	vpop (erf);
	(erf) = vrcp.f32 v2  }
0x368: {  	v63 =	vadd.f32 $1.000000000e+00, v4;
	v4 =	vadd.f32 $1.000000000e+00, v42;
	[tilespmem:s1+$0x0] =	vst v5;
	v2 =	vpop (erf);
	(erf) = vrcp.f32 v3  }
0x369: {  	v6 =	vadd.f32 $1.000000000e+00, v8;
	v5 =	vadd.f32 $1.000000000e+00, v0;
	[tilespmem:s1+$0xB0] =	vst v2;
	v2 =	vpop (erf);
	(erf) = vrcp.f32 v1  }
0x36a: {  	v3 =	vadd.f32 $1.000000000e+00, v40;
	v0 =	vadd.f32 $1.000000000e+00, v44;
	[tilespmem:s1+$0xC0] =	vst v2;
	v8 =	vpop (erf);
	(erf) = vrcp.f32 v7  }
0x36b: {  	s18 =	simm.s32 $0x0;
	s22 =	simm.s32 $0x4400;
	v1 =	vadd.f32 $1.000000000e+00, v46;
	v2 =	vadd.f32 $1.000000000e+00, v50;
	[tilespmem:s1+$0xD0] =	vst v8;
	v7 =	vpop (erf);
	(erf) = vrcp.f32 v63  }
.LBB2_12:
0x36c: {  	v8 =	vld [tilespmem:s22+$0x1F0];
	s18 =	sadd.s32 $0x4, s18;
	[tilespmem:s1+$0xE0] =	vst v7;
	v7 =	vpop (erf);
	(erf) = vrcp.f32 v6  }
0x36d: {  	v6 =	vld [tilespmem:s22+$0x10];
	p0 =	slt.u32 s18, $0x3C;
	[tilespmem:s1+$0xF0] =	vst v7;
	v7 =	vpop (erf);
	(erf) = vrcp.f32 v5  }
0x36e: {  	v5 =	vld [tilespmem:s22+$0x20];
	[tilespmem:s1+$0x100] =	vst v7;
	v7 =	vpop (erf);
	(erf) = vrcp.f32 v3  }
0x36f: {  	v3 =	vld [tilespmem:s22+$0x30];
	[tilespmem:s1+$0x110] =	vst v7;
	v7 =	vpop (erf);
	(erf) = vrcp.f32 v4  }
0x370: {  	v4 =	vld [tilespmem:s22+$0x40];
	[tilespmem:s1+$0x120] =	vst v7;
	v7 =	vpop (erf);
	(erf) = vrcp.f32 v0  }
0x371: {  	v0 =	vld [tilespmem:s22+$0x50];
	v8 =	vmul.f32 $-1.442695020e+00, v8;
	[tilespmem:s1+$0x130] =	vst v7;
	v7 =	vpop (erf);
	(erf) = vrcp.f32 v1  }
0x372: {  	v9 =	vmul.f32 $-1.442695020e+00, v6;
	v6 =	vld [tilespmem:s22+$0x60];
	[tilespmem:s1+$0x140] =	vst v7;
	v7 =	vpop (erf);
	(erf) = vrcp.f32 v2  }
0x373: {  	v2 =	vmul.f32 $-1.442695020e+00, v5;
	v5 =	vld [tilespmem:s22+$0x70];
	(erf) = vpow2.f32 v8;
	[tilespmem:s1+$0x150] =	vst v7;
	v7 =	vpop (erf)  }
0x374: {  	v3 =	vmul.f32 $-1.442695020e+00, v3;
	v8 =	vld [tilespmem:s22+$0x80];
	(erf) = vpow2.f32 v9;
	[tilespmem:s1+$0x160] =	vst v7;
	v1 =	vpop (erf)  }
0x375: {  	v4 =	vmul.f32 $-1.442695020e+00, v4;
	v7 =	vld [tilespmem:s22+$0x90];
	(erf) = vpow2.f32 v2;
	[tilespmem:s1+$0x170] =	vst v1;
	v1 =	vpop (erf)  }
0x376: {  	v9 =	vmul.f32 $-1.442695020e+00, v0;
	v2 =	vld [tilespmem:s22+$0xA0];
	(erf) = vpow2.f32 v3;
	[tilespmem:s1+$0x180] =	vst v1;
	v1 =	vpop (erf)  }
0x377: {  	v3 =	vmul.f32 $-1.442695020e+00, v6;
	v6 =	vld [tilespmem:s22+$0xB0];
	(erf) = vpow2.f32 v4;
	[tilespmem:s1+$0x190] =	vst v1;
	v1 =	vpop (erf)  }
0x378: {  	v4 =	vmul.f32 $-1.442695020e+00, v5;
	v5 =	vld [tilespmem:s22+$0xC0];
	(erf) = vpow2.f32 v9;
	[tilespmem:s1+$0x1A0] =	vst v1;
	v0 =	vpop (erf)  }
0x379: {  	v1 =	vmul.f32 $-1.442695020e+00, v8;
	v8 =	vld [tilespmem:s22+$0xD0];
	(erf) = vpow2.f32 v3;
	[tilespmem:s1+$0x1B0] =	vst v0;
	v0 =	vpop (erf)  }
0x37a: {  	v10 =	vmul.f32 $-1.442695020e+00, v7;
	v7 =	vld [tilespmem:s22+$0xE0];
	(erf) = vpow2.f32 v4;
	[tilespmem:s1+$0x1C0] =	vst v0;
	v0 =	vpop (erf)  }
0x37b: {  	v2 =	vmul.f32 $-1.442695020e+00, v2;
	v4 =	vld [tilespmem:s22+$0xF0];
	(erf) = vpow2.f32 v1;
	[tilespmem:s1+$0x1D0] =	vst v0;
	v0 =	vpop (erf)  }
0x37c: {  	v1 =	vmul.f32 $-1.442695020e+00, v6;
	v6 =	vld [tilespmem:s22+$0x100];
	(erf) = vpow2.f32 v10;
	v3 =	vpop (erf);
	[tilespmem:s1+$0x1E0] =	vst v0;
	s1 =	smov.u32 s22  }
0x37d: {  	v0 =	vmul.f32 $-1.442695020e+00, v5;
	v5 =	vld [tilespmem:s22+$0x110];
	v3 =	vadd.f32 $1.000000000e+00, v3;
	v9 =	vpop (erf);
	(erf) = vpow2.f32 v2  }
0x37e: {  	v2 =	vadd.f32 $1.000000000e+00, v9;
	v8 =	vmul.f32 $-1.442695020e+00, v8;
	v9 =	vld [tilespmem:s22+$0x120];
	v10 =	vpop (erf);
	(erf) = vpow2.f32 v1  }
0x37f: {  	v1 =	vadd.f32 $1.000000000e+00, v10;
	v7 =	vmul.f32 $-1.442695020e+00, v7;
	v10 =	vld [tilespmem:s22+$0x130];
	v11 =	vpop (erf);
	(erf) = vrcp.f32 v3  }
0x380: {  	v3 =	vadd.f32 $1.000000000e+00, v11;
	v4 =	vmul.f32 $-1.442695020e+00, v4;
	v11 =	vld [tilespmem:s22+$0x140];
	v12 =	vpop (erf);
	(erf) = vpow2.f32 v0  }
0x381: {  	v0 =	vadd.f32 $1.000000000e+00, v12;
	v6 =	vmul.f32 $-1.442695020e+00, v6;
	v12 =	vld [tilespmem:s22+$0x150];
	v13 =	vpop (erf);
	(erf) = vpow2.f32 v8  }
0x382: {  	v8 =	vadd.f32 $1.000000000e+00, v13;
	v5 =	vmul.f32 $-1.442695020e+00, v5;
	v13 =	vld [tilespmem:s22+$0x160];
	v14 =	vpop (erf);
	(erf) = vpow2.f32 v7  }
0x383: {  	v7 =	vadd.f32 $1.000000000e+00, v14;
	v9 =	vmul.f32 $-1.442695020e+00, v9;
	v14 =	vld [tilespmem:s22+$0x170];
	v15 =	vpop (erf);
	(erf) = vpow2.f32 v4  }
0x384: {  	v15 =	vadd.f32 $1.000000000e+00, v15;
	v4 =	vmul.f32 $-1.442695020e+00, v10;
	v10 =	vld [tilespmem:s22+$0x180];
	v16 =	vpop (erf);
	(erf) = vpow2.f32 v6  }
0x385: {  	v16 =	vadd.f32 $1.000000000e+00, v16;
	v20 =	vmul.f32 $-1.442695020e+00, v11;
	v11 =	vld [tilespmem:s22+$0x190];
	v17 =	vpop (erf);
	(erf) = vpow2.f32 v5  }
0x386: {  	v17 =	vadd.f32 $1.000000000e+00, v17;
	v5 =	vmul.f32 $-1.442695020e+00, v12;
	v12 =	vld [tilespmem:s22+$0x1A0];
	v18 =	vpop (erf);
	(erf) = vpow2.f32 v9  }
0x387: {  	v9 =	vadd.f32 $1.000000000e+00, v18;
	v13 =	vmul.f32 $-1.442695020e+00, v13;
	v18 =	vld [tilespmem:s22+$0x1B0];
	v19 =	vpop (erf);
	(erf) = vpow2.f32 v4  }
0x388: {  	v19 =	vadd.f32 $1.000000000e+00, v19;
	v4 =	vmul.f32 $-1.442695020e+00, v14;
	v14 =	vld [tilespmem:s22+$0x1C0];
	(erf) = vpow2.f32 v20;
	v6 =	vpop (erf)  }
0x389: {  	v10 =	vmul.f32 $-1.442695020e+00, v10;
	v20 =	vld [tilespmem:s22+$0x1D0];
	[tilespmem:s22+$0x1F0] =	vst v6;
	v6 =	vpop (erf);
	(erf) = vpow2.f32 v5  }
0x38a: {  	v21 =	vadd.f32 $1.000000000e+00, v6;
	v5 =	vmul.f32 $-1.442695020e+00, v11;
	v6 =	vld [tilespmem:s22+$0x1E0];
	v11 =	vpop (erf);
	(erf) = vpow2.f32 v13  }
0x38b: {  	v13 =	vld [tilespmem:s22+$0x0];
	v11 =	vadd.f32 $1.000000000e+00, v11;
	v12 =	vmul.f32 $-1.442695020e+00, v12;
	v22 =	vpop (erf);
	(erf) = vpow2.f32 v4  }
0x38c: {  	v22 =	vadd.f32 $1.000000000e+00, v22;
	v4 =	vmul.f32 $-1.442695020e+00, v18;
	v18 =	vpop (erf);
	(erf) = vpow2.f32 v10  }
0x38d: {  	v10 =	vadd.f32 $1.000000000e+00, v18;
	v14 =	vmul.f32 $-1.442695020e+00, v14;
	v18 =	vpop (erf);
	(erf) = vpow2.f32 v5  }
0x38e: {  	v18 =	vadd.f32 $1.000000000e+00, v18;
	v5 =	vmul.f32 $-1.442695020e+00, v20;
	v20 =	vpop (erf);
	(erf) = vpow2.f32 v12  }
0x38f: {  	v12 =	vadd.f32 $1.000000000e+00, v20;
	v6 =	vmul.f32 $-1.442695020e+00, v6;
	v20 =	vpop (erf);
	(erf) = vpow2.f32 v4  }
0x390: {  	v23 =	vmul.f32 $-1.442695020e+00, v13;
	v13 =	vadd.f32 $1.000000000e+00, v20;
	v20 =	vpop (erf);
	(erf) = vpow2.f32 v14  }
0x391: {  	v14 =	vadd.f32 $1.000000000e+00, v20;
	v20 =	vpop (erf);
	(erf) = vpow2.f32 v5  }
0x392: {  	v20 =	vadd.f32 $1.000000000e+00, v20;
	(erf) = vpow2.f32 v23;
	v4 =	vpop (erf)  }
0x393: {  	v23 =	vadd.f32 $1.000000000e+00, v4;
	v4 =	vpop (erf);
	(erf) = vpow2.f32 v6  }
0x394: {  	v24 =	vadd.f32 $1.000000000e+00, v4;
	(erf) = vrcp.f32 v2;
	v2 =	vpop (erf)  }
0x395: {  	v25 =	vadd.f32 $1.000000000e+00, v2;
	(erf) = vrcp.f32 v1;
	v1 =	vpop (erf)  }
0x396: {  	v6 =	vadd.f32 $1.000000000e+00, v1;
	(erf) = vrcp.f32 v3;
	v1 =	vpop (erf)  }
0x397: {  	v5 =	vadd.f32 $1.000000000e+00, v1;
	(erf) = vrcp.f32 v0;
	v0 =	vpop (erf)  }
0x398: {  	v3 =	vadd.f32 $1.000000000e+00, v0;
	(erf) = vrcp.f32 v8;
	v0 =	vpop (erf)  }
0x399: {  	v4 =	vadd.f32 $1.000000000e+00, v0;
	(erf) = vrcp.f32 v7;
	v0 =	vpop (erf)  }
0x39a: {  	v0 =	vadd.f32 $1.000000000e+00, v0;
	(erf) = vrcp.f32 v15;
	v1 =	vpop (erf)  }
0x39b: {  	v1 =	vadd.f32 $1.000000000e+00, v1;
	v2 =	vpop (erf);
	(erf) = vrcp.f32 v16  }
0x39c: {  	v15 =	vadd.f32 $1.000000000e+00, v2;
	(erf) = vrcp.f32 v17;
	v2 =	vpop (erf)  }
0x39d: {  	v2 =	vadd.f32 $1.000000000e+00, v2;
	v8 =	vpop (erf);
	(erf) = vrcp.f32 v9  }
0x39e: {  	[tilespmem:s22+$0x10] =	vst v8;
	(erf) = vrcp.f32 v15;
	v7 =	vpop (erf)  }
0x39f: {  	[tilespmem:s22+$0x20] =	vst v7;
	v7 =	vpop (erf);
	(erf) = vrcp.f32 v19  }
0x3a0: {  	[tilespmem:s22+$0x30] =	vst v7;
	v7 =	vpop (erf);
	(erf) = vrcp.f32 v21  }
0x3a1: {  	[tilespmem:s22+$0x40] =	vst v7;
	v7 =	vpop (erf);
	(erf) = vrcp.f32 v11  }
0x3a2: {  	[tilespmem:s22+$0x50] =	vst v7;
	v7 =	vpop (erf);
	(erf) = vrcp.f32 v22  }
0x3a3: {  	[tilespmem:s22+$0x60] =	vst v7;
	v7 =	vpop (erf);
	(erf) = vrcp.f32 v10  }
0x3a4: {  	[tilespmem:s22+$0x70] =	vst v7;
	v7 =	vpop (erf);
	(erf) = vrcp.f32 v18  }
0x3a5: {  	[tilespmem:s22+$0x80] =	vst v7;
	v7 =	vpop (erf);
	(erf) = vrcp.f32 v12  }
0x3a6: {  	[tilespmem:s22+$0x90] =	vst v7;
	v7 =	vpop (erf);
	(erf) = vrcp.f32 v13  }
.Ltmp5:
0x3a7: {  	[tilespmem:s22+$0xA0] =	vst v7;
	v7 =	vpop (erf);
	(erf) = vrcp.f32 v14;
	(pc) =	sbr.rel @p0 .LBB2_12-.Ltmp5, $4  }
0x3a8: {  	[tilespmem:s22+$0x0] =	vst v7;
	v7 =	vpop (erf);
	(erf) = vrcp.f32 v20  }
0x3a9: {  	[tilespmem:s22+$0xB0] =	vst v7;
	v7 =	vpop (erf);
	(erf) = vrcp.f32 v23  }
0x3aa: {  	[tilespmem:s22+$0xC0] =	vst v7;
	v7 =	vpop (erf);
	(erf) = vrcp.f32 v24  }
0x3ab: {  	s22 =	sadd.s32 $0x200, s22;
	[tilespmem:s1+$0xD0] =	vst v7;
	v7 =	vpop (erf);
	(erf) = vrcp.f32 v25  }
0x3ac: {  	[tilespmem:s1+$0xE0] =	vst v7;
	v7 =	vpop (erf);
	(erf) = vrcp.f32 v6  }
0x3ad: {  	[tilespmem:s1+$0xF0] =	vst v7;
	v6 =	vpop (erf);
	(erf) = vrcp.f32 v5  }
0x3ae: {  	[tilespmem:s1+$0x100] =	vst v6;
	v5 =	vpop (erf);
	(erf) = vrcp.f32 v3  }
0x3af: {  	[tilespmem:s1+$0x110] =	vst v5;
	v3 =	vpop (erf);
	(erf) = vrcp.f32 v4  }
0x3b0: {  	[tilespmem:s1+$0x120] =	vst v3;
	v3 =	vpop (erf);
	(erf) = vrcp.f32 v0  }
0x3b1: {  	[tilespmem:s1+$0x130] =	vst v3;
	v0 =	vpop (erf);
	(erf) = vrcp.f32 v1  }
0x3b2: {  	[tilespmem:s1+$0x140] =	vst v0;
	v0 =	vpop (erf);
	(erf) = vrcp.f32 v2  }
0x3b3: {  	[tilespmem:s1+$0x150] =	vst v0;
	v0 =	vpop (erf)  }
0x3b4: {  	[tilespmem:s1+$0x160] =	vst v0;
	v0 =	vpop (erf)  }
0x3b5: {  	[tilespmem:s1+$0x170] =	vst v0;
	v0 =	vpop (erf)  }
0x3b6: {  	[tilespmem:s1+$0x180] =	vst v0;
	v0 =	vpop (erf)  }
0x3b7: {  	[tilespmem:s1+$0x190] =	vst v0;
	v0 =	vpop (erf)  }
0x3b8: {  	[tilespmem:s1+$0x1A0] =	vst v0;
	v0 =	vpop (erf)  }
0x3b9: {  	[tilespmem:s1+$0x1B0] =	vst v0;
	v0 =	vpop (erf)  }
0x3ba: {  	[tilespmem:s1+$0x1C0] =	vst v0;
	v0 =	vpop (erf)  }
0x3bb: {  	[tilespmem:s1+$0x1D0] =	vst v0;
	v0 =	vpop (erf)  }
0x3bc: {  	[tilespmem:s1+$0x1E0] =	vst v0  }
0x3bd: {  	[hbm4b:s10+s3] =	stream.linear.scatter [tilespmem:s19], [sflag:$0x6], $0x2000, $0x38;
	[tilespmem:$0x6200] =	vst v63  }
0x3be: {  	_ =	swait.ge [sflag:s20], $0x2000  }
0x3bf: {  	[sflag:s20] =	ssyncset.done $0x0  }
0x3c0: {  	s1 =	simm.s32 $0x300;
	[sflag:s20] =	ssyncadd.s32 $0xFFFFE000  }
0x3c1: {  	v0 =	vld [tilespmem:s1+$0xF0]  }
0x3c2: {  	v1 =	vld [tilespmem:s1+$0xFFFFFF10]  }
0x3c3: {  	v2 =	vld [tilespmem:s1+$0xFFFFFF20]  }
0x3c4: {  	v4 =	vld [tilespmem:s1+$0xFFFFFF40]  }
0x3c5: {  	v3 =	vld [tilespmem:s1+$0xFFFFFF30]  }
0x3c6: {  	v5 =	vld [tilespmem:s1+$0xFFFFFF50];
	v0 =	vmul.f32 $-1.442695020e+00, v0  }
0x3c7: {  	v6 =	vld [tilespmem:s1+$0xFFFFFF60];
	v1 =	vmul.f32 $-1.442695020e+00, v1  }
0x3c8: {  	v7 =	vld [tilespmem:s1+$0xFFFFFF70];
	v2 =	vmul.f32 $-1.442695020e+00, v2;
	(erf) = vpow2.f32 v0  }
0x3c9: {  	(erf) = vpow2.f32 v1;
	v1 =	vmul.f32 $-1.442695020e+00, v4;
	v4 =	vld [tilespmem:s1+$0xFFFFFF90]  }
0x3ca: {  	v0 =	vmul.f32 $-1.442695020e+00, v3;
	v3 =	vld [tilespmem:s1+$0xFFFFFF80]  }
0x3cb: {  	(erf) = vpow2.f32 v2;
	v2 =	vmul.f32 $-1.442695020e+00, v5  }
0x3cc: {  	v5 =	vld [tilespmem:s1+$0xFFFFFFA0];
	(erf) = vpow2.f32 v0;
	v0 =	vmul.f32 $-1.442695020e+00, v6  }
0x3cd: {  	v6 =	vld [tilespmem:s1+$0xFFFFFFB0];
	(erf) = vpow2.f32 v1;
	v1 =	vmul.f32 $-1.442695020e+00, v7  }
0x3ce: {  	(erf) = vpow2.f32 v2;
	v2 =	vld [tilespmem:s1+$0xFFFFFFC0];
	v4 =	vmul.f32 $-1.442695020e+00, v4  }
0x3cf: {  	v3 =	vmul.f32 $-1.442695020e+00, v3;
	(erf) = vpow2.f32 v0;
	v0 =	vld [tilespmem:s1+$0xFFFFFFD0]  }
0x3d0: {  	(erf) = vpow2.f32 v1;
	v1 =	vld [tilespmem:s1+$0xFFFFFFE0]  }
0x3d1: {  	v5 =	vmul.f32 $-1.442695020e+00, v5;
	(erf) = vpow2.f32 v3;
	v3 =	vld [tilespmem:s1+$0xFFFFFFF0]  }
0x3d2: {  	v7 =	vld [tilespmem:s1+$0x0];
	v6 =	vmul.f32 $-1.442695020e+00, v6;
	(erf) = vpow2.f32 v4;
	v4 =	vpop (erf)  }
0x3d3: {  	(erf) = vpow2.f32 v5;
	v2 =	vmul.f32 $-1.442695020e+00, v2;
	v5 =	vld [tilespmem:s1+$0x10];
	v4 =	vadd.f32 $1.000000000e+00, v4  }
0x3d4: {  	v8 =	vpop (erf);
	(erf) = vpow2.f32 v6;
	v0 =	vmul.f32 $-1.442695020e+00, v0;
	v6 =	vld [tilespmem:s1+$0x20]  }
0x3d5: {  	v9 =	vpop (erf);
	v1 =	vmul.f32 $-1.442695020e+00, v1;
	(erf) = vrcp.f32 v4;
	v4 =	vld [tilespmem:s1+$0x30]  }
0x3d6: {  	v10 =	vpop (erf);
	(erf) = vpow2.f32 v2;
	v2 =	vmul.f32 $-1.442695020e+00, v3;
	v3 =	vld [tilespmem:s1+$0x40]  }
0x3d7: {  	v11 =	vpop (erf);
	(erf) = vpow2.f32 v0;
	v0 =	vmul.f32 $-1.442695020e+00, v7  }
0x3d8: {  	v12 =	vpop (erf);
	v7 =	vld [tilespmem:s1+$0x50];
	(erf) = vpow2.f32 v1;
	v1 =	vmul.f32 $-1.442695020e+00, v5  }
0x3d9: {  	v13 =	vpop (erf);
	v5 =	vld [tilespmem:s1+$0x60];
	(erf) = vpow2.f32 v2;
	v2 =	vmul.f32 $-1.442695020e+00, v6  }
0x3da: {  	v14 =	vpop (erf);
	v6 =	vld [tilespmem:s1+$0x70];
	(erf) = vpow2.f32 v0;
	v0 =	vmul.f32 $-1.442695020e+00, v4  }
0x3db: {  	v15 =	vpop (erf);
	v4 =	vld [tilespmem:s1+$0x80];
	(erf) = vpow2.f32 v1;
	v1 =	vmul.f32 $-1.442695020e+00, v3  }
0x3dc: {  	v16 =	vpop (erf);
	v3 =	vld [tilespmem:s1+$0x90]  }
0x3dd: {  	v17 =	vpop (erf);
	(erf) = vpow2.f32 v2;
	v2 =	vmul.f32 $-1.442695020e+00, v7;
	v7 =	vld [tilespmem:s1+$0xA0]  }
0x3de: {  	v18 =	vpop (erf);
	(erf) = vpow2.f32 v0;
	v0 =	vmul.f32 $-1.442695020e+00, v5;
	v5 =	vld [tilespmem:s1+$0xB0]  }
0x3df: {  	v19 =	vld [tilespmem:s1+$0xC0];
	(erf) = vpow2.f32 v1;
	v6 =	vmul.f32 $-1.442695020e+00, v6;
	v1 =	vpop (erf)  }
0x3e0: {  	(erf) = vpow2.f32 v2;
	v2 =	vmul.f32 $-1.442695020e+00, v4;
	v4 =	vld [tilespmem:s1+$0xD0];
	v20 =	vpop (erf)  }
0x3e1: {  	(erf) = vpow2.f32 v0;
	[tilespmem:s1+$0xF0] =	vst v1;
	v0 =	vmul.f32 $-1.442695020e+00, v3;
	v1 =	vld [tilespmem:s1+$0xFFFFFF00];
	v21 =	vpop (erf)  }
0x3e2: {  	(erf) = vpow2.f32 v6;
	v7 =	vmul.f32 $-1.442695020e+00, v7;
	v3 =	vpop (erf)  }
0x3e3: {  	v6 =	vld [tilespmem:s1+$0xE0];
	v22 =	vpop (erf);
	(erf) = vpow2.f32 v2;
	v2 =	vmul.f32 $-1.442695020e+00, v5  }
0x3e4: {  	v5 =	vpop (erf);
	(erf) = vpow2.f32 v0;
	v0 =	vmul.f32 $-1.442695020e+00, v19  }
0x3e5: {  	v4 =	vmul.f32 $-1.442695020e+00, v4;
	v35 =	vpop (erf);
	(erf) = vpow2.f32 v7  }
0x3e6: {  	v1 =	vmul.f32 $-1.442695020e+00, v1;
	v7 =	vpop (erf);
	(erf) = vpow2.f32 v2  }
0x3e7: {  	v2 =	vpop (erf);
	(erf) = vpow2.f32 v0  }
0x3e8: {  	v0 =	vmul.f32 $-1.442695020e+00, v6;
	(erf) = vpow2.f32 v4;
	v4 =	vadd.f32 $1.000000000e+00, v8  }
0x3e9: {  	v6 =	vpop (erf);
	v8 =	vadd.f32 $1.000000000e+00, v9;
	(erf) = vpow2.f32 v1  }
0x3ea: {  	v1 =	vpop (erf);
	(erf) = vpow2.f32 v0;
	v0 =	vadd.f32 $1.000000000e+00, v10  }
0x3eb: {  	v36 =	vpop (erf)  }
0x3ec: {  	(erf) = vrcp.f32 v4;
	v4 =	vpop (erf)  }
0x3ed: {  	v37 =	vadd.f32 $1.000000000e+00, v11;
	(erf) = vrcp.f32 v8;
	v8 =	vpop (erf)  }
0x3ee: {  	v38 =	vadd.f32 $1.000000000e+00, v12;
	(erf) = vrcp.f32 v0;
	v0 =	vpop (erf)  }
0x3ef: {  	v39 =	vadd.f32 $1.000000000e+00, v13;
	(erf) = vrcp.f32 v37;
	v40 =	vpop (erf)  }
0x3f0: {  	v41 =	vadd.f32 $1.000000000e+00, v14;
	(erf) = vrcp.f32 v38;
	v42 =	vpop (erf)  }
0x3f1: {  	v43 =	vadd.f32 $1.000000000e+00, v15;
	(erf) = vrcp.f32 v39;
	v44 =	vpop (erf)  }
0x3f2: {  	v45 =	vadd.f32 $1.000000000e+00, v16;
	(erf) = vrcp.f32 v41;
	v46 =	vpop (erf)  }
0x3f3: {  	v47 =	vadd.f32 $1.000000000e+00, v17;
	(erf) = vrcp.f32 v43;
	v48 =	vpop (erf)  }
0x3f4: {  	(erf) = vrcp.f32 v45;
	v49 =	vadd.f32 $1.000000000e+00, v48;
	v50 =	vpop (erf)  }
0x3f5: {  	v51 =	vadd.f32 $1.000000000e+00, v18;
	(erf) = vrcp.f32 v47;
	v52 =	vpop (erf)  }
0x3f6: {  	v53 =	vadd.f32 $1.000000000e+00, v20;
	[tilespmem:s1+$0xFFFFFF10] =	vst v52;
	(erf) = vrcp.f32 v49;
	v54 =	vpop (erf)  }
0x3f7: {  	v55 =	vadd.f32 $1.000000000e+00, v21;
	[tilespmem:s1+$0xFFFFFF20] =	vst v54;
	v56 =	vpop (erf);
	(erf) = vrcp.f32 v51  }
0x3f8: {  	v3 =	vadd.f32 $1.000000000e+00, v3;
	[tilespmem:s1+$0xFFFFFF30] =	vst v56;
	v57 =	vpop (erf);
	(erf) = vrcp.f32 v53  }
0x3f9: {  	v58 =	vadd.f32 $1.000000000e+00, v22;
	v5 =	vadd.f32 $1.000000000e+00, v5;
	[tilespmem:s1+$0xFFFFFF40] =	vst v57;
	v59 =	vpop (erf);
	(erf) = vrcp.f32 v55  }
0x3fa: {  	[tilespmem:s1+$0xFFFFFF50] =	vst v59;
	v60 =	vpop (erf);
	(erf) = vrcp.f32 v3  }
0x3fb: {  	v3 =	vadd.f32 $1.000000000e+00, v35;
	[tilespmem:s1+$0xFFFFFF60] =	vst v60;
	v61 =	vpop (erf);
	(erf) = vrcp.f32 v58  }
0x3fc: {  	v7 =	vadd.f32 $1.000000000e+00, v7;
	v2 =	vadd.f32 $1.000000000e+00, v2;
	[tilespmem:s1+$0xFFFFFF70] =	vst v61;
	v62 =	vpop (erf);
	(erf) = vrcp.f32 v5  }
0x3fd: {  	[tilespmem:s1+$0xFFFFFF80] =	vst v62;
	v5 =	vpop (erf);
	(erf) = vrcp.f32 v3  }
0x3fe: {  	v3 =	vadd.f32 $1.000000000e+00, v6;
	[tilespmem:s1+$0xFFFFFF90] =	vst v5;
	v5 =	vpop (erf);
	(erf) = vrcp.f32 v7  }
0x3ff: {  	v1 =	vadd.f32 $1.000000000e+00, v1;
	v7 =	vadd.f32 $1.000000000e+00, v36;
	[tilespmem:s1+$0xFFFFFFA0] =	vst v5;
	v5 =	vpop (erf);
	(erf) = vrcp.f32 v2  }
0x400: {  	v63 =	vadd.f32 $1.000000000e+00, v4;
	v4 =	vadd.f32 $1.000000000e+00, v42;
	[tilespmem:s1+$0xFFFFFF00] =	vst v5;
	v2 =	vpop (erf);
	(erf) = vrcp.f32 v3  }
0x401: {  	v6 =	vadd.f32 $1.000000000e+00, v8;
	v5 =	vadd.f32 $1.000000000e+00, v0;
	[tilespmem:s1+$0xFFFFFFB0] =	vst v2;
	v2 =	vpop (erf);
	(erf) = vrcp.f32 v1  }
0x402: {  	v3 =	vadd.f32 $1.000000000e+00, v40;
	v0 =	vadd.f32 $1.000000000e+00, v44;
	[tilespmem:s1+$0xFFFFFFC0] =	vst v2;
	v8 =	vpop (erf);
	(erf) = vrcp.f32 v7  }
0x403: {  	s18 =	simm.s32 $0x0;
	s22 =	simm.s32 $0x500;
	v1 =	vadd.f32 $1.000000000e+00, v46;
	v2 =	vadd.f32 $1.000000000e+00, v50;
	[tilespmem:s1+$0xFFFFFFD0] =	vst v8;
	v7 =	vpop (erf);
	(erf) = vrcp.f32 v63  }
.LBB2_14:
0x404: {  	v8 =	vld [tilespmem:s22+$0xF0];
	s18 =	sadd.s32 $0x4, s18;
	[tilespmem:s1+$0xFFFFFFE0] =	vst v7;
	v7 =	vpop (erf);
	(erf) = vrcp.f32 v6  }
0x405: {  	v6 =	vld [tilespmem:s22+$0xFFFFFF10];
	p0 =	slt.u32 s18, $0x3C;
	[tilespmem:s1+$0xFFFFFFF0] =	vst v7;
	v7 =	vpop (erf);
	(erf) = vrcp.f32 v5  }
0x406: {  	v5 =	vld [tilespmem:s22+$0xFFFFFF20];
	[tilespmem:s1+$0x0] =	vst v7;
	v7 =	vpop (erf);
	(erf) = vrcp.f32 v3  }
0x407: {  	v3 =	vld [tilespmem:s22+$0xFFFFFF30];
	[tilespmem:s1+$0x10] =	vst v7;
	v7 =	vpop (erf);
	(erf) = vrcp.f32 v4  }
0x408: {  	v4 =	vld [tilespmem:s22+$0xFFFFFF40];
	[tilespmem:s1+$0x20] =	vst v7;
	v7 =	vpop (erf);
	(erf) = vrcp.f32 v0  }
0x409: {  	v0 =	vld [tilespmem:s22+$0xFFFFFF50];
	v8 =	vmul.f32 $-1.442695020e+00, v8;
	[tilespmem:s1+$0x30] =	vst v7;
	v7 =	vpop (erf);
	(erf) = vrcp.f32 v1  }
0x40a: {  	v9 =	vmul.f32 $-1.442695020e+00, v6;
	v6 =	vld [tilespmem:s22+$0xFFFFFF60];
	[tilespmem:s1+$0x40] =	vst v7;
	v7 =	vpop (erf);
	(erf) = vrcp.f32 v2  }
0x40b: {  	v2 =	vmul.f32 $-1.442695020e+00, v5;
	v5 =	vld [tilespmem:s22+$0xFFFFFF70];
	(erf) = vpow2.f32 v8;
	[tilespmem:s1+$0x50] =	vst v7;
	v7 =	vpop (erf)  }
0x40c: {  	v3 =	vmul.f32 $-1.442695020e+00, v3;
	v8 =	vld [tilespmem:s22+$0xFFFFFF80];
	(erf) = vpow2.f32 v9;
	[tilespmem:s1+$0x60] =	vst v7;
	v1 =	vpop (erf)  }
0x40d: {  	v4 =	vmul.f32 $-1.442695020e+00, v4;
	v7 =	vld [tilespmem:s22+$0xFFFFFF90];
	(erf) = vpow2.f32 v2;
	[tilespmem:s1+$0x70] =	vst v1;
	v1 =	vpop (erf)  }
0x40e: {  	v9 =	vmul.f32 $-1.442695020e+00, v0;
	v2 =	vld [tilespmem:s22+$0xFFFFFFA0];
	(erf) = vpow2.f32 v3;
	[tilespmem:s1+$0x80] =	vst v1;
	v1 =	vpop (erf)  }
0x40f: {  	v3 =	vmul.f32 $-1.442695020e+00, v6;
	v6 =	vld [tilespmem:s22+$0xFFFFFFB0];
	(erf) = vpow2.f32 v4;
	[tilespmem:s1+$0x90] =	vst v1;
	v1 =	vpop (erf)  }
0x410: {  	v4 =	vmul.f32 $-1.442695020e+00, v5;
	v5 =	vld [tilespmem:s22+$0xFFFFFFC0];
	(erf) = vpow2.f32 v9;
	[tilespmem:s1+$0xA0] =	vst v1;
	v0 =	vpop (erf)  }
0x411: {  	v1 =	vmul.f32 $-1.442695020e+00, v8;
	v8 =	vld [tilespmem:s22+$0xFFFFFFD0];
	(erf) = vpow2.f32 v3;
	[tilespmem:s1+$0xB0] =	vst v0;
	v0 =	vpop (erf)  }
0x412: {  	v10 =	vmul.f32 $-1.442695020e+00, v7;
	v7 =	vld [tilespmem:s22+$0xFFFFFFE0];
	(erf) = vpow2.f32 v4;
	[tilespmem:s1+$0xC0] =	vst v0;
	v0 =	vpop (erf)  }
0x413: {  	v2 =	vmul.f32 $-1.442695020e+00, v2;
	v4 =	vld [tilespmem:s22+$0xFFFFFFF0];
	(erf) = vpow2.f32 v1;
	[tilespmem:s1+$0xD0] =	vst v0;
	v0 =	vpop (erf)  }
0x414: {  	v1 =	vmul.f32 $-1.442695020e+00, v6;
	v6 =	vld [tilespmem:s22+$0x0];
	(erf) = vpow2.f32 v10;
	v3 =	vpop (erf);
	[tilespmem:s1+$0xE0] =	vst v0;
	s1 =	smov.u32 s22  }
0x415: {  	v0 =	vmul.f32 $-1.442695020e+00, v5;
	v5 =	vld [tilespmem:s22+$0x10];
	v3 =	vadd.f32 $1.000000000e+00, v3;
	v9 =	vpop (erf);
	(erf) = vpow2.f32 v2  }
0x416: {  	v2 =	vadd.f32 $1.000000000e+00, v9;
	v8 =	vmul.f32 $-1.442695020e+00, v8;
	v9 =	vld [tilespmem:s22+$0x20];
	v10 =	vpop (erf);
	(erf) = vpow2.f32 v1  }
0x417: {  	v1 =	vadd.f32 $1.000000000e+00, v10;
	v7 =	vmul.f32 $-1.442695020e+00, v7;
	v10 =	vld [tilespmem:s22+$0x30];
	v11 =	vpop (erf);
	(erf) = vrcp.f32 v3  }
0x418: {  	v3 =	vadd.f32 $1.000000000e+00, v11;
	v4 =	vmul.f32 $-1.442695020e+00, v4;
	v11 =	vld [tilespmem:s22+$0x40];
	v12 =	vpop (erf);
	(erf) = vpow2.f32 v0  }
0x419: {  	v0 =	vadd.f32 $1.000000000e+00, v12;
	v6 =	vmul.f32 $-1.442695020e+00, v6;
	v12 =	vld [tilespmem:s22+$0x50];
	v13 =	vpop (erf);
	(erf) = vpow2.f32 v8  }
0x41a: {  	v8 =	vadd.f32 $1.000000000e+00, v13;
	v5 =	vmul.f32 $-1.442695020e+00, v5;
	v13 =	vld [tilespmem:s22+$0x60];
	v14 =	vpop (erf);
	(erf) = vpow2.f32 v7  }
0x41b: {  	v7 =	vadd.f32 $1.000000000e+00, v14;
	v9 =	vmul.f32 $-1.442695020e+00, v9;
	v14 =	vld [tilespmem:s22+$0x70];
	v15 =	vpop (erf);
	(erf) = vpow2.f32 v4  }
0x41c: {  	v15 =	vadd.f32 $1.000000000e+00, v15;
	v4 =	vmul.f32 $-1.442695020e+00, v10;
	v10 =	vld [tilespmem:s22+$0x80];
	v16 =	vpop (erf);
	(erf) = vpow2.f32 v6  }
0x41d: {  	v16 =	vadd.f32 $1.000000000e+00, v16;
	v20 =	vmul.f32 $-1.442695020e+00, v11;
	v11 =	vld [tilespmem:s22+$0x90];
	v17 =	vpop (erf);
	(erf) = vpow2.f32 v5  }
0x41e: {  	v17 =	vadd.f32 $1.000000000e+00, v17;
	v5 =	vmul.f32 $-1.442695020e+00, v12;
	v12 =	vld [tilespmem:s22+$0xA0];
	v18 =	vpop (erf);
	(erf) = vpow2.f32 v9  }
0x41f: {  	v9 =	vadd.f32 $1.000000000e+00, v18;
	v13 =	vmul.f32 $-1.442695020e+00, v13;
	v18 =	vld [tilespmem:s22+$0xB0];
	v19 =	vpop (erf);
	(erf) = vpow2.f32 v4  }
0x420: {  	v19 =	vadd.f32 $1.000000000e+00, v19;
	v4 =	vmul.f32 $-1.442695020e+00, v14;
	v14 =	vld [tilespmem:s22+$0xC0];
	(erf) = vpow2.f32 v20;
	v6 =	vpop (erf)  }
0x421: {  	v10 =	vmul.f32 $-1.442695020e+00, v10;
	v20 =	vld [tilespmem:s22+$0xD0];
	[tilespmem:s22+$0xF0] =	vst v6;
	v6 =	vpop (erf);
	(erf) = vpow2.f32 v5  }
0x422: {  	v21 =	vadd.f32 $1.000000000e+00, v6;
	v5 =	vmul.f32 $-1.442695020e+00, v11;
	v6 =	vld [tilespmem:s22+$0xE0];
	v11 =	vpop (erf);
	(erf) = vpow2.f32 v13  }
0x423: {  	v13 =	vld [tilespmem:s22+$0xFFFFFF00];
	v11 =	vadd.f32 $1.000000000e+00, v11;
	v12 =	vmul.f32 $-1.442695020e+00, v12;
	v22 =	vpop (erf);
	(erf) = vpow2.f32 v4  }
0x424: {  	v22 =	vadd.f32 $1.000000000e+00, v22;
	v4 =	vmul.f32 $-1.442695020e+00, v18;
	v18 =	vpop (erf);
	(erf) = vpow2.f32 v10  }
0x425: {  	v10 =	vadd.f32 $1.000000000e+00, v18;
	v14 =	vmul.f32 $-1.442695020e+00, v14;
	v18 =	vpop (erf);
	(erf) = vpow2.f32 v5  }
0x426: {  	v18 =	vadd.f32 $1.000000000e+00, v18;
	v5 =	vmul.f32 $-1.442695020e+00, v20;
	v20 =	vpop (erf);
	(erf) = vpow2.f32 v12  }
0x427: {  	v12 =	vadd.f32 $1.000000000e+00, v20;
	v6 =	vmul.f32 $-1.442695020e+00, v6;
	v20 =	vpop (erf);
	(erf) = vpow2.f32 v4  }
0x428: {  	v23 =	vmul.f32 $-1.442695020e+00, v13;
	v13 =	vadd.f32 $1.000000000e+00, v20;
	v20 =	vpop (erf);
	(erf) = vpow2.f32 v14  }
0x429: {  	v14 =	vadd.f32 $1.000000000e+00, v20;
	v20 =	vpop (erf);
	(erf) = vpow2.f32 v5  }
0x42a: {  	v20 =	vadd.f32 $1.000000000e+00, v20;
	(erf) = vpow2.f32 v23;
	v4 =	vpop (erf)  }
0x42b: {  	v23 =	vadd.f32 $1.000000000e+00, v4;
	v4 =	vpop (erf);
	(erf) = vpow2.f32 v6  }
0x42c: {  	v24 =	vadd.f32 $1.000000000e+00, v4;
	(erf) = vrcp.f32 v2;
	v2 =	vpop (erf)  }
0x42d: {  	v25 =	vadd.f32 $1.000000000e+00, v2;
	(erf) = vrcp.f32 v1;
	v1 =	vpop (erf)  }
0x42e: {  	v6 =	vadd.f32 $1.000000000e+00, v1;
	(erf) = vrcp.f32 v3;
	v1 =	vpop (erf)  }
0x42f: {  	v5 =	vadd.f32 $1.000000000e+00, v1;
	(erf) = vrcp.f32 v0;
	v0 =	vpop (erf)  }
0x430: {  	v3 =	vadd.f32 $1.000000000e+00, v0;
	(erf) = vrcp.f32 v8;
	v0 =	vpop (erf)  }
0x431: {  	v4 =	vadd.f32 $1.000000000e+00, v0;
	(erf) = vrcp.f32 v7;
	v0 =	vpop (erf)  }
0x432: {  	v0 =	vadd.f32 $1.000000000e+00, v0;
	(erf) = vrcp.f32 v15;
	v1 =	vpop (erf)  }
0x433: {  	v1 =	vadd.f32 $1.000000000e+00, v1;
	v2 =	vpop (erf);
	(erf) = vrcp.f32 v16  }
0x434: {  	v15 =	vadd.f32 $1.000000000e+00, v2;
	(erf) = vrcp.f32 v17;
	v2 =	vpop (erf)  }
0x435: {  	v2 =	vadd.f32 $1.000000000e+00, v2;
	v8 =	vpop (erf);
	(erf) = vrcp.f32 v9  }
0x436: {  	[tilespmem:s22+$0xFFFFFF10] =	vst v8;
	(erf) = vrcp.f32 v15;
	v7 =	vpop (erf)  }
0x437: {  	[tilespmem:s22+$0xFFFFFF20] =	vst v7;
	v7 =	vpop (erf);
	(erf) = vrcp.f32 v19  }
0x438: {  	[tilespmem:s22+$0xFFFFFF30] =	vst v7;
	v7 =	vpop (erf);
	(erf) = vrcp.f32 v21  }
0x439: {  	[tilespmem:s22+$0xFFFFFF40] =	vst v7;
	v7 =	vpop (erf);
	(erf) = vrcp.f32 v11  }
0x43a: {  	[tilespmem:s22+$0xFFFFFF50] =	vst v7;
	v7 =	vpop (erf);
	(erf) = vrcp.f32 v22  }
0x43b: {  	[tilespmem:s22+$0xFFFFFF60] =	vst v7;
	v7 =	vpop (erf);
	(erf) = vrcp.f32 v10  }
0x43c: {  	[tilespmem:s22+$0xFFFFFF70] =	vst v7;
	v7 =	vpop (erf);
	(erf) = vrcp.f32 v18  }
0x43d: {  	[tilespmem:s22+$0xFFFFFF80] =	vst v7;
	v7 =	vpop (erf);
	(erf) = vrcp.f32 v12  }
0x43e: {  	[tilespmem:s22+$0xFFFFFF90] =	vst v7;
	v7 =	vpop (erf);
	(erf) = vrcp.f32 v13  }
.Ltmp6:
0x43f: {  	[tilespmem:s22+$0xFFFFFFA0] =	vst v7;
	v7 =	vpop (erf);
	(erf) = vrcp.f32 v14;
	(pc) =	sbr.rel @p0 .LBB2_14-.Ltmp6, $4  }
0x440: {  	[tilespmem:s22+$0xFFFFFF00] =	vst v7;
	v7 =	vpop (erf);
	(erf) = vrcp.f32 v20  }
0x441: {  	[tilespmem:s22+$0xFFFFFFB0] =	vst v7;
	v7 =	vpop (erf);
	(erf) = vrcp.f32 v23  }
0x442: {  	[tilespmem:s22+$0xFFFFFFC0] =	vst v7;
	v7 =	vpop (erf);
	(erf) = vrcp.f32 v24  }
0x443: {  	s22 =	sadd.s32 $0x200, s22;
	[tilespmem:s1+$0xFFFFFFD0] =	vst v7;
	v7 =	vpop (erf);
	(erf) = vrcp.f32 v25  }
0x444: {  	[tilespmem:s1+$0xFFFFFFE0] =	vst v7;
	v7 =	vpop (erf);
	(erf) = vrcp.f32 v6  }
0x445: {  	[tilespmem:s1+$0xFFFFFFF0] =	vst v7;
	v6 =	vpop (erf);
	(erf) = vrcp.f32 v5  }
0x446: {  	[tilespmem:s1+$0x0] =	vst v6;
	v5 =	vpop (erf);
	(erf) = vrcp.f32 v3  }
0x447: {  	[tilespmem:s1+$0x10] =	vst v5;
	v3 =	vpop (erf);
	(erf) = vrcp.f32 v4  }
0x448: {  	[tilespmem:s1+$0x20] =	vst v3;
	v3 =	vpop (erf);
	(erf) = vrcp.f32 v0  }
0x449: {  	[tilespmem:s1+$0x30] =	vst v3;
	v0 =	vpop (erf);
	(erf) = vrcp.f32 v1  }
0x44a: {  	[tilespmem:s1+$0x40] =	vst v0;
	v0 =	vpop (erf);
	(erf) = vrcp.f32 v2  }
0x44b: {  	[tilespmem:s1+$0x50] =	vst v0;
	v0 =	vpop (erf)  }
0x44c: {  	[tilespmem:s1+$0x60] =	vst v0;
	v0 =	vpop (erf)  }
0x44d: {  	[tilespmem:s1+$0x70] =	vst v0;
	v0 =	vpop (erf)  }
0x44e: {  	[tilespmem:s1+$0x80] =	vst v0;
	v0 =	vpop (erf)  }
0x44f: {  	[tilespmem:s1+$0x90] =	vst v0;
	v0 =	vpop (erf)  }
0x450: {  	[tilespmem:s1+$0xA0] =	vst v0;
	v0 =	vpop (erf)  }
0x451: {  	[tilespmem:s1+$0xB0] =	vst v0;
	v0 =	vpop (erf)  }
0x452: {  	[tilespmem:s1+$0xC0] =	vst v0;
	v0 =	vpop (erf)  }
0x453: {  	[tilespmem:s1+$0xD0] =	vst v0;
	v0 =	vpop (erf)  }
0x454: {  	[tilespmem:s1+$0xE0] =	vst v0  }
0x455: {  	[hbm4b:s11+s3] =	stream.linear.scatter [tilespmem:s16], [sflag:$0x4], $0x2000, $0x38;
	[tilespmem:$0x6200] =	vst v63  }
0x456: {  	_ =	swait.ge [sflag:s23], $0x2000  }
0x457: {  	[sflag:s23] =	ssyncset.done $0x0  }
0x458: {  	s1 =	simm.s32 $0x23F0;
	[sflag:s23] =	ssyncadd.s32 $0xFFFFE000  }
0x459: {  	v0 =	vld [tilespmem:s1+$0x0]  }
0x45a: {  	v1 =	vld [tilespmem:s1+$0xFFFFFE20]  }
0x45b: {  	v2 =	vld [tilespmem:s1+$0xFFFFFE30]  }
0x45c: {  	v4 =	vld [tilespmem:s1+$0xFFFFFE50]  }
0x45d: {  	v3 =	vld [tilespmem:s1+$0xFFFFFE40]  }
0x45e: {  	v5 =	vld [tilespmem:s1+$0xFFFFFE60];
	v0 =	vmul.f32 $-1.442695020e+00, v0  }
0x45f: {  	v6 =	vld [tilespmem:s1+$0xFFFFFE70];
	v1 =	vmul.f32 $-1.442695020e+00, v1  }
0x460: {  	v7 =	vld [tilespmem:s1+$0xFFFFFE80];
	v2 =	vmul.f32 $-1.442695020e+00, v2;
	(erf) = vpow2.f32 v0  }
0x461: {  	(erf) = vpow2.f32 v1;
	v1 =	vmul.f32 $-1.442695020e+00, v4;
	v4 =	vld [tilespmem:s1+$0xFFFFFEA0]  }
0x462: {  	v0 =	vmul.f32 $-1.442695020e+00, v3;
	v3 =	vld [tilespmem:s1+$0xFFFFFE90]  }
0x463: {  	(erf) = vpow2.f32 v2;
	v2 =	vmul.f32 $-1.442695020e+00, v5  }
0x464: {  	v5 =	vld [tilespmem:s1+$0xFFFFFEB0];
	(erf) = vpow2.f32 v0;
	v0 =	vmul.f32 $-1.442695020e+00, v6  }
0x465: {  	v6 =	vld [tilespmem:s1+$0xFFFFFEC0];
	(erf) = vpow2.f32 v1;
	v1 =	vmul.f32 $-1.442695020e+00, v7  }
0x466: {  	(erf) = vpow2.f32 v2;
	v2 =	vld [tilespmem:s1+$0xFFFFFED0];
	v4 =	vmul.f32 $-1.442695020e+00, v4  }
0x467: {  	v3 =	vmul.f32 $-1.442695020e+00, v3;
	(erf) = vpow2.f32 v0;
	v0 =	vld [tilespmem:s1+$0xFFFFFEE0]  }
0x468: {  	(erf) = vpow2.f32 v1;
	v1 =	vld [tilespmem:s1+$0xFFFFFEF0]  }
0x469: {  	v5 =	vmul.f32 $-1.442695020e+00, v5;
	(erf) = vpow2.f32 v3;
	v3 =	vld [tilespmem:s1+$0xFFFFFF00]  }
0x46a: {  	v7 =	vld [tilespmem:s1+$0xFFFFFF10];
	v6 =	vmul.f32 $-1.442695020e+00, v6;
	(erf) = vpow2.f32 v4;
	v4 =	vpop (erf)  }
0x46b: {  	(erf) = vpow2.f32 v5;
	v2 =	vmul.f32 $-1.442695020e+00, v2;
	v5 =	vld [tilespmem:s1+$0xFFFFFF20];
	v4 =	vadd.f32 $1.000000000e+00, v4  }
0x46c: {  	v8 =	vpop (erf);
	(erf) = vpow2.f32 v6;
	v0 =	vmul.f32 $-1.442695020e+00, v0;
	v6 =	vld [tilespmem:s1+$0xFFFFFF30]  }
0x46d: {  	v9 =	vpop (erf);
	v1 =	vmul.f32 $-1.442695020e+00, v1;
	(erf) = vrcp.f32 v4;
	v4 =	vld [tilespmem:s1+$0xFFFFFF40]  }
0x46e: {  	v10 =	vpop (erf);
	(erf) = vpow2.f32 v2;
	v2 =	vmul.f32 $-1.442695020e+00, v3;
	v3 =	vld [tilespmem:s1+$0xFFFFFF50]  }
0x46f: {  	v11 =	vpop (erf);
	(erf) = vpow2.f32 v0;
	v0 =	vmul.f32 $-1.442695020e+00, v7  }
0x470: {  	v12 =	vpop (erf);
	v7 =	vld [tilespmem:s1+$0xFFFFFF60];
	(erf) = vpow2.f32 v1;
	v1 =	vmul.f32 $-1.442695020e+00, v5  }
0x471: {  	v13 =	vpop (erf);
	v5 =	vld [tilespmem:s1+$0xFFFFFF70];
	(erf) = vpow2.f32 v2;
	v2 =	vmul.f32 $-1.442695020e+00, v6  }
0x472: {  	v14 =	vpop (erf);
	v6 =	vld [tilespmem:s1+$0xFFFFFF80];
	(erf) = vpow2.f32 v0;
	v0 =	vmul.f32 $-1.442695020e+00, v4  }
0x473: {  	v15 =	vpop (erf);
	v4 =	vld [tilespmem:s1+$0xFFFFFF90];
	(erf) = vpow2.f32 v1;
	v1 =	vmul.f32 $-1.442695020e+00, v3  }
0x474: {  	v16 =	vpop (erf);
	v3 =	vld [tilespmem:s1+$0xFFFFFFA0]  }
0x475: {  	v17 =	vpop (erf);
	(erf) = vpow2.f32 v2;
	v2 =	vmul.f32 $-1.442695020e+00, v7;
	v7 =	vld [tilespmem:s1+$0xFFFFFFB0]  }
0x476: {  	v18 =	vpop (erf);
	(erf) = vpow2.f32 v0;
	v0 =	vmul.f32 $-1.442695020e+00, v5;
	v5 =	vld [tilespmem:s1+$0xFFFFFFC0]  }
0x477: {  	v19 =	vld [tilespmem:s1+$0xFFFFFFD0];
	(erf) = vpow2.f32 v1;
	v6 =	vmul.f32 $-1.442695020e+00, v6;
	v1 =	vpop (erf)  }
0x478: {  	(erf) = vpow2.f32 v2;
	v2 =	vmul.f32 $-1.442695020e+00, v4;
	v4 =	vld [tilespmem:s1+$0xFFFFFFE0];
	v20 =	vpop (erf)  }
0x479: {  	(erf) = vpow2.f32 v0;
	[tilespmem:s1+$0x0] =	vst v1;
	v0 =	vmul.f32 $-1.442695020e+00, v3;
	v1 =	vld [tilespmem:s1+$0xFFFFFE10];
	v21 =	vpop (erf)  }
0x47a: {  	(erf) = vpow2.f32 v6;
	v7 =	vmul.f32 $-1.442695020e+00, v7;
	v3 =	vpop (erf)  }
0x47b: {  	v6 =	vld [tilespmem:s1+$0xFFFFFFF0];
	v22 =	vpop (erf);
	(erf) = vpow2.f32 v2;
	v2 =	vmul.f32 $-1.442695020e+00, v5  }
0x47c: {  	v5 =	vpop (erf);
	(erf) = vpow2.f32 v0;
	v0 =	vmul.f32 $-1.442695020e+00, v19  }
0x47d: {  	v4 =	vmul.f32 $-1.442695020e+00, v4;
	v35 =	vpop (erf);
	(erf) = vpow2.f32 v7  }
0x47e: {  	v1 =	vmul.f32 $-1.442695020e+00, v1;
	v7 =	vpop (erf);
	(erf) = vpow2.f32 v2  }
0x47f: {  	v2 =	vpop (erf);
	(erf) = vpow2.f32 v0  }
0x480: {  	v0 =	vmul.f32 $-1.442695020e+00, v6;
	(erf) = vpow2.f32 v4;
	v4 =	vadd.f32 $1.000000000e+00, v8  }
0x481: {  	v6 =	vpop (erf);
	v8 =	vadd.f32 $1.000000000e+00, v9;
	(erf) = vpow2.f32 v1  }
0x482: {  	v1 =	vpop (erf);
	(erf) = vpow2.f32 v0;
	v0 =	vadd.f32 $1.000000000e+00, v10  }
0x483: {  	v36 =	vpop (erf)  }
0x484: {  	(erf) = vrcp.f32 v4;
	v4 =	vpop (erf)  }
0x485: {  	v37 =	vadd.f32 $1.000000000e+00, v11;
	(erf) = vrcp.f32 v8;
	v8 =	vpop (erf)  }
0x486: {  	v38 =	vadd.f32 $1.000000000e+00, v12;
	(erf) = vrcp.f32 v0;
	v0 =	vpop (erf)  }
0x487: {  	v39 =	vadd.f32 $1.000000000e+00, v13;
	(erf) = vrcp.f32 v37;
	v40 =	vpop (erf)  }
0x488: {  	v41 =	vadd.f32 $1.000000000e+00, v14;
	(erf) = vrcp.f32 v38;
	v42 =	vpop (erf)  }
0x489: {  	v43 =	vadd.f32 $1.000000000e+00, v15;
	(erf) = vrcp.f32 v39;
	v44 =	vpop (erf)  }
0x48a: {  	v45 =	vadd.f32 $1.000000000e+00, v16;
	(erf) = vrcp.f32 v41;
	v46 =	vpop (erf)  }
0x48b: {  	v47 =	vadd.f32 $1.000000000e+00, v17;
	(erf) = vrcp.f32 v43;
	v48 =	vpop (erf)  }
0x48c: {  	(erf) = vrcp.f32 v45;
	v49 =	vadd.f32 $1.000000000e+00, v48;
	v50 =	vpop (erf)  }
0x48d: {  	v51 =	vadd.f32 $1.000000000e+00, v18;
	(erf) = vrcp.f32 v47;
	v52 =	vpop (erf)  }
0x48e: {  	v53 =	vadd.f32 $1.000000000e+00, v20;
	[tilespmem:s1+$0xFFFFFE20] =	vst v52;
	(erf) = vrcp.f32 v49;
	v54 =	vpop (erf)  }
0x48f: {  	v55 =	vadd.f32 $1.000000000e+00, v21;
	[tilespmem:s1+$0xFFFFFE30] =	vst v54;
	v56 =	vpop (erf);
	(erf) = vrcp.f32 v51  }
0x490: {  	v3 =	vadd.f32 $1.000000000e+00, v3;
	[tilespmem:s1+$0xFFFFFE40] =	vst v56;
	v57 =	vpop (erf);
	(erf) = vrcp.f32 v53  }
0x491: {  	v58 =	vadd.f32 $1.000000000e+00, v22;
	v5 =	vadd.f32 $1.000000000e+00, v5;
	[tilespmem:s1+$0xFFFFFE50] =	vst v57;
	v59 =	vpop (erf);
	(erf) = vrcp.f32 v55  }
0x492: {  	[tilespmem:s1+$0xFFFFFE60] =	vst v59;
	v60 =	vpop (erf);
	(erf) = vrcp.f32 v3  }
0x493: {  	v3 =	vadd.f32 $1.000000000e+00, v35;
	[tilespmem:s1+$0xFFFFFE70] =	vst v60;
	v61 =	vpop (erf);
	(erf) = vrcp.f32 v58  }
0x494: {  	v7 =	vadd.f32 $1.000000000e+00, v7;
	v2 =	vadd.f32 $1.000000000e+00, v2;
	[tilespmem:s1+$0xFFFFFE80] =	vst v61;
	v62 =	vpop (erf);
	(erf) = vrcp.f32 v5  }
0x495: {  	[tilespmem:s1+$0xFFFFFE90] =	vst v62;
	v5 =	vpop (erf);
	(erf) = vrcp.f32 v3  }
0x496: {  	v3 =	vadd.f32 $1.000000000e+00, v6;
	[tilespmem:s1+$0xFFFFFEA0] =	vst v5;
	v5 =	vpop (erf);
	(erf) = vrcp.f32 v7  }
0x497: {  	v1 =	vadd.f32 $1.000000000e+00, v1;
	v7 =	vadd.f32 $1.000000000e+00, v36;
	[tilespmem:s1+$0xFFFFFEB0] =	vst v5;
	v5 =	vpop (erf);
	(erf) = vrcp.f32 v2  }
0x498: {  	v63 =	vadd.f32 $1.000000000e+00, v4;
	v4 =	vadd.f32 $1.000000000e+00, v42;
	[tilespmem:s1+$0xFFFFFE10] =	vst v5;
	v2 =	vpop (erf);
	(erf) = vrcp.f32 v3  }
0x499: {  	v6 =	vadd.f32 $1.000000000e+00, v8;
	v5 =	vadd.f32 $1.000000000e+00, v0;
	[tilespmem:s1+$0xFFFFFEC0] =	vst v2;
	v2 =	vpop (erf);
	(erf) = vrcp.f32 v1  }
0x49a: {  	v3 =	vadd.f32 $1.000000000e+00, v40;
	v0 =	vadd.f32 $1.000000000e+00, v44;
	[tilespmem:s1+$0xFFFFFED0] =	vst v2;
	v8 =	vpop (erf);
	(erf) = vrcp.f32 v7  }
0x49b: {  	s18 =	simm.s32 $0x0;
	s22 =	simm.s32 $0x25F0;
	v1 =	vadd.f32 $1.000000000e+00, v46;
	v2 =	vadd.f32 $1.000000000e+00, v50;
	[tilespmem:s1+$0xFFFFFEE0] =	vst v8;
	v7 =	vpop (erf);
	(erf) = vrcp.f32 v63  }
.LBB2_16:
0x49c: {  	v8 =	vld [tilespmem:s22+$0x0];
	s18 =	sadd.s32 $0x4, s18;
	[tilespmem:s1+$0xFFFFFEF0] =	vst v7;
	v7 =	vpop (erf);
	(erf) = vrcp.f32 v6  }
0x49d: {  	v6 =	vld [tilespmem:s22+$0xFFFFFE20];
	p0 =	slt.u32 s18, $0x3C;
	[tilespmem:s1+$0xFFFFFF00] =	vst v7;
	v7 =	vpop (erf);
	(erf) = vrcp.f32 v5  }
0x49e: {  	v5 =	vld [tilespmem:s22+$0xFFFFFE30];
	[tilespmem:s1+$0xFFFFFF10] =	vst v7;
	v7 =	vpop (erf);
	(erf) = vrcp.f32 v3  }
0x49f: {  	v3 =	vld [tilespmem:s22+$0xFFFFFE40];
	[tilespmem:s1+$0xFFFFFF20] =	vst v7;
	v7 =	vpop (erf);
	(erf) = vrcp.f32 v4  }
0x4a0: {  	v4 =	vld [tilespmem:s22+$0xFFFFFE50];
	[tilespmem:s1+$0xFFFFFF30] =	vst v7;
	v7 =	vpop (erf);
	(erf) = vrcp.f32 v0  }
0x4a1: {  	v0 =	vld [tilespmem:s22+$0xFFFFFE60];
	v8 =	vmul.f32 $-1.442695020e+00, v8;
	[tilespmem:s1+$0xFFFFFF40] =	vst v7;
	v7 =	vpop (erf);
	(erf) = vrcp.f32 v1  }
0x4a2: {  	v9 =	vmul.f32 $-1.442695020e+00, v6;
	v6 =	vld [tilespmem:s22+$0xFFFFFE70];
	[tilespmem:s1+$0xFFFFFF50] =	vst v7;
	v7 =	vpop (erf);
	(erf) = vrcp.f32 v2  }
0x4a3: {  	v2 =	vmul.f32 $-1.442695020e+00, v5;
	v5 =	vld [tilespmem:s22+$0xFFFFFE80];
	(erf) = vpow2.f32 v8;
	[tilespmem:s1+$0xFFFFFF60] =	vst v7;
	v7 =	vpop (erf)  }
0x4a4: {  	v3 =	vmul.f32 $-1.442695020e+00, v3;
	v8 =	vld [tilespmem:s22+$0xFFFFFE90];
	(erf) = vpow2.f32 v9;
	[tilespmem:s1+$0xFFFFFF70] =	vst v7;
	v1 =	vpop (erf)  }
0x4a5: {  	v4 =	vmul.f32 $-1.442695020e+00, v4;
	v7 =	vld [tilespmem:s22+$0xFFFFFEA0];
	(erf) = vpow2.f32 v2;
	[tilespmem:s1+$0xFFFFFF80] =	vst v1;
	v1 =	vpop (erf)  }
0x4a6: {  	v9 =	vmul.f32 $-1.442695020e+00, v0;
	v2 =	vld [tilespmem:s22+$0xFFFFFEB0];
	(erf) = vpow2.f32 v3;
	[tilespmem:s1+$0xFFFFFF90] =	vst v1;
	v1 =	vpop (erf)  }
0x4a7: {  	v3 =	vmul.f32 $-1.442695020e+00, v6;
	v6 =	vld [tilespmem:s22+$0xFFFFFEC0];
	(erf) = vpow2.f32 v4;
	[tilespmem:s1+$0xFFFFFFA0] =	vst v1;
	v1 =	vpop (erf)  }
0x4a8: {  	v4 =	vmul.f32 $-1.442695020e+00, v5;
	v5 =	vld [tilespmem:s22+$0xFFFFFED0];
	(erf) = vpow2.f32 v9;
	[tilespmem:s1+$0xFFFFFFB0] =	vst v1;
	v0 =	vpop (erf)  }
0x4a9: {  	v1 =	vmul.f32 $-1.442695020e+00, v8;
	v8 =	vld [tilespmem:s22+$0xFFFFFEE0];
	(erf) = vpow2.f32 v3;
	[tilespmem:s1+$0xFFFFFFC0] =	vst v0;
	v0 =	vpop (erf)  }
0x4aa: {  	v10 =	vmul.f32 $-1.442695020e+00, v7;
	v7 =	vld [tilespmem:s22+$0xFFFFFEF0];
	(erf) = vpow2.f32 v4;
	[tilespmem:s1+$0xFFFFFFD0] =	vst v0;
	v0 =	vpop (erf)  }
0x4ab: {  	v2 =	vmul.f32 $-1.442695020e+00, v2;
	v4 =	vld [tilespmem:s22+$0xFFFFFF00];
	(erf) = vpow2.f32 v1;
	[tilespmem:s1+$0xFFFFFFE0] =	vst v0;
	v0 =	vpop (erf)  }
0x4ac: {  	v1 =	vmul.f32 $-1.442695020e+00, v6;
	v6 =	vld [tilespmem:s22+$0xFFFFFF10];
	(erf) = vpow2.f32 v10;
	v3 =	vpop (erf);
	[tilespmem:s1+$0xFFFFFFF0] =	vst v0;
	s1 =	smov.u32 s22  }
0x4ad: {  	v0 =	vmul.f32 $-1.442695020e+00, v5;
	v5 =	vld [tilespmem:s22+$0xFFFFFF20];
	v3 =	vadd.f32 $1.000000000e+00, v3;
	v9 =	vpop (erf);
	(erf) = vpow2.f32 v2  }
0x4ae: {  	v2 =	vadd.f32 $1.000000000e+00, v9;
	v8 =	vmul.f32 $-1.442695020e+00, v8;
	v9 =	vld [tilespmem:s22+$0xFFFFFF30];
	v10 =	vpop (erf);
	(erf) = vpow2.f32 v1  }
0x4af: {  	v1 =	vadd.f32 $1.000000000e+00, v10;
	v7 =	vmul.f32 $-1.442695020e+00, v7;
	v10 =	vld [tilespmem:s22+$0xFFFFFF40];
	v11 =	vpop (erf);
	(erf) = vrcp.f32 v3  }
0x4b0: {  	v3 =	vadd.f32 $1.000000000e+00, v11;
	v4 =	vmul.f32 $-1.442695020e+00, v4;
	v11 =	vld [tilespmem:s22+$0xFFFFFF50];
	v12 =	vpop (erf);
	(erf) = vpow2.f32 v0  }
0x4b1: {  	v0 =	vadd.f32 $1.000000000e+00, v12;
	v6 =	vmul.f32 $-1.442695020e+00, v6;
	v12 =	vld [tilespmem:s22+$0xFFFFFF60];
	v13 =	vpop (erf);
	(erf) = vpow2.f32 v8  }
0x4b2: {  	v8 =	vadd.f32 $1.000000000e+00, v13;
	v5 =	vmul.f32 $-1.442695020e+00, v5;
	v13 =	vld [tilespmem:s22+$0xFFFFFF70];
	v14 =	vpop (erf);
	(erf) = vpow2.f32 v7  }
0x4b3: {  	v7 =	vadd.f32 $1.000000000e+00, v14;
	v9 =	vmul.f32 $-1.442695020e+00, v9;
	v14 =	vld [tilespmem:s22+$0xFFFFFF80];
	v15 =	vpop (erf);
	(erf) = vpow2.f32 v4  }
0x4b4: {  	v15 =	vadd.f32 $1.000000000e+00, v15;
	v4 =	vmul.f32 $-1.442695020e+00, v10;
	v10 =	vld [tilespmem:s22+$0xFFFFFF90];
	v16 =	vpop (erf);
	(erf) = vpow2.f32 v6  }
0x4b5: {  	v16 =	vadd.f32 $1.000000000e+00, v16;
	v20 =	vmul.f32 $-1.442695020e+00, v11;
	v11 =	vld [tilespmem:s22+$0xFFFFFFA0];
	v17 =	vpop (erf);
	(erf) = vpow2.f32 v5  }
0x4b6: {  	v17 =	vadd.f32 $1.000000000e+00, v17;
	v5 =	vmul.f32 $-1.442695020e+00, v12;
	v12 =	vld [tilespmem:s22+$0xFFFFFFB0];
	v18 =	vpop (erf);
	(erf) = vpow2.f32 v9  }
0x4b7: {  	v9 =	vadd.f32 $1.000000000e+00, v18;
	v13 =	vmul.f32 $-1.442695020e+00, v13;
	v18 =	vld [tilespmem:s22+$0xFFFFFFC0];
	v19 =	vpop (erf);
	(erf) = vpow2.f32 v4  }
0x4b8: {  	v19 =	vadd.f32 $1.000000000e+00, v19;
	v4 =	vmul.f32 $-1.442695020e+00, v14;
	v14 =	vld [tilespmem:s22+$0xFFFFFFD0];
	(erf) = vpow2.f32 v20;
	v6 =	vpop (erf)  }
0x4b9: {  	v10 =	vmul.f32 $-1.442695020e+00, v10;
	v20 =	vld [tilespmem:s22+$0xFFFFFFE0];
	[tilespmem:s22+$0x0] =	vst v6;
	v6 =	vpop (erf);
	(erf) = vpow2.f32 v5  }
0x4ba: {  	v21 =	vadd.f32 $1.000000000e+00, v6;
	v5 =	vmul.f32 $-1.442695020e+00, v11;
	v6 =	vld [tilespmem:s22+$0xFFFFFFF0];
	v11 =	vpop (erf);
	(erf) = vpow2.f32 v13  }
0x4bb: {  	v13 =	vld [tilespmem:s22+$0xFFFFFE10];
	v11 =	vadd.f32 $1.000000000e+00, v11;
	v12 =	vmul.f32 $-1.442695020e+00, v12;
	v22 =	vpop (erf);
	(erf) = vpow2.f32 v4  }
0x4bc: {  	v22 =	vadd.f32 $1.000000000e+00, v22;
	v4 =	vmul.f32 $-1.442695020e+00, v18;
	v18 =	vpop (erf);
	(erf) = vpow2.f32 v10  }
0x4bd: {  	v10 =	vadd.f32 $1.000000000e+00, v18;
	v14 =	vmul.f32 $-1.442695020e+00, v14;
	v18 =	vpop (erf);
	(erf) = vpow2.f32 v5  }
0x4be: {  	v18 =	vadd.f32 $1.000000000e+00, v18;
	v5 =	vmul.f32 $-1.442695020e+00, v20;
	v20 =	vpop (erf);
	(erf) = vpow2.f32 v12  }
0x4bf: {  	v12 =	vadd.f32 $1.000000000e+00, v20;
	v6 =	vmul.f32 $-1.442695020e+00, v6;
	v20 =	vpop (erf);
	(erf) = vpow2.f32 v4  }
0x4c0: {  	v23 =	vmul.f32 $-1.442695020e+00, v13;
	v13 =	vadd.f32 $1.000000000e+00, v20;
	v20 =	vpop (erf);
	(erf) = vpow2.f32 v14  }
0x4c1: {  	v14 =	vadd.f32 $1.000000000e+00, v20;
	v20 =	vpop (erf);
	(erf) = vpow2.f32 v5  }
0x4c2: {  	v20 =	vadd.f32 $1.000000000e+00, v20;
	(erf) = vpow2.f32 v23;
	v4 =	vpop (erf)  }
0x4c3: {  	v23 =	vadd.f32 $1.000000000e+00, v4;
	v4 =	vpop (erf);
	(erf) = vpow2.f32 v6  }
0x4c4: {  	v24 =	vadd.f32 $1.000000000e+00, v4;
	(erf) = vrcp.f32 v2;
	v2 =	vpop (erf)  }
0x4c5: {  	v25 =	vadd.f32 $1.000000000e+00, v2;
	(erf) = vrcp.f32 v1;
	v1 =	vpop (erf)  }
0x4c6: {  	v6 =	vadd.f32 $1.000000000e+00, v1;
	(erf) = vrcp.f32 v3;
	v1 =	vpop (erf)  }
0x4c7: {  	v5 =	vadd.f32 $1.000000000e+00, v1;
	(erf) = vrcp.f32 v0;
	v0 =	vpop (erf)  }
0x4c8: {  	v3 =	vadd.f32 $1.000000000e+00, v0;
	(erf) = vrcp.f32 v8;
	v0 =	vpop (erf)  }
0x4c9: {  	v4 =	vadd.f32 $1.000000000e+00, v0;
	(erf) = vrcp.f32 v7;
	v0 =	vpop (erf)  }
0x4ca: {  	v0 =	vadd.f32 $1.000000000e+00, v0;
	(erf) = vrcp.f32 v15;
	v1 =	vpop (erf)  }
0x4cb: {  	v1 =	vadd.f32 $1.000000000e+00, v1;
	v2 =	vpop (erf);
	(erf) = vrcp.f32 v16  }
0x4cc: {  	v15 =	vadd.f32 $1.000000000e+00, v2;
	(erf) = vrcp.f32 v17;
	v2 =	vpop (erf)  }
0x4cd: {  	v2 =	vadd.f32 $1.000000000e+00, v2;
	v8 =	vpop (erf);
	(erf) = vrcp.f32 v9  }
0x4ce: {  	[tilespmem:s22+$0xFFFFFE20] =	vst v8;
	(erf) = vrcp.f32 v15;
	v7 =	vpop (erf)  }
0x4cf: {  	[tilespmem:s22+$0xFFFFFE30] =	vst v7;
	v7 =	vpop (erf);
	(erf) = vrcp.f32 v19  }
0x4d0: {  	[tilespmem:s22+$0xFFFFFE40] =	vst v7;
	v7 =	vpop (erf);
	(erf) = vrcp.f32 v21  }
0x4d1: {  	[tilespmem:s22+$0xFFFFFE50] =	vst v7;
	v7 =	vpop (erf);
	(erf) = vrcp.f32 v11  }
0x4d2: {  	[tilespmem:s22+$0xFFFFFE60] =	vst v7;
	v7 =	vpop (erf);
	(erf) = vrcp.f32 v22  }
0x4d3: {  	[tilespmem:s22+$0xFFFFFE70] =	vst v7;
	v7 =	vpop (erf);
	(erf) = vrcp.f32 v10  }
0x4d4: {  	[tilespmem:s22+$0xFFFFFE80] =	vst v7;
	v7 =	vpop (erf);
	(erf) = vrcp.f32 v18  }
0x4d5: {  	[tilespmem:s22+$0xFFFFFE90] =	vst v7;
	v7 =	vpop (erf);
	(erf) = vrcp.f32 v12  }
0x4d6: {  	[tilespmem:s22+$0xFFFFFEA0] =	vst v7;
	v7 =	vpop (erf);
	(erf) = vrcp.f32 v13  }
.Ltmp7:
0x4d7: {  	[tilespmem:s22+$0xFFFFFEB0] =	vst v7;
	v7 =	vpop (erf);
	(erf) = vrcp.f32 v14;
	(pc) =	sbr.rel @p0 .LBB2_16-.Ltmp7, $4  }
0x4d8: {  	[tilespmem:s22+$0xFFFFFE10] =	vst v7;
	v7 =	vpop (erf);
	(erf) = vrcp.f32 v20  }
0x4d9: {  	[tilespmem:s22+$0xFFFFFEC0] =	vst v7;
	v7 =	vpop (erf);
	(erf) = vrcp.f32 v23  }
0x4da: {  	[tilespmem:s22+$0xFFFFFED0] =	vst v7;
	v7 =	vpop (erf);
	(erf) = vrcp.f32 v24  }
0x4db: {  	s22 =	sadd.s32 $0x200, s22;
	[tilespmem:s1+$0xFFFFFEE0] =	vst v7;
	v7 =	vpop (erf);
	(erf) = vrcp.f32 v25  }
0x4dc: {  	[tilespmem:s1+$0xFFFFFEF0] =	vst v7;
	v48 =	vpop (erf);
	(erf) = vrcp.f32 v6  }
0x4dd: {  	[tilespmem:s1+$0xFFFFFF00] =	vst v48;
	v49 =	vpop (erf);
	(erf) = vrcp.f32 v5  }
0x4de: {  	[tilespmem:s1+$0xFFFFFF10] =	vst v49;
	v50 =	vpop (erf);
	(erf) = vrcp.f32 v3  }
0x4df: {  	[tilespmem:s1+$0xFFFFFF20] =	vst v50;
	v51 =	vpop (erf);
	(erf) = vrcp.f32 v4  }
0x4e0: {  	[tilespmem:s1+$0xFFFFFF30] =	vst v51;
	v52 =	vpop (erf);
	(erf) = vrcp.f32 v0  }
0x4e1: {  	[tilespmem:s1+$0xFFFFFF40] =	vst v52;
	v53 =	vpop (erf);
	(erf) = vrcp.f32 v1  }
0x4e2: {  	[tilespmem:s1+$0xFFFFFF50] =	vst v53;
	v54 =	vpop (erf);
	(erf) = vrcp.f32 v2  }
0x4e3: {  	[tilespmem:s1+$0xFFFFFF60] =	vst v54;
	v55 =	vpop (erf)  }
0x4e4: {  	[tilespmem:s1+$0xFFFFFF70] =	vst v55;
	v56 =	vpop (erf)  }
0x4e5: {  	[tilespmem:s1+$0xFFFFFF80] =	vst v56;
	v57 =	vpop (erf)  }
0x4e6: {  	[tilespmem:s1+$0xFFFFFF90] =	vst v57;
	v58 =	vpop (erf)  }
0x4e7: {  	[tilespmem:s1+$0xFFFFFFA0] =	vst v58;
	v59 =	vpop (erf)  }
0x4e8: {  	[tilespmem:s1+$0xFFFFFFB0] =	vst v59;
	v60 =	vpop (erf)  }
0x4e9: {  	[tilespmem:s1+$0xFFFFFFC0] =	vst v60;
	v61 =	vpop (erf)  }
0x4ea: {  	[tilespmem:s1+$0xFFFFFFD0] =	vst v61;
	v62 =	vpop (erf)  }
0x4eb: {  	[tilespmem:s1+$0xFFFFFFE0] =	vst v62;
	v63 =	vpop (erf)  }
0x4ec: {  	[tilespmem:s1+$0xFFFFFFF0] =	vst v63  }
0x4ed: {  	[hbm4b:s12+s3] =	stream.linear.scatter [tilespmem:s17], [sflag:$0x5], $0x2000, $0x38;
	[tilespmem:$0x6200] =	vst v63  }
0x4ee: {  	_ =	swait.ge [sflag:s28], $0x2000  }
0x4ef: {  	[sflag:s28] =	ssyncset.done $0x0  }
0x4f0: {  	s0 =	sadd.s32 $0x1, s0;
	[sflag:s28] =	ssyncadd.s32 $0xFFFFE000  }
0x4f1: {  	p0 =	sne.s32 s0, s13;
	_ =	swait.ge [sflag:s21], $0x2000  }
.Ltmp8:
0x4f2: {  	[sflag:s21] =	ssyncset.done $0x0;
	(pc) =	sbr.rel @p0 .LBB2_1-.Ltmp8, $4  }
0x4f3: {  	[sflag:s21] =	ssyncadd.s32 $0xFFFFE000  }
0x4f4: {  	_ =	swait.ge [sflag:s24], $0x2000  }
0x4f5: {  	[sflag:s24] =	ssyncset.done $0x0  }
0x4f6: {  	[sflag:s24] =	ssyncadd.s32 $0xFFFFE000  }
0x4f7: {  	_ =	sfence.sel $0x180000  }
0x4f8: {  	[bflag:$0x0] =	sbarrier.arrive $0xFFFF  }
0x4f9: {  	_ =	strace $0x90000047  }
0x4fa: {  	s0 =	stileid.u32;
	[bflag:$0x2] =	sbarrier.arrive $0xFFFF  }
0x4fb: {  	p0 =	sne.s32 s0, $0x0;
	s0 =	rddreg [dreg:$0x3]  }
0x4fc: {  	s0 =	sadd.s32 @!p0 $0x100000, s0  }
0x4fd: {  	[sflag:s0] =	ssyncadd.tile.s32 @!p0 $0x1;
	_ =	shalt  }
.Lfunc_end2:
_tile_overlayer_lowered:
.L_overlay_start_2:
0x4fe: {  	(tag) =	ssettag $0x2  }
0x4ff: {  	s0 =	rddreg [dreg:$0x0];
	s2 =	stileid.u32  }
0x500: {  	s1 =	rddreg [dreg:$0x1];
	p0 =	sne.s32 s2, $0x0  }
0x501: {  	s3 =	rddreg [dreg:$0x2];
	[bflag:$0x3] =	sbarrier.arrive $0xFFFF;
	s2 =	simm.s32 @!p0 $0x1C07  }
0x502: {  	[timem:s3], [sflag:s2] =	dma.local @!p0 [hbm:s0], s1  }
0x503: {  	s0 =	simm.s32 @!p0 $0x7  }
0x504: {  	_ =	swait.ge @!p0 [sflag:s0], s1  }
0x505: {  	s1 =	ssub.s32 @!p0 $0x0, s1;
	[sflag:s0] =	ssyncset.done @!p0 $0x0  }
0x506: {  	[sflag:s0] =	ssyncadd.s32 @!p0 s1  }
0x507: {  	[bflag:$0x3] =	sbarrier.arrive $0xFFFF  }
0x508: {  	_ =	shalt  }

</sc_bundles>
